<compile_context>
chip_gen: v7x
topology: tpu7x:2x2x1
jax: 0.10.2.dev20260603
libtpu: 0.0.44.dev20260713+nightly
codegen_flags: <defaults>
</compile_context>

<pallas_src>
import functools

import jax
import jax.numpy as jnp
from jax import lax
from jax.experimental import pallas as pl
from jax.experimental.pallas import tpu as pltpu
from jax.experimental.pallas import tpu_sc as plsc

N = 16384
INPUT_DIM = 40960
INTER_DIM = 641
OUT_DIM = 32
NNZ = 524288

NC = 2
NS = 16
LANES = 16
NW = NC * NS
CHUNK = NNZ // NW
BLK = 64
NBLK = CHUNK // BLK
GROUPS = BLK // LANES
CROWS = CHUNK // 128
PACK = 128 // OUT_DIM
NPACK = N // PACK
ROWS_PER_TEC = NPACK // NS
NBUF = 2


def _sc_body(pa_hbm, val_hbm, w_hbm, z_hbm, out_hbm,
             acc, w_v, pa_v, val_v, rows3, bidx3, colprev, sems, zsems):
    cid = lax.axis_index("c")
    sid = lax.axis_index("s")
    wid = sid * NC + cid

    base = wid * CROWS
    pltpu.sync_copy(pa_hbm.at[pl.ds(base, CROWS)], pa_v)
    pltpu.sync_copy(val_hbm.at[pl.ds(base, CROWS)], val_v)
    pltpu.sync_copy(w_hbm, w_v)
    pltpu.sync_copy(z_hbm.at[pl.ds(sid * ROWS_PER_TEC, ROWS_PER_TEC)],
                    acc.at[pl.ds(sid * ROWS_PER_TEC, ROWS_PER_TEC)])
    for u0 in range(NBUF):
        pltpu.make_async_copy(z_hbm.at[pl.ds(0, BLK)], rows3.at[u0],
                              zsems.at[u0]).start()
    zero16i = jnp.zeros((LANES,), jnp.int32)
    zero16 = jnp.zeros((LANES,), jnp.float32)
    for u0 in range(NBUF):
        pltpu.make_async_copy(z_hbm.at[pl.ds(0, BLK)], rows3.at[u0],
                              zsems.at[u0]).wait()
        for g in range(GROUPS):
            colprev[u0, pl.ds(g * LANES, LANES)] = zero16i
    plsc.subcore_barrier()

    def build(j, u):
        crow = lax.shift_right_logical(j, 1)
        cbase = lax.shift_left(lax.bitwise_and(j, 1), 6)
        for g in range(GROUPS):
            sl = pl.ds(cbase + g * LANES, LANES)
            gsl = pl.ds(g * LANES, LANES)
            pa16 = pa_v[crow, sl]
            v16 = val_v[crow, sl]
            b16 = lax.bitwise_and(pa16, N - 1)
            a16 = lax.shift_right_logical(pa16, 14)
            bidx3[u, gsl] = lax.shift_right_logical(b16, 2)
            q16 = lax.shift_right_logical(a16 * 52348, 25)
            waddr16 = (a16 - q16 * INTER_DIM) * OUT_DIM
            colb16 = lax.shift_left(lax.bitwise_and(b16, PACK - 1), 5)
            colp16 = colprev[u, gsl]
            colprev[u, gsl] = colb16
            for l in range(LANES):
                i = g * LANES + l
                waddr = waddr16[l]
                colb = colb16[l]
                colp = colp16[l]
                vb = jnp.full((LANES,), v16[l], jnp.float32)
                w0 = w_v[pl.ds(waddr, LANES)]
                w1 = w_v[pl.ds(waddr + LANES, LANES)]
                rows3[u, i, pl.ds(colp, LANES)] = zero16
                rows3[u, i, pl.ds(colp + LANES, LANES)] = zero16
                rows3[u, i, pl.ds(colb, LANES)] = w0 * vb
                rows3[u, i, pl.ds(colb + LANES, LANES)] = w1 * vb

    def body(j, carry):
        u = lax.rem(j, NBUF)

        @pl.when(j >= NBUF)
        def _():
            pltpu.make_async_copy(
                rows3.at[u], acc.at[bidx3.at[u]], sems.at[u]).wait()

        @pl.when(j < NBLK)
        def _():
            build(j, u)
            pltpu.make_async_copy(
                rows3.at[u], acc.at[bidx3.at[u]], sems.at[u]).start(add=True)
        return carry

    lax.fori_loop(0, NBLK + NBUF, body, 0)
    plsc.subcore_barrier()
    pltpu.sync_copy(acc.at[pl.ds(sid * ROWS_PER_TEC, ROWS_PER_TEC)],
                    out_hbm.at[cid, pl.ds(sid * ROWS_PER_TEC, ROWS_PER_TEC)])


@jax.jit
def _sc_call(pa, val, wflat, zeros):
    mesh = plsc.VectorSubcoreMesh(core_axis_name="c", subcore_axis_name="s")
    return pl.kernel(
        _sc_body,
        out_type=jax.ShapeDtypeStruct((NC, NPACK, 128), jnp.float32),
        mesh=mesh,
        scratch_types=[
            pltpu.VMEM_SHARED((NPACK, 128), jnp.float32),
            pltpu.VMEM((INTER_DIM * OUT_DIM,), jnp.float32),
            pltpu.VMEM((CROWS, 128), jnp.int32),
            pltpu.VMEM((CROWS, 128), jnp.float32),
            pltpu.VMEM((NBUF, BLK, 128), jnp.float32),
            pltpu.VMEM((NBUF, BLK), jnp.int32),
            pltpu.VMEM((NBUF, BLK), jnp.int32),
            pltpu.SemaphoreType.DMA((NBUF,)),
            pltpu.SemaphoreType.DMA((NBUF,)),
        ],
        compiler_params=pltpu.CompilerParams(needs_layout_passes=False),
    )(pa, val, wflat, zeros)


def _add_body(p_ref, o_ref):
    o_ref[...] = p_ref[0] + p_ref[1]


@jax.jit
def _tc_add(partials):
    summed = pl.pallas_call(
        _add_body,
        out_shape=jax.ShapeDtypeStruct((NPACK, 128), jnp.float32),
    )(partials)
    return summed.reshape(N, OUT_DIM)


def kernel(batch_idx, active_idx, values, f, weights):
    del f
    pa = (active_idx.astype(jnp.int32) * N
          + batch_idx.astype(jnp.int32)).reshape(NNZ // 128, 128)
    val = values.reshape(NNZ // 128, 128)
    wflat = weights.reshape(-1)
    zeros = jnp.zeros((NPACK, 128), jnp.float32)
    partials = _sc_call(pa, val, wflat, zeros)
    return _tc_add(partials)

# --- scband reference (transcript-rebuilt; emitter-appended) ---
"""Pipeline reference for scband-factored-block-13666585936404 (READ-ONLY COPY).

The authoritative reference and input builder live on the scoring server;
editing this copy changes nothing except your own understanding.
"""

import jax, jax.numpy as jnp
import numpy as np

INPUT_DIM = 40960
INTER_DIM = 641
OUTPUT_DIM = 32
N = 16384
NNZ = 524288

def setup_inputs(seed: int = 0) -> dict:
    key = jax.random.key(seed)
    k1, k2, k3, k4 = jax.random.split(key, 4)
    batch_idx = jax.random.randint(k1, (NNZ,), 0, N)
    active_idx = jax.random.randint(k2, (NNZ,), 0, INPUT_DIM)
    values = jax.random.uniform(k3, (NNZ,), dtype=jnp.float32)
    # f[i] = func(i) = i % 641, precomputed long tensor from __init__
    f = jnp.mod(jnp.arange(INPUT_DIM, dtype=jnp.int32), INTER_DIM)
    # torch init is zeros; use small normal so the output is non-trivial
    weights = jax.random.normal(k4, (INTER_DIM, OUTPUT_DIM), dtype=jnp.float32) * 0.01
    return {"batch_idx": batch_idx, "active_idx": active_idx, "values": values, "f": f, "weights": weights}

def reference(batch_idx, active_idx, values, f, weights):
    # factored(): gather bucket id for each active feature (torch.gather on f)
    factored = jnp.take(f, active_idx, axis=0)
    # sparse COO -> to_dense with duplicate-index summation == scatter-add
    dense = jnp.zeros((N, INTER_DIM), dtype=values.dtype).at[batch_idx, factored].add(values)
    # forward(): dense [N, inter_dim] @ weights [inter_dim, output_dim]
    return dense @ weights

if __name__ == "__main__":
    import jax
    _d = setup_inputs()
    print(jax.jit(kernel)(*tuple(_d.values())))

</pallas_src>

<mosaic_0001>
#map = affine_map<(d0, d1) -> (0, 0)>
#map1 = affine_map<(d0, d1) -> (0)>
#map2 = affine_map<(d0, d1) -> (0, 0, 0)>
module attributes {stable_mosaic.version = 14 : i64} {
  func.func @_sc_body(%arg0: i32, %arg1: i32, %arg2: memref<4096x128xi32, #tpu.memory_space<hbm>>, %arg3: memref<4096x128xf32, #tpu.memory_space<hbm>>, %arg4: memref<20512xf32, #tpu.memory_space<hbm>>, %arg5: memref<4096x128xf32, #tpu.memory_space<hbm>>, %arg6: memref<2x4096x128xf32, #tpu.memory_space<hbm>>, %arg7: memref<4096x128xf32, #tpu.memory_space<vmem_shared>>, %arg8: memref<20512xf32, #tpu.memory_space<vmem>>, %arg9: memref<128x128xi32, #tpu.memory_space<vmem>>, %arg10: memref<128x128xf32, #tpu.memory_space<vmem>>, %arg11: memref<2x64x128xf32, #tpu.memory_space<vmem>>, %arg12: memref<2x64xi32, #tpu.memory_space<vmem>>, %arg13: memref<2x64xi32, #tpu.memory_space<vmem>>, %arg14: memref<2x!tpu.dma_semaphore, #tpu.memory_space<semaphore_mem>>, %arg15: memref<2x!tpu.dma_semaphore, #tpu.memory_space<semaphore_mem>>) attributes {dimension_semantics = [#tpu.dimension_semantics<core_parallel>, #tpu.dimension_semantics<subcore_parallel>], iteration_bounds = array<i64: 2, 16>, scalar_prefetch = 0 : i64, scratch_operands = 9 : i64, tpu.core_type = #tpu.core_type<sc_vector_subcore>, window_params = [{transform_indices = #map}, {transform_indices = #map}, {transform_indices = #map1}, {transform_indices = #map}, {transform_indices = #map2}]} {
    %mul3A = arith.constant 2 : i32
    %mul3A_0 = arith.muli %arg1, %mul3A : i32
    %add3A = arith.addi %mul3A_0, %arg0 : i32
    %mul3A_1 = arith.constant 128 : i32
    %mul3A_2 = arith.muli %add3A, %mul3A_1 : i32
    "tpu.region"() ({
      %run_scoped3A = tpu.sem_alloc : memref<!tpu.dma_semaphore, #tpu.memory_space<semaphore_mem>>
      %dma_start3A_121 = arith.constant 0 : i32
      %dma_start3A_122 = tpu.memref_slice %arg2[%mul3A_2, %dma_start3A_121] : memref<4096x128xi32, #tpu.memory_space<hbm>> -> memref<128x128xi32, #tpu.memory_space<hbm>>
      %dma_start3A_123 = arith.constant 0 : i32
      %dma_start3A_124 = tpu.memref_slice %arg2[%mul3A_2, %dma_start3A_123] : memref<4096x128xi32, #tpu.memory_space<hbm>> -> memref<128x128xi32, #tpu.memory_space<hbm>>
      tpu.enqueue_dma source(%dma_start3A_124 : memref<128x128xi32, #tpu.memory_space<hbm>>) target(%arg9 : memref<128x128xi32, #tpu.memory_space<vmem>>) target_semaphore(%run_scoped3A : memref<!tpu.dma_semaphore, #tpu.memory_space<semaphore_mem>>)
      %dma_wait3A_125 = arith.constant 0 : i32
      %dma_wait3A_126 = tpu.memref_slice %arg2[%mul3A_2, %dma_wait3A_125] : memref<4096x128xi32, #tpu.memory_space<hbm>> -> memref<128x128xi32, #tpu.memory_space<hbm>>
      %dma_wait3A_127 = arith.constant 0 : i32
      %dma_wait3A_128 = tpu.memref_slice %arg2[%mul3A_2, %dma_wait3A_127] : memref<4096x128xi32, #tpu.memory_space<hbm>> -> memref<128x128xi32, #tpu.memory_space<hbm>>
      tpu.wait_dma2 semaphore(%run_scoped3A : memref<!tpu.dma_semaphore, #tpu.memory_space<semaphore_mem>>) src(%dma_wait3A_128 : memref<128x128xi32, #tpu.memory_space<hbm>>) dst(%arg9 : memref<128x128xi32, #tpu.memory_space<vmem>>)
      tpu.yield
    }) : () -> ()
    "tpu.region"() ({
      %run_scoped3A = tpu.sem_alloc : memref<!tpu.dma_semaphore, #tpu.memory_space<semaphore_mem>>
      %dma_start3A_121 = arith.constant 0 : i32
      %dma_start3A_122 = tpu.memref_slice %arg3[%mul3A_2, %dma_start3A_121] : memref<4096x128xf32, #tpu.memory_space<hbm>> -> memref<128x128xf32, #tpu.memory_space<hbm>>
      %dma_start3A_123 = arith.constant 0 : i32
      %dma_start3A_124 = tpu.memref_slice %arg3[%mul3A_2, %dma_start3A_123] : memref<4096x128xf32, #tpu.memory_space<hbm>> -> memref<128x128xf32, #tpu.memory_space<hbm>>
      tpu.enqueue_dma source(%dma_start3A_124 : memref<128x128xf32, #tpu.memory_space<hbm>>) target(%arg10 : memref<128x128xf32, #tpu.memory_space<vmem>>) target_semaphore(%run_scoped3A : memref<!tpu.dma_semaphore, #tpu.memory_space<semaphore_mem>>)
      %dma_wait3A_125 = arith.constant 0 : i32
      %dma_wait3A_126 = tpu.memref_slice %arg3[%mul3A_2, %dma_wait3A_125] : memref<4096x128xf32, #tpu.memory_space<hbm>> -> memref<128x128xf32, #tpu.memory_space<hbm>>
      %dma_wait3A_127 = arith.constant 0 : i32
      %dma_wait3A_128 = tpu.memref_slice %arg3[%mul3A_2, %dma_wait3A_127] : memref<4096x128xf32, #tpu.memory_space<hbm>> -> memref<128x128xf32, #tpu.memory_space<hbm>>
      tpu.wait_dma2 semaphore(%run_scoped3A : memref<!tpu.dma_semaphore, #tpu.memory_space<semaphore_mem>>) src(%dma_wait3A_128 : memref<128x128xf32, #tpu.memory_space<hbm>>) dst(%arg10 : memref<128x128xf32, #tpu.memory_space<vmem>>)
      tpu.yield
    }) : () -> ()
    "tpu.region"() ({
      %run_scoped3A = tpu.sem_alloc : memref<!tpu.dma_semaphore, #tpu.memory_space<semaphore_mem>>
      tpu.enqueue_dma source(%arg4 : memref<20512xf32, #tpu.memory_space<hbm>>) target(%arg8 : memref<20512xf32, #tpu.memory_space<vmem>>) target_semaphore(%run_scoped3A : memref<!tpu.dma_semaphore, #tpu.memory_space<semaphore_mem>>)
      tpu.wait_dma2 semaphore(%run_scoped3A : memref<!tpu.dma_semaphore, #tpu.memory_space<semaphore_mem>>) src(%arg4 : memref<20512xf32, #tpu.memory_space<hbm>>) dst(%arg8 : memref<20512xf32, #tpu.memory_space<vmem>>)
      tpu.yield
    }) : () -> ()
    %mul3A_3 = arith.constant 256 : i32
    %mul3A_4 = arith.muli %arg1, %mul3A_3 : i32
    %mul3A_5 = arith.constant 256 : i32
    %mul3A_6 = arith.muli %arg1, %mul3A_5 : i32
    "tpu.region"() ({
      %run_scoped3A = tpu.sem_alloc : memref<!tpu.dma_semaphore, #tpu.memory_space<semaphore_mem>>
      %dma_start3A_121 = arith.constant 0 : i32
      %dma_start3A_122 = tpu.memref_slice %arg7[%mul3A_6, %dma_start3A_121] : memref<4096x128xf32, #tpu.memory_space<vmem_shared>> -> memref<256x128xf32, #tpu.memory_space<vmem_shared>>
      %dma_start3A_123 = arith.constant 0 : i32
      %dma_start3A_124 = tpu.memref_slice %arg5[%mul3A_4, %dma_start3A_123] : memref<4096x128xf32, #tpu.memory_space<hbm>> -> memref<256x128xf32, #tpu.memory_space<hbm>>
      tpu.enqueue_dma source(%dma_start3A_124 : memref<256x128xf32, #tpu.memory_space<hbm>>) target(%dma_start3A_122 : memref<256x128xf32, #tpu.memory_space<vmem_shared>>) target_semaphore(%run_scoped3A : memref<!tpu.dma_semaphore, #tpu.memory_space<semaphore_mem>>)
      %dma_wait3A_125 = arith.constant 0 : i32
      %dma_wait3A_126 = tpu.memref_slice %arg7[%mul3A_6, %dma_wait3A_125] : memref<4096x128xf32, #tpu.memory_space<vmem_shared>> -> memref<256x128xf32, #tpu.memory_space<vmem_shared>>
      %dma_wait3A_127 = arith.constant 0 : i32
      %dma_wait3A_128 = tpu.memref_slice %arg5[%mul3A_4, %dma_wait3A_127] : memref<4096x128xf32, #tpu.memory_space<hbm>> -> memref<256x128xf32, #tpu.memory_space<hbm>>
      tpu.wait_dma2 semaphore(%run_scoped3A : memref<!tpu.dma_semaphore, #tpu.memory_space<semaphore_mem>>) src(%dma_wait3A_128 : memref<256x128xf32, #tpu.memory_space<hbm>>) dst(%dma_wait3A_126 : memref<256x128xf32, #tpu.memory_space<vmem_shared>>)
      tpu.yield
    }) : () -> ()
    %dma_start3A = arith.constant 0 : i32
    %dma_start3A_7 = arith.constant 0 : i32
    %dma_start3A_8 = arith.constant 0 : i32
    %dma_start3A_9 = arith.constant 0 : i32
    %dma_start3A_10 = tpu.memref_slice %arg11[%dma_start3A, %dma_start3A_8, %dma_start3A_9] : memref<2x64x128xf32, #tpu.memory_space<vmem>> -> memref<1x64x128xf32, #tpu.memory_space<vmem>>
    %dma_start3A_11 = tpu.memref_squeeze %dma_start3A_10 : memref<1x64x128xf32, #tpu.memory_space<vmem>> -> memref<64x128xf32, #tpu.memory_space<vmem>>
    %dma_start3A_12 = arith.constant 0 : i32
    %dma_start3A_13 = arith.constant 0 : i32
    %dma_start3A_14 = tpu.memref_slice %arg5[%dma_start3A_12, %dma_start3A_13] : memref<4096x128xf32, #tpu.memory_space<hbm>> -> memref<64x128xf32, #tpu.memory_space<hbm>>
    %dma_start3A_15 = tpu.memref_slice %arg15[%dma_start3A_7] : memref<2x!tpu.dma_semaphore, #tpu.memory_space<semaphore_mem>> -> memref<1x!tpu.dma_semaphore, #tpu.memory_space<semaphore_mem>>
    %dma_start3A_16 = tpu.memref_squeeze %dma_start3A_15 : memref<1x!tpu.dma_semaphore, #tpu.memory_space<semaphore_mem>> -> memref<!tpu.dma_semaphore, #tpu.memory_space<semaphore_mem>>
    %dma_start3A_17 = arith.constant 0 : i32
    %dma_start3A_18 = arith.constant 0 : i32
    %dma_start3A_19 = tpu.memref_slice %arg11[%dma_start3A, %dma_start3A_17, %dma_start3A_18] : memref<2x64x128xf32, #tpu.memory_space<vmem>> -> memref<1x64x128xf32, #tpu.memory_space<vmem>>
    %dma_start3A_20 = tpu.memref_squeeze %dma_start3A_19 : memref<1x64x128xf32, #tpu.memory_space<vmem>> -> memref<64x128xf32, #tpu.memory_space<vmem>>
    %dma_start3A_21 = arith.constant 0 : i32
    %dma_start3A_22 = arith.constant 0 : i32
    %dma_start3A_23 = tpu.memref_slice %arg5[%dma_start3A_21, %dma_start3A_22] : memref<4096x128xf32, #tpu.memory_space<hbm>> -> memref<64x128xf32, #tpu.memory_space<hbm>>
    tpu.enqueue_dma source(%dma_start3A_23 : memref<64x128xf32, #tpu.memory_space<hbm>>) target(%dma_start3A_20 : memref<64x128xf32, #tpu.memory_space<vmem>>) target_semaphore(%dma_start3A_16 : memref<!tpu.dma_semaphore, #tpu.memory_space<semaphore_mem>>)
    %dma_start3A_24 = arith.constant 1 : i32
    %dma_start3A_25 = arith.constant 1 : i32
    %dma_start3A_26 = arith.constant 0 : i32
    %dma_start3A_27 = arith.constant 0 : i32
    %dma_start3A_28 = tpu.memref_slice %arg11[%dma_start3A_24, %dma_start3A_26, %dma_start3A_27] : memref<2x64x128xf32, #tpu.memory_space<vmem>> -> memref<1x64x128xf32, #tpu.memory_space<vmem>>
    %dma_start3A_29 = tpu.memref_squeeze %dma_start3A_28 : memref<1x64x128xf32, #tpu.memory_space<vmem>> -> memref<64x128xf32, #tpu.memory_space<vmem>>
    %dma_start3A_30 = arith.constant 0 : i32
    %dma_start3A_31 = arith.constant 0 : i32
    %dma_start3A_32 = tpu.memref_slice %arg5[%dma_start3A_30, %dma_start3A_31] : memref<4096x128xf32, #tpu.memory_space<hbm>> -> memref<64x128xf32, #tpu.memory_space<hbm>>
    %dma_start3A_33 = tpu.memref_slice %arg15[%dma_start3A_25] : memref<2x!tpu.dma_semaphore, #tpu.memory_space<semaphore_mem>> -> memref<1x!tpu.dma_semaphore, #tpu.memory_space<semaphore_mem>>
    %dma_start3A_34 = tpu.memref_squeeze %dma_start3A_33 : memref<1x!tpu.dma_semaphore, #tpu.memory_space<semaphore_mem>> -> memref<!tpu.dma_semaphore, #tpu.memory_space<semaphore_mem>>
    %dma_start3A_35 = arith.constant 0 : i32
    %dma_start3A_36 = arith.constant 0 : i32
    %dma_start3A_37 = tpu.memref_slice %arg11[%dma_start3A_24, %dma_start3A_35, %dma_start3A_36] : memref<2x64x128xf32, #tpu.memory_space<vmem>> -> memref<1x64x128xf32, #tpu.memory_space<vmem>>
    %dma_start3A_38 = tpu.memref_squeeze %dma_start3A_37 : memref<1x64x128xf32, #tpu.memory_space<vmem>> -> memref<64x128xf32, #tpu.memory_space<vmem>>
    %dma_start3A_39 = arith.constant 0 : i32
    %dma_start3A_40 = arith.constant 0 : i32
    %dma_start3A_41 = tpu.memref_slice %arg5[%dma_start3A_39, %dma_start3A_40] : memref<4096x128xf32, #tpu.memory_space<hbm>> -> memref<64x128xf32, #tpu.memory_space<hbm>>
    tpu.enqueue_dma source(%dma_start3A_41 : memref<64x128xf32, #tpu.memory_space<hbm>>) target(%dma_start3A_38 : memref<64x128xf32, #tpu.memory_space<vmem>>) target_semaphore(%dma_start3A_34 : memref<!tpu.dma_semaphore, #tpu.memory_space<semaphore_mem>>)
    %broadcast_in_dim3A = arith.constant 0 : i32
    %broadcast_in_dim3A_42 = vector.broadcast %broadcast_in_dim3A : i32 to vector<16xi32>
    %broadcast_in_dim3A_43 = arith.constant 0.000000e+00 : f32
    %broadcast_in_dim3A_44 = vector.broadcast %broadcast_in_dim3A_43 : f32 to vector<16xf32>
    %dma_wait3A = arith.constant 0 : i32
    %dma_wait3A_45 = arith.constant 0 : i32
    %dma_wait3A_46 = arith.constant 0 : i32
    %dma_wait3A_47 = arith.constant 0 : i32
    %dma_wait3A_48 = tpu.memref_slice %arg11[%dma_wait3A, %dma_wait3A_46, %dma_wait3A_47] : memref<2x64x128xf32, #tpu.memory_space<vmem>> -> memref<1x64x128xf32, #tpu.memory_space<vmem>>
    %dma_wait3A_49 = tpu.memref_squeeze %dma_wait3A_48 : memref<1x64x128xf32, #tpu.memory_space<vmem>> -> memref<64x128xf32, #tpu.memory_space<vmem>>
    %dma_wait3A_50 = arith.constant 0 : i32
    %dma_wait3A_51 = arith.constant 0 : i32
    %dma_wait3A_52 = tpu.memref_slice %arg5[%dma_wait3A_50, %dma_wait3A_51] : memref<4096x128xf32, #tpu.memory_space<hbm>> -> memref<64x128xf32, #tpu.memory_space<hbm>>
    %dma_wait3A_53 = tpu.memref_slice %arg15[%dma_wait3A_45] : memref<2x!tpu.dma_semaphore, #tpu.memory_space<semaphore_mem>> -> memref<1x!tpu.dma_semaphore, #tpu.memory_space<semaphore_mem>>
    %dma_wait3A_54 = tpu.memref_squeeze %dma_wait3A_53 : memref<1x!tpu.dma_semaphore, #tpu.memory_space<semaphore_mem>> -> memref<!tpu.dma_semaphore, #tpu.memory_space<semaphore_mem>>
    %dma_wait3A_55 = arith.constant 0 : i32
    %dma_wait3A_56 = arith.constant 0 : i32
    %dma_wait3A_57 = tpu.memref_slice %arg11[%dma_wait3A, %dma_wait3A_55, %dma_wait3A_56] : memref<2x64x128xf32, #tpu.memory_space<vmem>> -> memref<1x64x128xf32, #tpu.memory_space<vmem>>
    %dma_wait3A_58 = tpu.memref_squeeze %dma_wait3A_57 : memref<1x64x128xf32, #tpu.memory_space<vmem>> -> memref<64x128xf32, #tpu.memory_space<vmem>>
    %dma_wait3A_59 = arith.constant 0 : i32
    %dma_wait3A_60 = arith.constant 0 : i32
    %dma_wait3A_61 = tpu.memref_slice %arg5[%dma_wait3A_59, %dma_wait3A_60] : memref<4096x128xf32, #tpu.memory_space<hbm>> -> memref<64x128xf32, #tpu.memory_space<hbm>>
    tpu.wait_dma2 semaphore(%dma_wait3A_54 : memref<!tpu.dma_semaphore, #tpu.memory_space<semaphore_mem>>) src(%dma_wait3A_61 : memref<64x128xf32, #tpu.memory_space<hbm>>) dst(%dma_wait3A_58 : memref<64x128xf32, #tpu.memory_space<vmem>>)
    %swap3A = arith.constant 0 : i32
    %swap3A_62 = arith.index_cast %swap3A : i32 to index
    %swap3A_63 = arith.constant 0 : index
    %swap3A_64 = tpu.vector_load %arg13[%swap3A_62, %swap3A_63] {strides = array<i32>} : memref<2x64xi32, #tpu.memory_space<vmem>>, vector<16xi32>,
    tpu.vector_store %arg13[%swap3A_62, %swap3A_63], %broadcast_in_dim3A_42 {strides = array<i32>} : memref<2x64xi32, #tpu.memory_space<vmem>>, vector<16xi32>,
    %swap3A_65 = arith.constant 0 : i32
    %swap3A_66 = arith.index_cast %swap3A_65 : i32 to index
    %swap3A_67 = arith.constant 16 : index
    %swap3A_68 = tpu.vector_load %arg13[%swap3A_66, %swap3A_67] {strides = array<i32>} : memref<2x64xi32, #tpu.memory_space<vmem>>, vector<16xi32>,
    tpu.vector_store %arg13[%swap3A_66, %swap3A_67], %broadcast_in_dim3A_42 {strides = array<i32>} : memref<2x64xi32, #tpu.memory_space<vmem>>, vector<16xi32>,
    %swap3A_69 = arith.constant 0 : i32
    %swap3A_70 = arith.index_cast %swap3A_69 : i32 to index
    %swap3A_71 = arith.constant 32 : index
    %swap3A_72 = tpu.vector_load %arg13[%swap3A_70, %swap3A_71] {strides = array<i32>} : memref<2x64xi32, #tpu.memory_space<vmem>>, vector<16xi32>,
    tpu.vector_store %arg13[%swap3A_70, %swap3A_71], %broadcast_in_dim3A_42 {strides = array<i32>} : memref<2x64xi32, #tpu.memory_space<vmem>>, vector<16xi32>,
    %swap3A_73 = arith.constant 0 : i32
    %swap3A_74 = arith.index_cast %swap3A_73 : i32 to index
    %swap3A_75 = arith.constant 48 : index
    %swap3A_76 = tpu.vector_load %arg13[%swap3A_74, %swap3A_75] {strides = array<i32>} : memref<2x64xi32, #tpu.memory_space<vmem>>, vector<16xi32>,
    tpu.vector_store %arg13[%swap3A_74, %swap3A_75], %broadcast_in_dim3A_42 {strides = array<i32>} : memref<2x64xi32, #tpu.memory_space<vmem>>, vector<16xi32>,
    %dma_wait3A_77 = arith.constant 1 : i32
    %dma_wait3A_78 = arith.constant 1 : i32
    %dma_wait3A_79 = arith.constant 0 : i32
    %dma_wait3A_80 = arith.constant 0 : i32
    %dma_wait3A_81 = tpu.memref_slice %arg11[%dma_wait3A_77, %dma_wait3A_79, %dma_wait3A_80] : memref<2x64x128xf32, #tpu.memory_space<vmem>> -> memref<1x64x128xf32, #tpu.memory_space<vmem>>
    %dma_wait3A_82 = tpu.memref_squeeze %dma_wait3A_81 : memref<1x64x128xf32, #tpu.memory_space<vmem>> -> memref<64x128xf32, #tpu.memory_space<vmem>>
    %dma_wait3A_83 = arith.constant 0 : i32
    %dma_wait3A_84 = arith.constant 0 : i32
    %dma_wait3A_85 = tpu.memref_slice %arg5[%dma_wait3A_83, %dma_wait3A_84] : memref<4096x128xf32, #tpu.memory_space<hbm>> -> memref<64x128xf32, #tpu.memory_space<hbm>>
    %dma_wait3A_86 = tpu.memref_slice %arg15[%dma_wait3A_78] : memref<2x!tpu.dma_semaphore, #tpu.memory_space<semaphore_mem>> -> memref<1x!tpu.dma_semaphore, #tpu.memory_space<semaphore_mem>>
    %dma_wait3A_87 = tpu.memref_squeeze %dma_wait3A_86 : memref<1x!tpu.dma_semaphore, #tpu.memory_space<semaphore_mem>> -> memref<!tpu.dma_semaphore, #tpu.memory_space<semaphore_mem>>
    %dma_wait3A_88 = arith.constant 0 : i32
    %dma_wait3A_89 = arith.constant 0 : i32
    %dma_wait3A_90 = tpu.memref_slice %arg11[%dma_wait3A_77, %dma_wait3A_88, %dma_wait3A_89] : memref<2x64x128xf32, #tpu.memory_space<vmem>> -> memref<1x64x128xf32, #tpu.memory_space<vmem>>
    %dma_wait3A_91 = tpu.memref_squeeze %dma_wait3A_90 : memref<1x64x128xf32, #tpu.memory_space<vmem>> -> memref<64x128xf32, #tpu.memory_space<vmem>>
    %dma_wait3A_92 = arith.constant 0 : i32
    %dma_wait3A_93 = arith.constant 0 : i32
    %dma_wait3A_94 = tpu.memref_slice %arg5[%dma_wait3A_92, %dma_wait3A_93] : memref<4096x128xf32, #tpu.memory_space<hbm>> -> memref<64x128xf32, #tpu.memory_space<hbm>>
    tpu.wait_dma2 semaphore(%dma_wait3A_87 : memref<!tpu.dma_semaphore, #tpu.memory_space<semaphore_mem>>) src(%dma_wait3A_94 : memref<64x128xf32, #tpu.memory_space<hbm>>) dst(%dma_wait3A_91 : memref<64x128xf32, #tpu.memory_space<vmem>>)
    %swap3A_95 = arith.constant 1 : i32
    %swap3A_96 = arith.index_cast %swap3A_95 : i32 to index
    %swap3A_97 = arith.constant 0 : index
    %swap3A_98 = tpu.vector_load %arg13[%swap3A_96, %swap3A_97] {strides = array<i32>} : memref<2x64xi32, #tpu.memory_space<vmem>>, vector<16xi32>,
    tpu.vector_store %arg13[%swap3A_96, %swap3A_97], %broadcast_in_dim3A_42 {strides = array<i32>} : memref<2x64xi32, #tpu.memory_space<vmem>>, vector<16xi32>,
    %swap3A_99 = arith.constant 1 : i32
    %swap3A_100 = arith.index_cast %swap3A_99 : i32 to index
    %swap3A_101 = arith.constant 16 : index
    %swap3A_102 = tpu.vector_load %arg13[%swap3A_100, %swap3A_101] {strides = array<i32>} : memref<2x64xi32, #tpu.memory_space<vmem>>, vector<16xi32>,
    tpu.vector_store %arg13[%swap3A_100, %swap3A_101], %broadcast_in_dim3A_42 {strides = array<i32>} : memref<2x64xi32, #tpu.memory_space<vmem>>, vector<16xi32>,
    %swap3A_103 = arith.constant 1 : i32
    %swap3A_104 = arith.index_cast %swap3A_103 : i32 to index
    %swap3A_105 = arith.constant 32 : index
    %swap3A_106 = tpu.vector_load %arg13[%swap3A_104, %swap3A_105] {strides = array<i32>} : memref<2x64xi32, #tpu.memory_space<vmem>>, vector<16xi32>,
    tpu.vector_store %arg13[%swap3A_104, %swap3A_105], %broadcast_in_dim3A_42 {strides = array<i32>} : memref<2x64xi32, #tpu.memory_space<vmem>>, vector<16xi32>,
    %swap3A_107 = arith.constant 1 : i32
    %swap3A_108 = arith.index_cast %swap3A_107 : i32 to index
    %swap3A_109 = arith.constant 48 : index
    %swap3A_110 = tpu.vector_load %arg13[%swap3A_108, %swap3A_109] {strides = array<i32>} : memref<2x64xi32, #tpu.memory_space<vmem>>, vector<16xi32>,
    tpu.vector_store %arg13[%swap3A_108, %swap3A_109], %broadcast_in_dim3A_42 {strides = array<i32>} : memref<2x64xi32, #tpu.memory_space<vmem>>, vector<16xi32>,
    %barrier3A = arith.constant 0 : index
    tpu.barrier barrier_id(%barrier3A)
    %scan3A = arith.constant 0 : i32
    %scan3A_111 = arith.constant 0 : i32
    %scan3A_112 = arith.constant 258 : i32
    %scan3A_113 = arith.addi %scan3A_111, %scan3A_112 : i32
    %scan3A_114 = arith.constant 1 : i32
    scf.for %scan3A_121 = %scan3A_111 to %scan3A_113 step %scan3A_114  : i32 {
      %rem3A = arith.constant 2 : i32
      %rem3A_122 = arith.remsi %scan3A_121, %rem3A : i32
      %ge3A = arith.constant 2 : i32
      %ge3A_123 = arith.cmpi sge, %scan3A_121, %ge3A : i32
      %convert_element_type3A = arith.extui %ge3A_123 : i1 to i32
      %cond3A = arith.constant 0 : i32
      %cond3A_124 = arith.cmpi ne, %convert_element_type3A, %cond3A : i32
      scf.if %cond3A_124 {
        %dma_wait3A_129 = arith.constant 0 : i32
        %dma_wait3A_130 = arith.constant 0 : i32
        %dma_wait3A_131 = tpu.memref_slice %arg11[%rem3A_122, %dma_wait3A_129, %dma_wait3A_130] : memref<2x64x128xf32, #tpu.memory_space<vmem>> -> memref<1x64x128xf32, #tpu.memory_space<vmem>>
        %dma_wait3A_132 = tpu.memref_squeeze %dma_wait3A_131 : memref<1x64x128xf32, #tpu.memory_space<vmem>> -> memref<64x128xf32, #tpu.memory_space<vmem>>
        %dma_wait3A_133 = arith.constant 0 : i32
        %dma_wait3A_134 = tpu.memref_slice %arg12[%rem3A_122, %dma_wait3A_133] : memref<2x64xi32, #tpu.memory_space<vmem>> -> memref<1x64xi32, #tpu.memory_space<vmem>>
        %dma_wait3A_135 = tpu.memref_squeeze %dma_wait3A_134 : memref<1x64xi32, #tpu.memory_space<vmem>> -> memref<64xi32, #tpu.memory_space<vmem>>
        %dma_wait3A_136 = arith.constant 0 : i32
        %dma_wait3A_137 = arith.constant 0 : i32
        %dma_wait3A_138 = tpu.memref_slice %arg7[%dma_wait3A_136, %dma_wait3A_137] : memref<4096x128xf32, #tpu.memory_space<vmem_shared>> -> memref<4096x128xf32, #tpu.memory_space<vmem_shared>>
        %dma_wait3A_139 = tpu.memref_slice %arg14[%rem3A_122] : memref<2x!tpu.dma_semaphore, #tpu.memory_space<semaphore_mem>> -> memref<1x!tpu.dma_semaphore, #tpu.memory_space<semaphore_mem>>
        %dma_wait3A_140 = tpu.memref_squeeze %dma_wait3A_139 : memref<1x!tpu.dma_semaphore, #tpu.memory_space<semaphore_mem>> -> memref<!tpu.dma_semaphore, #tpu.memory_space<semaphore_mem>>
        tpu.wait_indirect_dma semaphore(%dma_wait3A_140 : memref<!tpu.dma_semaphore, #tpu.memory_space<semaphore_mem>>) src(%dma_wait3A_132 : memref<64x128xf32, #tpu.memory_space<vmem>>) dst(%dma_wait3A_138 : memref<4096x128xf32, #tpu.memory_space<vmem_shared>>)
      } else {
      }
      %lt3A = arith.constant 256 : i32
      %lt3A_125 = arith.cmpi slt, %scan3A_121, %lt3A : i32
      %convert_element_type3A_126 = arith.extui %lt3A_125 : i1 to i32
      %cond3A_127 = arith.constant 0 : i32
      %cond3A_128 = arith.cmpi ne, %convert_element_type3A_126, %cond3A_127 : i32
      scf.if %cond3A_128 {
        %shift_right_logical3A = arith.constant 1 : i32
        %shift_right_logical3A_129 = arith.shrui %scan3A_121, %shift_right_logical3A : i32
        %and3A = arith.constant 1 : i32
        %and3A_130 = arith.andi %scan3A_121, %and3A : i32
        %shift_left3A = arith.constant 6 : i32
        %shift_left3A_131 = arith.shli %and3A_130, %shift_left3A : i32
        %add3A_132 = arith.constant 0 : i32
        %add3A_133 = arith.addi %shift_left3A_131, %add3A_132 : i32
        %get3A = arith.index_cast %shift_right_logical3A_129 : i32 to index
        %get3A_134 = arith.index_cast %add3A_133 : i32 to index
        %get3A_135 = tpu.vector_load %arg9[%get3A, %get3A_134] {strides = array<i32>} : memref<128x128xi32, #tpu.memory_space<vmem>>, vector<16xi32>,
        %get3A_136 = arith.index_cast %shift_right_logical3A_129 : i32 to index
        %get3A_137 = arith.index_cast %add3A_133 : i32 to index
        %get3A_138 = tpu.vector_load %arg10[%get3A_136, %get3A_137] {strides = array<i32>} : memref<128x128xf32, #tpu.memory_space<vmem>>, vector<16xf32>,
        %and3A_139 = arith.constant 16383 : i32
        %and3A_140 = vector.broadcast %and3A_139 : i32 to vector<16xi32>
        %and3A_141 = arith.andi %get3A_135, %and3A_140 : vector<16xi32>
        %shift_right_logical3A_142 = arith.constant 14 : i32
        %shift_right_logical3A_143 = vector.broadcast %shift_right_logical3A_142 : i32 to vector<16xi32>
        %shift_right_logical3A_144 = arith.shrui %get3A_135, %shift_right_logical3A_143 : vector<16xi32>
        %shift_right_logical3A_145 = arith.constant 2 : i32
        %shift_right_logical3A_146 = vector.broadcast %shift_right_logical3A_145 : i32 to vector<16xi32>
        %shift_right_logical3A_147 = arith.shrui %and3A_141, %shift_right_logical3A_146 : vector<16xi32>
        %swap3A_148 = arith.index_cast %rem3A_122 : i32 to index
        %swap3A_149 = arith.constant 0 : index
        %swap3A_150 = tpu.vector_load %arg12[%swap3A_148, %swap3A_149] {strides = array<i32>} : memref<2x64xi32, #tpu.memory_space<vmem>>, vector<16xi32>,
        tpu.vector_store %arg12[%swap3A_148, %swap3A_149], %shift_right_logical3A_147 {strides = array<i32>} : memref<2x64xi32, #tpu.memory_space<vmem>>, vector<16xi32>,
        %mul3A_151 = arith.constant 52348 : i32
        %mul3A_152 = vector.broadcast %mul3A_151 : i32 to vector<16xi32>
        %mul3A_153 = arith.muli %shift_right_logical3A_144, %mul3A_152 : vector<16xi32>
        %shift_right_logical3A_154 = arith.constant 25 : i32
        %shift_right_logical3A_155 = vector.broadcast %shift_right_logical3A_154 : i32 to vector<16xi32>
        %shift_right_logical3A_156 = arith.shrui %mul3A_153, %shift_right_logical3A_155 : vector<16xi32>
        %mul3A_157 = arith.constant 641 : i32
        %mul3A_158 = vector.broadcast %mul3A_157 : i32 to vector<16xi32>
        %mul3A_159 = arith.muli %shift_right_logical3A_156, %mul3A_158 : vector<16xi32>
        %sub3A = arith.subi %shift_right_logical3A_144, %mul3A_159 : vector<16xi32>
        %mul3A_160 = arith.constant 32 : i32
        %mul3A_161 = vector.broadcast %mul3A_160 : i32 to vector<16xi32>
        %mul3A_162 = arith.muli %sub3A, %mul3A_161 : vector<16xi32>
        %and3A_163 = arith.constant 3 : i32
        %and3A_164 = vector.broadcast %and3A_163 : i32 to vector<16xi32>
        %and3A_165 = arith.andi %and3A_141, %and3A_164 : vector<16xi32>
        %shift_left3A_166 = arith.constant 5 : i32
        %shift_left3A_167 = vector.broadcast %shift_left3A_166 : i32 to vector<16xi32>
        %shift_left3A_168 = arith.shli %and3A_165, %shift_left3A_167 : vector<16xi32>
        %get3A_169 = arith.index_cast %rem3A_122 : i32 to index
        %get3A_170 = arith.constant 0 : index
        %get3A_171 = tpu.vector_load %arg13[%get3A_169, %get3A_170] {strides = array<i32>} : memref<2x64xi32, #tpu.memory_space<vmem>>, vector<16xi32>,
        %swap3A_172 = arith.index_cast %rem3A_122 : i32 to index
        %swap3A_173 = arith.constant 0 : index
        %swap3A_174 = tpu.vector_load %arg13[%swap3A_172, %swap3A_173] {strides = array<i32>} : memref<2x64xi32, #tpu.memory_space<vmem>>, vector<16xi32>,
        tpu.vector_store %arg13[%swap3A_172, %swap3A_173], %shift_left3A_168 {strides = array<i32>} : memref<2x64xi32, #tpu.memory_space<vmem>>, vector<16xi32>,
        %slice3A = vector.extract_strided_slice %mul3A_162 {offsets = [0], sizes = [1], strides = [1]} : vector<16xi32> to vector<1xi32>
        %squeeze3A = vector.extract %slice3A[0] : i32 from vector<1xi32>
        %slice3A_175 = vector.extract_strided_slice %shift_left3A_168 {offsets = [0], sizes = [1], strides = [1]} : vector<16xi32> to vector<1xi32>
        %squeeze3A_176 = vector.extract %slice3A_175[0] : i32 from vector<1xi32>
        %slice3A_177 = vector.extract_strided_slice %get3A_171 {offsets = [0], sizes = [1], strides = [1]} : vector<16xi32> to vector<1xi32>
        %squeeze3A_178 = vector.extract %slice3A_177[0] : i32 from vector<1xi32>
        %slice3A_179 = vector.extract_strided_slice %get3A_138 {offsets = [0], sizes = [1], strides = [1]} : vector<16xf32> to vector<1xf32>
        %squeeze3A_180 = vector.extract %slice3A_179[0] : f32 from vector<1xf32>
        %broadcast_in_dim3A_181 = vector.broadcast %squeeze3A_180 : f32 to vector<16xf32>
        %get3A_182 = arith.index_cast %squeeze3A : i32 to index
        %get3A_183 = tpu.vector_load %arg8[%get3A_182] {strides = array<i32>} : memref<20512xf32, #tpu.memory_space<vmem>>, vector<16xf32>,
        %add3A_184 = arith.constant 16 : i32
        %add3A_185 = arith.addi %squeeze3A, %add3A_184 : i32
        %get3A_186 = arith.index_cast %add3A_185 : i32 to index
        %get3A_187 = tpu.vector_load %arg8[%get3A_186] {strides = array<i32>} : memref<20512xf32, #tpu.memory_space<vmem>>, vector<16xf32>,
        %swap3A_188 = arith.constant 0 : i32
        %swap3A_189 = arith.index_cast %rem3A_122 : i32 to index
        %swap3A_190 = arith.index_cast %swap3A_188 : i32 to index
        %swap3A_191 = arith.index_cast %squeeze3A_178 : i32 to index
        %swap3A_192 = tpu.vector_load %arg11[%swap3A_189, %swap3A_190, %swap3A_191] {strides = array<i32>} : memref<2x64x128xf32, #tpu.memory_space<vmem>>, vector<16xf32>,
        tpu.vector_store %arg11[%swap3A_189, %swap3A_190, %swap3A_191], %broadcast_in_dim3A_44 {strides = array<i32>} : memref<2x64x128xf32, #tpu.memory_space<vmem>>, vector<16xf32>,
        %add3A_193 = arith.constant 16 : i32
        %add3A_194 = arith.addi %squeeze3A_178, %add3A_193 : i32
        %swap3A_195 = arith.constant 0 : i32
        %swap3A_196 = arith.index_cast %rem3A_122 : i32 to index
        %swap3A_197 = arith.index_cast %swap3A_195 : i32 to index
        %swap3A_198 = arith.index_cast %add3A_194 : i32 to index
        %swap3A_199 = tpu.vector_load %arg11[%swap3A_196, %swap3A_197, %swap3A_198] {strides = array<i32>} : memref<2x64x128xf32, #tpu.memory_space<vmem>>, vector<16xf32>,
        tpu.vector_store %arg11[%swap3A_196, %swap3A_197, %swap3A_198], %broadcast_in_dim3A_44 {strides = array<i32>} : memref<2x64x128xf32, #tpu.memory_space<vmem>>, vector<16xf32>,
        %mul3A_200 = arith.mulf %get3A_183, %broadcast_in_dim3A_181 : vector<16xf32>
        %swap3A_201 = arith.constant 0 : i32
        %swap3A_202 = arith.index_cast %rem3A_122 : i32 to index
        %swap3A_203 = arith.index_cast %swap3A_201 : i32 to index
        %swap3A_204 = arith.index_cast %squeeze3A_176 : i32 to index
        %swap3A_205 = tpu.vector_load %arg11[%swap3A_202, %swap3A_203, %swap3A_204] {strides = array<i32>} : memref<2x64x128xf32, #tpu.memory_space<vmem>>, vector<16xf32>,
        tpu.vector_store %arg11[%swap3A_202, %swap3A_203, %swap3A_204], %mul3A_200 {strides = array<i32>} : memref<2x64x128xf32, #tpu.memory_space<vmem>>, vector<16xf32>,
        %mul3A_206 = arith.mulf %get3A_187, %broadcast_in_dim3A_181 : vector<16xf32>
        %add3A_207 = arith.constant 16 : i32
        %add3A_208 = arith.addi %squeeze3A_176, %add3A_207 : i32
        %swap3A_209 = arith.constant 0 : i32
        %swap3A_210 = arith.index_cast %rem3A_122 : i32 to index
        %swap3A_211 = arith.index_cast %swap3A_209 : i32 to index
        %swap3A_212 = arith.index_cast %add3A_208 : i32 to index
        %swap3A_213 = tpu.vector_load %arg11[%swap3A_210, %swap3A_211, %swap3A_212] {strides = array<i32>} : memref<2x64x128xf32, #tpu.memory_space<vmem>>, vector<16xf32>,
        tpu.vector_store %arg11[%swap3A_210, %swap3A_211, %swap3A_212], %mul3A_206 {strides = array<i32>} : memref<2x64x128xf32, #tpu.memory_space<vmem>>, vector<16xf32>,
        %slice3A_214 = vector.extract_strided_slice %mul3A_162 {offsets = [1], sizes = [1], strides = [1]} : vector<16xi32> to vector<1xi32>
        %squeeze3A_215 = vector.extract %slice3A_214[0] : i32 from vector<1xi32>
        %slice3A_216 = vector.extract_strided_slice %shift_left3A_168 {offsets = [1], sizes = [1], strides = [1]} : vector<16xi32> to vector<1xi32>
        %squeeze3A_217 = vector.extract %slice3A_216[0] : i32 from vector<1xi32>
        %slice3A_218 = vector.extract_strided_slice %get3A_171 {offsets = [1], sizes = [1], strides = [1]} : vector<16xi32> to vector<1xi32>
        %squeeze3A_219 = vector.extract %slice3A_218[0] : i32 from vector<1xi32>
        %slice3A_220 = vector.extract_strided_slice %get3A_138 {offsets = [1], sizes = [1], strides = [1]} : vector<16xf32> to vector<1xf32>
        %squeeze3A_221 = vector.extract %slice3A_220[0] : f32 from vector<1xf32>
        %broadcast_in_dim3A_222 = vector.broadcast %squeeze3A_221 : f32 to vector<16xf32>
        %get3A_223 = arith.index_cast %squeeze3A_215 : i32 to index
        %get3A_224 = tpu.vector_load %arg8[%get3A_223] {strides = array<i32>} : memref<20512xf32, #tpu.memory_space<vmem>>, vector<16xf32>,
        %add3A_225 = arith.constant 16 : i32
        %add3A_226 = arith.addi %squeeze3A_215, %add3A_225 : i32
        %get3A_227 = arith.index_cast %add3A_226 : i32 to index
        %get3A_228 = tpu.vector_load %arg8[%get3A_227] {strides = array<i32>} : memref<20512xf32, #tpu.memory_space<vmem>>, vector<16xf32>,
        %swap3A_229 = arith.constant 1 : i32
        %swap3A_230 = arith.index_cast %rem3A_122 : i32 to index
        %swap3A_231 = arith.index_cast %swap3A_229 : i32 to index
        %swap3A_232 = arith.index_cast %squeeze3A_219 : i32 to index
        %swap3A_233 = tpu.vector_load %arg11[%swap3A_230, %swap3A_231, %swap3A_232] {strides = array<i32>} : memref<2x64x128xf32, #tpu.memory_space<vmem>>, vector<16xf32>,
        tpu.vector_store %arg11[%swap3A_230, %swap3A_231, %swap3A_232], %broadcast_in_dim3A_44 {strides = array<i32>} : memref<2x64x128xf32, #tpu.memory_space<vmem>>, vector<16xf32>,
        %add3A_234 = arith.constant 16 : i32
        %add3A_235 = arith.addi %squeeze3A_219, %add3A_234 : i32
        %swap3A_236 = arith.constant 1 : i32
        %swap3A_237 = arith.index_cast %rem3A_122 : i32 to index
        %swap3A_238 = arith.index_cast %swap3A_236 : i32 to index
        %swap3A_239 = arith.index_cast %add3A_235 : i32 to index
        %swap3A_240 = tpu.vector_load %arg11[%swap3A_237, %swap3A_238, %swap3A_239] {strides = array<i32>} : memref<2x64x128xf32, #tpu.memory_space<vmem>>, vector<16xf32>,
        tpu.vector_store %arg11[%swap3A_237, %swap3A_238, %swap3A_239], %broadcast_in_dim3A_44 {strides = array<i32>} : memref<2x64x128xf32, #tpu.memory_space<vmem>>, vector<16xf32>,
        %mul3A_241 = arith.mulf %get3A_224, %broadcast_in_dim3A_222 : vector<16xf32>
        %swap3A_242 = arith.constant 1 : i32
        %swap3A_243 = arith.index_cast %rem3A_122 : i32 to index
        %swap3A_244 = arith.index_cast %swap3A_242 : i32 to index
        %swap3A_245 = arith.index_cast %squeeze3A_217 : i32 to index
        %swap3A_246 = tpu.vector_load %arg11[%swap3A_243, %swap3A_244, %swap3A_245] {strides = array<i32>} : memref<2x64x128xf32, #tpu.memory_space<vmem>>, vector<16xf32>,
        tpu.vector_store %arg11[%swap3A_243, %swap3A_244, %swap3A_245], %mul3A_241 {strides = array<i32>} : memref<2x64x128xf32, #tpu.memory_space<vmem>>, vector<16xf32>,
        %mul3A_247 = arith.mulf %get3A_228, %broadcast_in_dim3A_222 : vector<16xf32>
        %add3A_248 = arith.constant 16 : i32
        %add3A_249 = arith.addi %squeeze3A_217, %add3A_248 : i32
        %swap3A_250 = arith.constant 1 : i32
        %swap3A_251 = arith.index_cast %rem3A_122 : i32 to index
        %swap3A_252 = arith.index_cast %swap3A_250 : i32 to index
        %swap3A_253 = arith.index_cast %add3A_249 : i32 to index
        %swap3A_254 = tpu.vector_load %arg11[%swap3A_251, %swap3A_252, %swap3A_253] {strides = array<i32>} : memref<2x64x128xf32, #tpu.memory_space<vmem>>, vector<16xf32>,
        tpu.vector_store %arg11[%swap3A_251, %swap3A_252, %swap3A_253], %mul3A_247 {strides = array<i32>} : memref<2x64x128xf32, #tpu.memory_space<vmem>>, vector<16xf32>,
        %slice3A_255 = vector.extract_strided_slice %mul3A_162 {offsets = [2], sizes = [1], strides = [1]} : vector<16xi32> to vector<1xi32>
        %squeeze3A_256 = vector.extract %slice3A_255[0] : i32 from vector<1xi32>
        %slice3A_257 = vector.extract_strided_slice %shift_left3A_168 {offsets = [2], sizes = [1], strides = [1]} : vector<16xi32> to vector<1xi32>
        %squeeze3A_258 = vector.extract %slice3A_257[0] : i32 from vector<1xi32>
        %slice3A_259 = vector.extract_strided_slice %get3A_171 {offsets = [2], sizes = [1], strides = [1]} : vector<16xi32> to vector<1xi32>
        %squeeze3A_260 = vector.extract %slice3A_259[0] : i32 from vector<1xi32>
        %slice3A_261 = vector.extract_strided_slice %get3A_138 {offsets = [2], sizes = [1], strides = [1]} : vector<16xf32> to vector<1xf32>
        %squeeze3A_262 = vector.extract %slice3A_261[0] : f32 from vector<1xf32>
        %broadcast_in_dim3A_263 = vector.broadcast %squeeze3A_262 : f32 to vector<16xf32>
        %get3A_264 = arith.index_cast %squeeze3A_256 : i32 to index
        %get3A_265 = tpu.vector_load %arg8[%get3A_264] {strides = array<i32>} : memref<20512xf32, #tpu.memory_space<vmem>>, vector<16xf32>,
        %add3A_266 = arith.constant 16 : i32
        %add3A_267 = arith.addi %squeeze3A_256, %add3A_266 : i32
        %get3A_268 = arith.index_cast %add3A_267 : i32 to index
        %get3A_269 = tpu.vector_load %arg8[%get3A_268] {strides = array<i32>} : memref<20512xf32, #tpu.memory_space<vmem>>, vector<16xf32>,
        %swap3A_270 = arith.constant 2 : i32
        %swap3A_271 = arith.index_cast %rem3A_122 : i32 to index
        %swap3A_272 = arith.index_cast %swap3A_270 : i32 to index
        %swap3A_273 = arith.index_cast %squeeze3A_260 : i32 to index
        %swap3A_274 = tpu.vector_load %arg11[%swap3A_271, %swap3A_272, %swap3A_273] {strides = array<i32>} : memref<2x64x128xf32, #tpu.memory_space<vmem>>, vector<16xf32>,
        tpu.vector_store %arg11[%swap3A_271, %swap3A_272, %swap3A_273], %broadcast_in_dim3A_44 {strides = array<i32>} : memref<2x64x128xf32, #tpu.memory_space<vmem>>, vector<16xf32>,
        %add3A_275 = arith.constant 16 : i32
        %add3A_276 = arith.addi %squeeze3A_260, %add3A_275 : i32
        %swap3A_277 = arith.constant 2 : i32
        %swap3A_278 = arith.index_cast %rem3A_122 : i32 to index
        %swap3A_279 = arith.index_cast %swap3A_277 : i32 to index
        %swap3A_280 = arith.index_cast %add3A_276 : i32 to index
        %swap3A_281 = tpu.vector_load %arg11[%swap3A_278, %swap3A_279, %swap3A_280] {strides = array<i32>} : memref<2x64x128xf32, #tpu.memory_space<vmem>>, vector<16xf32>,
        tpu.vector_store %arg11[%swap3A_278, %swap3A_279, %swap3A_280], %broadcast_in_dim3A_44 {strides = array<i32>} : memref<2x64x128xf32, #tpu.memory_space<vmem>>, vector<16xf32>,
        %mul3A_282 = arith.mulf %get3A_265, %broadcast_in_dim3A_263 : vector<16xf32>
        %swap3A_283 = arith.constant 2 : i32
        %swap3A_284 = arith.index_cast %rem3A_122 : i32 to index
        %swap3A_285 = arith.index_cast %swap3A_283 : i32 to index
        %swap3A_286 = arith.index_cast %squeeze3A_258 : i32 to index
        %swap3A_287 = tpu.vector_load %arg11[%swap3A_284, %swap3A_285, %swap3A_286] {strides = array<i32>} : memref<2x64x128xf32, #tpu.memory_space<vmem>>, vector<16xf32>,
        tpu.vector_store %arg11[%swap3A_284, %swap3A_285, %swap3A_286], %mul3A_282 {strides = array<i32>} : memref<2x64x128xf32, #tpu.memory_space<vmem>>, vector<16xf32>,
        %mul3A_288 = arith.mulf %get3A_269, %broadcast_in_dim3A_263 : vector<16xf32>
        %add3A_289 = arith.constant 16 : i32
        %add3A_290 = arith.addi %squeeze3A_258, %add3A_289 : i32
        %swap3A_291 = arith.constant 2 : i32
        %swap3A_292 = arith.index_cast %rem3A_122 : i32 to index
        %swap3A_293 = arith.index_cast %swap3A_291 : i32 to index
        %swap3A_294 = arith.index_cast %add3A_290 : i32 to index
        %swap3A_295 = tpu.vector_load %arg11[%swap3A_292, %swap3A_293, %swap3A_294] {strides = array<i32>} : memref<2x64x128xf32, #tpu.memory_space<vmem>>, vector<16xf32>,
        tpu.vector_store %arg11[%swap3A_292, %swap3A_293, %swap3A_294], %mul3A_288 {strides = array<i32>} : memref<2x64x128xf32, #tpu.memory_space<vmem>>, vector<16xf32>,
        %slice3A_296 = vector.extract_strided_slice %mul3A_162 {offsets = [3], sizes = [1], strides = [1]} : vector<16xi32> to vector<1xi32>
        %squeeze3A_297 = vector.extract %slice3A_296[0] : i32 from vector<1xi32>
        %slice3A_298 = vector.extract_strided_slice %shift_left3A_168 {offsets = [3], sizes = [1], strides = [1]} : vector<16xi32> to vector<1xi32>
        %squeeze3A_299 = vector.extract %slice3A_298[0] : i32 from vector<1xi32>
        %slice3A_300 = vector.extract_strided_slice %get3A_171 {offsets = [3], sizes = [1], strides = [1]} : vector<16xi32> to vector<1xi32>
        %squeeze3A_301 = vector.extract %slice3A_300[0] : i32 from vector<1xi32>
        %slice3A_302 = vector.extract_strided_slice %get3A_138 {offsets = [3], sizes = [1], strides = [1]} : vector<16xf32> to vector<1xf32>
        %squeeze3A_303 = vector.extract %slice3A_302[0] : f32 from vector<1xf32>
        %broadcast_in_dim3A_304 = vector.broadcast %squeeze3A_303 : f32 to vector<16xf32>
        %get3A_305 = arith.index_cast %squeeze3A_297 : i32 to index
        %get3A_306 = tpu.vector_load %arg8[%get3A_305] {strides = array<i32>} : memref<20512xf32, #tpu.memory_space<vmem>>, vector<16xf32>,
        %add3A_307 = arith.constant 16 : i32
        %add3A_308 = arith.addi %squeeze3A_297, %add3A_307 : i32
        %get3A_309 = arith.index_cast %add3A_308 : i32 to index
        %get3A_310 = tpu.vector_load %arg8[%get3A_309] {strides = array<i32>} : memref<20512xf32, #tpu.memory_space<vmem>>, vector<16xf32>,
        %swap3A_311 = arith.constant 3 : i32
        %swap3A_312 = arith.index_cast %rem3A_122 : i32 to index
        %swap3A_313 = arith.index_cast %swap3A_311 : i32 to index
        %swap3A_314 = arith.index_cast %squeeze3A_301 : i32 to index
        %swap3A_315 = tpu.vector_load %arg11[%swap3A_312, %swap3A_313, %swap3A_314] {strides = array<i32>} : memref<2x64x128xf32, #tpu.memory_space<vmem>>, vector<16xf32>,
        tpu.vector_store %arg11[%swap3A_312, %swap3A_313, %swap3A_314], %broadcast_in_dim3A_44 {strides = array<i32>} : memref<2x64x128xf32, #tpu.memory_space<vmem>>, vector<16xf32>,
        %add3A_316 = arith.constant 16 : i32
        %add3A_317 = arith.addi %squeeze3A_301, %add3A_316 : i32
        %swap3A_318 = arith.constant 3 : i32
        %swap3A_319 = arith.index_cast %rem3A_122 : i32 to index
        %swap3A_320 = arith.index_cast %swap3A_318 : i32 to index
        %swap3A_321 = arith.index_cast %add3A_317 : i32 to index
        %swap3A_322 = tpu.vector_load %arg11[%swap3A_319, %swap3A_320, %swap3A_321] {strides = array<i32>} : memref<2x64x128xf32, #tpu.memory_space<vmem>>, vector<16xf32>,
        tpu.vector_store %arg11[%swap3A_319, %swap3A_320, %swap3A_321], %broadcast_in_dim3A_44 {strides = array<i32>} : memref<2x64x128xf32, #tpu.memory_space<vmem>>, vector<16xf32>,
        %mul3A_323 = arith.mulf %get3A_306, %broadcast_in_dim3A_304 : vector<16xf32>
        %swap3A_324 = arith.constant 3 : i32
        %swap3A_325 = arith.index_cast %rem3A_122 : i32 to index
        %swap3A_326 = arith.index_cast %swap3A_324 : i32 to index
        %swap3A_327 = arith.index_cast %squeeze3A_299 : i32 to index
        %swap3A_328 = tpu.vector_load %arg11[%swap3A_325, %swap3A_326, %swap3A_327] {strides = array<i32>} : memref<2x64x128xf32, #tpu.memory_space<vmem>>, vector<16xf32>,
        tpu.vector_store %arg11[%swap3A_325, %swap3A_326, %swap3A_327], %mul3A_323 {strides = array<i32>} : memref<2x64x128xf32, #tpu.memory_space<vmem>>, vector<16xf32>,
        %mul3A_329 = arith.mulf %get3A_310, %broadcast_in_dim3A_304 : vector<16xf32>
        %add3A_330 = arith.constant 16 : i32
        %add3A_331 = arith.addi %squeeze3A_299, %add3A_330 : i32
        %swap3A_332 = arith.constant 3 : i32
        %swap3A_333 = arith.index_cast %rem3A_122 : i32 to index
        %swap3A_334 = arith.index_cast %swap3A_332 : i32 to index
        %swap3A_335 = arith.index_cast %add3A_331 : i32 to index
        %swap3A_336 = tpu.vector_load %arg11[%swap3A_333, %swap3A_334, %swap3A_335] {strides = array<i32>} : memref<2x64x128xf32, #tpu.memory_space<vmem>>, vector<16xf32>,
        tpu.vector_store %arg11[%swap3A_333, %swap3A_334, %swap3A_335], %mul3A_329 {strides = array<i32>} : memref<2x64x128xf32, #tpu.memory_space<vmem>>, vector<16xf32>,
        %slice3A_337 = vector.extract_strided_slice %mul3A_162 {offsets = [4], sizes = [1], strides = [1]} : vector<16xi32> to vector<1xi32>
        %squeeze3A_338 = vector.extract %slice3A_337[0] : i32 from vector<1xi32>
        %slice3A_339 = vector.extract_strided_slice %shift_left3A_168 {offsets = [4], sizes = [1], strides = [1]} : vector<16xi32> to vector<1xi32>
        %squeeze3A_340 = vector.extract %slice3A_339[0] : i32 from vector<1xi32>
        %slice3A_341 = vector.extract_strided_slice %get3A_171 {offsets = [4], sizes = [1], strides = [1]} : vector<16xi32> to vector<1xi32>
        %squeeze3A_342 = vector.extract %slice3A_341[0] : i32 from vector<1xi32>
        %slice3A_343 = vector.extract_strided_slice %get3A_138 {offsets = [4], sizes = [1], strides = [1]} : vector<16xf32> to vector<1xf32>
        %squeeze3A_344 = vector.extract %slice3A_343[0] : f32 from vector<1xf32>
        %broadcast_in_dim3A_345 = vector.broadcast %squeeze3A_344 : f32 to vector<16xf32>
        %get3A_346 = arith.index_cast %squeeze3A_338 : i32 to index
        %get3A_347 = tpu.vector_load %arg8[%get3A_346] {strides = array<i32>} : memref<20512xf32, #tpu.memory_space<vmem>>, vector<16xf32>,
        %add3A_348 = arith.constant 16 : i32
        %add3A_349 = arith.addi %squeeze3A_338, %add3A_348 : i32
        %get3A_350 = arith.index_cast %add3A_349 : i32 to index
        %get3A_351 = tpu.vector_load %arg8[%get3A_350] {strides = array<i32>} : memref<20512xf32, #tpu.memory_space<vmem>>, vector<16xf32>,
        %swap3A_352 = arith.constant 4 : i32
        %swap3A_353 = arith.index_cast %rem3A_122 : i32 to index
        %swap3A_354 = arith.index_cast %swap3A_352 : i32 to index
        %swap3A_355 = arith.index_cast %squeeze3A_342 : i32 to index
        %swap3A_356 = tpu.vector_load %arg11[%swap3A_353, %swap3A_354, %swap3A_355] {strides = array<i32>} : memref<2x64x128xf32, #tpu.memory_space<vmem>>, vector<16xf32>,
        tpu.vector_store %arg11[%swap3A_353, %swap3A_354, %swap3A_355], %broadcast_in_dim3A_44 {strides = array<i32>} : memref<2x64x128xf32, #tpu.memory_space<vmem>>, vector<16xf32>,
        %add3A_357 = arith.constant 16 : i32
        %add3A_358 = arith.addi %squeeze3A_342, %add3A_357 : i32
        %swap3A_359 = arith.constant 4 : i32
        %swap3A_360 = arith.index_cast %rem3A_122 : i32 to index
        %swap3A_361 = arith.index_cast %swap3A_359 : i32 to index
        %swap3A_362 = arith.index_cast %add3A_358 : i32 to index
        %swap3A_363 = tpu.vector_load %arg11[%swap3A_360, %swap3A_361, %swap3A_362] {strides = array<i32>} : memref<2x64x128xf32, #tpu.memory_space<vmem>>, vector<16xf32>,
        tpu.vector_store %arg11[%swap3A_360, %swap3A_361, %swap3A_362], %broadcast_in_dim3A_44 {strides = array<i32>} : memref<2x64x128xf32, #tpu.memory_space<vmem>>, vector<16xf32>,
        %mul3A_364 = arith.mulf %get3A_347, %broadcast_in_dim3A_345 : vector<16xf32>
        %swap3A_365 = arith.constant 4 : i32
        %swap3A_366 = arith.index_cast %rem3A_122 : i32 to index
        %swap3A_367 = arith.index_cast %swap3A_365 : i32 to index
        %swap3A_368 = arith.index_cast %squeeze3A_340 : i32 to index
        %swap3A_369 = tpu.vector_load %arg11[%swap3A_366, %swap3A_367, %swap3A_368] {strides = array<i32>} : memref<2x64x128xf32, #tpu.memory_space<vmem>>, vector<16xf32>,
        tpu.vector_store %arg11[%swap3A_366, %swap3A_367, %swap3A_368], %mul3A_364 {strides = array<i32>} : memref<2x64x128xf32, #tpu.memory_space<vmem>>, vector<16xf32>,
        %mul3A_370 = arith.mulf %get3A_351, %broadcast_in_dim3A_345 : vector<16xf32>
        %add3A_371 = arith.constant 16 : i32
        %add3A_372 = arith.addi %squeeze3A_340, %add3A_371 : i32
        %swap3A_373 = arith.constant 4 : i32
        %swap3A_374 = arith.index_cast %rem3A_122 : i32 to index
        %swap3A_375 = arith.index_cast %swap3A_373 : i32 to index
        %swap3A_376 = arith.index_cast %add3A_372 : i32 to index
        %swap3A_377 = tpu.vector_load %arg11[%swap3A_374, %swap3A_375, %swap3A_376] {strides = array<i32>} : memref<2x64x128xf32, #tpu.memory_space<vmem>>, vector<16xf32>,
        tpu.vector_store %arg11[%swap3A_374, %swap3A_375, %swap3A_376], %mul3A_370 {strides = array<i32>} : memref<2x64x128xf32, #tpu.memory_space<vmem>>, vector<16xf32>,
        %slice3A_378 = vector.extract_strided_slice %mul3A_162 {offsets = [5], sizes = [1], strides = [1]} : vector<16xi32> to vector<1xi32>
        %squeeze3A_379 = vector.extract %slice3A_378[0] : i32 from vector<1xi32>
        %slice3A_380 = vector.extract_strided_slice %shift_left3A_168 {offsets = [5], sizes = [1], strides = [1]} : vector<16xi32> to vector<1xi32>
        %squeeze3A_381 = vector.extract %slice3A_380[0] : i32 from vector<1xi32>
        %slice3A_382 = vector.extract_strided_slice %get3A_171 {offsets = [5], sizes = [1], strides = [1]} : vector<16xi32> to vector<1xi32>
        %squeeze3A_383 = vector.extract %slice3A_382[0] : i32 from vector<1xi32>
        %slice3A_384 = vector.extract_strided_slice %get3A_138 {offsets = [5], sizes = [1], strides = [1]} : vector<16xf32> to vector<1xf32>
        %squeeze3A_385 = vector.extract %slice3A_384[0] : f32 from vector<1xf32>
        %broadcast_in_dim3A_386 = vector.broadcast %squeeze3A_385 : f32 to vector<16xf32>
        %get3A_387 = arith.index_cast %squeeze3A_379 : i32 to index
        %get3A_388 = tpu.vector_load %arg8[%get3A_387] {strides = array<i32>} : memref<20512xf32, #tpu.memory_space<vmem>>, vector<16xf32>,
        %add3A_389 = arith.constant 16 : i32
        %add3A_390 = arith.addi %squeeze3A_379, %add3A_389 : i32
        %get3A_391 = arith.index_cast %add3A_390 : i32 to index
        %get3A_392 = tpu.vector_load %arg8[%get3A_391] {strides = array<i32>} : memref<20512xf32, #tpu.memory_space<vmem>>, vector<16xf32>,
        %swap3A_393 = arith.constant 5 : i32
        %swap3A_394 = arith.index_cast %rem3A_122 : i32 to index
        %swap3A_395 = arith.index_cast %swap3A_393 : i32 to index
        %swap3A_396 = arith.index_cast %squeeze3A_383 : i32 to index
        %swap3A_397 = tpu.vector_load %arg11[%swap3A_394, %swap3A_395, %swap3A_396] {strides = array<i32>} : memref<2x64x128xf32, #tpu.memory_space<vmem>>, vector<16xf32>,
        tpu.vector_store %arg11[%swap3A_394, %swap3A_395, %swap3A_396], %broadcast_in_dim3A_44 {strides = array<i32>} : memref<2x64x128xf32, #tpu.memory_space<vmem>>, vector<16xf32>,
        %add3A_398 = arith.constant 16 : i32
        %add3A_399 = arith.addi %squeeze3A_383, %add3A_398 : i32
        %swap3A_400 = arith.constant 5 : i32
        %swap3A_401 = arith.index_cast %rem3A_122 : i32 to index
        %swap3A_402 = arith.index_cast %swap3A_400 : i32 to index
        %swap3A_403 = arith.index_cast %add3A_399 : i32 to index
        %swap3A_404 = tpu.vector_load %arg11[%swap3A_401, %swap3A_402, %swap3A_403] {strides = array<i32>} : memref<2x64x128xf32, #tpu.memory_space<vmem>>, vector<16xf32>,
        tpu.vector_store %arg11[%swap3A_401, %swap3A_402, %swap3A_403], %broadcast_in_dim3A_44 {strides = array<i32>} : memref<2x64x128xf32, #tpu.memory_space<vmem>>, vector<16xf32>,
        %mul3A_405 = arith.mulf %get3A_388, %broadcast_in_dim3A_386 : vector<16xf32>
        %swap3A_406 = arith.constant 5 : i32
        %swap3A_407 = arith.index_cast %rem3A_122 : i32 to index
        %swap3A_408 = arith.index_cast %swap3A_406 : i32 to index
        %swap3A_409 = arith.index_cast %squeeze3A_381 : i32 to index
        %swap3A_410 = tpu.vector_load %arg11[%swap3A_407, %swap3A_408, %swap3A_409] {strides = array<i32>} : memref<2x64x128xf32, #tpu.memory_space<vmem>>, vector<16xf32>,
        tpu.vector_store %arg11[%swap3A_407, %swap3A_408, %swap3A_409], %mul3A_405 {strides = array<i32>} : memref<2x64x128xf32, #tpu.memory_space<vmem>>, vector<16xf32>,
        %mul3A_411 = arith.mulf %get3A_392, %broadcast_in_dim3A_386 : vector<16xf32>
        %add3A_412 = arith.constant 16 : i32
        %add3A_413 = arith.addi %squeeze3A_381, %add3A_412 : i32
        %swap3A_414 = arith.constant 5 : i32
        %swap3A_415 = arith.index_cast %rem3A_122 : i32 to index
        %swap3A_416 = arith.index_cast %swap3A_414 : i32 to index
        %swap3A_417 = arith.index_cast %add3A_413 : i32 to index
        %swap3A_418 = tpu.vector_load %arg11[%swap3A_415, %swap3A_416, %swap3A_417] {strides = array<i32>} : memref<2x64x128xf32, #tpu.memory_space<vmem>>, vector<16xf32>,
        tpu.vector_store %arg11[%swap3A_415, %swap3A_416, %swap3A_417], %mul3A_411 {strides = array<i32>} : memref<2x64x128xf32, #tpu.memory_space<vmem>>, vector<16xf32>,
        %slice3A_419 = vector.extract_strided_slice %mul3A_162 {offsets = [6], sizes = [1], strides = [1]} : vector<16xi32> to vector<1xi32>
        %squeeze3A_420 = vector.extract %slice3A_419[0] : i32 from vector<1xi32>
        %slice3A_421 = vector.extract_strided_slice %shift_left3A_168 {offsets = [6], sizes = [1], strides = [1]} : vector<16xi32> to vector<1xi32>
        %squeeze3A_422 = vector.extract %slice3A_421[0] : i32 from vector<1xi32>
        %slice3A_423 = vector.extract_strided_slice %get3A_171 {offsets = [6], sizes = [1], strides = [1]} : vector<16xi32> to vector<1xi32>
        %squeeze3A_424 = vector.extract %slice3A_423[0] : i32 from vector<1xi32>
        %slice3A_425 = vector.extract_strided_slice %get3A_138 {offsets = [6], sizes = [1], strides = [1]} : vector<16xf32> to vector<1xf32>
        %squeeze3A_426 = vector.extract %slice3A_425[0] : f32 from vector<1xf32>
        %broadcast_in_dim3A_427 = vector.broadcast %squeeze3A_426 : f32 to vector<16xf32>
        %get3A_428 = arith.index_cast %squeeze3A_420 : i32 to index
        %get3A_429 = tpu.vector_load %arg8[%get3A_428] {strides = array<i32>} : memref<20512xf32, #tpu.memory_space<vmem>>, vector<16xf32>,
        %add3A_430 = arith.constant 16 : i32
        %add3A_431 = arith.addi %squeeze3A_420, %add3A_430 : i32
        %get3A_432 = arith.index_cast %add3A_431 : i32 to index
        %get3A_433 = tpu.vector_load %arg8[%get3A_432] {strides = array<i32>} : memref<20512xf32, #tpu.memory_space<vmem>>, vector<16xf32>,
        %swap3A_434 = arith.constant 6 : i32
        %swap3A_435 = arith.index_cast %rem3A_122 : i32 to index
        %swap3A_436 = arith.index_cast %swap3A_434 : i32 to index
        %swap3A_437 = arith.index_cast %squeeze3A_424 : i32 to index
        %swap3A_438 = tpu.vector_load %arg11[%swap3A_435, %swap3A_436, %swap3A_437] {strides = array<i32>} : memref<2x64x128xf32, #tpu.memory_space<vmem>>, vector<16xf32>,
        tpu.vector_store %arg11[%swap3A_435, %swap3A_436, %swap3A_437], %broadcast_in_dim3A_44 {strides = array<i32>} : memref<2x64x128xf32, #tpu.memory_space<vmem>>, vector<16xf32>,
        %add3A_439 = arith.constant 16 : i32
        %add3A_440 = arith.addi %squeeze3A_424, %add3A_439 : i32
        %swap3A_441 = arith.constant 6 : i32
        %swap3A_442 = arith.index_cast %rem3A_122 : i32 to index
        %swap3A_443 = arith.index_cast %swap3A_441 : i32 to index
        %swap3A_444 = arith.index_cast %add3A_440 : i32 to index
        %swap3A_445 = tpu.vector_load %arg11[%swap3A_442, %swap3A_443, %swap3A_444] {strides = array<i32>} : memref<2x64x128xf32, #tpu.memory_space<vmem>>, vector<16xf32>,
        tpu.vector_store %arg11[%swap3A_442, %swap3A_443, %swap3A_444], %broadcast_in_dim3A_44 {strides = array<i32>} : memref<2x64x128xf32, #tpu.memory_space<vmem>>, vector<16xf32>,
        %mul3A_446 = arith.mulf %get3A_429, %broadcast_in_dim3A_427 : vector<16xf32>
        %swap3A_447 = arith.constant 6 : i32
        %swap3A_448 = arith.index_cast %rem3A_122 : i32 to index
        %swap3A_449 = arith.index_cast %swap3A_447 : i32 to index
        %swap3A_450 = arith.index_cast %squeeze3A_422 : i32 to index
        %swap3A_451 = tpu.vector_load %arg11[%swap3A_448, %swap3A_449, %swap3A_450] {strides = array<i32>} : memref<2x64x128xf32, #tpu.memory_space<vmem>>, vector<16xf32>,
        tpu.vector_store %arg11[%swap3A_448, %swap3A_449, %swap3A_450], %mul3A_446 {strides = array<i32>} : memref<2x64x128xf32, #tpu.memory_space<vmem>>, vector<16xf32>,
        %mul3A_452 = arith.mulf %get3A_433, %broadcast_in_dim3A_427 : vector<16xf32>
        %add3A_453 = arith.constant 16 : i32
        %add3A_454 = arith.addi %squeeze3A_422, %add3A_453 : i32
        %swap3A_455 = arith.constant 6 : i32
        %swap3A_456 = arith.index_cast %rem3A_122 : i32 to index
        %swap3A_457 = arith.index_cast %swap3A_455 : i32 to index
        %swap3A_458 = arith.index_cast %add3A_454 : i32 to index
        %swap3A_459 = tpu.vector_load %arg11[%swap3A_456, %swap3A_457, %swap3A_458] {strides = array<i32>} : memref<2x64x128xf32, #tpu.memory_space<vmem>>, vector<16xf32>,
        tpu.vector_store %arg11[%swap3A_456, %swap3A_457, %swap3A_458], %mul3A_452 {strides = array<i32>} : memref<2x64x128xf32, #tpu.memory_space<vmem>>, vector<16xf32>,
        %slice3A_460 = vector.extract_strided_slice %mul3A_162 {offsets = [7], sizes = [1], strides = [1]} : vector<16xi32> to vector<1xi32>
        %squeeze3A_461 = vector.extract %slice3A_460[0] : i32 from vector<1xi32>
        %slice3A_462 = vector.extract_strided_slice %shift_left3A_168 {offsets = [7], sizes = [1], strides = [1]} : vector<16xi32> to vector<1xi32>
        %squeeze3A_463 = vector.extract %slice3A_462[0] : i32 from vector<1xi32>
        %slice3A_464 = vector.extract_strided_slice %get3A_171 {offsets = [7], sizes = [1], strides = [1]} : vector<16xi32> to vector<1xi32>
        %squeeze3A_465 = vector.extract %slice3A_464[0] : i32 from vector<1xi32>
        %slice3A_466 = vector.extract_strided_slice %get3A_138 {offsets = [7], sizes = [1], strides = [1]} : vector<16xf32> to vector<1xf32>
        %squeeze3A_467 = vector.extract %slice3A_466[0] : f32 from vector<1xf32>
        %broadcast_in_dim3A_468 = vector.broadcast %squeeze3A_467 : f32 to vector<16xf32>
        %get3A_469 = arith.index_cast %squeeze3A_461 : i32 to index
        %get3A_470 = tpu.vector_load %arg8[%get3A_469] {strides = array<i32>} : memref<20512xf32, #tpu.memory_space<vmem>>, vector<16xf32>,
        %add3A_471 = arith.constant 16 : i32
        %add3A_472 = arith.addi %squeeze3A_461, %add3A_471 : i32
        %get3A_473 = arith.index_cast %add3A_472 : i32 to index
        %get3A_474 = tpu.vector_load %arg8[%get3A_473] {strides = array<i32>} : memref<20512xf32, #tpu.memory_space<vmem>>, vector<16xf32>,
        %swap3A_475 = arith.constant 7 : i32
        %swap3A_476 = arith.index_cast %rem3A_122 : i32 to index
        %swap3A_477 = arith.index_cast %swap3A_475 : i32 to index
        %swap3A_478 = arith.index_cast %squeeze3A_465 : i32 to index
        %swap3A_479 = tpu.vector_load %arg11[%swap3A_476, %swap3A_477, %swap3A_478] {strides = array<i32>} : memref<2x64x128xf32, #tpu.memory_space<vmem>>, vector<16xf32>,
        tpu.vector_store %arg11[%swap3A_476, %swap3A_477, %swap3A_478], %broadcast_in_dim3A_44 {strides = array<i32>} : memref<2x64x128xf32, #tpu.memory_space<vmem>>, vector<16xf32>,
        %add3A_480 = arith.constant 16 : i32
        %add3A_481 = arith.addi %squeeze3A_465, %add3A_480 : i32
        %swap3A_482 = arith.constant 7 : i32
        %swap3A_483 = arith.index_cast %rem3A_122 : i32 to index
        %swap3A_484 = arith.index_cast %swap3A_482 : i32 to index
        %swap3A_485 = arith.index_cast %add3A_481 : i32 to index
        %swap3A_486 = tpu.vector_load %arg11[%swap3A_483, %swap3A_484, %swap3A_485] {strides = array<i32>} : memref<2x64x128xf32, #tpu.memory_space<vmem>>, vector<16xf32>,
        tpu.vector_store %arg11[%swap3A_483, %swap3A_484, %swap3A_485], %broadcast_in_dim3A_44 {strides = array<i32>} : memref<2x64x128xf32, #tpu.memory_space<vmem>>, vector<16xf32>,
        %mul3A_487 = arith.mulf %get3A_470, %broadcast_in_dim3A_468 : vector<16xf32>
        %swap3A_488 = arith.constant 7 : i32
        %swap3A_489 = arith.index_cast %rem3A_122 : i32 to index
        %swap3A_490 = arith.index_cast %swap3A_488 : i32 to index
        %swap3A_491 = arith.index_cast %squeeze3A_463 : i32 to index
        %swap3A_492 = tpu.vector_load %arg11[%swap3A_489, %swap3A_490, %swap3A_491] {strides = array<i32>} : memref<2x64x128xf32, #tpu.memory_space<vmem>>, vector<16xf32>,
        tpu.vector_store %arg11[%swap3A_489, %swap3A_490, %swap3A_491], %mul3A_487 {strides = array<i32>} : memref<2x64x128xf32, #tpu.memory_space<vmem>>, vector<16xf32>,
        %mul3A_493 = arith.mulf %get3A_474, %broadcast_in_dim3A_468 : vector<16xf32>
        %add3A_494 = arith.constant 16 : i32
        %add3A_495 = arith.addi %squeeze3A_463, %add3A_494 : i32
        %swap3A_496 = arith.constant 7 : i32
        %swap3A_497 = arith.index_cast %rem3A_122 : i32 to index
        %swap3A_498 = arith.index_cast %swap3A_496 : i32 to index
        %swap3A_499 = arith.index_cast %add3A_495 : i32 to index
        %swap3A_500 = tpu.vector_load %arg11[%swap3A_497, %swap3A_498, %swap3A_499] {strides = array<i32>} : memref<2x64x128xf32, #tpu.memory_space<vmem>>, vector<16xf32>,
        tpu.vector_store %arg11[%swap3A_497, %swap3A_498, %swap3A_499], %mul3A_493 {strides = array<i32>} : memref<2x64x128xf32, #tpu.memory_space<vmem>>, vector<16xf32>,
        %slice3A_501 = vector.extract_strided_slice %mul3A_162 {offsets = [8], sizes = [1], strides = [1]} : vector<16xi32> to vector<1xi32>
        %squeeze3A_502 = vector.extract %slice3A_501[0] : i32 from vector<1xi32>
        %slice3A_503 = vector.extract_strided_slice %shift_left3A_168 {offsets = [8], sizes = [1], strides = [1]} : vector<16xi32> to vector<1xi32>
        %squeeze3A_504 = vector.extract %slice3A_503[0] : i32 from vector<1xi32>
        %slice3A_505 = vector.extract_strided_slice %get3A_171 {offsets = [8], sizes = [1], strides = [1]} : vector<16xi32> to vector<1xi32>
        %squeeze3A_506 = vector.extract %slice3A_505[0] : i32 from vector<1xi32>
        %slice3A_507 = vector.extract_strided_slice %get3A_138 {offsets = [8], sizes = [1], strides = [1]} : vector<16xf32> to vector<1xf32>
        %squeeze3A_508 = vector.extract %slice3A_507[0] : f32 from vector<1xf32>
        %broadcast_in_dim3A_509 = vector.broadcast %squeeze3A_508 : f32 to vector<16xf32>
        %get3A_510 = arith.index_cast %squeeze3A_502 : i32 to index
        %get3A_511 = tpu.vector_load %arg8[%get3A_510] {strides = array<i32>} : memref<20512xf32, #tpu.memory_space<vmem>>, vector<16xf32>,
        %add3A_512 = arith.constant 16 : i32
        %add3A_513 = arith.addi %squeeze3A_502, %add3A_512 : i32
        %get3A_514 = arith.index_cast %add3A_513 : i32 to index
        %get3A_515 = tpu.vector_load %arg8[%get3A_514] {strides = array<i32>} : memref<20512xf32, #tpu.memory_space<vmem>>, vector<16xf32>,
        %swap3A_516 = arith.constant 8 : i32
        %swap3A_517 = arith.index_cast %rem3A_122 : i32 to index
        %swap3A_518 = arith.index_cast %swap3A_516 : i32 to index
        %swap3A_519 = arith.index_cast %squeeze3A_506 : i32 to index
        %swap3A_520 = tpu.vector_load %arg11[%swap3A_517, %swap3A_518, %swap3A_519] {strides = array<i32>} : memref<2x64x128xf32, #tpu.memory_space<vmem>>, vector<16xf32>,
        tpu.vector_store %arg11[%swap3A_517, %swap3A_518, %swap3A_519], %broadcast_in_dim3A_44 {strides = array<i32>} : memref<2x64x128xf32, #tpu.memory_space<vmem>>, vector<16xf32>,
        %add3A_521 = arith.constant 16 : i32
        %add3A_522 = arith.addi %squeeze3A_506, %add3A_521 : i32
        %swap3A_523 = arith.constant 8 : i32
        %swap3A_524 = arith.index_cast %rem3A_122 : i32 to index
        %swap3A_525 = arith.index_cast %swap3A_523 : i32 to index
        %swap3A_526 = arith.index_cast %add3A_522 : i32 to index
        %swap3A_527 = tpu.vector_load %arg11[%swap3A_524, %swap3A_525, %swap3A_526] {strides = array<i32>} : memref<2x64x128xf32, #tpu.memory_space<vmem>>, vector<16xf32>,
        tpu.vector_store %arg11[%swap3A_524, %swap3A_525, %swap3A_526], %broadcast_in_dim3A_44 {strides = array<i32>} : memref<2x64x128xf32, #tpu.memory_space<vmem>>, vector<16xf32>,
        %mul3A_528 = arith.mulf %get3A_511, %broadcast_in_dim3A_509 : vector<16xf32>
        %swap3A_529 = arith.constant 8 : i32
        %swap3A_530 = arith.index_cast %rem3A_122 : i32 to index
        %swap3A_531 = arith.index_cast %swap3A_529 : i32 to index
        %swap3A_532 = arith.index_cast %squeeze3A_504 : i32 to index
        %swap3A_533 = tpu.vector_load %arg11[%swap3A_530, %swap3A_531, %swap3A_532] {strides = array<i32>} : memref<2x64x128xf32, #tpu.memory_space<vmem>>, vector<16xf32>,
        tpu.vector_store %arg11[%swap3A_530, %swap3A_531, %swap3A_532], %mul3A_528 {strides = array<i32>} : memref<2x64x128xf32, #tpu.memory_space<vmem>>, vector<16xf32>,
        %mul3A_534 = arith.mulf %get3A_515, %broadcast_in_dim3A_509 : vector<16xf32>
        %add3A_535 = arith.constant 16 : i32
        %add3A_536 = arith.addi %squeeze3A_504, %add3A_535 : i32
        %swap3A_537 = arith.constant 8 : i32
        %swap3A_538 = arith.index_cast %rem3A_122 : i32 to index
        %swap3A_539 = arith.index_cast %swap3A_537 : i32 to index
        %swap3A_540 = arith.index_cast %add3A_536 : i32 to index
        %swap3A_541 = tpu.vector_load %arg11[%swap3A_538, %swap3A_539, %swap3A_540] {strides = array<i32>} : memref<2x64x128xf32, #tpu.memory_space<vmem>>, vector<16xf32>,
        tpu.vector_store %arg11[%swap3A_538, %swap3A_539, %swap3A_540], %mul3A_534 {strides = array<i32>} : memref<2x64x128xf32, #tpu.memory_space<vmem>>, vector<16xf32>,
        %slice3A_542 = vector.extract_strided_slice %mul3A_162 {offsets = [9], sizes = [1], strides = [1]} : vector<16xi32> to vector<1xi32>
        %squeeze3A_543 = vector.extract %slice3A_542[0] : i32 from vector<1xi32>
        %slice3A_544 = vector.extract_strided_slice %shift_left3A_168 {offsets = [9], sizes = [1], strides = [1]} : vector<16xi32> to vector<1xi32>
        %squeeze3A_545 = vector.extract %slice3A_544[0] : i32 from vector<1xi32>
        %slice3A_546 = vector.extract_strided_slice %get3A_171 {offsets = [9], sizes = [1], strides = [1]} : vector<16xi32> to vector<1xi32>
        %squeeze3A_547 = vector.extract %slice3A_546[0] : i32 from vector<1xi32>
        %slice3A_548 = vector.extract_strided_slice %get3A_138 {offsets = [9], sizes = [1], strides = [1]} : vector<16xf32> to vector<1xf32>
        %squeeze3A_549 = vector.extract %slice3A_548[0] : f32 from vector<1xf32>
        %broadcast_in_dim3A_550 = vector.broadcast %squeeze3A_549 : f32 to vector<16xf32>
        %get3A_551 = arith.index_cast %squeeze3A_543 : i32 to index
        %get3A_552 = tpu.vector_load %arg8[%get3A_551] {strides = array<i32>} : memref<20512xf32, #tpu.memory_space<vmem>>, vector<16xf32>,
        %add3A_553 = arith.constant 16 : i32
        %add3A_554 = arith.addi %squeeze3A_543, %add3A_553 : i32
        %get3A_555 = arith.index_cast %add3A_554 : i32 to index
        %get3A_556 = tpu.vector_load %arg8[%get3A_555] {strides = array<i32>} : memref<20512xf32, #tpu.memory_space<vmem>>, vector<16xf32>,
        %swap3A_557 = arith.constant 9 : i32
        %swap3A_558 = arith.index_cast %rem3A_122 : i32 to index
        %swap3A_559 = arith.index_cast %swap3A_557 : i32 to index
        %swap3A_560 = arith.index_cast %squeeze3A_547 : i32 to index
        %swap3A_561 = tpu.vector_load %arg11[%swap3A_558, %swap3A_559, %swap3A_560] {strides = array<i32>} : memref<2x64x128xf32, #tpu.memory_space<vmem>>, vector<16xf32>,
        tpu.vector_store %arg11[%swap3A_558, %swap3A_559, %swap3A_560], %broadcast_in_dim3A_44 {strides = array<i32>} : memref<2x64x128xf32, #tpu.memory_space<vmem>>, vector<16xf32>,
        %add3A_562 = arith.constant 16 : i32
        %add3A_563 = arith.addi %squeeze3A_547, %add3A_562 : i32
        %swap3A_564 = arith.constant 9 : i32
        %swap3A_565 = arith.index_cast %rem3A_122 : i32 to index
        %swap3A_566 = arith.index_cast %swap3A_564 : i32 to index
        %swap3A_567 = arith.index_cast %add3A_563 : i32 to index
        %swap3A_568 = tpu.vector_load %arg11[%swap3A_565, %swap3A_566, %swap3A_567] {strides = array<i32>} : memref<2x64x128xf32, #tpu.memory_space<vmem>>, vector<16xf32>,
        tpu.vector_store %arg11[%swap3A_565, %swap3A_566, %swap3A_567], %broadcast_in_dim3A_44 {strides = array<i32>} : memref<2x64x128xf32, #tpu.memory_space<vmem>>, vector<16xf32>,
        %mul3A_569 = arith.mulf %get3A_552, %broadcast_in_dim3A_550 : vector<16xf32>
        %swap3A_570 = arith.constant 9 : i32
        %swap3A_571 = arith.index_cast %rem3A_122 : i32 to index
        %swap3A_572 = arith.index_cast %swap3A_570 : i32 to index
        %swap3A_573 = arith.index_cast %squeeze3A_545 : i32 to index
        %swap3A_574 = tpu.vector_load %arg11[%swap3A_571, %swap3A_572, %swap3A_573] {strides = array<i32>} : memref<2x64x128xf32, #tpu.memory_space<vmem>>, vector<16xf32>,
        tpu.vector_store %arg11[%swap3A_571, %swap3A_572, %swap3A_573], %mul3A_569 {strides = array<i32>} : memref<2x64x128xf32, #tpu.memory_space<vmem>>, vector<16xf32>,
        %mul3A_575 = arith.mulf %get3A_556, %broadcast_in_dim3A_550 : vector<16xf32>
        %add3A_576 = arith.constant 16 : i32
        %add3A_577 = arith.addi %squeeze3A_545, %add3A_576 : i32
        %swap3A_578 = arith.constant 9 : i32
        %swap3A_579 = arith.index_cast %rem3A_122 : i32 to index
        %swap3A_580 = arith.index_cast %swap3A_578 : i32 to index
        %swap3A_581 = arith.index_cast %add3A_577 : i32 to index
        %swap3A_582 = tpu.vector_load %arg11[%swap3A_579, %swap3A_580, %swap3A_581] {strides = array<i32>} : memref<2x64x128xf32, #tpu.memory_space<vmem>>, vector<16xf32>,
        tpu.vector_store %arg11[%swap3A_579, %swap3A_580, %swap3A_581], %mul3A_575 {strides = array<i32>} : memref<2x64x128xf32, #tpu.memory_space<vmem>>, vector<16xf32>,
        %slice3A_583 = vector.extract_strided_slice %mul3A_162 {offsets = [10], sizes = [1], strides = [1]} : vector<16xi32> to vector<1xi32>
        %squeeze3A_584 = vector.extract %slice3A_583[0] : i32 from vector<1xi32>
        %slice3A_585 = vector.extract_strided_slice %shift_left3A_168 {offsets = [10], sizes = [1], strides = [1]} : vector<16xi32> to vector<1xi32>
        %squeeze3A_586 = vector.extract %slice3A_585[0] : i32 from vector<1xi32>
        %slice3A_587 = vector.extract_strided_slice %get3A_171 {offsets = [10], sizes = [1], strides = [1]} : vector<16xi32> to vector<1xi32>
        %squeeze3A_588 = vector.extract %slice3A_587[0] : i32 from vector<1xi32>
        %slice3A_589 = vector.extract_strided_slice %get3A_138 {offsets = [10], sizes = [1], strides = [1]} : vector<16xf32> to vector<1xf32>
        %squeeze3A_590 = vector.extract %slice3A_589[0] : f32 from vector<1xf32>
        %broadcast_in_dim3A_591 = vector.broadcast %squeeze3A_590 : f32 to vector<16xf32>
        %get3A_592 = arith.index_cast %squeeze3A_584 : i32 to index
        %get3A_593 = tpu.vector_load %arg8[%get3A_592] {strides = array<i32>} : memref<20512xf32, #tpu.memory_space<vmem>>, vector<16xf32>,
        %add3A_594 = arith.constant 16 : i32
        %add3A_595 = arith.addi %squeeze3A_584, %add3A_594 : i32
        %get3A_596 = arith.index_cast %add3A_595 : i32 to index
        %get3A_597 = tpu.vector_load %arg8[%get3A_596] {strides = array<i32>} : memref<20512xf32, #tpu.memory_space<vmem>>, vector<16xf32>,
        %swap3A_598 = arith.constant 10 : i32
        %swap3A_599 = arith.index_cast %rem3A_122 : i32 to index
        %swap3A_600 = arith.index_cast %swap3A_598 : i32 to index
        %swap3A_601 = arith.index_cast %squeeze3A_588 : i32 to index
        %swap3A_602 = tpu.vector_load %arg11[%swap3A_599, %swap3A_600, %swap3A_601] {strides = array<i32>} : memref<2x64x128xf32, #tpu.memory_space<vmem>>, vector<16xf32>,
        tpu.vector_store %arg11[%swap3A_599, %swap3A_600, %swap3A_601], %broadcast_in_dim3A_44 {strides = array<i32>} : memref<2x64x128xf32, #tpu.memory_space<vmem>>, vector<16xf32>,
        %add3A_603 = arith.constant 16 : i32
        %add3A_604 = arith.addi %squeeze3A_588, %add3A_603 : i32
        %swap3A_605 = arith.constant 10 : i32
        %swap3A_606 = arith.index_cast %rem3A_122 : i32 to index
        %swap3A_607 = arith.index_cast %swap3A_605 : i32 to index
        %swap3A_608 = arith.index_cast %add3A_604 : i32 to index
        %swap3A_609 = tpu.vector_load %arg11[%swap3A_606, %swap3A_607, %swap3A_608] {strides = array<i32>} : memref<2x64x128xf32, #tpu.memory_space<vmem>>, vector<16xf32>,
        tpu.vector_store %arg11[%swap3A_606, %swap3A_607, %swap3A_608], %broadcast_in_dim3A_44 {strides = array<i32>} : memref<2x64x128xf32, #tpu.memory_space<vmem>>, vector<16xf32>,
        %mul3A_610 = arith.mulf %get3A_593, %broadcast_in_dim3A_591 : vector<16xf32>
        %swap3A_611 = arith.constant 10 : i32
        %swap3A_612 = arith.index_cast %rem3A_122 : i32 to index
        %swap3A_613 = arith.index_cast %swap3A_611 : i32 to index
        %swap3A_614 = arith.index_cast %squeeze3A_586 : i32 to index
        %swap3A_615 = tpu.vector_load %arg11[%swap3A_612, %swap3A_613, %swap3A_614] {strides = array<i32>} : memref<2x64x128xf32, #tpu.memory_space<vmem>>, vector<16xf32>,
        tpu.vector_store %arg11[%swap3A_612, %swap3A_613, %swap3A_614], %mul3A_610 {strides = array<i32>} : memref<2x64x128xf32, #tpu.memory_space<vmem>>, vector<16xf32>,
        %mul3A_616 = arith.mulf %get3A_597, %broadcast_in_dim3A_591 : vector<16xf32>
        %add3A_617 = arith.constant 16 : i32
        %add3A_618 = arith.addi %squeeze3A_586, %add3A_617 : i32
        %swap3A_619 = arith.constant 10 : i32
        %swap3A_620 = arith.index_cast %rem3A_122 : i32 to index
        %swap3A_621 = arith.index_cast %swap3A_619 : i32 to index
        %swap3A_622 = arith.index_cast %add3A_618 : i32 to index
        %swap3A_623 = tpu.vector_load %arg11[%swap3A_620, %swap3A_621, %swap3A_622] {strides = array<i32>} : memref<2x64x128xf32, #tpu.memory_space<vmem>>, vector<16xf32>,
        tpu.vector_store %arg11[%swap3A_620, %swap3A_621, %swap3A_622], %mul3A_616 {strides = array<i32>} : memref<2x64x128xf32, #tpu.memory_space<vmem>>, vector<16xf32>,
        %slice3A_624 = vector.extract_strided_slice %mul3A_162 {offsets = [11], sizes = [1], strides = [1]} : vector<16xi32> to vector<1xi32>
        %squeeze3A_625 = vector.extract %slice3A_624[0] : i32 from vector<1xi32>
        %slice3A_626 = vector.extract_strided_slice %shift_left3A_168 {offsets = [11], sizes = [1], strides = [1]} : vector<16xi32> to vector<1xi32>
        %squeeze3A_627 = vector.extract %slice3A_626[0] : i32 from vector<1xi32>
        %slice3A_628 = vector.extract_strided_slice %get3A_171 {offsets = [11], sizes = [1], strides = [1]} : vector<16xi32> to vector<1xi32>
        %squeeze3A_629 = vector.extract %slice3A_628[0] : i32 from vector<1xi32>
        %slice3A_630 = vector.extract_strided_slice %get3A_138 {offsets = [11], sizes = [1], strides = [1]} : vector<16xf32> to vector<1xf32>
        %squeeze3A_631 = vector.extract %slice3A_630[0] : f32 from vector<1xf32>
        %broadcast_in_dim3A_632 = vector.broadcast %squeeze3A_631 : f32 to vector<16xf32>
        %get3A_633 = arith.index_cast %squeeze3A_625 : i32 to index
        %get3A_634 = tpu.vector_load %arg8[%get3A_633] {strides = array<i32>} : memref<20512xf32, #tpu.memory_space<vmem>>, vector<16xf32>,
        %add3A_635 = arith.constant 16 : i32
        %add3A_636 = arith.addi %squeeze3A_625, %add3A_635 : i32
        %get3A_637 = arith.index_cast %add3A_636 : i32 to index
        %get3A_638 = tpu.vector_load %arg8[%get3A_637] {strides = array<i32>} : memref<20512xf32, #tpu.memory_space<vmem>>, vector<16xf32>,
        %swap3A_639 = arith.constant 11 : i32
        %swap3A_640 = arith.index_cast %rem3A_122 : i32 to index
        %swap3A_641 = arith.index_cast %swap3A_639 : i32 to index
        %swap3A_642 = arith.index_cast %squeeze3A_629 : i32 to index
        %swap3A_643 = tpu.vector_load %arg11[%swap3A_640, %swap3A_641, %swap3A_642] {strides = array<i32>} : memref<2x64x128xf32, #tpu.memory_space<vmem>>, vector<16xf32>,
        tpu.vector_store %arg11[%swap3A_640, %swap3A_641, %swap3A_642], %broadcast_in_dim3A_44 {strides = array<i32>} : memref<2x64x128xf32, #tpu.memory_space<vmem>>, vector<16xf32>,
        %add3A_644 = arith.constant 16 : i32
        %add3A_645 = arith.addi %squeeze3A_629, %add3A_644 : i32
        %swap3A_646 = arith.constant 11 : i32
        %swap3A_647 = arith.index_cast %rem3A_122 : i32 to index
        %swap3A_648 = arith.index_cast %swap3A_646 : i32 to index
        %swap3A_649 = arith.index_cast %add3A_645 : i32 to index
        %swap3A_650 = tpu.vector_load %arg11[%swap3A_647, %swap3A_648, %swap3A_649] {strides = array<i32>} : memref<2x64x128xf32, #tpu.memory_space<vmem>>, vector<16xf32>,
        tpu.vector_store %arg11[%swap3A_647, %swap3A_648, %swap3A_649], %broadcast_in_dim3A_44 {strides = array<i32>} : memref<2x64x128xf32, #tpu.memory_space<vmem>>, vector<16xf32>,
        %mul3A_651 = arith.mulf %get3A_634, %broadcast_in_dim3A_632 : vector<16xf32>
        %swap3A_652 = arith.constant 11 : i32
        %swap3A_653 = arith.index_cast %rem3A_122 : i32 to index
        %swap3A_654 = arith.index_cast %swap3A_652 : i32 to index
        %swap3A_655 = arith.index_cast %squeeze3A_627 : i32 to index
        %swap3A_656 = tpu.vector_load %arg11[%swap3A_653, %swap3A_654, %swap3A_655] {strides = array<i32>} : memref<2x64x128xf32, #tpu.memory_space<vmem>>, vector<16xf32>,
        tpu.vector_store %arg11[%swap3A_653, %swap3A_654, %swap3A_655], %mul3A_651 {strides = array<i32>} : memref<2x64x128xf32, #tpu.memory_space<vmem>>, vector<16xf32>,
        %mul3A_657 = arith.mulf %get3A_638, %broadcast_in_dim3A_632 : vector<16xf32>
        %add3A_658 = arith.constant 16 : i32
        %add3A_659 = arith.addi %squeeze3A_627, %add3A_658 : i32
        %swap3A_660 = arith.constant 11 : i32
        %swap3A_661 = arith.index_cast %rem3A_122 : i32 to index
        %swap3A_662 = arith.index_cast %swap3A_660 : i32 to index
        %swap3A_663 = arith.index_cast %add3A_659 : i32 to index
        %swap3A_664 = tpu.vector_load %arg11[%swap3A_661, %swap3A_662, %swap3A_663] {strides = array<i32>} : memref<2x64x128xf32, #tpu.memory_space<vmem>>, vector<16xf32>,
        tpu.vector_store %arg11[%swap3A_661, %swap3A_662, %swap3A_663], %mul3A_657 {strides = array<i32>} : memref<2x64x128xf32, #tpu.memory_space<vmem>>, vector<16xf32>,
        %slice3A_665 = vector.extract_strided_slice %mul3A_162 {offsets = [12], sizes = [1], strides = [1]} : vector<16xi32> to vector<1xi32>
        %squeeze3A_666 = vector.extract %slice3A_665[0] : i32 from vector<1xi32>
        %slice3A_667 = vector.extract_strided_slice %shift_left3A_168 {offsets = [12], sizes = [1], strides = [1]} : vector<16xi32> to vector<1xi32>
        %squeeze3A_668 = vector.extract %slice3A_667[0] : i32 from vector<1xi32>
        %slice3A_669 = vector.extract_strided_slice %get3A_171 {offsets = [12], sizes = [1], strides = [1]} : vector<16xi32> to vector<1xi32>
        %squeeze3A_670 = vector.extract %slice3A_669[0] : i32 from vector<1xi32>
        %slice3A_671 = vector.extract_strided_slice %get3A_138 {offsets = [12], sizes = [1], strides = [1]} : vector<16xf32> to vector<1xf32>
        %squeeze3A_672 = vector.extract %slice3A_671[0] : f32 from vector<1xf32>
        %broadcast_in_dim3A_673 = vector.broadcast %squeeze3A_672 : f32 to vector<16xf32>
        %get3A_674 = arith.index_cast %squeeze3A_666 : i32 to index
        %get3A_675 = tpu.vector_load %arg8[%get3A_674] {strides = array<i32>} : memref<20512xf32, #tpu.memory_space<vmem>>, vector<16xf32>,
        %add3A_676 = arith.constant 16 : i32
        %add3A_677 = arith.addi %squeeze3A_666, %add3A_676 : i32
        %get3A_678 = arith.index_cast %add3A_677 : i32 to index
        %get3A_679 = tpu.vector_load %arg8[%get3A_678] {strides = array<i32>} : memref<20512xf32, #tpu.memory_space<vmem>>, vector<16xf32>,
        %swap3A_680 = arith.constant 12 : i32
        %swap3A_681 = arith.index_cast %rem3A_122 : i32 to index
        %swap3A_682 = arith.index_cast %swap3A_680 : i32 to index
        %swap3A_683 = arith.index_cast %squeeze3A_670 : i32 to index
        %swap3A_684 = tpu.vector_load %arg11[%swap3A_681, %swap3A_682, %swap3A_683] {strides = array<i32>} : memref<2x64x128xf32, #tpu.memory_space<vmem>>, vector<16xf32>,
        tpu.vector_store %arg11[%swap3A_681, %swap3A_682, %swap3A_683], %broadcast_in_dim3A_44 {strides = array<i32>} : memref<2x64x128xf32, #tpu.memory_space<vmem>>, vector<16xf32>,
        %add3A_685 = arith.constant 16 : i32
        %add3A_686 = arith.addi %squeeze3A_670, %add3A_685 : i32
        %swap3A_687 = arith.constant 12 : i32
        %swap3A_688 = arith.index_cast %rem3A_122 : i32 to index
        %swap3A_689 = arith.index_cast %swap3A_687 : i32 to index
        %swap3A_690 = arith.index_cast %add3A_686 : i32 to index
        %swap3A_691 = tpu.vector_load %arg11[%swap3A_688, %swap3A_689, %swap3A_690] {strides = array<i32>} : memref<2x64x128xf32, #tpu.memory_space<vmem>>, vector<16xf32>,
        tpu.vector_store %arg11[%swap3A_688, %swap3A_689, %swap3A_690], %broadcast_in_dim3A_44 {strides = array<i32>} : memref<2x64x128xf32, #tpu.memory_space<vmem>>, vector<16xf32>,
        %mul3A_692 = arith.mulf %get3A_675, %broadcast_in_dim3A_673 : vector<16xf32>
        %swap3A_693 = arith.constant 12 : i32
        %swap3A_694 = arith.index_cast %rem3A_122 : i32 to index
        %swap3A_695 = arith.index_cast %swap3A_693 : i32 to index
        %swap3A_696 = arith.index_cast %squeeze3A_668 : i32 to index
        %swap3A_697 = tpu.vector_load %arg11[%swap3A_694, %swap3A_695, %swap3A_696] {strides = array<i32>} : memref<2x64x128xf32, #tpu.memory_space<vmem>>, vector<16xf32>,
        tpu.vector_store %arg11[%swap3A_694, %swap3A_695, %swap3A_696], %mul3A_692 {strides = array<i32>} : memref<2x64x128xf32, #tpu.memory_space<vmem>>, vector<16xf32>,
        %mul3A_698 = arith.mulf %get3A_679, %broadcast_in_dim3A_673 : vector<16xf32>
        %add3A_699 = arith.constant 16 : i32
        %add3A_700 = arith.addi %squeeze3A_668, %add3A_699 : i32
        %swap3A_701 = arith.constant 12 : i32
        %swap3A_702 = arith.index_cast %rem3A_122 : i32 to index
        %swap3A_703 = arith.index_cast %swap3A_701 : i32 to index
        %swap3A_704 = arith.index_cast %add3A_700 : i32 to index
        %swap3A_705 = tpu.vector_load %arg11[%swap3A_702, %swap3A_703, %swap3A_704] {strides = array<i32>} : memref<2x64x128xf32, #tpu.memory_space<vmem>>, vector<16xf32>,
        tpu.vector_store %arg11[%swap3A_702, %swap3A_703, %swap3A_704], %mul3A_698 {strides = array<i32>} : memref<2x64x128xf32, #tpu.memory_space<vmem>>, vector<16xf32>,
        %slice3A_706 = vector.extract_strided_slice %mul3A_162 {offsets = [13], sizes = [1], strides = [1]} : vector<16xi32> to vector<1xi32>
        %squeeze3A_707 = vector.extract %slice3A_706[0] : i32 from vector<1xi32>
        %slice3A_708 = vector.extract_strided_slice %shift_left3A_168 {offsets = [13], sizes = [1], strides = [1]} : vector<16xi32> to vector<1xi32>
        %squeeze3A_709 = vector.extract %slice3A_708[0] : i32 from vector<1xi32>
        %slice3A_710 = vector.extract_strided_slice %get3A_171 {offsets = [13], sizes = [1], strides = [1]} : vector<16xi32> to vector<1xi32>
        %squeeze3A_711 = vector.extract %slice3A_710[0] : i32 from vector<1xi32>
        %slice3A_712 = vector.extract_strided_slice %get3A_138 {offsets = [13], sizes = [1], strides = [1]} : vector<16xf32> to vector<1xf32>
        %squeeze3A_713 = vector.extract %slice3A_712[0] : f32 from vector<1xf32>
        %broadcast_in_dim3A_714 = vector.broadcast %squeeze3A_713 : f32 to vector<16xf32>
        %get3A_715 = arith.index_cast %squeeze3A_707 : i32 to index
        %get3A_716 = tpu.vector_load %arg8[%get3A_715] {strides = array<i32>} : memref<20512xf32, #tpu.memory_space<vmem>>, vector<16xf32>,
        %add3A_717 = arith.constant 16 : i32
        %add3A_718 = arith.addi %squeeze3A_707, %add3A_717 : i32
        %get3A_719 = arith.index_cast %add3A_718 : i32 to index
        %get3A_720 = tpu.vector_load %arg8[%get3A_719] {strides = array<i32>} : memref<20512xf32, #tpu.memory_space<vmem>>, vector<16xf32>,
        %swap3A_721 = arith.constant 13 : i32
        %swap3A_722 = arith.index_cast %rem3A_122 : i32 to index
        %swap3A_723 = arith.index_cast %swap3A_721 : i32 to index
        %swap3A_724 = arith.index_cast %squeeze3A_711 : i32 to index
        %swap3A_725 = tpu.vector_load %arg11[%swap3A_722, %swap3A_723, %swap3A_724] {strides = array<i32>} : memref<2x64x128xf32, #tpu.memory_space<vmem>>, vector<16xf32>,
        tpu.vector_store %arg11[%swap3A_722, %swap3A_723, %swap3A_724], %broadcast_in_dim3A_44 {strides = array<i32>} : memref<2x64x128xf32, #tpu.memory_space<vmem>>, vector<16xf32>,
        %add3A_726 = arith.constant 16 : i32
        %add3A_727 = arith.addi %squeeze3A_711, %add3A_726 : i32
        %swap3A_728 = arith.constant 13 : i32
        %swap3A_729 = arith.index_cast %rem3A_122 : i32 to index
        %swap3A_730 = arith.index_cast %swap3A_728 : i32 to index
        %swap3A_731 = arith.index_cast %add3A_727 : i32 to index
        %swap3A_732 = tpu.vector_load %arg11[%swap3A_729, %swap3A_730, %swap3A_731] {strides = array<i32>} : memref<2x64x128xf32, #tpu.memory_space<vmem>>, vector<16xf32>,
        tpu.vector_store %arg11[%swap3A_729, %swap3A_730, %swap3A_731], %broadcast_in_dim3A_44 {strides = array<i32>} : memref<2x64x128xf32, #tpu.memory_space<vmem>>, vector<16xf32>,
        %mul3A_733 = arith.mulf %get3A_716, %broadcast_in_dim3A_714 : vector<16xf32>
        %swap3A_734 = arith.constant 13 : i32
        %swap3A_735 = arith.index_cast %rem3A_122 : i32 to index
        %swap3A_736 = arith.index_cast %swap3A_734 : i32 to index
        %swap3A_737 = arith.index_cast %squeeze3A_709 : i32 to index
        %swap3A_738 = tpu.vector_load %arg11[%swap3A_735, %swap3A_736, %swap3A_737] {strides = array<i32>} : memref<2x64x128xf32, #tpu.memory_space<vmem>>, vector<16xf32>,
        tpu.vector_store %arg11[%swap3A_735, %swap3A_736, %swap3A_737], %mul3A_733 {strides = array<i32>} : memref<2x64x128xf32, #tpu.memory_space<vmem>>, vector<16xf32>,
        %mul3A_739 = arith.mulf %get3A_720, %broadcast_in_dim3A_714 : vector<16xf32>
        %add3A_740 = arith.constant 16 : i32
        %add3A_741 = arith.addi %squeeze3A_709, %add3A_740 : i32
        %swap3A_742 = arith.constant 13 : i32
        %swap3A_743 = arith.index_cast %rem3A_122 : i32 to index
        %swap3A_744 = arith.index_cast %swap3A_742 : i32 to index
        %swap3A_745 = arith.index_cast %add3A_741 : i32 to index
        %swap3A_746 = tpu.vector_load %arg11[%swap3A_743, %swap3A_744, %swap3A_745] {strides = array<i32>} : memref<2x64x128xf32, #tpu.memory_space<vmem>>, vector<16xf32>,
        tpu.vector_store %arg11[%swap3A_743, %swap3A_744, %swap3A_745], %mul3A_739 {strides = array<i32>} : memref<2x64x128xf32, #tpu.memory_space<vmem>>, vector<16xf32>,
        %slice3A_747 = vector.extract_strided_slice %mul3A_162 {offsets = [14], sizes = [1], strides = [1]} : vector<16xi32> to vector<1xi32>
        %squeeze3A_748 = vector.extract %slice3A_747[0] : i32 from vector<1xi32>
        %slice3A_749 = vector.extract_strided_slice %shift_left3A_168 {offsets = [14], sizes = [1], strides = [1]} : vector<16xi32> to vector<1xi32>
        %squeeze3A_750 = vector.extract %slice3A_749[0] : i32 from vector<1xi32>
        %slice3A_751 = vector.extract_strided_slice %get3A_171 {offsets = [14], sizes = [1], strides = [1]} : vector<16xi32> to vector<1xi32>
        %squeeze3A_752 = vector.extract %slice3A_751[0] : i32 from vector<1xi32>
        %slice3A_753 = vector.extract_strided_slice %get3A_138 {offsets = [14], sizes = [1], strides = [1]} : vector<16xf32> to vector<1xf32>
        %squeeze3A_754 = vector.extract %slice3A_753[0] : f32 from vector<1xf32>
        %broadcast_in_dim3A_755 = vector.broadcast %squeeze3A_754 : f32 to vector<16xf32>
        %get3A_756 = arith.index_cast %squeeze3A_748 : i32 to index
        %get3A_757 = tpu.vector_load %arg8[%get3A_756] {strides = array<i32>} : memref<20512xf32, #tpu.memory_space<vmem>>, vector<16xf32>,
        %add3A_758 = arith.constant 16 : i32
        %add3A_759 = arith.addi %squeeze3A_748, %add3A_758 : i32
        %get3A_760 = arith.index_cast %add3A_759 : i32 to index
        %get3A_761 = tpu.vector_load %arg8[%get3A_760] {strides = array<i32>} : memref<20512xf32, #tpu.memory_space<vmem>>, vector<16xf32>,
        %swap3A_762 = arith.constant 14 : i32
        %swap3A_763 = arith.index_cast %rem3A_122 : i32 to index
        %swap3A_764 = arith.index_cast %swap3A_762 : i32 to index
        %swap3A_765 = arith.index_cast %squeeze3A_752 : i32 to index
        %swap3A_766 = tpu.vector_load %arg11[%swap3A_763, %swap3A_764, %swap3A_765] {strides = array<i32>} : memref<2x64x128xf32, #tpu.memory_space<vmem>>, vector<16xf32>,
        tpu.vector_store %arg11[%swap3A_763, %swap3A_764, %swap3A_765], %broadcast_in_dim3A_44 {strides = array<i32>} : memref<2x64x128xf32, #tpu.memory_space<vmem>>, vector<16xf32>,
        %add3A_767 = arith.constant 16 : i32
        %add3A_768 = arith.addi %squeeze3A_752, %add3A_767 : i32
        %swap3A_769 = arith.constant 14 : i32
        %swap3A_770 = arith.index_cast %rem3A_122 : i32 to index
        %swap3A_771 = arith.index_cast %swap3A_769 : i32 to index
        %swap3A_772 = arith.index_cast %add3A_768 : i32 to index
        %swap3A_773 = tpu.vector_load %arg11[%swap3A_770, %swap3A_771, %swap3A_772] {strides = array<i32>} : memref<2x64x128xf32, #tpu.memory_space<vmem>>, vector<16xf32>,
        tpu.vector_store %arg11[%swap3A_770, %swap3A_771, %swap3A_772], %broadcast_in_dim3A_44 {strides = array<i32>} : memref<2x64x128xf32, #tpu.memory_space<vmem>>, vector<16xf32>,
        %mul3A_774 = arith.mulf %get3A_757, %broadcast_in_dim3A_755 : vector<16xf32>
        %swap3A_775 = arith.constant 14 : i32
        %swap3A_776 = arith.index_cast %rem3A_122 : i32 to index
        %swap3A_777 = arith.index_cast %swap3A_775 : i32 to index
        %swap3A_778 = arith.index_cast %squeeze3A_750 : i32 to index
        %swap3A_779 = tpu.vector_load %arg11[%swap3A_776, %swap3A_777, %swap3A_778] {strides = array<i32>} : memref<2x64x128xf32, #tpu.memory_space<vmem>>, vector<16xf32>,
        tpu.vector_store %arg11[%swap3A_776, %swap3A_777, %swap3A_778], %mul3A_774 {strides = array<i32>} : memref<2x64x128xf32, #tpu.memory_space<vmem>>, vector<16xf32>,
        %mul3A_780 = arith.mulf %get3A_761, %broadcast_in_dim3A_755 : vector<16xf32>
        %add3A_781 = arith.constant 16 : i32
        %add3A_782 = arith.addi %squeeze3A_750, %add3A_781 : i32
        %swap3A_783 = arith.constant 14 : i32
        %swap3A_784 = arith.index_cast %rem3A_122 : i32 to index
        %swap3A_785 = arith.index_cast %swap3A_783 : i32 to index
        %swap3A_786 = arith.index_cast %add3A_782 : i32 to index
        %swap3A_787 = tpu.vector_load %arg11[%swap3A_784, %swap3A_785, %swap3A_786] {strides = array<i32>} : memref<2x64x128xf32, #tpu.memory_space<vmem>>, vector<16xf32>,
        tpu.vector_store %arg11[%swap3A_784, %swap3A_785, %swap3A_786], %mul3A_780 {strides = array<i32>} : memref<2x64x128xf32, #tpu.memory_space<vmem>>, vector<16xf32>,
        %slice3A_788 = vector.extract_strided_slice %mul3A_162 {offsets = [15], sizes = [1], strides = [1]} : vector<16xi32> to vector<1xi32>
        %squeeze3A_789 = vector.extract %slice3A_788[0] : i32 from vector<1xi32>
        %slice3A_790 = vector.extract_strided_slice %shift_left3A_168 {offsets = [15], sizes = [1], strides = [1]} : vector<16xi32> to vector<1xi32>
        %squeeze3A_791 = vector.extract %slice3A_790[0] : i32 from vector<1xi32>
        %slice3A_792 = vector.extract_strided_slice %get3A_171 {offsets = [15], sizes = [1], strides = [1]} : vector<16xi32> to vector<1xi32>
        %squeeze3A_793 = vector.extract %slice3A_792[0] : i32 from vector<1xi32>
        %slice3A_794 = vector.extract_strided_slice %get3A_138 {offsets = [15], sizes = [1], strides = [1]} : vector<16xf32> to vector<1xf32>
        %squeeze3A_795 = vector.extract %slice3A_794[0] : f32 from vector<1xf32>
        %broadcast_in_dim3A_796 = vector.broadcast %squeeze3A_795 : f32 to vector<16xf32>
        %get3A_797 = arith.index_cast %squeeze3A_789 : i32 to index
        %get3A_798 = tpu.vector_load %arg8[%get3A_797] {strides = array<i32>} : memref<20512xf32, #tpu.memory_space<vmem>>, vector<16xf32>,
        %add3A_799 = arith.constant 16 : i32
        %add3A_800 = arith.addi %squeeze3A_789, %add3A_799 : i32
        %get3A_801 = arith.index_cast %add3A_800 : i32 to index
        %get3A_802 = tpu.vector_load %arg8[%get3A_801] {strides = array<i32>} : memref<20512xf32, #tpu.memory_space<vmem>>, vector<16xf32>,
        %swap3A_803 = arith.constant 15 : i32
        %swap3A_804 = arith.index_cast %rem3A_122 : i32 to index
        %swap3A_805 = arith.index_cast %swap3A_803 : i32 to index
        %swap3A_806 = arith.index_cast %squeeze3A_793 : i32 to index
        %swap3A_807 = tpu.vector_load %arg11[%swap3A_804, %swap3A_805, %swap3A_806] {strides = array<i32>} : memref<2x64x128xf32, #tpu.memory_space<vmem>>, vector<16xf32>,
        tpu.vector_store %arg11[%swap3A_804, %swap3A_805, %swap3A_806], %broadcast_in_dim3A_44 {strides = array<i32>} : memref<2x64x128xf32, #tpu.memory_space<vmem>>, vector<16xf32>,
        %add3A_808 = arith.constant 16 : i32
        %add3A_809 = arith.addi %squeeze3A_793, %add3A_808 : i32
        %swap3A_810 = arith.constant 15 : i32
        %swap3A_811 = arith.index_cast %rem3A_122 : i32 to index
        %swap3A_812 = arith.index_cast %swap3A_810 : i32 to index
        %swap3A_813 = arith.index_cast %add3A_809 : i32 to index
        %swap3A_814 = tpu.vector_load %arg11[%swap3A_811, %swap3A_812, %swap3A_813] {strides = array<i32>} : memref<2x64x128xf32, #tpu.memory_space<vmem>>, vector<16xf32>,
        tpu.vector_store %arg11[%swap3A_811, %swap3A_812, %swap3A_813], %broadcast_in_dim3A_44 {strides = array<i32>} : memref<2x64x128xf32, #tpu.memory_space<vmem>>, vector<16xf32>,
        %mul3A_815 = arith.mulf %get3A_798, %broadcast_in_dim3A_796 : vector<16xf32>
        %swap3A_816 = arith.constant 15 : i32
        %swap3A_817 = arith.index_cast %rem3A_122 : i32 to index
        %swap3A_818 = arith.index_cast %swap3A_816 : i32 to index
        %swap3A_819 = arith.index_cast %squeeze3A_791 : i32 to index
        %swap3A_820 = tpu.vector_load %arg11[%swap3A_817, %swap3A_818, %swap3A_819] {strides = array<i32>} : memref<2x64x128xf32, #tpu.memory_space<vmem>>, vector<16xf32>,
        tpu.vector_store %arg11[%swap3A_817, %swap3A_818, %swap3A_819], %mul3A_815 {strides = array<i32>} : memref<2x64x128xf32, #tpu.memory_space<vmem>>, vector<16xf32>,
        %mul3A_821 = arith.mulf %get3A_802, %broadcast_in_dim3A_796 : vector<16xf32>
        %add3A_822 = arith.constant 16 : i32
        %add3A_823 = arith.addi %squeeze3A_791, %add3A_822 : i32
        %swap3A_824 = arith.constant 15 : i32
        %swap3A_825 = arith.index_cast %rem3A_122 : i32 to index
        %swap3A_826 = arith.index_cast %swap3A_824 : i32 to index
        %swap3A_827 = arith.index_cast %add3A_823 : i32 to index
        %swap3A_828 = tpu.vector_load %arg11[%swap3A_825, %swap3A_826, %swap3A_827] {strides = array<i32>} : memref<2x64x128xf32, #tpu.memory_space<vmem>>, vector<16xf32>,
        tpu.vector_store %arg11[%swap3A_825, %swap3A_826, %swap3A_827], %mul3A_821 {strides = array<i32>} : memref<2x64x128xf32, #tpu.memory_space<vmem>>, vector<16xf32>,
        %add3A_829 = arith.constant 16 : i32
        %add3A_830 = arith.addi %shift_left3A_131, %add3A_829 : i32
        %get3A_831 = arith.index_cast %shift_right_logical3A_129 : i32 to index
        %get3A_832 = arith.index_cast %add3A_830 : i32 to index
        %get3A_833 = tpu.vector_load %arg9[%get3A_831, %get3A_832] {strides = array<i32>} : memref<128x128xi32, #tpu.memory_space<vmem>>, vector<16xi32>,
        %get3A_834 = arith.index_cast %shift_right_logical3A_129 : i32 to index
        %get3A_835 = arith.index_cast %add3A_830 : i32 to index
        %get3A_836 = tpu.vector_load %arg10[%get3A_834, %get3A_835] {strides = array<i32>} : memref<128x128xf32, #tpu.memory_space<vmem>>, vector<16xf32>,
        %and3A_837 = arith.constant 16383 : i32
        %and3A_838 = vector.broadcast %and3A_837 : i32 to vector<16xi32>
        %and3A_839 = arith.andi %get3A_833, %and3A_838 : vector<16xi32>
        %shift_right_logical3A_840 = arith.constant 14 : i32
        %shift_right_logical3A_841 = vector.broadcast %shift_right_logical3A_840 : i32 to vector<16xi32>
        %shift_right_logical3A_842 = arith.shrui %get3A_833, %shift_right_logical3A_841 : vector<16xi32>
        %shift_right_logical3A_843 = arith.constant 2 : i32
        %shift_right_logical3A_844 = vector.broadcast %shift_right_logical3A_843 : i32 to vector<16xi32>
        %shift_right_logical3A_845 = arith.shrui %and3A_839, %shift_right_logical3A_844 : vector<16xi32>
        %swap3A_846 = arith.index_cast %rem3A_122 : i32 to index
        %swap3A_847 = arith.constant 16 : index
        %swap3A_848 = tpu.vector_load %arg12[%swap3A_846, %swap3A_847] {strides = array<i32>} : memref<2x64xi32, #tpu.memory_space<vmem>>, vector<16xi32>,
        tpu.vector_store %arg12[%swap3A_846, %swap3A_847], %shift_right_logical3A_845 {strides = array<i32>} : memref<2x64xi32, #tpu.memory_space<vmem>>, vector<16xi32>,
        %mul3A_849 = arith.constant 52348 : i32
        %mul3A_850 = vector.broadcast %mul3A_849 : i32 to vector<16xi32>
        %mul3A_851 = arith.muli %shift_right_logical3A_842, %mul3A_850 : vector<16xi32>
        %shift_right_logical3A_852 = arith.constant 25 : i32
        %shift_right_logical3A_853 = vector.broadcast %shift_right_logical3A_852 : i32 to vector<16xi32>
        %shift_right_logical3A_854 = arith.shrui %mul3A_851, %shift_right_logical3A_853 : vector<16xi32>
        %mul3A_855 = arith.constant 641 : i32
        %mul3A_856 = vector.broadcast %mul3A_855 : i32 to vector<16xi32>
        %mul3A_857 = arith.muli %shift_right_logical3A_854, %mul3A_856 : vector<16xi32>
        %sub3A_858 = arith.subi %shift_right_logical3A_842, %mul3A_857 : vector<16xi32>
        %mul3A_859 = arith.constant 32 : i32
        %mul3A_860 = vector.broadcast %mul3A_859 : i32 to vector<16xi32>
        %mul3A_861 = arith.muli %sub3A_858, %mul3A_860 : vector<16xi32>
        %and3A_862 = arith.constant 3 : i32
        %and3A_863 = vector.broadcast %and3A_862 : i32 to vector<16xi32>
        %and3A_864 = arith.andi %and3A_839, %and3A_863 : vector<16xi32>
        %shift_left3A_865 = arith.constant 5 : i32
        %shift_left3A_866 = vector.broadcast %shift_left3A_865 : i32 to vector<16xi32>
        %shift_left3A_867 = arith.shli %and3A_864, %shift_left3A_866 : vector<16xi32>
        %get3A_868 = arith.index_cast %rem3A_122 : i32 to index
        %get3A_869 = arith.constant 16 : index
        %get3A_870 = tpu.vector_load %arg13[%get3A_868, %get3A_869] {strides = array<i32>} : memref<2x64xi32, #tpu.memory_space<vmem>>, vector<16xi32>,
        %swap3A_871 = arith.index_cast %rem3A_122 : i32 to index
        %swap3A_872 = arith.constant 16 : index
        %swap3A_873 = tpu.vector_load %arg13[%swap3A_871, %swap3A_872] {strides = array<i32>} : memref<2x64xi32, #tpu.memory_space<vmem>>, vector<16xi32>,
        tpu.vector_store %arg13[%swap3A_871, %swap3A_872], %shift_left3A_867 {strides = array<i32>} : memref<2x64xi32, #tpu.memory_space<vmem>>, vector<16xi32>,
        %slice3A_874 = vector.extract_strided_slice %mul3A_861 {offsets = [0], sizes = [1], strides = [1]} : vector<16xi32> to vector<1xi32>
        %squeeze3A_875 = vector.extract %slice3A_874[0] : i32 from vector<1xi32>
        %slice3A_876 = vector.extract_strided_slice %shift_left3A_867 {offsets = [0], sizes = [1], strides = [1]} : vector<16xi32> to vector<1xi32>
        %squeeze3A_877 = vector.extract %slice3A_876[0] : i32 from vector<1xi32>
        %slice3A_878 = vector.extract_strided_slice %get3A_870 {offsets = [0], sizes = [1], strides = [1]} : vector<16xi32> to vector<1xi32>
        %squeeze3A_879 = vector.extract %slice3A_878[0] : i32 from vector<1xi32>
        %slice3A_880 = vector.extract_strided_slice %get3A_836 {offsets = [0], sizes = [1], strides = [1]} : vector<16xf32> to vector<1xf32>
        %squeeze3A_881 = vector.extract %slice3A_880[0] : f32 from vector<1xf32>
        %broadcast_in_dim3A_882 = vector.broadcast %squeeze3A_881 : f32 to vector<16xf32>
        %get3A_883 = arith.index_cast %squeeze3A_875 : i32 to index
        %get3A_884 = tpu.vector_load %arg8[%get3A_883] {strides = array<i32>} : memref<20512xf32, #tpu.memory_space<vmem>>, vector<16xf32>,
        %add3A_885 = arith.constant 16 : i32
        %add3A_886 = arith.addi %squeeze3A_875, %add3A_885 : i32
        %get3A_887 = arith.index_cast %add3A_886 : i32 to index
        %get3A_888 = tpu.vector_load %arg8[%get3A_887] {strides = array<i32>} : memref<20512xf32, #tpu.memory_space<vmem>>, vector<16xf32>,
        %swap3A_889 = arith.constant 16 : i32
        %swap3A_890 = arith.index_cast %rem3A_122 : i32 to index
        %swap3A_891 = arith.index_cast %swap3A_889 : i32 to index
        %swap3A_892 = arith.index_cast %squeeze3A_879 : i32 to index
        %swap3A_893 = tpu.vector_load %arg11[%swap3A_890, %swap3A_891, %swap3A_892] {strides = array<i32>} : memref<2x64x128xf32, #tpu.memory_space<vmem>>, vector<16xf32>,
        tpu.vector_store %arg11[%swap3A_890, %swap3A_891, %swap3A_892], %broadcast_in_dim3A_44 {strides = array<i32>} : memref<2x64x128xf32, #tpu.memory_space<vmem>>, vector<16xf32>,
        %add3A_894 = arith.constant 16 : i32
        %add3A_895 = arith.addi %squeeze3A_879, %add3A_894 : i32
        %swap3A_896 = arith.constant 16 : i32
        %swap3A_897 = arith.index_cast %rem3A_122 : i32 to index
        %swap3A_898 = arith.index_cast %swap3A_896 : i32 to index
        %swap3A_899 = arith.index_cast %add3A_895 : i32 to index
        %swap3A_900 = tpu.vector_load %arg11[%swap3A_897, %swap3A_898, %swap3A_899] {strides = array<i32>} : memref<2x64x128xf32, #tpu.memory_space<vmem>>, vector<16xf32>,
        tpu.vector_store %arg11[%swap3A_897, %swap3A_898, %swap3A_899], %broadcast_in_dim3A_44 {strides = array<i32>} : memref<2x64x128xf32, #tpu.memory_space<vmem>>, vector<16xf32>,
        %mul3A_901 = arith.mulf %get3A_884, %broadcast_in_dim3A_882 : vector<16xf32>
        %swap3A_902 = arith.constant 16 : i32
        %swap3A_903 = arith.index_cast %rem3A_122 : i32 to index
        %swap3A_904 = arith.index_cast %swap3A_902 : i32 to index
        %swap3A_905 = arith.index_cast %squeeze3A_877 : i32 to index
        %swap3A_906 = tpu.vector_load %arg11[%swap3A_903, %swap3A_904, %swap3A_905] {strides = array<i32>} : memref<2x64x128xf32, #tpu.memory_space<vmem>>, vector<16xf32>,
        tpu.vector_store %arg11[%swap3A_903, %swap3A_904, %swap3A_905], %mul3A_901 {strides = array<i32>} : memref<2x64x128xf32, #tpu.memory_space<vmem>>, vector<16xf32>,
        %mul3A_907 = arith.mulf %get3A_888, %broadcast_in_dim3A_882 : vector<16xf32>
        %add3A_908 = arith.constant 16 : i32
        %add3A_909 = arith.addi %squeeze3A_877, %add3A_908 : i32
        %swap3A_910 = arith.constant 16 : i32
        %swap3A_911 = arith.index_cast %rem3A_122 : i32 to index
        %swap3A_912 = arith.index_cast %swap3A_910 : i32 to index
        %swap3A_913 = arith.index_cast %add3A_909 : i32 to index
        %swap3A_914 = tpu.vector_load %arg11[%swap3A_911, %swap3A_912, %swap3A_913] {strides = array<i32>} : memref<2x64x128xf32, #tpu.memory_space<vmem>>, vector<16xf32>,
        tpu.vector_store %arg11[%swap3A_911, %swap3A_912, %swap3A_913], %mul3A_907 {strides = array<i32>} : memref<2x64x128xf32, #tpu.memory_space<vmem>>, vector<16xf32>,
        %slice3A_915 = vector.extract_strided_slice %mul3A_861 {offsets = [1], sizes = [1], strides = [1]} : vector<16xi32> to vector<1xi32>
        %squeeze3A_916 = vector.extract %slice3A_915[0] : i32 from vector<1xi32>
        %slice3A_917 = vector.extract_strided_slice %shift_left3A_867 {offsets = [1], sizes = [1], strides = [1]} : vector<16xi32> to vector<1xi32>
        %squeeze3A_918 = vector.extract %slice3A_917[0] : i32 from vector<1xi32>
        %slice3A_919 = vector.extract_strided_slice %get3A_870 {offsets = [1], sizes = [1], strides = [1]} : vector<16xi32> to vector<1xi32>
        %squeeze3A_920 = vector.extract %slice3A_919[0] : i32 from vector<1xi32>
        %slice3A_921 = vector.extract_strided_slice %get3A_836 {offsets = [1], sizes = [1], strides = [1]} : vector<16xf32> to vector<1xf32>
        %squeeze3A_922 = vector.extract %slice3A_921[0] : f32 from vector<1xf32>
        %broadcast_in_dim3A_923 = vector.broadcast %squeeze3A_922 : f32 to vector<16xf32>
        %get3A_924 = arith.index_cast %squeeze3A_916 : i32 to index
        %get3A_925 = tpu.vector_load %arg8[%get3A_924] {strides = array<i32>} : memref<20512xf32, #tpu.memory_space<vmem>>, vector<16xf32>,
        %add3A_926 = arith.constant 16 : i32
        %add3A_927 = arith.addi %squeeze3A_916, %add3A_926 : i32
        %get3A_928 = arith.index_cast %add3A_927 : i32 to index
        %get3A_929 = tpu.vector_load %arg8[%get3A_928] {strides = array<i32>} : memref<20512xf32, #tpu.memory_space<vmem>>, vector<16xf32>,
        %swap3A_930 = arith.constant 17 : i32
        %swap3A_931 = arith.index_cast %rem3A_122 : i32 to index
        %swap3A_932 = arith.index_cast %swap3A_930 : i32 to index
        %swap3A_933 = arith.index_cast %squeeze3A_920 : i32 to index
        %swap3A_934 = tpu.vector_load %arg11[%swap3A_931, %swap3A_932, %swap3A_933] {strides = array<i32>} : memref<2x64x128xf32, #tpu.memory_space<vmem>>, vector<16xf32>,
        tpu.vector_store %arg11[%swap3A_931, %swap3A_932, %swap3A_933], %broadcast_in_dim3A_44 {strides = array<i32>} : memref<2x64x128xf32, #tpu.memory_space<vmem>>, vector<16xf32>,
        %add3A_935 = arith.constant 16 : i32
        %add3A_936 = arith.addi %squeeze3A_920, %add3A_935 : i32
        %swap3A_937 = arith.constant 17 : i32
        %swap3A_938 = arith.index_cast %rem3A_122 : i32 to index
        %swap3A_939 = arith.index_cast %swap3A_937 : i32 to index
        %swap3A_940 = arith.index_cast %add3A_936 : i32 to index
        %swap3A_941 = tpu.vector_load %arg11[%swap3A_938, %swap3A_939, %swap3A_940] {strides = array<i32>} : memref<2x64x128xf32, #tpu.memory_space<vmem>>, vector<16xf32>,
        tpu.vector_store %arg11[%swap3A_938, %swap3A_939, %swap3A_940], %broadcast_in_dim3A_44 {strides = array<i32>} : memref<2x64x128xf32, #tpu.memory_space<vmem>>, vector<16xf32>,
        %mul3A_942 = arith.mulf %get3A_925, %broadcast_in_dim3A_923 : vector<16xf32>
        %swap3A_943 = arith.constant 17 : i32
        %swap3A_944 = arith.index_cast %rem3A_122 : i32 to index
        %swap3A_945 = arith.index_cast %swap3A_943 : i32 to index
        %swap3A_946 = arith.index_cast %squeeze3A_918 : i32 to index
        %swap3A_947 = tpu.vector_load %arg11[%swap3A_944, %swap3A_945, %swap3A_946] {strides = array<i32>} : memref<2x64x128xf32, #tpu.memory_space<vmem>>, vector<16xf32>,
        tpu.vector_store %arg11[%swap3A_944, %swap3A_945, %swap3A_946], %mul3A_942 {strides = array<i32>} : memref<2x64x128xf32, #tpu.memory_space<vmem>>, vector<16xf32>,
        %mul3A_948 = arith.mulf %get3A_929, %broadcast_in_dim3A_923 : vector<16xf32>
        %add3A_949 = arith.constant 16 : i32
        %add3A_950 = arith.addi %squeeze3A_918, %add3A_949 : i32
        %swap3A_951 = arith.constant 17 : i32
        %swap3A_952 = arith.index_cast %rem3A_122 : i32 to index
        %swap3A_953 = arith.index_cast %swap3A_951 : i32 to index
        %swap3A_954 = arith.index_cast %add3A_950 : i32 to index
        %swap3A_955 = tpu.vector_load %arg11[%swap3A_952, %swap3A_953, %swap3A_954] {strides = array<i32>} : memref<2x64x128xf32, #tpu.memory_space<vmem>>, vector<16xf32>,
        tpu.vector_store %arg11[%swap3A_952, %swap3A_953, %swap3A_954], %mul3A_948 {strides = array<i32>} : memref<2x64x128xf32, #tpu.memory_space<vmem>>, vector<16xf32>,
        %slice3A_956 = vector.extract_strided_slice %mul3A_861 {offsets = [2], sizes = [1], strides = [1]} : vector<16xi32> to vector<1xi32>
        %squeeze3A_957 = vector.extract %slice3A_956[0] : i32 from vector<1xi32>
        %slice3A_958 = vector.extract_strided_slice %shift_left3A_867 {offsets = [2], sizes = [1], strides = [1]} : vector<16xi32> to vector<1xi32>
        %squeeze3A_959 = vector.extract %slice3A_958[0] : i32 from vector<1xi32>
        %slice3A_960 = vector.extract_strided_slice %get3A_870 {offsets = [2], sizes = [1], strides = [1]} : vector<16xi32> to vector<1xi32>
        %squeeze3A_961 = vector.extract %slice3A_960[0] : i32 from vector<1xi32>
        %slice3A_962 = vector.extract_strided_slice %get3A_836 {offsets = [2], sizes = [1], strides = [1]} : vector<16xf32> to vector<1xf32>
        %squeeze3A_963 = vector.extract %slice3A_962[0] : f32 from vector<1xf32>
        %broadcast_in_dim3A_964 = vector.broadcast %squeeze3A_963 : f32 to vector<16xf32>
        %get3A_965 = arith.index_cast %squeeze3A_957 : i32 to index
        %get3A_966 = tpu.vector_load %arg8[%get3A_965] {strides = array<i32>} : memref<20512xf32, #tpu.memory_space<vmem>>, vector<16xf32>,
        %add3A_967 = arith.constant 16 : i32
        %add3A_968 = arith.addi %squeeze3A_957, %add3A_967 : i32
        %get3A_969 = arith.index_cast %add3A_968 : i32 to index
        %get3A_970 = tpu.vector_load %arg8[%get3A_969] {strides = array<i32>} : memref<20512xf32, #tpu.memory_space<vmem>>, vector<16xf32>,
        %swap3A_971 = arith.constant 18 : i32
        %swap3A_972 = arith.index_cast %rem3A_122 : i32 to index
        %swap3A_973 = arith.index_cast %swap3A_971 : i32 to index
        %swap3A_974 = arith.index_cast %squeeze3A_961 : i32 to index
        %swap3A_975 = tpu.vector_load %arg11[%swap3A_972, %swap3A_973, %swap3A_974] {strides = array<i32>} : memref<2x64x128xf32, #tpu.memory_space<vmem>>, vector<16xf32>,
        tpu.vector_store %arg11[%swap3A_972, %swap3A_973, %swap3A_974], %broadcast_in_dim3A_44 {strides = array<i32>} : memref<2x64x128xf32, #tpu.memory_space<vmem>>, vector<16xf32>,
        %add3A_976 = arith.constant 16 : i32
        %add3A_977 = arith.addi %squeeze3A_961, %add3A_976 : i32
        %swap3A_978 = arith.constant 18 : i32
        %swap3A_979 = arith.index_cast %rem3A_122 : i32 to index
        %swap3A_980 = arith.index_cast %swap3A_978 : i32 to index
        %swap3A_981 = arith.index_cast %add3A_977 : i32 to index
        %swap3A_982 = tpu.vector_load %arg11[%swap3A_979, %swap3A_980, %swap3A_981] {strides = array<i32>} : memref<2x64x128xf32, #tpu.memory_space<vmem>>, vector<16xf32>,
        tpu.vector_store %arg11[%swap3A_979, %swap3A_980, %swap3A_981], %broadcast_in_dim3A_44 {strides = array<i32>} : memref<2x64x128xf32, #tpu.memory_space<vmem>>, vector<16xf32>,
        %mul3A_983 = arith.mulf %get3A_966, %broadcast_in_dim3A_964 : vector<16xf32>
        %swap3A_984 = arith.constant 18 : i32
        %swap3A_985 = arith.index_cast %rem3A_122 : i32 to index
        %swap3A_986 = arith.index_cast %swap3A_984 : i32 to index
        %swap3A_987 = arith.index_cast %squeeze3A_959 : i32 to index
        %swap3A_988 = tpu.vector_load %arg11[%swap3A_985, %swap3A_986, %swap3A_987] {strides = array<i32>} : memref<2x64x128xf32, #tpu.memory_space<vmem>>, vector<16xf32>,
        tpu.vector_store %arg11[%swap3A_985, %swap3A_986, %swap3A_987], %mul3A_983 {strides = array<i32>} : memref<2x64x128xf32, #tpu.memory_space<vmem>>, vector<16xf32>,
        %mul3A_989 = arith.mulf %get3A_970, %broadcast_in_dim3A_964 : vector<16xf32>
        %add3A_990 = arith.constant 16 : i32
        %add3A_991 = arith.addi %squeeze3A_959, %add3A_990 : i32
        %swap3A_992 = arith.constant 18 : i32
        %swap3A_993 = arith.index_cast %rem3A_122 : i32 to index
        %swap3A_994 = arith.index_cast %swap3A_992 : i32 to index
        %swap3A_995 = arith.index_cast %add3A_991 : i32 to index
        %swap3A_996 = tpu.vector_load %arg11[%swap3A_993, %swap3A_994, %swap3A_995] {strides = array<i32>} : memref<2x64x128xf32, #tpu.memory_space<vmem>>, vector<16xf32>,
        tpu.vector_store %arg11[%swap3A_993, %swap3A_994, %swap3A_995], %mul3A_989 {strides = array<i32>} : memref<2x64x128xf32, #tpu.memory_space<vmem>>, vector<16xf32>,
        %slice3A_997 = vector.extract_strided_slice %mul3A_861 {offsets = [3], sizes = [1], strides = [1]} : vector<16xi32> to vector<1xi32>
        %squeeze3A_998 = vector.extract %slice3A_997[0] : i32 from vector<1xi32>
        %slice3A_999 = vector.extract_strided_slice %shift_left3A_867 {offsets = [3], sizes = [1], strides = [1]} : vector<16xi32> to vector<1xi32>
        %squeeze3A_1000 = vector.extract %slice3A_999[0] : i32 from vector<1xi32>
        %slice3A_1001 = vector.extract_strided_slice %get3A_870 {offsets = [3], sizes = [1], strides = [1]} : vector<16xi32> to vector<1xi32>
        %squeeze3A_1002 = vector.extract %slice3A_1001[0] : i32 from vector<1xi32>
        %slice3A_1003 = vector.extract_strided_slice %get3A_836 {offsets = [3], sizes = [1], strides = [1]} : vector<16xf32> to vector<1xf32>
        %squeeze3A_1004 = vector.extract %slice3A_1003[0] : f32 from vector<1xf32>
        %broadcast_in_dim3A_1005 = vector.broadcast %squeeze3A_1004 : f32 to vector<16xf32>
        %get3A_1006 = arith.index_cast %squeeze3A_998 : i32 to index
        %get3A_1007 = tpu.vector_load %arg8[%get3A_1006] {strides = array<i32>} : memref<20512xf32, #tpu.memory_space<vmem>>, vector<16xf32>,
        %add3A_1008 = arith.constant 16 : i32
        %add3A_1009 = arith.addi %squeeze3A_998, %add3A_1008 : i32
        %get3A_1010 = arith.index_cast %add3A_1009 : i32 to index
        %get3A_1011 = tpu.vector_load %arg8[%get3A_1010] {strides = array<i32>} : memref<20512xf32, #tpu.memory_space<vmem>>, vector<16xf32>,
        %swap3A_1012 = arith.constant 19 : i32
        %swap3A_1013 = arith.index_cast %rem3A_122 : i32 to index
        %swap3A_1014 = arith.index_cast %swap3A_1012 : i32 to index
        %swap3A_1015 = arith.index_cast %squeeze3A_1002 : i32 to index
        %swap3A_1016 = tpu.vector_load %arg11[%swap3A_1013, %swap3A_1014, %swap3A_1015] {strides = array<i32>} : memref<2x64x128xf32, #tpu.memory_space<vmem>>, vector<16xf32>,
        tpu.vector_store %arg11[%swap3A_1013, %swap3A_1014, %swap3A_1015], %broadcast_in_dim3A_44 {strides = array<i32>} : memref<2x64x128xf32, #tpu.memory_space<vmem>>, vector<16xf32>,
        %add3A_1017 = arith.constant 16 : i32
        %add3A_1018 = arith.addi %squeeze3A_1002, %add3A_1017 : i32
        %swap3A_1019 = arith.constant 19 : i32
        %swap3A_1020 = arith.index_cast %rem3A_122 : i32 to index
        %swap3A_1021 = arith.index_cast %swap3A_1019 : i32 to index
        %swap3A_1022 = arith.index_cast %add3A_1018 : i32 to index
        %swap3A_1023 = tpu.vector_load %arg11[%swap3A_1020, %swap3A_1021, %swap3A_1022] {strides = array<i32>} : memref<2x64x128xf32, #tpu.memory_space<vmem>>, vector<16xf32>,
        tpu.vector_store %arg11[%swap3A_1020, %swap3A_1021, %swap3A_1022], %broadcast_in_dim3A_44 {strides = array<i32>} : memref<2x64x128xf32, #tpu.memory_space<vmem>>, vector<16xf32>,
        %mul3A_1024 = arith.mulf %get3A_1007, %broadcast_in_dim3A_1005 : vector<16xf32>
        %swap3A_1025 = arith.constant 19 : i32
        %swap3A_1026 = arith.index_cast %rem3A_122 : i32 to index
        %swap3A_1027 = arith.index_cast %swap3A_1025 : i32 to index
        %swap3A_1028 = arith.index_cast %squeeze3A_1000 : i32 to index
        %swap3A_1029 = tpu.vector_load %arg11[%swap3A_1026, %swap3A_1027, %swap3A_1028] {strides = array<i32>} : memref<2x64x128xf32, #tpu.memory_space<vmem>>, vector<16xf32>,
        tpu.vector_store %arg11[%swap3A_1026, %swap3A_1027, %swap3A_1028], %mul3A_1024 {strides = array<i32>} : memref<2x64x128xf32, #tpu.memory_space<vmem>>, vector<16xf32>,
        %mul3A_1030 = arith.mulf %get3A_1011, %broadcast_in_dim3A_1005 : vector<16xf32>
        %add3A_1031 = arith.constant 16 : i32
        %add3A_1032 = arith.addi %squeeze3A_1000, %add3A_1031 : i32
        %swap3A_1033 = arith.constant 19 : i32
        %swap3A_1034 = arith.index_cast %rem3A_122 : i32 to index
        %swap3A_1035 = arith.index_cast %swap3A_1033 : i32 to index
        %swap3A_1036 = arith.index_cast %add3A_1032 : i32 to index
        %swap3A_1037 = tpu.vector_load %arg11[%swap3A_1034, %swap3A_1035, %swap3A_1036] {strides = array<i32>} : memref<2x64x128xf32, #tpu.memory_space<vmem>>, vector<16xf32>,
        tpu.vector_store %arg11[%swap3A_1034, %swap3A_1035, %swap3A_1036], %mul3A_1030 {strides = array<i32>} : memref<2x64x128xf32, #tpu.memory_space<vmem>>, vector<16xf32>,
        %slice3A_1038 = vector.extract_strided_slice %mul3A_861 {offsets = [4], sizes = [1], strides = [1]} : vector<16xi32> to vector<1xi32>
        %squeeze3A_1039 = vector.extract %slice3A_1038[0] : i32 from vector<1xi32>
        %slice3A_1040 = vector.extract_strided_slice %shift_left3A_867 {offsets = [4], sizes = [1], strides = [1]} : vector<16xi32> to vector<1xi32>
        %squeeze3A_1041 = vector.extract %slice3A_1040[0] : i32 from vector<1xi32>
        %slice3A_1042 = vector.extract_strided_slice %get3A_870 {offsets = [4], sizes = [1], strides = [1]} : vector<16xi32> to vector<1xi32>
        %squeeze3A_1043 = vector.extract %slice3A_1042[0] : i32 from vector<1xi32>
        %slice3A_1044 = vector.extract_strided_slice %get3A_836 {offsets = [4], sizes = [1], strides = [1]} : vector<16xf32> to vector<1xf32>
        %squeeze3A_1045 = vector.extract %slice3A_1044[0] : f32 from vector<1xf32>
        %broadcast_in_dim3A_1046 = vector.broadcast %squeeze3A_1045 : f32 to vector<16xf32>
        %get3A_1047 = arith.index_cast %squeeze3A_1039 : i32 to index
        %get3A_1048 = tpu.vector_load %arg8[%get3A_1047] {strides = array<i32>} : memref<20512xf32, #tpu.memory_space<vmem>>, vector<16xf32>,
        %add3A_1049 = arith.constant 16 : i32
        %add3A_1050 = arith.addi %squeeze3A_1039, %add3A_1049 : i32
        %get3A_1051 = arith.index_cast %add3A_1050 : i32 to index
        %get3A_1052 = tpu.vector_load %arg8[%get3A_1051] {strides = array<i32>} : memref<20512xf32, #tpu.memory_space<vmem>>, vector<16xf32>,
        %swap3A_1053 = arith.constant 20 : i32
        %swap3A_1054 = arith.index_cast %rem3A_122 : i32 to index
        %swap3A_1055 = arith.index_cast %swap3A_1053 : i32 to index
        %swap3A_1056 = arith.index_cast %squeeze3A_1043 : i32 to index
        %swap3A_1057 = tpu.vector_load %arg11[%swap3A_1054, %swap3A_1055, %swap3A_1056] {strides = array<i32>} : memref<2x64x128xf32, #tpu.memory_space<vmem>>, vector<16xf32>,
        tpu.vector_store %arg11[%swap3A_1054, %swap3A_1055, %swap3A_1056], %broadcast_in_dim3A_44 {strides = array<i32>} : memref<2x64x128xf32, #tpu.memory_space<vmem>>, vector<16xf32>,
        %add3A_1058 = arith.constant 16 : i32
        %add3A_1059 = arith.addi %squeeze3A_1043, %add3A_1058 : i32
        %swap3A_1060 = arith.constant 20 : i32
        %swap3A_1061 = arith.index_cast %rem3A_122 : i32 to index
        %swap3A_1062 = arith.index_cast %swap3A_1060 : i32 to index
        %swap3A_1063 = arith.index_cast %add3A_1059 : i32 to index
        %swap3A_1064 = tpu.vector_load %arg11[%swap3A_1061, %swap3A_1062, %swap3A_1063] {strides = array<i32>} : memref<2x64x128xf32, #tpu.memory_space<vmem>>, vector<16xf32>,
        tpu.vector_store %arg11[%swap3A_1061, %swap3A_1062, %swap3A_1063], %broadcast_in_dim3A_44 {strides = array<i32>} : memref<2x64x128xf32, #tpu.memory_space<vmem>>, vector<16xf32>,
        %mul3A_1065 = arith.mulf %get3A_1048, %broadcast_in_dim3A_1046 : vector<16xf32>
        %swap3A_1066 = arith.constant 20 : i32
        %swap3A_1067 = arith.index_cast %rem3A_122 : i32 to index
        %swap3A_1068 = arith.index_cast %swap3A_1066 : i32 to index
        %swap3A_1069 = arith.index_cast %squeeze3A_1041 : i32 to index
        %swap3A_1070 = tpu.vector_load %arg11[%swap3A_1067, %swap3A_1068, %swap3A_1069] {strides = array<i32>} : memref<2x64x128xf32, #tpu.memory_space<vmem>>, vector<16xf32>,
        tpu.vector_store %arg11[%swap3A_1067, %swap3A_1068, %swap3A_1069], %mul3A_1065 {strides = array<i32>} : memref<2x64x128xf32, #tpu.memory_space<vmem>>, vector<16xf32>,
        %mul3A_1071 = arith.mulf %get3A_1052, %broadcast_in_dim3A_1046 : vector<16xf32>
        %add3A_1072 = arith.constant 16 : i32
        %add3A_1073 = arith.addi %squeeze3A_1041, %add3A_1072 : i32
        %swap3A_1074 = arith.constant 20 : i32
        %swap3A_1075 = arith.index_cast %rem3A_122 : i32 to index
        %swap3A_1076 = arith.index_cast %swap3A_1074 : i32 to index
        %swap3A_1077 = arith.index_cast %add3A_1073 : i32 to index
        %swap3A_1078 = tpu.vector_load %arg11[%swap3A_1075, %swap3A_1076, %swap3A_1077] {strides = array<i32>} : memref<2x64x128xf32, #tpu.memory_space<vmem>>, vector<16xf32>,
        tpu.vector_store %arg11[%swap3A_1075, %swap3A_1076, %swap3A_1077], %mul3A_1071 {strides = array<i32>} : memref<2x64x128xf32, #tpu.memory_space<vmem>>, vector<16xf32>,
        %slice3A_1079 = vector.extract_strided_slice %mul3A_861 {offsets = [5], sizes = [1], strides = [1]} : vector<16xi32> to vector<1xi32>
        %squeeze3A_1080 = vector.extract %slice3A_1079[0] : i32 from vector<1xi32>
        %slice3A_1081 = vector.extract_strided_slice %shift_left3A_867 {offsets = [5], sizes = [1], strides = [1]} : vector<16xi32> to vector<1xi32>
        %squeeze3A_1082 = vector.extract %slice3A_1081[0] : i32 from vector<1xi32>
        %slice3A_1083 = vector.extract_strided_slice %get3A_870 {offsets = [5], sizes = [1], strides = [1]} : vector<16xi32> to vector<1xi32>
        %squeeze3A_1084 = vector.extract %slice3A_1083[0] : i32 from vector<1xi32>
        %slice3A_1085 = vector.extract_strided_slice %get3A_836 {offsets = [5], sizes = [1], strides = [1]} : vector<16xf32> to vector<1xf32>
        %squeeze3A_1086 = vector.extract %slice3A_1085[0] : f32 from vector<1xf32>
        %broadcast_in_dim3A_1087 = vector.broadcast %squeeze3A_1086 : f32 to vector<16xf32>
        %get3A_1088 = arith.index_cast %squeeze3A_1080 : i32 to index
        %get3A_1089 = tpu.vector_load %arg8[%get3A_1088] {strides = array<i32>} : memref<20512xf32, #tpu.memory_space<vmem>>, vector<16xf32>,
        %add3A_1090 = arith.constant 16 : i32
        %add3A_1091 = arith.addi %squeeze3A_1080, %add3A_1090 : i32
        %get3A_1092 = arith.index_cast %add3A_1091 : i32 to index
        %get3A_1093 = tpu.vector_load %arg8[%get3A_1092] {strides = array<i32>} : memref<20512xf32, #tpu.memory_space<vmem>>, vector<16xf32>,
        %swap3A_1094 = arith.constant 21 : i32
        %swap3A_1095 = arith.index_cast %rem3A_122 : i32 to index
        %swap3A_1096 = arith.index_cast %swap3A_1094 : i32 to index
        %swap3A_1097 = arith.index_cast %squeeze3A_1084 : i32 to index
        %swap3A_1098 = tpu.vector_load %arg11[%swap3A_1095, %swap3A_1096, %swap3A_1097] {strides = array<i32>} : memref<2x64x128xf32, #tpu.memory_space<vmem>>, vector<16xf32>,
        tpu.vector_store %arg11[%swap3A_1095, %swap3A_1096, %swap3A_1097], %broadcast_in_dim3A_44 {strides = array<i32>} : memref<2x64x128xf32, #tpu.memory_space<vmem>>, vector<16xf32>,
        %add3A_1099 = arith.constant 16 : i32
        %add3A_1100 = arith.addi %squeeze3A_1084, %add3A_1099 : i32
        %swap3A_1101 = arith.constant 21 : i32
        %swap3A_1102 = arith.index_cast %rem3A_122 : i32 to index
        %swap3A_1103 = arith.index_cast %swap3A_1101 : i32 to index
        %swap3A_1104 = arith.index_cast %add3A_1100 : i32 to index
        %swap3A_1105 = tpu.vector_load %arg11[%swap3A_1102, %swap3A_1103, %swap3A_1104] {strides = array<i32>} : memref<2x64x128xf32, #tpu.memory_space<vmem>>, vector<16xf32>,
        tpu.vector_store %arg11[%swap3A_1102, %swap3A_1103, %swap3A_1104], %broadcast_in_dim3A_44 {strides = array<i32>} : memref<2x64x128xf32, #tpu.memory_space<vmem>>, vector<16xf32>,
        %mul3A_1106 = arith.mulf %get3A_1089, %broadcast_in_dim3A_1087 : vector<16xf32>
        %swap3A_1107 = arith.constant 21 : i32
        %swap3A_1108 = arith.index_cast %rem3A_122 : i32 to index
        %swap3A_1109 = arith.index_cast %swap3A_1107 : i32 to index
        %swap3A_1110 = arith.index_cast %squeeze3A_1082 : i32 to index
        %swap3A_1111 = tpu.vector_load %arg11[%swap3A_1108, %swap3A_1109, %swap3A_1110] {strides = array<i32>} : memref<2x64x128xf32, #tpu.memory_space<vmem>>, vector<16xf32>,
        tpu.vector_store %arg11[%swap3A_1108, %swap3A_1109, %swap3A_1110], %mul3A_1106 {strides = array<i32>} : memref<2x64x128xf32, #tpu.memory_space<vmem>>, vector<16xf32>,
        %mul3A_1112 = arith.mulf %get3A_1093, %broadcast_in_dim3A_1087 : vector<16xf32>
        %add3A_1113 = arith.constant 16 : i32
        %add3A_1114 = arith.addi %squeeze3A_1082, %add3A_1113 : i32
        %swap3A_1115 = arith.constant 21 : i32
        %swap3A_1116 = arith.index_cast %rem3A_122 : i32 to index
        %swap3A_1117 = arith.index_cast %swap3A_1115 : i32 to index
        %swap3A_1118 = arith.index_cast %add3A_1114 : i32 to index
        %swap3A_1119 = tpu.vector_load %arg11[%swap3A_1116, %swap3A_1117, %swap3A_1118] {strides = array<i32>} : memref<2x64x128xf32, #tpu.memory_space<vmem>>, vector<16xf32>,
        tpu.vector_store %arg11[%swap3A_1116, %swap3A_1117, %swap3A_1118], %mul3A_1112 {strides = array<i32>} : memref<2x64x128xf32, #tpu.memory_space<vmem>>, vector<16xf32>,
        %slice3A_1120 = vector.extract_strided_slice %mul3A_861 {offsets = [6], sizes = [1], strides = [1]} : vector<16xi32> to vector<1xi32>
        %squeeze3A_1121 = vector.extract %slice3A_1120[0] : i32 from vector<1xi32>
        %slice3A_1122 = vector.extract_strided_slice %shift_left3A_867 {offsets = [6], sizes = [1], strides = [1]} : vector<16xi32> to vector<1xi32>
        %squeeze3A_1123 = vector.extract %slice3A_1122[0] : i32 from vector<1xi32>
        %slice3A_1124 = vector.extract_strided_slice %get3A_870 {offsets = [6], sizes = [1], strides = [1]} : vector<16xi32> to vector<1xi32>
        %squeeze3A_1125 = vector.extract %slice3A_1124[0] : i32 from vector<1xi32>
        %slice3A_1126 = vector.extract_strided_slice %get3A_836 {offsets = [6], sizes = [1], strides = [1]} : vector<16xf32> to vector<1xf32>
        %squeeze3A_1127 = vector.extract %slice3A_1126[0] : f32 from vector<1xf32>
        %broadcast_in_dim3A_1128 = vector.broadcast %squeeze3A_1127 : f32 to vector<16xf32>
        %get3A_1129 = arith.index_cast %squeeze3A_1121 : i32 to index
        %get3A_1130 = tpu.vector_load %arg8[%get3A_1129] {strides = array<i32>} : memref<20512xf32, #tpu.memory_space<vmem>>, vector<16xf32>,
        %add3A_1131 = arith.constant 16 : i32
        %add3A_1132 = arith.addi %squeeze3A_1121, %add3A_1131 : i32
        %get3A_1133 = arith.index_cast %add3A_1132 : i32 to index
        %get3A_1134 = tpu.vector_load %arg8[%get3A_1133] {strides = array<i32>} : memref<20512xf32, #tpu.memory_space<vmem>>, vector<16xf32>,
        %swap3A_1135 = arith.constant 22 : i32
        %swap3A_1136 = arith.index_cast %rem3A_122 : i32 to index
        %swap3A_1137 = arith.index_cast %swap3A_1135 : i32 to index
        %swap3A_1138 = arith.index_cast %squeeze3A_1125 : i32 to index
        %swap3A_1139 = tpu.vector_load %arg11[%swap3A_1136, %swap3A_1137, %swap3A_1138] {strides = array<i32>} : memref<2x64x128xf32, #tpu.memory_space<vmem>>, vector<16xf32>,
        tpu.vector_store %arg11[%swap3A_1136, %swap3A_1137, %swap3A_1138], %broadcast_in_dim3A_44 {strides = array<i32>} : memref<2x64x128xf32, #tpu.memory_space<vmem>>, vector<16xf32>,
        %add3A_1140 = arith.constant 16 : i32
        %add3A_1141 = arith.addi %squeeze3A_1125, %add3A_1140 : i32
        %swap3A_1142 = arith.constant 22 : i32
        %swap3A_1143 = arith.index_cast %rem3A_122 : i32 to index
        %swap3A_1144 = arith.index_cast %swap3A_1142 : i32 to index
        %swap3A_1145 = arith.index_cast %add3A_1141 : i32 to index
        %swap3A_1146 = tpu.vector_load %arg11[%swap3A_1143, %swap3A_1144, %swap3A_1145] {strides = array<i32>} : memref<2x64x128xf32, #tpu.memory_space<vmem>>, vector<16xf32>,
        tpu.vector_store %arg11[%swap3A_1143, %swap3A_1144, %swap3A_1145], %broadcast_in_dim3A_44 {strides = array<i32>} : memref<2x64x128xf32, #tpu.memory_space<vmem>>, vector<16xf32>,
        %mul3A_1147 = arith.mulf %get3A_1130, %broadcast_in_dim3A_1128 : vector<16xf32>
        %swap3A_1148 = arith.constant 22 : i32
        %swap3A_1149 = arith.index_cast %rem3A_122 : i32 to index
        %swap3A_1150 = arith.index_cast %swap3A_1148 : i32 to index
        %swap3A_1151 = arith.index_cast %squeeze3A_1123 : i32 to index
        %swap3A_1152 = tpu.vector_load %arg11[%swap3A_1149, %swap3A_1150, %swap3A_1151] {strides = array<i32>} : memref<2x64x128xf32, #tpu.memory_space<vmem>>, vector<16xf32>,
        tpu.vector_store %arg11[%swap3A_1149, %swap3A_1150, %swap3A_1151], %mul3A_1147 {strides = array<i32>} : memref<2x64x128xf32, #tpu.memory_space<vmem>>, vector<16xf32>,
        %mul3A_1153 = arith.mulf %get3A_1134, %broadcast_in_dim3A_1128 : vector<16xf32>
        %add3A_1154 = arith.constant 16 : i32
        %add3A_1155 = arith.addi %squeeze3A_1123, %add3A_1154 : i32
        %swap3A_1156 = arith.constant 22 : i32
        %swap3A_1157 = arith.index_cast %rem3A_122 : i32 to index
        %swap3A_1158 = arith.index_cast %swap3A_1156 : i32 to index
        %swap3A_1159 = arith.index_cast %add3A_1155 : i32 to index
        %swap3A_1160 = tpu.vector_load %arg11[%swap3A_1157, %swap3A_1158, %swap3A_1159] {strides = array<i32>} : memref<2x64x128xf32, #tpu.memory_space<vmem>>, vector<16xf32>,
        tpu.vector_store %arg11[%swap3A_1157, %swap3A_1158, %swap3A_1159], %mul3A_1153 {strides = array<i32>} : memref<2x64x128xf32, #tpu.memory_space<vmem>>, vector<16xf32>,
        %slice3A_1161 = vector.extract_strided_slice %mul3A_861 {offsets = [7], sizes = [1], strides = [1]} : vector<16xi32> to vector<1xi32>
        %squeeze3A_1162 = vector.extract %slice3A_1161[0] : i32 from vector<1xi32>
        %slice3A_1163 = vector.extract_strided_slice %shift_left3A_867 {offsets = [7], sizes = [1], strides = [1]} : vector<16xi32> to vector<1xi32>
        %squeeze3A_1164 = vector.extract %slice3A_1163[0] : i32 from vector<1xi32>
        %slice3A_1165 = vector.extract_strided_slice %get3A_870 {offsets = [7], sizes = [1], strides = [1]} : vector<16xi32> to vector<1xi32>
        %squeeze3A_1166 = vector.extract %slice3A_1165[0] : i32 from vector<1xi32>
        %slice3A_1167 = vector.extract_strided_slice %get3A_836 {offsets = [7], sizes = [1], strides = [1]} : vector<16xf32> to vector<1xf32>
        %squeeze3A_1168 = vector.extract %slice3A_1167[0] : f32 from vector<1xf32>
        %broadcast_in_dim3A_1169 = vector.broadcast %squeeze3A_1168 : f32 to vector<16xf32>
        %get3A_1170 = arith.index_cast %squeeze3A_1162 : i32 to index
        %get3A_1171 = tpu.vector_load %arg8[%get3A_1170] {strides = array<i32>} : memref<20512xf32, #tpu.memory_space<vmem>>, vector<16xf32>,
        %add3A_1172 = arith.constant 16 : i32
        %add3A_1173 = arith.addi %squeeze3A_1162, %add3A_1172 : i32
        %get3A_1174 = arith.index_cast %add3A_1173 : i32 to index
        %get3A_1175 = tpu.vector_load %arg8[%get3A_1174] {strides = array<i32>} : memref<20512xf32, #tpu.memory_space<vmem>>, vector<16xf32>,
        %swap3A_1176 = arith.constant 23 : i32
        %swap3A_1177 = arith.index_cast %rem3A_122 : i32 to index
        %swap3A_1178 = arith.index_cast %swap3A_1176 : i32 to index
        %swap3A_1179 = arith.index_cast %squeeze3A_1166 : i32 to index
        %swap3A_1180 = tpu.vector_load %arg11[%swap3A_1177, %swap3A_1178, %swap3A_1179] {strides = array<i32>} : memref<2x64x128xf32, #tpu.memory_space<vmem>>, vector<16xf32>,
        tpu.vector_store %arg11[%swap3A_1177, %swap3A_1178, %swap3A_1179], %broadcast_in_dim3A_44 {strides = array<i32>} : memref<2x64x128xf32, #tpu.memory_space<vmem>>, vector<16xf32>,
        %add3A_1181 = arith.constant 16 : i32
        %add3A_1182 = arith.addi %squeeze3A_1166, %add3A_1181 : i32
        %swap3A_1183 = arith.constant 23 : i32
        %swap3A_1184 = arith.index_cast %rem3A_122 : i32 to index
        %swap3A_1185 = arith.index_cast %swap3A_1183 : i32 to index
        %swap3A_1186 = arith.index_cast %add3A_1182 : i32 to index
        %swap3A_1187 = tpu.vector_load %arg11[%swap3A_1184, %swap3A_1185, %swap3A_1186] {strides = array<i32>} : memref<2x64x128xf32, #tpu.memory_space<vmem>>, vector<16xf32>,
        tpu.vector_store %arg11[%swap3A_1184, %swap3A_1185, %swap3A_1186], %broadcast_in_dim3A_44 {strides = array<i32>} : memref<2x64x128xf32, #tpu.memory_space<vmem>>, vector<16xf32>,
        %mul3A_1188 = arith.mulf %get3A_1171, %broadcast_in_dim3A_1169 : vector<16xf32>
        %swap3A_1189 = arith.constant 23 : i32
        %swap3A_1190 = arith.index_cast %rem3A_122 : i32 to index
        %swap3A_1191 = arith.index_cast %swap3A_1189 : i32 to index
        %swap3A_1192 = arith.index_cast %squeeze3A_1164 : i32 to index
        %swap3A_1193 = tpu.vector_load %arg11[%swap3A_1190, %swap3A_1191, %swap3A_1192] {strides = array<i32>} : memref<2x64x128xf32, #tpu.memory_space<vmem>>, vector<16xf32>,
        tpu.vector_store %arg11[%swap3A_1190, %swap3A_1191, %swap3A_1192], %mul3A_1188 {strides = array<i32>} : memref<2x64x128xf32, #tpu.memory_space<vmem>>, vector<16xf32>,
        %mul3A_1194 = arith.mulf %get3A_1175, %broadcast_in_dim3A_1169 : vector<16xf32>
        %add3A_1195 = arith.constant 16 : i32
        %add3A_1196 = arith.addi %squeeze3A_1164, %add3A_1195 : i32
        %swap3A_1197 = arith.constant 23 : i32
        %swap3A_1198 = arith.index_cast %rem3A_122 : i32 to index
        %swap3A_1199 = arith.index_cast %swap3A_1197 : i32 to index
        %swap3A_1200 = arith.index_cast %add3A_1196 : i32 to index
        %swap3A_1201 = tpu.vector_load %arg11[%swap3A_1198, %swap3A_1199, %swap3A_1200] {strides = array<i32>} : memref<2x64x128xf32, #tpu.memory_space<vmem>>, vector<16xf32>,
        tpu.vector_store %arg11[%swap3A_1198, %swap3A_1199, %swap3A_1200], %mul3A_1194 {strides = array<i32>} : memref<2x64x128xf32, #tpu.memory_space<vmem>>, vector<16xf32>,
        %slice3A_1202 = vector.extract_strided_slice %mul3A_861 {offsets = [8], sizes = [1], strides = [1]} : vector<16xi32> to vector<1xi32>
        %squeeze3A_1203 = vector.extract %slice3A_1202[0] : i32 from vector<1xi32>
        %slice3A_1204 = vector.extract_strided_slice %shift_left3A_867 {offsets = [8], sizes = [1], strides = [1]} : vector<16xi32> to vector<1xi32>
        %squeeze3A_1205 = vector.extract %slice3A_1204[0] : i32 from vector<1xi32>
        %slice3A_1206 = vector.extract_strided_slice %get3A_870 {offsets = [8], sizes = [1], strides = [1]} : vector<16xi32> to vector<1xi32>
        %squeeze3A_1207 = vector.extract %slice3A_1206[0] : i32 from vector<1xi32>
        %slice3A_1208 = vector.extract_strided_slice %get3A_836 {offsets = [8], sizes = [1], strides = [1]} : vector<16xf32> to vector<1xf32>
        %squeeze3A_1209 = vector.extract %slice3A_1208[0] : f32 from vector<1xf32>
        %broadcast_in_dim3A_1210 = vector.broadcast %squeeze3A_1209 : f32 to vector<16xf32>
        %get3A_1211 = arith.index_cast %squeeze3A_1203 : i32 to index
        %get3A_1212 = tpu.vector_load %arg8[%get3A_1211] {strides = array<i32>} : memref<20512xf32, #tpu.memory_space<vmem>>, vector<16xf32>,
        %add3A_1213 = arith.constant 16 : i32
        %add3A_1214 = arith.addi %squeeze3A_1203, %add3A_1213 : i32
        %get3A_1215 = arith.index_cast %add3A_1214 : i32 to index
        %get3A_1216 = tpu.vector_load %arg8[%get3A_1215] {strides = array<i32>} : memref<20512xf32, #tpu.memory_space<vmem>>, vector<16xf32>,
        %swap3A_1217 = arith.constant 24 : i32
        %swap3A_1218 = arith.index_cast %rem3A_122 : i32 to index
        %swap3A_1219 = arith.index_cast %swap3A_1217 : i32 to index
        %swap3A_1220 = arith.index_cast %squeeze3A_1207 : i32 to index
        %swap3A_1221 = tpu.vector_load %arg11[%swap3A_1218, %swap3A_1219, %swap3A_1220] {strides = array<i32>} : memref<2x64x128xf32, #tpu.memory_space<vmem>>, vector<16xf32>,
        tpu.vector_store %arg11[%swap3A_1218, %swap3A_1219, %swap3A_1220], %broadcast_in_dim3A_44 {strides = array<i32>} : memref<2x64x128xf32, #tpu.memory_space<vmem>>, vector<16xf32>,
        %add3A_1222 = arith.constant 16 : i32
        %add3A_1223 = arith.addi %squeeze3A_1207, %add3A_1222 : i32
        %swap3A_1224 = arith.constant 24 : i32
        %swap3A_1225 = arith.index_cast %rem3A_122 : i32 to index
        %swap3A_1226 = arith.index_cast %swap3A_1224 : i32 to index
        %swap3A_1227 = arith.index_cast %add3A_1223 : i32 to index
        %swap3A_1228 = tpu.vector_load %arg11[%swap3A_1225, %swap3A_1226, %swap3A_1227] {strides = array<i32>} : memref<2x64x128xf32, #tpu.memory_space<vmem>>, vector<16xf32>,
        tpu.vector_store %arg11[%swap3A_1225, %swap3A_1226, %swap3A_1227], %broadcast_in_dim3A_44 {strides = array<i32>} : memref<2x64x128xf32, #tpu.memory_space<vmem>>, vector<16xf32>,
        %mul3A_1229 = arith.mulf %get3A_1212, %broadcast_in_dim3A_1210 : vector<16xf32>
        %swap3A_1230 = arith.constant 24 : i32
        %swap3A_1231 = arith.index_cast %rem3A_122 : i32 to index
        %swap3A_1232 = arith.index_cast %swap3A_1230 : i32 to index
        %swap3A_1233 = arith.index_cast %squeeze3A_1205 : i32 to index
        %swap3A_1234 = tpu.vector_load %arg11[%swap3A_1231, %swap3A_1232, %swap3A_1233] {strides = array<i32>} : memref<2x64x128xf32, #tpu.memory_space<vmem>>, vector<16xf32>,
        tpu.vector_store %arg11[%swap3A_1231, %swap3A_1232, %swap3A_1233], %mul3A_1229 {strides = array<i32>} : memref<2x64x128xf32, #tpu.memory_space<vmem>>, vector<16xf32>,
        %mul3A_1235 = arith.mulf %get3A_1216, %broadcast_in_dim3A_1210 : vector<16xf32>
        %add3A_1236 = arith.constant 16 : i32
        %add3A_1237 = arith.addi %squeeze3A_1205, %add3A_1236 : i32
        %swap3A_1238 = arith.constant 24 : i32
        %swap3A_1239 = arith.index_cast %rem3A_122 : i32 to index
        %swap3A_1240 = arith.index_cast %swap3A_1238 : i32 to index
        %swap3A_1241 = arith.index_cast %add3A_1237 : i32 to index
        %swap3A_1242 = tpu.vector_load %arg11[%swap3A_1239, %swap3A_1240, %swap3A_1241] {strides = array<i32>} : memref<2x64x128xf32, #tpu.memory_space<vmem>>, vector<16xf32>,
        tpu.vector_store %arg11[%swap3A_1239, %swap3A_1240, %swap3A_1241], %mul3A_1235 {strides = array<i32>} : memref<2x64x128xf32, #tpu.memory_space<vmem>>, vector<16xf32>,
        %slice3A_1243 = vector.extract_strided_slice %mul3A_861 {offsets = [9], sizes = [1], strides = [1]} : vector<16xi32> to vector<1xi32>
        %squeeze3A_1244 = vector.extract %slice3A_1243[0] : i32 from vector<1xi32>
        %slice3A_1245 = vector.extract_strided_slice %shift_left3A_867 {offsets = [9], sizes = [1], strides = [1]} : vector<16xi32> to vector<1xi32>
        %squeeze3A_1246 = vector.extract %slice3A_1245[0] : i32 from vector<1xi32>
        %slice3A_1247 = vector.extract_strided_slice %get3A_870 {offsets = [9], sizes = [1], strides = [1]} : vector<16xi32> to vector<1xi32>
        %squeeze3A_1248 = vector.extract %slice3A_1247[0] : i32 from vector<1xi32>
        %slice3A_1249 = vector.extract_strided_slice %get3A_836 {offsets = [9], sizes = [1], strides = [1]} : vector<16xf32> to vector<1xf32>
        %squeeze3A_1250 = vector.extract %slice3A_1249[0] : f32 from vector<1xf32>
        %broadcast_in_dim3A_1251 = vector.broadcast %squeeze3A_1250 : f32 to vector<16xf32>
        %get3A_1252 = arith.index_cast %squeeze3A_1244 : i32 to index
        %get3A_1253 = tpu.vector_load %arg8[%get3A_1252] {strides = array<i32>} : memref<20512xf32, #tpu.memory_space<vmem>>, vector<16xf32>,
        %add3A_1254 = arith.constant 16 : i32
        %add3A_1255 = arith.addi %squeeze3A_1244, %add3A_1254 : i32
        %get3A_1256 = arith.index_cast %add3A_1255 : i32 to index
        %get3A_1257 = tpu.vector_load %arg8[%get3A_1256] {strides = array<i32>} : memref<20512xf32, #tpu.memory_space<vmem>>, vector<16xf32>,
        %swap3A_1258 = arith.constant 25 : i32
        %swap3A_1259 = arith.index_cast %rem3A_122 : i32 to index
        %swap3A_1260 = arith.index_cast %swap3A_1258 : i32 to index
        %swap3A_1261 = arith.index_cast %squeeze3A_1248 : i32 to index
        %swap3A_1262 = tpu.vector_load %arg11[%swap3A_1259, %swap3A_1260, %swap3A_1261] {strides = array<i32>} : memref<2x64x128xf32, #tpu.memory_space<vmem>>, vector<16xf32>,
        tpu.vector_store %arg11[%swap3A_1259, %swap3A_1260, %swap3A_1261], %broadcast_in_dim3A_44 {strides = array<i32>} : memref<2x64x128xf32, #tpu.memory_space<vmem>>, vector<16xf32>,
        %add3A_1263 = arith.constant 16 : i32
        %add3A_1264 = arith.addi %squeeze3A_1248, %add3A_1263 : i32
        %swap3A_1265 = arith.constant 25 : i32
        %swap3A_1266 = arith.index_cast %rem3A_122 : i32 to index
        %swap3A_1267 = arith.index_cast %swap3A_1265 : i32 to index
        %swap3A_1268 = arith.index_cast %add3A_1264 : i32 to index
        %swap3A_1269 = tpu.vector_load %arg11[%swap3A_1266, %swap3A_1267, %swap3A_1268] {strides = array<i32>} : memref<2x64x128xf32, #tpu.memory_space<vmem>>, vector<16xf32>,
        tpu.vector_store %arg11[%swap3A_1266, %swap3A_1267, %swap3A_1268], %broadcast_in_dim3A_44 {strides = array<i32>} : memref<2x64x128xf32, #tpu.memory_space<vmem>>, vector<16xf32>,
        %mul3A_1270 = arith.mulf %get3A_1253, %broadcast_in_dim3A_1251 : vector<16xf32>
        %swap3A_1271 = arith.constant 25 : i32
        %swap3A_1272 = arith.index_cast %rem3A_122 : i32 to index
        %swap3A_1273 = arith.index_cast %swap3A_1271 : i32 to index
        %swap3A_1274 = arith.index_cast %squeeze3A_1246 : i32 to index
        %swap3A_1275 = tpu.vector_load %arg11[%swap3A_1272, %swap3A_1273, %swap3A_1274] {strides = array<i32>} : memref<2x64x128xf32, #tpu.memory_space<vmem>>, vector<16xf32>,
        tpu.vector_store %arg11[%swap3A_1272, %swap3A_1273, %swap3A_1274], %mul3A_1270 {strides = array<i32>} : memref<2x64x128xf32, #tpu.memory_space<vmem>>, vector<16xf32>,
        %mul3A_1276 = arith.mulf %get3A_1257, %broadcast_in_dim3A_1251 : vector<16xf32>
        %add3A_1277 = arith.constant 16 : i32
        %add3A_1278 = arith.addi %squeeze3A_1246, %add3A_1277 : i32
        %swap3A_1279 = arith.constant 25 : i32
        %swap3A_1280 = arith.index_cast %rem3A_122 : i32 to index
        %swap3A_1281 = arith.index_cast %swap3A_1279 : i32 to index
        %swap3A_1282 = arith.index_cast %add3A_1278 : i32 to index
        %swap3A_1283 = tpu.vector_load %arg11[%swap3A_1280, %swap3A_1281, %swap3A_1282] {strides = array<i32>} : memref<2x64x128xf32, #tpu.memory_space<vmem>>, vector<16xf32>,
        tpu.vector_store %arg11[%swap3A_1280, %swap3A_1281, %swap3A_1282], %mul3A_1276 {strides = array<i32>} : memref<2x64x128xf32, #tpu.memory_space<vmem>>, vector<16xf32>,
        %slice3A_1284 = vector.extract_strided_slice %mul3A_861 {offsets = [10], sizes = [1], strides = [1]} : vector<16xi32> to vector<1xi32>
        %squeeze3A_1285 = vector.extract %slice3A_1284[0] : i32 from vector<1xi32>
        %slice3A_1286 = vector.extract_strided_slice %shift_left3A_867 {offsets = [10], sizes = [1], strides = [1]} : vector<16xi32> to vector<1xi32>
        %squeeze3A_1287 = vector.extract %slice3A_1286[0] : i32 from vector<1xi32>
        %slice3A_1288 = vector.extract_strided_slice %get3A_870 {offsets = [10], sizes = [1], strides = [1]} : vector<16xi32> to vector<1xi32>
        %squeeze3A_1289 = vector.extract %slice3A_1288[0] : i32 from vector<1xi32>
        %slice3A_1290 = vector.extract_strided_slice %get3A_836 {offsets = [10], sizes = [1], strides = [1]} : vector<16xf32> to vector<1xf32>
        %squeeze3A_1291 = vector.extract %slice3A_1290[0] : f32 from vector<1xf32>
        %broadcast_in_dim3A_1292 = vector.broadcast %squeeze3A_1291 : f32 to vector<16xf32>
        %get3A_1293 = arith.index_cast %squeeze3A_1285 : i32 to index
        %get3A_1294 = tpu.vector_load %arg8[%get3A_1293] {strides = array<i32>} : memref<20512xf32, #tpu.memory_space<vmem>>, vector<16xf32>,
        %add3A_1295 = arith.constant 16 : i32
        %add3A_1296 = arith.addi %squeeze3A_1285, %add3A_1295 : i32
        %get3A_1297 = arith.index_cast %add3A_1296 : i32 to index
        %get3A_1298 = tpu.vector_load %arg8[%get3A_1297] {strides = array<i32>} : memref<20512xf32, #tpu.memory_space<vmem>>, vector<16xf32>,
        %swap3A_1299 = arith.constant 26 : i32
        %swap3A_1300 = arith.index_cast %rem3A_122 : i32 to index
        %swap3A_1301 = arith.index_cast %swap3A_1299 : i32 to index
        %swap3A_1302 = arith.index_cast %squeeze3A_1289 : i32 to index
        %swap3A_1303 = tpu.vector_load %arg11[%swap3A_1300, %swap3A_1301, %swap3A_1302] {strides = array<i32>} : memref<2x64x128xf32, #tpu.memory_space<vmem>>, vector<16xf32>,
        tpu.vector_store %arg11[%swap3A_1300, %swap3A_1301, %swap3A_1302], %broadcast_in_dim3A_44 {strides = array<i32>} : memref<2x64x128xf32, #tpu.memory_space<vmem>>, vector<16xf32>,
        %add3A_1304 = arith.constant 16 : i32
        %add3A_1305 = arith.addi %squeeze3A_1289, %add3A_1304 : i32
        %swap3A_1306 = arith.constant 26 : i32
        %swap3A_1307 = arith.index_cast %rem3A_122 : i32 to index
        %swap3A_1308 = arith.index_cast %swap3A_1306 : i32 to index
        %swap3A_1309 = arith.index_cast %add3A_1305 : i32 to index
        %swap3A_1310 = tpu.vector_load %arg11[%swap3A_1307, %swap3A_1308, %swap3A_1309] {strides = array<i32>} : memref<2x64x128xf32, #tpu.memory_space<vmem>>, vector<16xf32>,
        tpu.vector_store %arg11[%swap3A_1307, %swap3A_1308, %swap3A_1309], %broadcast_in_dim3A_44 {strides = array<i32>} : memref<2x64x128xf32, #tpu.memory_space<vmem>>, vector<16xf32>,
        %mul3A_1311 = arith.mulf %get3A_1294, %broadcast_in_dim3A_1292 : vector<16xf32>
        %swap3A_1312 = arith.constant 26 : i32
        %swap3A_1313 = arith.index_cast %rem3A_122 : i32 to index
        %swap3A_1314 = arith.index_cast %swap3A_1312 : i32 to index
        %swap3A_1315 = arith.index_cast %squeeze3A_1287 : i32 to index
        %swap3A_1316 = tpu.vector_load %arg11[%swap3A_1313, %swap3A_1314, %swap3A_1315] {strides = array<i32>} : memref<2x64x128xf32, #tpu.memory_space<vmem>>, vector<16xf32>,
        tpu.vector_store %arg11[%swap3A_1313, %swap3A_1314, %swap3A_1315], %mul3A_1311 {strides = array<i32>} : memref<2x64x128xf32, #tpu.memory_space<vmem>>, vector<16xf32>,
        %mul3A_1317 = arith.mulf %get3A_1298, %broadcast_in_dim3A_1292 : vector<16xf32>
        %add3A_1318 = arith.constant 16 : i32
        %add3A_1319 = arith.addi %squeeze3A_1287, %add3A_1318 : i32
        %swap3A_1320 = arith.constant 26 : i32
        %swap3A_1321 = arith.index_cast %rem3A_122 : i32 to index
        %swap3A_1322 = arith.index_cast %swap3A_1320 : i32 to index
        %swap3A_1323 = arith.index_cast %add3A_1319 : i32 to index
        %swap3A_1324 = tpu.vector_load %arg11[%swap3A_1321, %swap3A_1322, %swap3A_1323] {strides = array<i32>} : memref<2x64x128xf32, #tpu.memory_space<vmem>>, vector<16xf32>,
        tpu.vector_store %arg11[%swap3A_1321, %swap3A_1322, %swap3A_1323], %mul3A_1317 {strides = array<i32>} : memref<2x64x128xf32, #tpu.memory_space<vmem>>, vector<16xf32>,
        %slice3A_1325 = vector.extract_strided_slice %mul3A_861 {offsets = [11], sizes = [1], strides = [1]} : vector<16xi32> to vector<1xi32>
        %squeeze3A_1326 = vector.extract %slice3A_1325[0] : i32 from vector<1xi32>
        %slice3A_1327 = vector.extract_strided_slice %shift_left3A_867 {offsets = [11], sizes = [1], strides = [1]} : vector<16xi32> to vector<1xi32>
        %squeeze3A_1328 = vector.extract %slice3A_1327[0] : i32 from vector<1xi32>
        %slice3A_1329 = vector.extract_strided_slice %get3A_870 {offsets = [11], sizes = [1], strides = [1]} : vector<16xi32> to vector<1xi32>
        %squeeze3A_1330 = vector.extract %slice3A_1329[0] : i32 from vector<1xi32>
        %slice3A_1331 = vector.extract_strided_slice %get3A_836 {offsets = [11], sizes = [1], strides = [1]} : vector<16xf32> to vector<1xf32>
        %squeeze3A_1332 = vector.extract %slice3A_1331[0] : f32 from vector<1xf32>
        %broadcast_in_dim3A_1333 = vector.broadcast %squeeze3A_1332 : f32 to vector<16xf32>
        %get3A_1334 = arith.index_cast %squeeze3A_1326 : i32 to index
        %get3A_1335 = tpu.vector_load %arg8[%get3A_1334] {strides = array<i32>} : memref<20512xf32, #tpu.memory_space<vmem>>, vector<16xf32>,
        %add3A_1336 = arith.constant 16 : i32
        %add3A_1337 = arith.addi %squeeze3A_1326, %add3A_1336 : i32
        %get3A_1338 = arith.index_cast %add3A_1337 : i32 to index
        %get3A_1339 = tpu.vector_load %arg8[%get3A_1338] {strides = array<i32>} : memref<20512xf32, #tpu.memory_space<vmem>>, vector<16xf32>,
        %swap3A_1340 = arith.constant 27 : i32
        %swap3A_1341 = arith.index_cast %rem3A_122 : i32 to index
        %swap3A_1342 = arith.index_cast %swap3A_1340 : i32 to index
        %swap3A_1343 = arith.index_cast %squeeze3A_1330 : i32 to index
        %swap3A_1344 = tpu.vector_load %arg11[%swap3A_1341, %swap3A_1342, %swap3A_1343] {strides = array<i32>} : memref<2x64x128xf32, #tpu.memory_space<vmem>>, vector<16xf32>,
        tpu.vector_store %arg11[%swap3A_1341, %swap3A_1342, %swap3A_1343], %broadcast_in_dim3A_44 {strides = array<i32>} : memref<2x64x128xf32, #tpu.memory_space<vmem>>, vector<16xf32>,
        %add3A_1345 = arith.constant 16 : i32
        %add3A_1346 = arith.addi %squeeze3A_1330, %add3A_1345 : i32
        %swap3A_1347 = arith.constant 27 : i32
        %swap3A_1348 = arith.index_cast %rem3A_122 : i32 to index
        %swap3A_1349 = arith.index_cast %swap3A_1347 : i32 to index
        %swap3A_1350 = arith.index_cast %add3A_1346 : i32 to index
        %swap3A_1351 = tpu.vector_load %arg11[%swap3A_1348, %swap3A_1349, %swap3A_1350] {strides = array<i32>} : memref<2x64x128xf32, #tpu.memory_space<vmem>>, vector<16xf32>,
        tpu.vector_store %arg11[%swap3A_1348, %swap3A_1349, %swap3A_1350], %broadcast_in_dim3A_44 {strides = array<i32>} : memref<2x64x128xf32, #tpu.memory_space<vmem>>, vector<16xf32>,
        %mul3A_1352 = arith.mulf %get3A_1335, %broadcast_in_dim3A_1333 : vector<16xf32>
        %swap3A_1353 = arith.constant 27 : i32
        %swap3A_1354 = arith.index_cast %rem3A_122 : i32 to index
        %swap3A_1355 = arith.index_cast %swap3A_1353 : i32 to index
        %swap3A_1356 = arith.index_cast %squeeze3A_1328 : i32 to index
        %swap3A_1357 = tpu.vector_load %arg11[%swap3A_1354, %swap3A_1355, %swap3A_1356] {strides = array<i32>} : memref<2x64x128xf32, #tpu.memory_space<vmem>>, vector<16xf32>,
        tpu.vector_store %arg11[%swap3A_1354, %swap3A_1355, %swap3A_1356], %mul3A_1352 {strides = array<i32>} : memref<2x64x128xf32, #tpu.memory_space<vmem>>, vector<16xf32>,
        %mul3A_1358 = arith.mulf %get3A_1339, %broadcast_in_dim3A_1333 : vector<16xf32>
        %add3A_1359 = arith.constant 16 : i32
        %add3A_1360 = arith.addi %squeeze3A_1328, %add3A_1359 : i32
        %swap3A_1361 = arith.constant 27 : i32
        %swap3A_1362 = arith.index_cast %rem3A_122 : i32 to index
        %swap3A_1363 = arith.index_cast %swap3A_1361 : i32 to index
        %swap3A_1364 = arith.index_cast %add3A_1360 : i32 to index
        %swap3A_1365 = tpu.vector_load %arg11[%swap3A_1362, %swap3A_1363, %swap3A_1364] {strides = array<i32>} : memref<2x64x128xf32, #tpu.memory_space<vmem>>, vector<16xf32>,
        tpu.vector_store %arg11[%swap3A_1362, %swap3A_1363, %swap3A_1364], %mul3A_1358 {strides = array<i32>} : memref<2x64x128xf32, #tpu.memory_space<vmem>>, vector<16xf32>,
        %slice3A_1366 = vector.extract_strided_slice %mul3A_861 {offsets = [12], sizes = [1], strides = [1]} : vector<16xi32> to vector<1xi32>
        %squeeze3A_1367 = vector.extract %slice3A_1366[0] : i32 from vector<1xi32>
        %slice3A_1368 = vector.extract_strided_slice %shift_left3A_867 {offsets = [12], sizes = [1], strides = [1]} : vector<16xi32> to vector<1xi32>
        %squeeze3A_1369 = vector.extract %slice3A_1368[0] : i32 from vector<1xi32>
        %slice3A_1370 = vector.extract_strided_slice %get3A_870 {offsets = [12], sizes = [1], strides = [1]} : vector<16xi32> to vector<1xi32>
        %squeeze3A_1371 = vector.extract %slice3A_1370[0] : i32 from vector<1xi32>
        %slice3A_1372 = vector.extract_strided_slice %get3A_836 {offsets = [12], sizes = [1], strides = [1]} : vector<16xf32> to vector<1xf32>
        %squeeze3A_1373 = vector.extract %slice3A_1372[0] : f32 from vector<1xf32>
        %broadcast_in_dim3A_1374 = vector.broadcast %squeeze3A_1373 : f32 to vector<16xf32>
        %get3A_1375 = arith.index_cast %squeeze3A_1367 : i32 to index
        %get3A_1376 = tpu.vector_load %arg8[%get3A_1375] {strides = array<i32>} : memref<20512xf32, #tpu.memory_space<vmem>>, vector<16xf32>,
        %add3A_1377 = arith.constant 16 : i32
        %add3A_1378 = arith.addi %squeeze3A_1367, %add3A_1377 : i32
        %get3A_1379 = arith.index_cast %add3A_1378 : i32 to index
        %get3A_1380 = tpu.vector_load %arg8[%get3A_1379] {strides = array<i32>} : memref<20512xf32, #tpu.memory_space<vmem>>, vector<16xf32>,
        %swap3A_1381 = arith.constant 28 : i32
        %swap3A_1382 = arith.index_cast %rem3A_122 : i32 to index
        %swap3A_1383 = arith.index_cast %swap3A_1381 : i32 to index
        %swap3A_1384 = arith.index_cast %squeeze3A_1371 : i32 to index
        %swap3A_1385 = tpu.vector_load %arg11[%swap3A_1382, %swap3A_1383, %swap3A_1384] {strides = array<i32>} : memref<2x64x128xf32, #tpu.memory_space<vmem>>, vector<16xf32>,
        tpu.vector_store %arg11[%swap3A_1382, %swap3A_1383, %swap3A_1384], %broadcast_in_dim3A_44 {strides = array<i32>} : memref<2x64x128xf32, #tpu.memory_space<vmem>>, vector<16xf32>,
        %add3A_1386 = arith.constant 16 : i32
        %add3A_1387 = arith.addi %squeeze3A_1371, %add3A_1386 : i32
        %swap3A_1388 = arith.constant 28 : i32
        %swap3A_1389 = arith.index_cast %rem3A_122 : i32 to index
        %swap3A_1390 = arith.index_cast %swap3A_1388 : i32 to index
        %swap3A_1391 = arith.index_cast %add3A_1387 : i32 to index
        %swap3A_1392 = tpu.vector_load %arg11[%swap3A_1389, %swap3A_1390, %swap3A_1391] {strides = array<i32>} : memref<2x64x128xf32, #tpu.memory_space<vmem>>, vector<16xf32>,
        tpu.vector_store %arg11[%swap3A_1389, %swap3A_1390, %swap3A_1391], %broadcast_in_dim3A_44 {strides = array<i32>} : memref<2x64x128xf32, #tpu.memory_space<vmem>>, vector<16xf32>,
        %mul3A_1393 = arith.mulf %get3A_1376, %broadcast_in_dim3A_1374 : vector<16xf32>
        %swap3A_1394 = arith.constant 28 : i32
        %swap3A_1395 = arith.index_cast %rem3A_122 : i32 to index
        %swap3A_1396 = arith.index_cast %swap3A_1394 : i32 to index
        %swap3A_1397 = arith.index_cast %squeeze3A_1369 : i32 to index
        %swap3A_1398 = tpu.vector_load %arg11[%swap3A_1395, %swap3A_1396, %swap3A_1397] {strides = array<i32>} : memref<2x64x128xf32, #tpu.memory_space<vmem>>, vector<16xf32>,
        tpu.vector_store %arg11[%swap3A_1395, %swap3A_1396, %swap3A_1397], %mul3A_1393 {strides = array<i32>} : memref<2x64x128xf32, #tpu.memory_space<vmem>>, vector<16xf32>,
        %mul3A_1399 = arith.mulf %get3A_1380, %broadcast_in_dim3A_1374 : vector<16xf32>
        %add3A_1400 = arith.constant 16 : i32
        %add3A_1401 = arith.addi %squeeze3A_1369, %add3A_1400 : i32
        %swap3A_1402 = arith.constant 28 : i32
        %swap3A_1403 = arith.index_cast %rem3A_122 : i32 to index
        %swap3A_1404 = arith.index_cast %swap3A_1402 : i32 to index
        %swap3A_1405 = arith.index_cast %add3A_1401 : i32 to index
        %swap3A_1406 = tpu.vector_load %arg11[%swap3A_1403, %swap3A_1404, %swap3A_1405] {strides = array<i32>} : memref<2x64x128xf32, #tpu.memory_space<vmem>>, vector<16xf32>,
        tpu.vector_store %arg11[%swap3A_1403, %swap3A_1404, %swap3A_1405], %mul3A_1399 {strides = array<i32>} : memref<2x64x128xf32, #tpu.memory_space<vmem>>, vector<16xf32>,
        %slice3A_1407 = vector.extract_strided_slice %mul3A_861 {offsets = [13], sizes = [1], strides = [1]} : vector<16xi32> to vector<1xi32>
        %squeeze3A_1408 = vector.extract %slice3A_1407[0] : i32 from vector<1xi32>
        %slice3A_1409 = vector.extract_strided_slice %shift_left3A_867 {offsets = [13], sizes = [1], strides = [1]} : vector<16xi32> to vector<1xi32>
        %squeeze3A_1410 = vector.extract %slice3A_1409[0] : i32 from vector<1xi32>
        %slice3A_1411 = vector.extract_strided_slice %get3A_870 {offsets = [13], sizes = [1], strides = [1]} : vector<16xi32> to vector<1xi32>
        %squeeze3A_1412 = vector.extract %slice3A_1411[0] : i32 from vector<1xi32>
        %slice3A_1413 = vector.extract_strided_slice %get3A_836 {offsets = [13], sizes = [1], strides = [1]} : vector<16xf32> to vector<1xf32>
        %squeeze3A_1414 = vector.extract %slice3A_1413[0] : f32 from vector<1xf32>
        %broadcast_in_dim3A_1415 = vector.broadcast %squeeze3A_1414 : f32 to vector<16xf32>
        %get3A_1416 = arith.index_cast %squeeze3A_1408 : i32 to index
        %get3A_1417 = tpu.vector_load %arg8[%get3A_1416] {strides = array<i32>} : memref<20512xf32, #tpu.memory_space<vmem>>, vector<16xf32>,
        %add3A_1418 = arith.constant 16 : i32
        %add3A_1419 = arith.addi %squeeze3A_1408, %add3A_1418 : i32
        %get3A_1420 = arith.index_cast %add3A_1419 : i32 to index
        %get3A_1421 = tpu.vector_load %arg8[%get3A_1420] {strides = array<i32>} : memref<20512xf32, #tpu.memory_space<vmem>>, vector<16xf32>,
        %swap3A_1422 = arith.constant 29 : i32
        %swap3A_1423 = arith.index_cast %rem3A_122 : i32 to index
        %swap3A_1424 = arith.index_cast %swap3A_1422 : i32 to index
        %swap3A_1425 = arith.index_cast %squeeze3A_1412 : i32 to index
        %swap3A_1426 = tpu.vector_load %arg11[%swap3A_1423, %swap3A_1424, %swap3A_1425] {strides = array<i32>} : memref<2x64x128xf32, #tpu.memory_space<vmem>>, vector<16xf32>,
        tpu.vector_store %arg11[%swap3A_1423, %swap3A_1424, %swap3A_1425], %broadcast_in_dim3A_44 {strides = array<i32>} : memref<2x64x128xf32, #tpu.memory_space<vmem>>, vector<16xf32>,
        %add3A_1427 = arith.constant 16 : i32
        %add3A_1428 = arith.addi %squeeze3A_1412, %add3A_1427 : i32
        %swap3A_1429 = arith.constant 29 : i32
        %swap3A_1430 = arith.index_cast %rem3A_122 : i32 to index
        %swap3A_1431 = arith.index_cast %swap3A_1429 : i32 to index
        %swap3A_1432 = arith.index_cast %add3A_1428 : i32 to index
        %swap3A_1433 = tpu.vector_load %arg11[%swap3A_1430, %swap3A_1431, %swap3A_1432] {strides = array<i32>} : memref<2x64x128xf32, #tpu.memory_space<vmem>>, vector<16xf32>,
        tpu.vector_store %arg11[%swap3A_1430, %swap3A_1431, %swap3A_1432], %broadcast_in_dim3A_44 {strides = array<i32>} : memref<2x64x128xf32, #tpu.memory_space<vmem>>, vector<16xf32>,
        %mul3A_1434 = arith.mulf %get3A_1417, %broadcast_in_dim3A_1415 : vector<16xf32>
        %swap3A_1435 = arith.constant 29 : i32
        %swap3A_1436 = arith.index_cast %rem3A_122 : i32 to index
        %swap3A_1437 = arith.index_cast %swap3A_1435 : i32 to index
        %swap3A_1438 = arith.index_cast %squeeze3A_1410 : i32 to index
        %swap3A_1439 = tpu.vector_load %arg11[%swap3A_1436, %swap3A_1437, %swap3A_1438] {strides = array<i32>} : memref<2x64x128xf32, #tpu.memory_space<vmem>>, vector<16xf32>,
        tpu.vector_store %arg11[%swap3A_1436, %swap3A_1437, %swap3A_1438], %mul3A_1434 {strides = array<i32>} : memref<2x64x128xf32, #tpu.memory_space<vmem>>, vector<16xf32>,
        %mul3A_1440 = arith.mulf %get3A_1421, %broadcast_in_dim3A_1415 : vector<16xf32>
        %add3A_1441 = arith.constant 16 : i32
        %add3A_1442 = arith.addi %squeeze3A_1410, %add3A_1441 : i32
        %swap3A_1443 = arith.constant 29 : i32
        %swap3A_1444 = arith.index_cast %rem3A_122 : i32 to index
        %swap3A_1445 = arith.index_cast %swap3A_1443 : i32 to index
        %swap3A_1446 = arith.index_cast %add3A_1442 : i32 to index
        %swap3A_1447 = tpu.vector_load %arg11[%swap3A_1444, %swap3A_1445, %swap3A_1446] {strides = array<i32>} : memref<2x64x128xf32, #tpu.memory_space<vmem>>, vector<16xf32>,
        tpu.vector_store %arg11[%swap3A_1444, %swap3A_1445, %swap3A_1446], %mul3A_1440 {strides = array<i32>} : memref<2x64x128xf32, #tpu.memory_space<vmem>>, vector<16xf32>,
        %slice3A_1448 = vector.extract_strided_slice %mul3A_861 {offsets = [14], sizes = [1], strides = [1]} : vector<16xi32> to vector<1xi32>
        %squeeze3A_1449 = vector.extract %slice3A_1448[0] : i32 from vector<1xi32>
        %slice3A_1450 = vector.extract_strided_slice %shift_left3A_867 {offsets = [14], sizes = [1], strides = [1]} : vector<16xi32> to vector<1xi32>
        %squeeze3A_1451 = vector.extract %slice3A_1450[0] : i32 from vector<1xi32>
        %slice3A_1452 = vector.extract_strided_slice %get3A_870 {offsets = [14], sizes = [1], strides = [1]} : vector<16xi32> to vector<1xi32>
        %squeeze3A_1453 = vector.extract %slice3A_1452[0] : i32 from vector<1xi32>
        %slice3A_1454 = vector.extract_strided_slice %get3A_836 {offsets = [14], sizes = [1], strides = [1]} : vector<16xf32> to vector<1xf32>
        %squeeze3A_1455 = vector.extract %slice3A_1454[0] : f32 from vector<1xf32>
        %broadcast_in_dim3A_1456 = vector.broadcast %squeeze3A_1455 : f32 to vector<16xf32>
        %get3A_1457 = arith.index_cast %squeeze3A_1449 : i32 to index
        %get3A_1458 = tpu.vector_load %arg8[%get3A_1457] {strides = array<i32>} : memref<20512xf32, #tpu.memory_space<vmem>>, vector<16xf32>,
        %add3A_1459 = arith.constant 16 : i32
        %add3A_1460 = arith.addi %squeeze3A_1449, %add3A_1459 : i32
        %get3A_1461 = arith.index_cast %add3A_1460 : i32 to index
        %get3A_1462 = tpu.vector_load %arg8[%get3A_1461] {strides = array<i32>} : memref<20512xf32, #tpu.memory_space<vmem>>, vector<16xf32>,
        %swap3A_1463 = arith.constant 30 : i32
        %swap3A_1464 = arith.index_cast %rem3A_122 : i32 to index
        %swap3A_1465 = arith.index_cast %swap3A_1463 : i32 to index
        %swap3A_1466 = arith.index_cast %squeeze3A_1453 : i32 to index
        %swap3A_1467 = tpu.vector_load %arg11[%swap3A_1464, %swap3A_1465, %swap3A_1466] {strides = array<i32>} : memref<2x64x128xf32, #tpu.memory_space<vmem>>, vector<16xf32>,
        tpu.vector_store %arg11[%swap3A_1464, %swap3A_1465, %swap3A_1466], %broadcast_in_dim3A_44 {strides = array<i32>} : memref<2x64x128xf32, #tpu.memory_space<vmem>>, vector<16xf32>,
        %add3A_1468 = arith.constant 16 : i32
        %add3A_1469 = arith.addi %squeeze3A_1453, %add3A_1468 : i32
        %swap3A_1470 = arith.constant 30 : i32
        %swap3A_1471 = arith.index_cast %rem3A_122 : i32 to index
        %swap3A_1472 = arith.index_cast %swap3A_1470 : i32 to index
        %swap3A_1473 = arith.index_cast %add3A_1469 : i32 to index
        %swap3A_1474 = tpu.vector_load %arg11[%swap3A_1471, %swap3A_1472, %swap3A_1473] {strides = array<i32>} : memref<2x64x128xf32, #tpu.memory_space<vmem>>, vector<16xf32>,
        tpu.vector_store %arg11[%swap3A_1471, %swap3A_1472, %swap3A_1473], %broadcast_in_dim3A_44 {strides = array<i32>} : memref<2x64x128xf32, #tpu.memory_space<vmem>>, vector<16xf32>,
        %mul3A_1475 = arith.mulf %get3A_1458, %broadcast_in_dim3A_1456 : vector<16xf32>
        %swap3A_1476 = arith.constant 30 : i32
        %swap3A_1477 = arith.index_cast %rem3A_122 : i32 to index
        %swap3A_1478 = arith.index_cast %swap3A_1476 : i32 to index
        %swap3A_1479 = arith.index_cast %squeeze3A_1451 : i32 to index
        %swap3A_1480 = tpu.vector_load %arg11[%swap3A_1477, %swap3A_1478, %swap3A_1479] {strides = array<i32>} : memref<2x64x128xf32, #tpu.memory_space<vmem>>, vector<16xf32>,
        tpu.vector_store %arg11[%swap3A_1477, %swap3A_1478, %swap3A_1479], %mul3A_1475 {strides = array<i32>} : memref<2x64x128xf32, #tpu.memory_space<vmem>>, vector<16xf32>,
        %mul3A_1481 = arith.mulf %get3A_1462, %broadcast_in_dim3A_1456 : vector<16xf32>
        %add3A_1482 = arith.constant 16 : i32
        %add3A_1483 = arith.addi %squeeze3A_1451, %add3A_1482 : i32
        %swap3A_1484 = arith.constant 30 : i32
        %swap3A_1485 = arith.index_cast %rem3A_122 : i32 to index
        %swap3A_1486 = arith.index_cast %swap3A_1484 : i32 to index
        %swap3A_1487 = arith.index_cast %add3A_1483 : i32 to index
        %swap3A_1488 = tpu.vector_load %arg11[%swap3A_1485, %swap3A_1486, %swap3A_1487] {strides = array<i32>} : memref<2x64x128xf32, #tpu.memory_space<vmem>>, vector<16xf32>,
        tpu.vector_store %arg11[%swap3A_1485, %swap3A_1486, %swap3A_1487], %mul3A_1481 {strides = array<i32>} : memref<2x64x128xf32, #tpu.memory_space<vmem>>, vector<16xf32>,
        %slice3A_1489 = vector.extract_strided_slice %mul3A_861 {offsets = [15], sizes = [1], strides = [1]} : vector<16xi32> to vector<1xi32>
        %squeeze3A_1490 = vector.extract %slice3A_1489[0] : i32 from vector<1xi32>
        %slice3A_1491 = vector.extract_strided_slice %shift_left3A_867 {offsets = [15], sizes = [1], strides = [1]} : vector<16xi32> to vector<1xi32>
        %squeeze3A_1492 = vector.extract %slice3A_1491[0] : i32 from vector<1xi32>
        %slice3A_1493 = vector.extract_strided_slice %get3A_870 {offsets = [15], sizes = [1], strides = [1]} : vector<16xi32> to vector<1xi32>
        %squeeze3A_1494 = vector.extract %slice3A_1493[0] : i32 from vector<1xi32>
        %slice3A_1495 = vector.extract_strided_slice %get3A_836 {offsets = [15], sizes = [1], strides = [1]} : vector<16xf32> to vector<1xf32>
        %squeeze3A_1496 = vector.extract %slice3A_1495[0] : f32 from vector<1xf32>
        %broadcast_in_dim3A_1497 = vector.broadcast %squeeze3A_1496 : f32 to vector<16xf32>
        %get3A_1498 = arith.index_cast %squeeze3A_1490 : i32 to index
        %get3A_1499 = tpu.vector_load %arg8[%get3A_1498] {strides = array<i32>} : memref<20512xf32, #tpu.memory_space<vmem>>, vector<16xf32>,
        %add3A_1500 = arith.constant 16 : i32
        %add3A_1501 = arith.addi %squeeze3A_1490, %add3A_1500 : i32
        %get3A_1502 = arith.index_cast %add3A_1501 : i32 to index
        %get3A_1503 = tpu.vector_load %arg8[%get3A_1502] {strides = array<i32>} : memref<20512xf32, #tpu.memory_space<vmem>>, vector<16xf32>,
        %swap3A_1504 = arith.constant 31 : i32
        %swap3A_1505 = arith.index_cast %rem3A_122 : i32 to index
        %swap3A_1506 = arith.index_cast %swap3A_1504 : i32 to index
        %swap3A_1507 = arith.index_cast %squeeze3A_1494 : i32 to index
        %swap3A_1508 = tpu.vector_load %arg11[%swap3A_1505, %swap3A_1506, %swap3A_1507] {strides = array<i32>} : memref<2x64x128xf32, #tpu.memory_space<vmem>>, vector<16xf32>,
        tpu.vector_store %arg11[%swap3A_1505, %swap3A_1506, %swap3A_1507], %broadcast_in_dim3A_44 {strides = array<i32>} : memref<2x64x128xf32, #tpu.memory_space<vmem>>, vector<16xf32>,
        %add3A_1509 = arith.constant 16 : i32
        %add3A_1510 = arith.addi %squeeze3A_1494, %add3A_1509 : i32
        %swap3A_1511 = arith.constant 31 : i32
        %swap3A_1512 = arith.index_cast %rem3A_122 : i32 to index
        %swap3A_1513 = arith.index_cast %swap3A_1511 : i32 to index
        %swap3A_1514 = arith.index_cast %add3A_1510 : i32 to index
        %swap3A_1515 = tpu.vector_load %arg11[%swap3A_1512, %swap3A_1513, %swap3A_1514] {strides = array<i32>} : memref<2x64x128xf32, #tpu.memory_space<vmem>>, vector<16xf32>,
        tpu.vector_store %arg11[%swap3A_1512, %swap3A_1513, %swap3A_1514], %broadcast_in_dim3A_44 {strides = array<i32>} : memref<2x64x128xf32, #tpu.memory_space<vmem>>, vector<16xf32>,
        %mul3A_1516 = arith.mulf %get3A_1499, %broadcast_in_dim3A_1497 : vector<16xf32>
        %swap3A_1517 = arith.constant 31 : i32
        %swap3A_1518 = arith.index_cast %rem3A_122 : i32 to index
        %swap3A_1519 = arith.index_cast %swap3A_1517 : i32 to index
        %swap3A_1520 = arith.index_cast %squeeze3A_1492 : i32 to index
        %swap3A_1521 = tpu.vector_load %arg11[%swap3A_1518, %swap3A_1519, %swap3A_1520] {strides = array<i32>} : memref<2x64x128xf32, #tpu.memory_space<vmem>>, vector<16xf32>,
        tpu.vector_store %arg11[%swap3A_1518, %swap3A_1519, %swap3A_1520], %mul3A_1516 {strides = array<i32>} : memref<2x64x128xf32, #tpu.memory_space<vmem>>, vector<16xf32>,
        %mul3A_1522 = arith.mulf %get3A_1503, %broadcast_in_dim3A_1497 : vector<16xf32>
        %add3A_1523 = arith.constant 16 : i32
        %add3A_1524 = arith.addi %squeeze3A_1492, %add3A_1523 : i32
        %swap3A_1525 = arith.constant 31 : i32
        %swap3A_1526 = arith.index_cast %rem3A_122 : i32 to index
        %swap3A_1527 = arith.index_cast %swap3A_1525 : i32 to index
        %swap3A_1528 = arith.index_cast %add3A_1524 : i32 to index
        %swap3A_1529 = tpu.vector_load %arg11[%swap3A_1526, %swap3A_1527, %swap3A_1528] {strides = array<i32>} : memref<2x64x128xf32, #tpu.memory_space<vmem>>, vector<16xf32>,
        tpu.vector_store %arg11[%swap3A_1526, %swap3A_1527, %swap3A_1528], %mul3A_1522 {strides = array<i32>} : memref<2x64x128xf32, #tpu.memory_space<vmem>>, vector<16xf32>,
        %add3A_1530 = arith.constant 32 : i32
        %add3A_1531 = arith.addi %shift_left3A_131, %add3A_1530 : i32
        %get3A_1532 = arith.index_cast %shift_right_logical3A_129 : i32 to index
        %get3A_1533 = arith.index_cast %add3A_1531 : i32 to index
        %get3A_1534 = tpu.vector_load %arg9[%get3A_1532, %get3A_1533] {strides = array<i32>} : memref<128x128xi32, #tpu.memory_space<vmem>>, vector<16xi32>,
        %get3A_1535 = arith.index_cast %shift_right_logical3A_129 : i32 to index
        %get3A_1536 = arith.index_cast %add3A_1531 : i32 to index
        %get3A_1537 = tpu.vector_load %arg10[%get3A_1535, %get3A_1536] {strides = array<i32>} : memref<128x128xf32, #tpu.memory_space<vmem>>, vector<16xf32>,
        %and3A_1538 = arith.constant 16383 : i32
        %and3A_1539 = vector.broadcast %and3A_1538 : i32 to vector<16xi32>
        %and3A_1540 = arith.andi %get3A_1534, %and3A_1539 : vector<16xi32>
        %shift_right_logical3A_1541 = arith.constant 14 : i32
        %shift_right_logical3A_1542 = vector.broadcast %shift_right_logical3A_1541 : i32 to vector<16xi32>
        %shift_right_logical3A_1543 = arith.shrui %get3A_1534, %shift_right_logical3A_1542 : vector<16xi32>
        %shift_right_logical3A_1544 = arith.constant 2 : i32
        %shift_right_logical3A_1545 = vector.broadcast %shift_right_logical3A_1544 : i32 to vector<16xi32>
        %shift_right_logical3A_1546 = arith.shrui %and3A_1540, %shift_right_logical3A_1545 : vector<16xi32>
        %swap3A_1547 = arith.index_cast %rem3A_122 : i32 to index
        %swap3A_1548 = arith.constant 32 : index
        %swap3A_1549 = tpu.vector_load %arg12[%swap3A_1547, %swap3A_1548] {strides = array<i32>} : memref<2x64xi32, #tpu.memory_space<vmem>>, vector<16xi32>,
        tpu.vector_store %arg12[%swap3A_1547, %swap3A_1548], %shift_right_logical3A_1546 {strides = array<i32>} : memref<2x64xi32, #tpu.memory_space<vmem>>, vector<16xi32>,
        %mul3A_1550 = arith.constant 52348 : i32
        %mul3A_1551 = vector.broadcast %mul3A_1550 : i32 to vector<16xi32>
        %mul3A_1552 = arith.muli %shift_right_logical3A_1543, %mul3A_1551 : vector<16xi32>
        %shift_right_logical3A_1553 = arith.constant 25 : i32
        %shift_right_logical3A_1554 = vector.broadcast %shift_right_logical3A_1553 : i32 to vector<16xi32>
        %shift_right_logical3A_1555 = arith.shrui %mul3A_1552, %shift_right_logical3A_1554 : vector<16xi32>
        %mul3A_1556 = arith.constant 641 : i32
        %mul3A_1557 = vector.broadcast %mul3A_1556 : i32 to vector<16xi32>
        %mul3A_1558 = arith.muli %shift_right_logical3A_1555, %mul3A_1557 : vector<16xi32>
        %sub3A_1559 = arith.subi %shift_right_logical3A_1543, %mul3A_1558 : vector<16xi32>
        %mul3A_1560 = arith.constant 32 : i32
        %mul3A_1561 = vector.broadcast %mul3A_1560 : i32 to vector<16xi32>
        %mul3A_1562 = arith.muli %sub3A_1559, %mul3A_1561 : vector<16xi32>
        %and3A_1563 = arith.constant 3 : i32
        %and3A_1564 = vector.broadcast %and3A_1563 : i32 to vector<16xi32>
        %and3A_1565 = arith.andi %and3A_1540, %and3A_1564 : vector<16xi32>
        %shift_left3A_1566 = arith.constant 5 : i32
        %shift_left3A_1567 = vector.broadcast %shift_left3A_1566 : i32 to vector<16xi32>
        %shift_left3A_1568 = arith.shli %and3A_1565, %shift_left3A_1567 : vector<16xi32>
        %get3A_1569 = arith.index_cast %rem3A_122 : i32 to index
        %get3A_1570 = arith.constant 32 : index
        %get3A_1571 = tpu.vector_load %arg13[%get3A_1569, %get3A_1570] {strides = array<i32>} : memref<2x64xi32, #tpu.memory_space<vmem>>, vector<16xi32>,
        %swap3A_1572 = arith.index_cast %rem3A_122 : i32 to index
        %swap3A_1573 = arith.constant 32 : index
        %swap3A_1574 = tpu.vector_load %arg13[%swap3A_1572, %swap3A_1573] {strides = array<i32>} : memref<2x64xi32, #tpu.memory_space<vmem>>, vector<16xi32>,
        tpu.vector_store %arg13[%swap3A_1572, %swap3A_1573], %shift_left3A_1568 {strides = array<i32>} : memref<2x64xi32, #tpu.memory_space<vmem>>, vector<16xi32>,
        %slice3A_1575 = vector.extract_strided_slice %mul3A_1562 {offsets = [0], sizes = [1], strides = [1]} : vector<16xi32> to vector<1xi32>
        %squeeze3A_1576 = vector.extract %slice3A_1575[0] : i32 from vector<1xi32>
        %slice3A_1577 = vector.extract_strided_slice %shift_left3A_1568 {offsets = [0], sizes = [1], strides = [1]} : vector<16xi32> to vector<1xi32>
        %squeeze3A_1578 = vector.extract %slice3A_1577[0] : i32 from vector<1xi32>
        %slice3A_1579 = vector.extract_strided_slice %get3A_1571 {offsets = [0], sizes = [1], strides = [1]} : vector<16xi32> to vector<1xi32>
        %squeeze3A_1580 = vector.extract %slice3A_1579[0] : i32 from vector<1xi32>
        %slice3A_1581 = vector.extract_strided_slice %get3A_1537 {offsets = [0], sizes = [1], strides = [1]} : vector<16xf32> to vector<1xf32>
        %squeeze3A_1582 = vector.extract %slice3A_1581[0] : f32 from vector<1xf32>
        %broadcast_in_dim3A_1583 = vector.broadcast %squeeze3A_1582 : f32 to vector<16xf32>
        %get3A_1584 = arith.index_cast %squeeze3A_1576 : i32 to index
        %get3A_1585 = tpu.vector_load %arg8[%get3A_1584] {strides = array<i32>} : memref<20512xf32, #tpu.memory_space<vmem>>, vector<16xf32>,
        %add3A_1586 = arith.constant 16 : i32
        %add3A_1587 = arith.addi %squeeze3A_1576, %add3A_1586 : i32
        %get3A_1588 = arith.index_cast %add3A_1587 : i32 to index
        %get3A_1589 = tpu.vector_load %arg8[%get3A_1588] {strides = array<i32>} : memref<20512xf32, #tpu.memory_space<vmem>>, vector<16xf32>,
        %swap3A_1590 = arith.constant 32 : i32
        %swap3A_1591 = arith.index_cast %rem3A_122 : i32 to index
        %swap3A_1592 = arith.index_cast %swap3A_1590 : i32 to index
        %swap3A_1593 = arith.index_cast %squeeze3A_1580 : i32 to index
        %swap3A_1594 = tpu.vector_load %arg11[%swap3A_1591, %swap3A_1592, %swap3A_1593] {strides = array<i32>} : memref<2x64x128xf32, #tpu.memory_space<vmem>>, vector<16xf32>,
        tpu.vector_store %arg11[%swap3A_1591, %swap3A_1592, %swap3A_1593], %broadcast_in_dim3A_44 {strides = array<i32>} : memref<2x64x128xf32, #tpu.memory_space<vmem>>, vector<16xf32>,
        %add3A_1595 = arith.constant 16 : i32
        %add3A_1596 = arith.addi %squeeze3A_1580, %add3A_1595 : i32
        %swap3A_1597 = arith.constant 32 : i32
        %swap3A_1598 = arith.index_cast %rem3A_122 : i32 to index
        %swap3A_1599 = arith.index_cast %swap3A_1597 : i32 to index
        %swap3A_1600 = arith.index_cast %add3A_1596 : i32 to index
        %swap3A_1601 = tpu.vector_load %arg11[%swap3A_1598, %swap3A_1599, %swap3A_1600] {strides = array<i32>} : memref<2x64x128xf32, #tpu.memory_space<vmem>>, vector<16xf32>,
        tpu.vector_store %arg11[%swap3A_1598, %swap3A_1599, %swap3A_1600], %broadcast_in_dim3A_44 {strides = array<i32>} : memref<2x64x128xf32, #tpu.memory_space<vmem>>, vector<16xf32>,
        %mul3A_1602 = arith.mulf %get3A_1585, %broadcast_in_dim3A_1583 : vector<16xf32>
        %swap3A_1603 = arith.constant 32 : i32
        %swap3A_1604 = arith.index_cast %rem3A_122 : i32 to index
        %swap3A_1605 = arith.index_cast %swap3A_1603 : i32 to index
        %swap3A_1606 = arith.index_cast %squeeze3A_1578 : i32 to index
        %swap3A_1607 = tpu.vector_load %arg11[%swap3A_1604, %swap3A_1605, %swap3A_1606] {strides = array<i32>} : memref<2x64x128xf32, #tpu.memory_space<vmem>>, vector<16xf32>,
        tpu.vector_store %arg11[%swap3A_1604, %swap3A_1605, %swap3A_1606], %mul3A_1602 {strides = array<i32>} : memref<2x64x128xf32, #tpu.memory_space<vmem>>, vector<16xf32>,
        %mul3A_1608 = arith.mulf %get3A_1589, %broadcast_in_dim3A_1583 : vector<16xf32>
        %add3A_1609 = arith.constant 16 : i32
        %add3A_1610 = arith.addi %squeeze3A_1578, %add3A_1609 : i32
        %swap3A_1611 = arith.constant 32 : i32
        %swap3A_1612 = arith.index_cast %rem3A_122 : i32 to index
        %swap3A_1613 = arith.index_cast %swap3A_1611 : i32 to index
        %swap3A_1614 = arith.index_cast %add3A_1610 : i32 to index
        %swap3A_1615 = tpu.vector_load %arg11[%swap3A_1612, %swap3A_1613, %swap3A_1614] {strides = array<i32>} : memref<2x64x128xf32, #tpu.memory_space<vmem>>, vector<16xf32>,
        tpu.vector_store %arg11[%swap3A_1612, %swap3A_1613, %swap3A_1614], %mul3A_1608 {strides = array<i32>} : memref<2x64x128xf32, #tpu.memory_space<vmem>>, vector<16xf32>,
        %slice3A_1616 = vector.extract_strided_slice %mul3A_1562 {offsets = [1], sizes = [1], strides = [1]} : vector<16xi32> to vector<1xi32>
        %squeeze3A_1617 = vector.extract %slice3A_1616[0] : i32 from vector<1xi32>
        %slice3A_1618 = vector.extract_strided_slice %shift_left3A_1568 {offsets = [1], sizes = [1], strides = [1]} : vector<16xi32> to vector<1xi32>
        %squeeze3A_1619 = vector.extract %slice3A_1618[0] : i32 from vector<1xi32>
        %slice3A_1620 = vector.extract_strided_slice %get3A_1571 {offsets = [1], sizes = [1], strides = [1]} : vector<16xi32> to vector<1xi32>
        %squeeze3A_1621 = vector.extract %slice3A_1620[0] : i32 from vector<1xi32>
        %slice3A_1622 = vector.extract_strided_slice %get3A_1537 {offsets = [1], sizes = [1], strides = [1]} : vector<16xf32> to vector<1xf32>
        %squeeze3A_1623 = vector.extract %slice3A_1622[0] : f32 from vector<1xf32>
        %broadcast_in_dim3A_1624 = vector.broadcast %squeeze3A_1623 : f32 to vector<16xf32>
        %get3A_1625 = arith.index_cast %squeeze3A_1617 : i32 to index
        %get3A_1626 = tpu.vector_load %arg8[%get3A_1625] {strides = array<i32>} : memref<20512xf32, #tpu.memory_space<vmem>>, vector<16xf32>,
        %add3A_1627 = arith.constant 16 : i32
        %add3A_1628 = arith.addi %squeeze3A_1617, %add3A_1627 : i32
        %get3A_1629 = arith.index_cast %add3A_1628 : i32 to index
        %get3A_1630 = tpu.vector_load %arg8[%get3A_1629] {strides = array<i32>} : memref<20512xf32, #tpu.memory_space<vmem>>, vector<16xf32>,
        %swap3A_1631 = arith.constant 33 : i32
        %swap3A_1632 = arith.index_cast %rem3A_122 : i32 to index
        %swap3A_1633 = arith.index_cast %swap3A_1631 : i32 to index
        %swap3A_1634 = arith.index_cast %squeeze3A_1621 : i32 to index
        %swap3A_1635 = tpu.vector_load %arg11[%swap3A_1632, %swap3A_1633, %swap3A_1634] {strides = array<i32>} : memref<2x64x128xf32, #tpu.memory_space<vmem>>, vector<16xf32>,
        tpu.vector_store %arg11[%swap3A_1632, %swap3A_1633, %swap3A_1634], %broadcast_in_dim3A_44 {strides = array<i32>} : memref<2x64x128xf32, #tpu.memory_space<vmem>>, vector<16xf32>,
        %add3A_1636 = arith.constant 16 : i32
        %add3A_1637 = arith.addi %squeeze3A_1621, %add3A_1636 : i32
        %swap3A_1638 = arith.constant 33 : i32
        %swap3A_1639 = arith.index_cast %rem3A_122 : i32 to index
        %swap3A_1640 = arith.index_cast %swap3A_1638 : i32 to index
        %swap3A_1641 = arith.index_cast %add3A_1637 : i32 to index
        %swap3A_1642 = tpu.vector_load %arg11[%swap3A_1639, %swap3A_1640, %swap3A_1641] {strides = array<i32>} : memref<2x64x128xf32, #tpu.memory_space<vmem>>, vector<16xf32>,
        tpu.vector_store %arg11[%swap3A_1639, %swap3A_1640, %swap3A_1641], %broadcast_in_dim3A_44 {strides = array<i32>} : memref<2x64x128xf32, #tpu.memory_space<vmem>>, vector<16xf32>,
        %mul3A_1643 = arith.mulf %get3A_1626, %broadcast_in_dim3A_1624 : vector<16xf32>
        %swap3A_1644 = arith.constant 33 : i32
        %swap3A_1645 = arith.index_cast %rem3A_122 : i32 to index
        %swap3A_1646 = arith.index_cast %swap3A_1644 : i32 to index
        %swap3A_1647 = arith.index_cast %squeeze3A_1619 : i32 to index
        %swap3A_1648 = tpu.vector_load %arg11[%swap3A_1645, %swap3A_1646, %swap3A_1647] {strides = array<i32>} : memref<2x64x128xf32, #tpu.memory_space<vmem>>, vector<16xf32>,
        tpu.vector_store %arg11[%swap3A_1645, %swap3A_1646, %swap3A_1647], %mul3A_1643 {strides = array<i32>} : memref<2x64x128xf32, #tpu.memory_space<vmem>>, vector<16xf32>,
        %mul3A_1649 = arith.mulf %get3A_1630, %broadcast_in_dim3A_1624 : vector<16xf32>
        %add3A_1650 = arith.constant 16 : i32
        %add3A_1651 = arith.addi %squeeze3A_1619, %add3A_1650 : i32
        %swap3A_1652 = arith.constant 33 : i32
        %swap3A_1653 = arith.index_cast %rem3A_122 : i32 to index
        %swap3A_1654 = arith.index_cast %swap3A_1652 : i32 to index
        %swap3A_1655 = arith.index_cast %add3A_1651 : i32 to index
        %swap3A_1656 = tpu.vector_load %arg11[%swap3A_1653, %swap3A_1654, %swap3A_1655] {strides = array<i32>} : memref<2x64x128xf32, #tpu.memory_space<vmem>>, vector<16xf32>,
        tpu.vector_store %arg11[%swap3A_1653, %swap3A_1654, %swap3A_1655], %mul3A_1649 {strides = array<i32>} : memref<2x64x128xf32, #tpu.memory_space<vmem>>, vector<16xf32>,
        %slice3A_1657 = vector.extract_strided_slice %mul3A_1562 {offsets = [2], sizes = [1], strides = [1]} : vector<16xi32> to vector<1xi32>
        %squeeze3A_1658 = vector.extract %slice3A_1657[0] : i32 from vector<1xi32>
        %slice3A_1659 = vector.extract_strided_slice %shift_left3A_1568 {offsets = [2], sizes = [1], strides = [1]} : vector<16xi32> to vector<1xi32>
        %squeeze3A_1660 = vector.extract %slice3A_1659[0] : i32 from vector<1xi32>
        %slice3A_1661 = vector.extract_strided_slice %get3A_1571 {offsets = [2], sizes = [1], strides = [1]} : vector<16xi32> to vector<1xi32>
        %squeeze3A_1662 = vector.extract %slice3A_1661[0] : i32 from vector<1xi32>
        %slice3A_1663 = vector.extract_strided_slice %get3A_1537 {offsets = [2], sizes = [1], strides = [1]} : vector<16xf32> to vector<1xf32>
        %squeeze3A_1664 = vector.extract %slice3A_1663[0] : f32 from vector<1xf32>
        %broadcast_in_dim3A_1665 = vector.broadcast %squeeze3A_1664 : f32 to vector<16xf32>
        %get3A_1666 = arith.index_cast %squeeze3A_1658 : i32 to index
        %get3A_1667 = tpu.vector_load %arg8[%get3A_1666] {strides = array<i32>} : memref<20512xf32, #tpu.memory_space<vmem>>, vector<16xf32>,
        %add3A_1668 = arith.constant 16 : i32
        %add3A_1669 = arith.addi %squeeze3A_1658, %add3A_1668 : i32
        %get3A_1670 = arith.index_cast %add3A_1669 : i32 to index
        %get3A_1671 = tpu.vector_load %arg8[%get3A_1670] {strides = array<i32>} : memref<20512xf32, #tpu.memory_space<vmem>>, vector<16xf32>,
        %swap3A_1672 = arith.constant 34 : i32
        %swap3A_1673 = arith.index_cast %rem3A_122 : i32 to index
        %swap3A_1674 = arith.index_cast %swap3A_1672 : i32 to index
        %swap3A_1675 = arith.index_cast %squeeze3A_1662 : i32 to index
        %swap3A_1676 = tpu.vector_load %arg11[%swap3A_1673, %swap3A_1674, %swap3A_1675] {strides = array<i32>} : memref<2x64x128xf32, #tpu.memory_space<vmem>>, vector<16xf32>,
        tpu.vector_store %arg11[%swap3A_1673, %swap3A_1674, %swap3A_1675], %broadcast_in_dim3A_44 {strides = array<i32>} : memref<2x64x128xf32, #tpu.memory_space<vmem>>, vector<16xf32>,
        %add3A_1677 = arith.constant 16 : i32
        %add3A_1678 = arith.addi %squeeze3A_1662, %add3A_1677 : i32
        %swap3A_1679 = arith.constant 34 : i32
        %swap3A_1680 = arith.index_cast %rem3A_122 : i32 to index
        %swap3A_1681 = arith.index_cast %swap3A_1679 : i32 to index
        %swap3A_1682 = arith.index_cast %add3A_1678 : i32 to index
        %swap3A_1683 = tpu.vector_load %arg11[%swap3A_1680, %swap3A_1681, %swap3A_1682] {strides = array<i32>} : memref<2x64x128xf32, #tpu.memory_space<vmem>>, vector<16xf32>,
        tpu.vector_store %arg11[%swap3A_1680, %swap3A_1681, %swap3A_1682], %broadcast_in_dim3A_44 {strides = array<i32>} : memref<2x64x128xf32, #tpu.memory_space<vmem>>, vector<16xf32>,
        %mul3A_1684 = arith.mulf %get3A_1667, %broadcast_in_dim3A_1665 : vector<16xf32>
        %swap3A_1685 = arith.constant 34 : i32
        %swap3A_1686 = arith.index_cast %rem3A_122 : i32 to index
        %swap3A_1687 = arith.index_cast %swap3A_1685 : i32 to index
        %swap3A_1688 = arith.index_cast %squeeze3A_1660 : i32 to index
        %swap3A_1689 = tpu.vector_load %arg11[%swap3A_1686, %swap3A_1687, %swap3A_1688] {strides = array<i32>} : memref<2x64x128xf32, #tpu.memory_space<vmem>>, vector<16xf32>,
        tpu.vector_store %arg11[%swap3A_1686, %swap3A_1687, %swap3A_1688], %mul3A_1684 {strides = array<i32>} : memref<2x64x128xf32, #tpu.memory_space<vmem>>, vector<16xf32>,
        %mul3A_1690 = arith.mulf %get3A_1671, %broadcast_in_dim3A_1665 : vector<16xf32>
        %add3A_1691 = arith.constant 16 : i32
        %add3A_1692 = arith.addi %squeeze3A_1660, %add3A_1691 : i32
        %swap3A_1693 = arith.constant 34 : i32
        %swap3A_1694 = arith.index_cast %rem3A_122 : i32 to index
        %swap3A_1695 = arith.index_cast %swap3A_1693 : i32 to index
        %swap3A_1696 = arith.index_cast %add3A_1692 : i32 to index
        %swap3A_1697 = tpu.vector_load %arg11[%swap3A_1694, %swap3A_1695, %swap3A_1696] {strides = array<i32>} : memref<2x64x128xf32, #tpu.memory_space<vmem>>, vector<16xf32>,
        tpu.vector_store %arg11[%swap3A_1694, %swap3A_1695, %swap3A_1696], %mul3A_1690 {strides = array<i32>} : memref<2x64x128xf32, #tpu.memory_space<vmem>>, vector<16xf32>,
        %slice3A_1698 = vector.extract_strided_slice %mul3A_1562 {offsets = [3], sizes = [1], strides = [1]} : vector<16xi32> to vector<1xi32>
        %squeeze3A_1699 = vector.extract %slice3A_1698[0] : i32 from vector<1xi32>
        %slice3A_1700 = vector.extract_strided_slice %shift_left3A_1568 {offsets = [3], sizes = [1], strides = [1]} : vector<16xi32> to vector<1xi32>
        %squeeze3A_1701 = vector.extract %slice3A_1700[0] : i32 from vector<1xi32>
        %slice3A_1702 = vector.extract_strided_slice %get3A_1571 {offsets = [3], sizes = [1], strides = [1]} : vector<16xi32> to vector<1xi32>
        %squeeze3A_1703 = vector.extract %slice3A_1702[0] : i32 from vector<1xi32>
        %slice3A_1704 = vector.extract_strided_slice %get3A_1537 {offsets = [3], sizes = [1], strides = [1]} : vector<16xf32> to vector<1xf32>
        %squeeze3A_1705 = vector.extract %slice3A_1704[0] : f32 from vector<1xf32>
        %broadcast_in_dim3A_1706 = vector.broadcast %squeeze3A_1705 : f32 to vector<16xf32>
        %get3A_1707 = arith.index_cast %squeeze3A_1699 : i32 to index
        %get3A_1708 = tpu.vector_load %arg8[%get3A_1707] {strides = array<i32>} : memref<20512xf32, #tpu.memory_space<vmem>>, vector<16xf32>,
        %add3A_1709 = arith.constant 16 : i32
        %add3A_1710 = arith.addi %squeeze3A_1699, %add3A_1709 : i32
        %get3A_1711 = arith.index_cast %add3A_1710 : i32 to index
        %get3A_1712 = tpu.vector_load %arg8[%get3A_1711] {strides = array<i32>} : memref<20512xf32, #tpu.memory_space<vmem>>, vector<16xf32>,
        %swap3A_1713 = arith.constant 35 : i32
        %swap3A_1714 = arith.index_cast %rem3A_122 : i32 to index
        %swap3A_1715 = arith.index_cast %swap3A_1713 : i32 to index
        %swap3A_1716 = arith.index_cast %squeeze3A_1703 : i32 to index
        %swap3A_1717 = tpu.vector_load %arg11[%swap3A_1714, %swap3A_1715, %swap3A_1716] {strides = array<i32>} : memref<2x64x128xf32, #tpu.memory_space<vmem>>, vector<16xf32>,
        tpu.vector_store %arg11[%swap3A_1714, %swap3A_1715, %swap3A_1716], %broadcast_in_dim3A_44 {strides = array<i32>} : memref<2x64x128xf32, #tpu.memory_space<vmem>>, vector<16xf32>,
        %add3A_1718 = arith.constant 16 : i32
        %add3A_1719 = arith.addi %squeeze3A_1703, %add3A_1718 : i32
        %swap3A_1720 = arith.constant 35 : i32
        %swap3A_1721 = arith.index_cast %rem3A_122 : i32 to index
        %swap3A_1722 = arith.index_cast %swap3A_1720 : i32 to index
        %swap3A_1723 = arith.index_cast %add3A_1719 : i32 to index
        %swap3A_1724 = tpu.vector_load %arg11[%swap3A_1721, %swap3A_1722, %swap3A_1723] {strides = array<i32>} : memref<2x64x128xf32, #tpu.memory_space<vmem>>, vector<16xf32>,
        tpu.vector_store %arg11[%swap3A_1721, %swap3A_1722, %swap3A_1723], %broadcast_in_dim3A_44 {strides = array<i32>} : memref<2x64x128xf32, #tpu.memory_space<vmem>>, vector<16xf32>,
        %mul3A_1725 = arith.mulf %get3A_1708, %broadcast_in_dim3A_1706 : vector<16xf32>
        %swap3A_1726 = arith.constant 35 : i32
        %swap3A_1727 = arith.index_cast %rem3A_122 : i32 to index
        %swap3A_1728 = arith.index_cast %swap3A_1726 : i32 to index
        %swap3A_1729 = arith.index_cast %squeeze3A_1701 : i32 to index
        %swap3A_1730 = tpu.vector_load %arg11[%swap3A_1727, %swap3A_1728, %swap3A_1729] {strides = array<i32>} : memref<2x64x128xf32, #tpu.memory_space<vmem>>, vector<16xf32>,
        tpu.vector_store %arg11[%swap3A_1727, %swap3A_1728, %swap3A_1729], %mul3A_1725 {strides = array<i32>} : memref<2x64x128xf32, #tpu.memory_space<vmem>>, vector<16xf32>,
        %mul3A_1731 = arith.mulf %get3A_1712, %broadcast_in_dim3A_1706 : vector<16xf32>
        %add3A_1732 = arith.constant 16 : i32
        %add3A_1733 = arith.addi %squeeze3A_1701, %add3A_1732 : i32
        %swap3A_1734 = arith.constant 35 : i32
        %swap3A_1735 = arith.index_cast %rem3A_122 : i32 to index
        %swap3A_1736 = arith.index_cast %swap3A_1734 : i32 to index
        %swap3A_1737 = arith.index_cast %add3A_1733 : i32 to index
        %swap3A_1738 = tpu.vector_load %arg11[%swap3A_1735, %swap3A_1736, %swap3A_1737] {strides = array<i32>} : memref<2x64x128xf32, #tpu.memory_space<vmem>>, vector<16xf32>,
        tpu.vector_store %arg11[%swap3A_1735, %swap3A_1736, %swap3A_1737], %mul3A_1731 {strides = array<i32>} : memref<2x64x128xf32, #tpu.memory_space<vmem>>, vector<16xf32>,
        %slice3A_1739 = vector.extract_strided_slice %mul3A_1562 {offsets = [4], sizes = [1], strides = [1]} : vector<16xi32> to vector<1xi32>
        %squeeze3A_1740 = vector.extract %slice3A_1739[0] : i32 from vector<1xi32>
        %slice3A_1741 = vector.extract_strided_slice %shift_left3A_1568 {offsets = [4], sizes = [1], strides = [1]} : vector<16xi32> to vector<1xi32>
        %squeeze3A_1742 = vector.extract %slice3A_1741[0] : i32 from vector<1xi32>
        %slice3A_1743 = vector.extract_strided_slice %get3A_1571 {offsets = [4], sizes = [1], strides = [1]} : vector<16xi32> to vector<1xi32>
        %squeeze3A_1744 = vector.extract %slice3A_1743[0] : i32 from vector<1xi32>
        %slice3A_1745 = vector.extract_strided_slice %get3A_1537 {offsets = [4], sizes = [1], strides = [1]} : vector<16xf32> to vector<1xf32>
        %squeeze3A_1746 = vector.extract %slice3A_1745[0] : f32 from vector<1xf32>
        %broadcast_in_dim3A_1747 = vector.broadcast %squeeze3A_1746 : f32 to vector<16xf32>
        %get3A_1748 = arith.index_cast %squeeze3A_1740 : i32 to index
        %get3A_1749 = tpu.vector_load %arg8[%get3A_1748] {strides = array<i32>} : memref<20512xf32, #tpu.memory_space<vmem>>, vector<16xf32>,
        %add3A_1750 = arith.constant 16 : i32
        %add3A_1751 = arith.addi %squeeze3A_1740, %add3A_1750 : i32
        %get3A_1752 = arith.index_cast %add3A_1751 : i32 to index
        %get3A_1753 = tpu.vector_load %arg8[%get3A_1752] {strides = array<i32>} : memref<20512xf32, #tpu.memory_space<vmem>>, vector<16xf32>,
        %swap3A_1754 = arith.constant 36 : i32
        %swap3A_1755 = arith.index_cast %rem3A_122 : i32 to index
        %swap3A_1756 = arith.index_cast %swap3A_1754 : i32 to index
        %swap3A_1757 = arith.index_cast %squeeze3A_1744 : i32 to index
        %swap3A_1758 = tpu.vector_load %arg11[%swap3A_1755, %swap3A_1756, %swap3A_1757] {strides = array<i32>} : memref<2x64x128xf32, #tpu.memory_space<vmem>>, vector<16xf32>,
        tpu.vector_store %arg11[%swap3A_1755, %swap3A_1756, %swap3A_1757], %broadcast_in_dim3A_44 {strides = array<i32>} : memref<2x64x128xf32, #tpu.memory_space<vmem>>, vector<16xf32>,
        %add3A_1759 = arith.constant 16 : i32
        %add3A_1760 = arith.addi %squeeze3A_1744, %add3A_1759 : i32
        %swap3A_1761 = arith.constant 36 : i32
        %swap3A_1762 = arith.index_cast %rem3A_122 : i32 to index
        %swap3A_1763 = arith.index_cast %swap3A_1761 : i32 to index
        %swap3A_1764 = arith.index_cast %add3A_1760 : i32 to index
        %swap3A_1765 = tpu.vector_load %arg11[%swap3A_1762, %swap3A_1763, %swap3A_1764] {strides = array<i32>} : memref<2x64x128xf32, #tpu.memory_space<vmem>>, vector<16xf32>,
        tpu.vector_store %arg11[%swap3A_1762, %swap3A_1763, %swap3A_1764], %broadcast_in_dim3A_44 {strides = array<i32>} : memref<2x64x128xf32, #tpu.memory_space<vmem>>, vector<16xf32>,
        %mul3A_1766 = arith.mulf %get3A_1749, %broadcast_in_dim3A_1747 : vector<16xf32>
        %swap3A_1767 = arith.constant 36 : i32
        %swap3A_1768 = arith.index_cast %rem3A_122 : i32 to index
        %swap3A_1769 = arith.index_cast %swap3A_1767 : i32 to index
        %swap3A_1770 = arith.index_cast %squeeze3A_1742 : i32 to index
        %swap3A_1771 = tpu.vector_load %arg11[%swap3A_1768, %swap3A_1769, %swap3A_1770] {strides = array<i32>} : memref<2x64x128xf32, #tpu.memory_space<vmem>>, vector<16xf32>,
        tpu.vector_store %arg11[%swap3A_1768, %swap3A_1769, %swap3A_1770], %mul3A_1766 {strides = array<i32>} : memref<2x64x128xf32, #tpu.memory_space<vmem>>, vector<16xf32>,
        %mul3A_1772 = arith.mulf %get3A_1753, %broadcast_in_dim3A_1747 : vector<16xf32>
        %add3A_1773 = arith.constant 16 : i32
        %add3A_1774 = arith.addi %squeeze3A_1742, %add3A_1773 : i32
        %swap3A_1775 = arith.constant 36 : i32
        %swap3A_1776 = arith.index_cast %rem3A_122 : i32 to index
        %swap3A_1777 = arith.index_cast %swap3A_1775 : i32 to index
        %swap3A_1778 = arith.index_cast %add3A_1774 : i32 to index
        %swap3A_1779 = tpu.vector_load %arg11[%swap3A_1776, %swap3A_1777, %swap3A_1778] {strides = array<i32>} : memref<2x64x128xf32, #tpu.memory_space<vmem>>, vector<16xf32>,
        tpu.vector_store %arg11[%swap3A_1776, %swap3A_1777, %swap3A_1778], %mul3A_1772 {strides = array<i32>} : memref<2x64x128xf32, #tpu.memory_space<vmem>>, vector<16xf32>,
        %slice3A_1780 = vector.extract_strided_slice %mul3A_1562 {offsets = [5], sizes = [1], strides = [1]} : vector<16xi32> to vector<1xi32>
        %squeeze3A_1781 = vector.extract %slice3A_1780[0] : i32 from vector<1xi32>
        %slice3A_1782 = vector.extract_strided_slice %shift_left3A_1568 {offsets = [5], sizes = [1], strides = [1]} : vector<16xi32> to vector<1xi32>
        %squeeze3A_1783 = vector.extract %slice3A_1782[0] : i32 from vector<1xi32>
        %slice3A_1784 = vector.extract_strided_slice %get3A_1571 {offsets = [5], sizes = [1], strides = [1]} : vector<16xi32> to vector<1xi32>
        %squeeze3A_1785 = vector.extract %slice3A_1784[0] : i32 from vector<1xi32>
        %slice3A_1786 = vector.extract_strided_slice %get3A_1537 {offsets = [5], sizes = [1], strides = [1]} : vector<16xf32> to vector<1xf32>
        %squeeze3A_1787 = vector.extract %slice3A_1786[0] : f32 from vector<1xf32>
        %broadcast_in_dim3A_1788 = vector.broadcast %squeeze3A_1787 : f32 to vector<16xf32>
        %get3A_1789 = arith.index_cast %squeeze3A_1781 : i32 to index
        %get3A_1790 = tpu.vector_load %arg8[%get3A_1789] {strides = array<i32>} : memref<20512xf32, #tpu.memory_space<vmem>>, vector<16xf32>,
        %add3A_1791 = arith.constant 16 : i32
        %add3A_1792 = arith.addi %squeeze3A_1781, %add3A_1791 : i32
        %get3A_1793 = arith.index_cast %add3A_1792 : i32 to index
        %get3A_1794 = tpu.vector_load %arg8[%get3A_1793] {strides = array<i32>} : memref<20512xf32, #tpu.memory_space<vmem>>, vector<16xf32>,
        %swap3A_1795 = arith.constant 37 : i32
        %swap3A_1796 = arith.index_cast %rem3A_122 : i32 to index
        %swap3A_1797 = arith.index_cast %swap3A_1795 : i32 to index
        %swap3A_1798 = arith.index_cast %squeeze3A_1785 : i32 to index
        %swap3A_1799 = tpu.vector_load %arg11[%swap3A_1796, %swap3A_1797, %swap3A_1798] {strides = array<i32>} : memref<2x64x128xf32, #tpu.memory_space<vmem>>, vector<16xf32>,
        tpu.vector_store %arg11[%swap3A_1796, %swap3A_1797, %swap3A_1798], %broadcast_in_dim3A_44 {strides = array<i32>} : memref<2x64x128xf32, #tpu.memory_space<vmem>>, vector<16xf32>,
        %add3A_1800 = arith.constant 16 : i32
        %add3A_1801 = arith.addi %squeeze3A_1785, %add3A_1800 : i32
        %swap3A_1802 = arith.constant 37 : i32
        %swap3A_1803 = arith.index_cast %rem3A_122 : i32 to index
        %swap3A_1804 = arith.index_cast %swap3A_1802 : i32 to index
        %swap3A_1805 = arith.index_cast %add3A_1801 : i32 to index
        %swap3A_1806 = tpu.vector_load %arg11[%swap3A_1803, %swap3A_1804, %swap3A_1805] {strides = array<i32>} : memref<2x64x128xf32, #tpu.memory_space<vmem>>, vector<16xf32>,
        tpu.vector_store %arg11[%swap3A_1803, %swap3A_1804, %swap3A_1805], %broadcast_in_dim3A_44 {strides = array<i32>} : memref<2x64x128xf32, #tpu.memory_space<vmem>>, vector<16xf32>,
        %mul3A_1807 = arith.mulf %get3A_1790, %broadcast_in_dim3A_1788 : vector<16xf32>
        %swap3A_1808 = arith.constant 37 : i32
        %swap3A_1809 = arith.index_cast %rem3A_122 : i32 to index
        %swap3A_1810 = arith.index_cast %swap3A_1808 : i32 to index
        %swap3A_1811 = arith.index_cast %squeeze3A_1783 : i32 to index
        %swap3A_1812 = tpu.vector_load %arg11[%swap3A_1809, %swap3A_1810, %swap3A_1811] {strides = array<i32>} : memref<2x64x128xf32, #tpu.memory_space<vmem>>, vector<16xf32>,
        tpu.vector_store %arg11[%swap3A_1809, %swap3A_1810, %swap3A_1811], %mul3A_1807 {strides = array<i32>} : memref<2x64x128xf32, #tpu.memory_space<vmem>>, vector<16xf32>,
        %mul3A_1813 = arith.mulf %get3A_1794, %broadcast_in_dim3A_1788 : vector<16xf32>
        %add3A_1814 = arith.constant 16 : i32
        %add3A_1815 = arith.addi %squeeze3A_1783, %add3A_1814 : i32
        %swap3A_1816 = arith.constant 37 : i32
        %swap3A_1817 = arith.index_cast %rem3A_122 : i32 to index
        %swap3A_1818 = arith.index_cast %swap3A_1816 : i32 to index
        %swap3A_1819 = arith.index_cast %add3A_1815 : i32 to index
        %swap3A_1820 = tpu.vector_load %arg11[%swap3A_1817, %swap3A_1818, %swap3A_1819] {strides = array<i32>} : memref<2x64x128xf32, #tpu.memory_space<vmem>>, vector<16xf32>,
        tpu.vector_store %arg11[%swap3A_1817, %swap3A_1818, %swap3A_1819], %mul3A_1813 {strides = array<i32>} : memref<2x64x128xf32, #tpu.memory_space<vmem>>, vector<16xf32>,
        %slice3A_1821 = vector.extract_strided_slice %mul3A_1562 {offsets = [6], sizes = [1], strides = [1]} : vector<16xi32> to vector<1xi32>
        %squeeze3A_1822 = vector.extract %slice3A_1821[0] : i32 from vector<1xi32>
        %slice3A_1823 = vector.extract_strided_slice %shift_left3A_1568 {offsets = [6], sizes = [1], strides = [1]} : vector<16xi32> to vector<1xi32>
        %squeeze3A_1824 = vector.extract %slice3A_1823[0] : i32 from vector<1xi32>
        %slice3A_1825 = vector.extract_strided_slice %get3A_1571 {offsets = [6], sizes = [1], strides = [1]} : vector<16xi32> to vector<1xi32>
        %squeeze3A_1826 = vector.extract %slice3A_1825[0] : i32 from vector<1xi32>
        %slice3A_1827 = vector.extract_strided_slice %get3A_1537 {offsets = [6], sizes = [1], strides = [1]} : vector<16xf32> to vector<1xf32>
        %squeeze3A_1828 = vector.extract %slice3A_1827[0] : f32 from vector<1xf32>
        %broadcast_in_dim3A_1829 = vector.broadcast %squeeze3A_1828 : f32 to vector<16xf32>
        %get3A_1830 = arith.index_cast %squeeze3A_1822 : i32 to index
        %get3A_1831 = tpu.vector_load %arg8[%get3A_1830] {strides = array<i32>} : memref<20512xf32, #tpu.memory_space<vmem>>, vector<16xf32>,
        %add3A_1832 = arith.constant 16 : i32
        %add3A_1833 = arith.addi %squeeze3A_1822, %add3A_1832 : i32
        %get3A_1834 = arith.index_cast %add3A_1833 : i32 to index
        %get3A_1835 = tpu.vector_load %arg8[%get3A_1834] {strides = array<i32>} : memref<20512xf32, #tpu.memory_space<vmem>>, vector<16xf32>,
        %swap3A_1836 = arith.constant 38 : i32
        %swap3A_1837 = arith.index_cast %rem3A_122 : i32 to index
        %swap3A_1838 = arith.index_cast %swap3A_1836 : i32 to index
        %swap3A_1839 = arith.index_cast %squeeze3A_1826 : i32 to index
        %swap3A_1840 = tpu.vector_load %arg11[%swap3A_1837, %swap3A_1838, %swap3A_1839] {strides = array<i32>} : memref<2x64x128xf32, #tpu.memory_space<vmem>>, vector<16xf32>,
        tpu.vector_store %arg11[%swap3A_1837, %swap3A_1838, %swap3A_1839], %broadcast_in_dim3A_44 {strides = array<i32>} : memref<2x64x128xf32, #tpu.memory_space<vmem>>, vector<16xf32>,
        %add3A_1841 = arith.constant 16 : i32
        %add3A_1842 = arith.addi %squeeze3A_1826, %add3A_1841 : i32
        %swap3A_1843 = arith.constant 38 : i32
        %swap3A_1844 = arith.index_cast %rem3A_122 : i32 to index
        %swap3A_1845 = arith.index_cast %swap3A_1843 : i32 to index
        %swap3A_1846 = arith.index_cast %add3A_1842 : i32 to index
        %swap3A_1847 = tpu.vector_load %arg11[%swap3A_1844, %swap3A_1845, %swap3A_1846] {strides = array<i32>} : memref<2x64x128xf32, #tpu.memory_space<vmem>>, vector<16xf32>,
        tpu.vector_store %arg11[%swap3A_1844, %swap3A_1845, %swap3A_1846], %broadcast_in_dim3A_44 {strides = array<i32>} : memref<2x64x128xf32, #tpu.memory_space<vmem>>, vector<16xf32>,
        %mul3A_1848 = arith.mulf %get3A_1831, %broadcast_in_dim3A_1829 : vector<16xf32>
        %swap3A_1849 = arith.constant 38 : i32
        %swap3A_1850 = arith.index_cast %rem3A_122 : i32 to index
        %swap3A_1851 = arith.index_cast %swap3A_1849 : i32 to index
        %swap3A_1852 = arith.index_cast %squeeze3A_1824 : i32 to index
        %swap3A_1853 = tpu.vector_load %arg11[%swap3A_1850, %swap3A_1851, %swap3A_1852] {strides = array<i32>} : memref<2x64x128xf32, #tpu.memory_space<vmem>>, vector<16xf32>,
        tpu.vector_store %arg11[%swap3A_1850, %swap3A_1851, %swap3A_1852], %mul3A_1848 {strides = array<i32>} : memref<2x64x128xf32, #tpu.memory_space<vmem>>, vector<16xf32>,
        %mul3A_1854 = arith.mulf %get3A_1835, %broadcast_in_dim3A_1829 : vector<16xf32>
        %add3A_1855 = arith.constant 16 : i32
        %add3A_1856 = arith.addi %squeeze3A_1824, %add3A_1855 : i32
        %swap3A_1857 = arith.constant 38 : i32
        %swap3A_1858 = arith.index_cast %rem3A_122 : i32 to index
        %swap3A_1859 = arith.index_cast %swap3A_1857 : i32 to index
        %swap3A_1860 = arith.index_cast %add3A_1856 : i32 to index
        %swap3A_1861 = tpu.vector_load %arg11[%swap3A_1858, %swap3A_1859, %swap3A_1860] {strides = array<i32>} : memref<2x64x128xf32, #tpu.memory_space<vmem>>, vector<16xf32>,
        tpu.vector_store %arg11[%swap3A_1858, %swap3A_1859, %swap3A_1860], %mul3A_1854 {strides = array<i32>} : memref<2x64x128xf32, #tpu.memory_space<vmem>>, vector<16xf32>,
        %slice3A_1862 = vector.extract_strided_slice %mul3A_1562 {offsets = [7], sizes = [1], strides = [1]} : vector<16xi32> to vector<1xi32>
        %squeeze3A_1863 = vector.extract %slice3A_1862[0] : i32 from vector<1xi32>
        %slice3A_1864 = vector.extract_strided_slice %shift_left3A_1568 {offsets = [7], sizes = [1], strides = [1]} : vector<16xi32> to vector<1xi32>
        %squeeze3A_1865 = vector.extract %slice3A_1864[0] : i32 from vector<1xi32>
        %slice3A_1866 = vector.extract_strided_slice %get3A_1571 {offsets = [7], sizes = [1], strides = [1]} : vector<16xi32> to vector<1xi32>
        %squeeze3A_1867 = vector.extract %slice3A_1866[0] : i32 from vector<1xi32>
        %slice3A_1868 = vector.extract_strided_slice %get3A_1537 {offsets = [7], sizes = [1], strides = [1]} : vector<16xf32> to vector<1xf32>
        %squeeze3A_1869 = vector.extract %slice3A_1868[0] : f32 from vector<1xf32>
        %broadcast_in_dim3A_1870 = vector.broadcast %squeeze3A_1869 : f32 to vector<16xf32>
        %get3A_1871 = arith.index_cast %squeeze3A_1863 : i32 to index
        %get3A_1872 = tpu.vector_load %arg8[%get3A_1871] {strides = array<i32>} : memref<20512xf32, #tpu.memory_space<vmem>>, vector<16xf32>,
        %add3A_1873 = arith.constant 16 : i32
        %add3A_1874 = arith.addi %squeeze3A_1863, %add3A_1873 : i32
        %get3A_1875 = arith.index_cast %add3A_1874 : i32 to index
        %get3A_1876 = tpu.vector_load %arg8[%get3A_1875] {strides = array<i32>} : memref<20512xf32, #tpu.memory_space<vmem>>, vector<16xf32>,
        %swap3A_1877 = arith.constant 39 : i32
        %swap3A_1878 = arith.index_cast %rem3A_122 : i32 to index
        %swap3A_1879 = arith.index_cast %swap3A_1877 : i32 to index
        %swap3A_1880 = arith.index_cast %squeeze3A_1867 : i32 to index
        %swap3A_1881 = tpu.vector_load %arg11[%swap3A_1878, %swap3A_1879, %swap3A_1880] {strides = array<i32>} : memref<2x64x128xf32, #tpu.memory_space<vmem>>, vector<16xf32>,
        tpu.vector_store %arg11[%swap3A_1878, %swap3A_1879, %swap3A_1880], %broadcast_in_dim3A_44 {strides = array<i32>} : memref<2x64x128xf32, #tpu.memory_space<vmem>>, vector<16xf32>,
        %add3A_1882 = arith.constant 16 : i32
        %add3A_1883 = arith.addi %squeeze3A_1867, %add3A_1882 : i32
        %swap3A_1884 = arith.constant 39 : i32
        %swap3A_1885 = arith.index_cast %rem3A_122 : i32 to index
        %swap3A_1886 = arith.index_cast %swap3A_1884 : i32 to index
        %swap3A_1887 = arith.index_cast %add3A_1883 : i32 to index
        %swap3A_1888 = tpu.vector_load %arg11[%swap3A_1885, %swap3A_1886, %swap3A_1887] {strides = array<i32>} : memref<2x64x128xf32, #tpu.memory_space<vmem>>, vector<16xf32>,
        tpu.vector_store %arg11[%swap3A_1885, %swap3A_1886, %swap3A_1887], %broadcast_in_dim3A_44 {strides = array<i32>} : memref<2x64x128xf32, #tpu.memory_space<vmem>>, vector<16xf32>,
        %mul3A_1889 = arith.mulf %get3A_1872, %broadcast_in_dim3A_1870 : vector<16xf32>
        %swap3A_1890 = arith.constant 39 : i32
        %swap3A_1891 = arith.index_cast %rem3A_122 : i32 to index
        %swap3A_1892 = arith.index_cast %swap3A_1890 : i32 to index
        %swap3A_1893 = arith.index_cast %squeeze3A_1865 : i32 to index
        %swap3A_1894 = tpu.vector_load %arg11[%swap3A_1891, %swap3A_1892, %swap3A_1893] {strides = array<i32>} : memref<2x64x128xf32, #tpu.memory_space<vmem>>, vector<16xf32>,
        tpu.vector_store %arg11[%swap3A_1891, %swap3A_1892, %swap3A_1893], %mul3A_1889 {strides = array<i32>} : memref<2x64x128xf32, #tpu.memory_space<vmem>>, vector<16xf32>,
        %mul3A_1895 = arith.mulf %get3A_1876, %broadcast_in_dim3A_1870 : vector<16xf32>
        %add3A_1896 = arith.constant 16 : i32
        %add3A_1897 = arith.addi %squeeze3A_1865, %add3A_1896 : i32
        %swap3A_1898 = arith.constant 39 : i32
        %swap3A_1899 = arith.index_cast %rem3A_122 : i32 to index
        %swap3A_1900 = arith.index_cast %swap3A_1898 : i32 to index
        %swap3A_1901 = arith.index_cast %add3A_1897 : i32 to index
        %swap3A_1902 = tpu.vector_load %arg11[%swap3A_1899, %swap3A_1900, %swap3A_1901] {strides = array<i32>} : memref<2x64x128xf32, #tpu.memory_space<vmem>>, vector<16xf32>,
        tpu.vector_store %arg11[%swap3A_1899, %swap3A_1900, %swap3A_1901], %mul3A_1895 {strides = array<i32>} : memref<2x64x128xf32, #tpu.memory_space<vmem>>, vector<16xf32>,
        %slice3A_1903 = vector.extract_strided_slice %mul3A_1562 {offsets = [8], sizes = [1], strides = [1]} : vector<16xi32> to vector<1xi32>
        %squeeze3A_1904 = vector.extract %slice3A_1903[0] : i32 from vector<1xi32>
        %slice3A_1905 = vector.extract_strided_slice %shift_left3A_1568 {offsets = [8], sizes = [1], strides = [1]} : vector<16xi32> to vector<1xi32>
        %squeeze3A_1906 = vector.extract %slice3A_1905[0] : i32 from vector<1xi32>
        %slice3A_1907 = vector.extract_strided_slice %get3A_1571 {offsets = [8], sizes = [1], strides = [1]} : vector<16xi32> to vector<1xi32>
        %squeeze3A_1908 = vector.extract %slice3A_1907[0] : i32 from vector<1xi32>
        %slice3A_1909 = vector.extract_strided_slice %get3A_1537 {offsets = [8], sizes = [1], strides = [1]} : vector<16xf32> to vector<1xf32>
        %squeeze3A_1910 = vector.extract %slice3A_1909[0] : f32 from vector<1xf32>
        %broadcast_in_dim3A_1911 = vector.broadcast %squeeze3A_1910 : f32 to vector<16xf32>
        %get3A_1912 = arith.index_cast %squeeze3A_1904 : i32 to index
        %get3A_1913 = tpu.vector_load %arg8[%get3A_1912] {strides = array<i32>} : memref<20512xf32, #tpu.memory_space<vmem>>, vector<16xf32>,
        %add3A_1914 = arith.constant 16 : i32
        %add3A_1915 = arith.addi %squeeze3A_1904, %add3A_1914 : i32
        %get3A_1916 = arith.index_cast %add3A_1915 : i32 to index
        %get3A_1917 = tpu.vector_load %arg8[%get3A_1916] {strides = array<i32>} : memref<20512xf32, #tpu.memory_space<vmem>>, vector<16xf32>,
        %swap3A_1918 = arith.constant 40 : i32
        %swap3A_1919 = arith.index_cast %rem3A_122 : i32 to index
        %swap3A_1920 = arith.index_cast %swap3A_1918 : i32 to index
        %swap3A_1921 = arith.index_cast %squeeze3A_1908 : i32 to index
        %swap3A_1922 = tpu.vector_load %arg11[%swap3A_1919, %swap3A_1920, %swap3A_1921] {strides = array<i32>} : memref<2x64x128xf32, #tpu.memory_space<vmem>>, vector<16xf32>,
        tpu.vector_store %arg11[%swap3A_1919, %swap3A_1920, %swap3A_1921], %broadcast_in_dim3A_44 {strides = array<i32>} : memref<2x64x128xf32, #tpu.memory_space<vmem>>, vector<16xf32>,
        %add3A_1923 = arith.constant 16 : i32
        %add3A_1924 = arith.addi %squeeze3A_1908, %add3A_1923 : i32
        %swap3A_1925 = arith.constant 40 : i32
        %swap3A_1926 = arith.index_cast %rem3A_122 : i32 to index
        %swap3A_1927 = arith.index_cast %swap3A_1925 : i32 to index
        %swap3A_1928 = arith.index_cast %add3A_1924 : i32 to index
        %swap3A_1929 = tpu.vector_load %arg11[%swap3A_1926, %swap3A_1927, %swap3A_1928] {strides = array<i32>} : memref<2x64x128xf32, #tpu.memory_space<vmem>>, vector<16xf32>,
        tpu.vector_store %arg11[%swap3A_1926, %swap3A_1927, %swap3A_1928], %broadcast_in_dim3A_44 {strides = array<i32>} : memref<2x64x128xf32, #tpu.memory_space<vmem>>, vector<16xf32>,
        %mul3A_1930 = arith.mulf %get3A_1913, %broadcast_in_dim3A_1911 : vector<16xf32>
        %swap3A_1931 = arith.constant 40 : i32
        %swap3A_1932 = arith.index_cast %rem3A_122 : i32 to index
        %swap3A_1933 = arith.index_cast %swap3A_1931 : i32 to index
        %swap3A_1934 = arith.index_cast %squeeze3A_1906 : i32 to index
        %swap3A_1935 = tpu.vector_load %arg11[%swap3A_1932, %swap3A_1933, %swap3A_1934] {strides = array<i32>} : memref<2x64x128xf32, #tpu.memory_space<vmem>>, vector<16xf32>,
        tpu.vector_store %arg11[%swap3A_1932, %swap3A_1933, %swap3A_1934], %mul3A_1930 {strides = array<i32>} : memref<2x64x128xf32, #tpu.memory_space<vmem>>, vector<16xf32>,
        %mul3A_1936 = arith.mulf %get3A_1917, %broadcast_in_dim3A_1911 : vector<16xf32>
        %add3A_1937 = arith.constant 16 : i32
        %add3A_1938 = arith.addi %squeeze3A_1906, %add3A_1937 : i32
        %swap3A_1939 = arith.constant 40 : i32
        %swap3A_1940 = arith.index_cast %rem3A_122 : i32 to index
        %swap3A_1941 = arith.index_cast %swap3A_1939 : i32 to index
        %swap3A_1942 = arith.index_cast %add3A_1938 : i32 to index
        %swap3A_1943 = tpu.vector_load %arg11[%swap3A_1940, %swap3A_1941, %swap3A_1942] {strides = array<i32>} : memref<2x64x128xf32, #tpu.memory_space<vmem>>, vector<16xf32>,
        tpu.vector_store %arg11[%swap3A_1940, %swap3A_1941, %swap3A_1942], %mul3A_1936 {strides = array<i32>} : memref<2x64x128xf32, #tpu.memory_space<vmem>>, vector<16xf32>,
        %slice3A_1944 = vector.extract_strided_slice %mul3A_1562 {offsets = [9], sizes = [1], strides = [1]} : vector<16xi32> to vector<1xi32>
        %squeeze3A_1945 = vector.extract %slice3A_1944[0] : i32 from vector<1xi32>
        %slice3A_1946 = vector.extract_strided_slice %shift_left3A_1568 {offsets = [9], sizes = [1], strides = [1]} : vector<16xi32> to vector<1xi32>
        %squeeze3A_1947 = vector.extract %slice3A_1946[0] : i32 from vector<1xi32>
        %slice3A_1948 = vector.extract_strided_slice %get3A_1571 {offsets = [9], sizes = [1], strides = [1]} : vector<16xi32> to vector<1xi32>
        %squeeze3A_1949 = vector.extract %slice3A_1948[0] : i32 from vector<1xi32>
        %slice3A_1950 = vector.extract_strided_slice %get3A_1537 {offsets = [9], sizes = [1], strides = [1]} : vector<16xf32> to vector<1xf32>
        %squeeze3A_1951 = vector.extract %slice3A_1950[0] : f32 from vector<1xf32>
        %broadcast_in_dim3A_1952 = vector.broadcast %squeeze3A_1951 : f32 to vector<16xf32>
        %get3A_1953 = arith.index_cast %squeeze3A_1945 : i32 to index
        %get3A_1954 = tpu.vector_load %arg8[%get3A_1953] {strides = array<i32>} : memref<20512xf32, #tpu.memory_space<vmem>>, vector<16xf32>,
        %add3A_1955 = arith.constant 16 : i32
        %add3A_1956 = arith.addi %squeeze3A_1945, %add3A_1955 : i32
        %get3A_1957 = arith.index_cast %add3A_1956 : i32 to index
        %get3A_1958 = tpu.vector_load %arg8[%get3A_1957] {strides = array<i32>} : memref<20512xf32, #tpu.memory_space<vmem>>, vector<16xf32>,
        %swap3A_1959 = arith.constant 41 : i32
        %swap3A_1960 = arith.index_cast %rem3A_122 : i32 to index
        %swap3A_1961 = arith.index_cast %swap3A_1959 : i32 to index
        %swap3A_1962 = arith.index_cast %squeeze3A_1949 : i32 to index
        %swap3A_1963 = tpu.vector_load %arg11[%swap3A_1960, %swap3A_1961, %swap3A_1962] {strides = array<i32>} : memref<2x64x128xf32, #tpu.memory_space<vmem>>, vector<16xf32>,
        tpu.vector_store %arg11[%swap3A_1960, %swap3A_1961, %swap3A_1962], %broadcast_in_dim3A_44 {strides = array<i32>} : memref<2x64x128xf32, #tpu.memory_space<vmem>>, vector<16xf32>,
        %add3A_1964 = arith.constant 16 : i32
        %add3A_1965 = arith.addi %squeeze3A_1949, %add3A_1964 : i32
        %swap3A_1966 = arith.constant 41 : i32
        %swap3A_1967 = arith.index_cast %rem3A_122 : i32 to index
        %swap3A_1968 = arith.index_cast %swap3A_1966 : i32 to index
        %swap3A_1969 = arith.index_cast %add3A_1965 : i32 to index
        %swap3A_1970 = tpu.vector_load %arg11[%swap3A_1967, %swap3A_1968, %swap3A_1969] {strides = array<i32>} : memref<2x64x128xf32, #tpu.memory_space<vmem>>, vector<16xf32>,
        tpu.vector_store %arg11[%swap3A_1967, %swap3A_1968, %swap3A_1969], %broadcast_in_dim3A_44 {strides = array<i32>} : memref<2x64x128xf32, #tpu.memory_space<vmem>>, vector<16xf32>,
        %mul3A_1971 = arith.mulf %get3A_1954, %broadcast_in_dim3A_1952 : vector<16xf32>
        %swap3A_1972 = arith.constant 41 : i32
        %swap3A_1973 = arith.index_cast %rem3A_122 : i32 to index
        %swap3A_1974 = arith.index_cast %swap3A_1972 : i32 to index
        %swap3A_1975 = arith.index_cast %squeeze3A_1947 : i32 to index
        %swap3A_1976 = tpu.vector_load %arg11[%swap3A_1973, %swap3A_1974, %swap3A_1975] {strides = array<i32>} : memref<2x64x128xf32, #tpu.memory_space<vmem>>, vector<16xf32>,
        tpu.vector_store %arg11[%swap3A_1973, %swap3A_1974, %swap3A_1975], %mul3A_1971 {strides = array<i32>} : memref<2x64x128xf32, #tpu.memory_space<vmem>>, vector<16xf32>,
        %mul3A_1977 = arith.mulf %get3A_1958, %broadcast_in_dim3A_1952 : vector<16xf32>
        %add3A_1978 = arith.constant 16 : i32
        %add3A_1979 = arith.addi %squeeze3A_1947, %add3A_1978 : i32
        %swap3A_1980 = arith.constant 41 : i32
        %swap3A_1981 = arith.index_cast %rem3A_122 : i32 to index
        %swap3A_1982 = arith.index_cast %swap3A_1980 : i32 to index
        %swap3A_1983 = arith.index_cast %add3A_1979 : i32 to index
        %swap3A_1984 = tpu.vector_load %arg11[%swap3A_1981, %swap3A_1982, %swap3A_1983] {strides = array<i32>} : memref<2x64x128xf32, #tpu.memory_space<vmem>>, vector<16xf32>,
        tpu.vector_store %arg11[%swap3A_1981, %swap3A_1982, %swap3A_1983], %mul3A_1977 {strides = array<i32>} : memref<2x64x128xf32, #tpu.memory_space<vmem>>, vector<16xf32>,
        %slice3A_1985 = vector.extract_strided_slice %mul3A_1562 {offsets = [10], sizes = [1], strides = [1]} : vector<16xi32> to vector<1xi32>
        %squeeze3A_1986 = vector.extract %slice3A_1985[0] : i32 from vector<1xi32>
        %slice3A_1987 = vector.extract_strided_slice %shift_left3A_1568 {offsets = [10], sizes = [1], strides = [1]} : vector<16xi32> to vector<1xi32>
        %squeeze3A_1988 = vector.extract %slice3A_1987[0] : i32 from vector<1xi32>
        %slice3A_1989 = vector.extract_strided_slice %get3A_1571 {offsets = [10], sizes = [1], strides = [1]} : vector<16xi32> to vector<1xi32>
        %squeeze3A_1990 = vector.extract %slice3A_1989[0] : i32 from vector<1xi32>
        %slice3A_1991 = vector.extract_strided_slice %get3A_1537 {offsets = [10], sizes = [1], strides = [1]} : vector<16xf32> to vector<1xf32>
        %squeeze3A_1992 = vector.extract %slice3A_1991[0] : f32 from vector<1xf32>
        %broadcast_in_dim3A_1993 = vector.broadcast %squeeze3A_1992 : f32 to vector<16xf32>
        %get3A_1994 = arith.index_cast %squeeze3A_1986 : i32 to index
        %get3A_1995 = tpu.vector_load %arg8[%get3A_1994] {strides = array<i32>} : memref<20512xf32, #tpu.memory_space<vmem>>, vector<16xf32>,
        %add3A_1996 = arith.constant 16 : i32
        %add3A_1997 = arith.addi %squeeze3A_1986, %add3A_1996 : i32
        %get3A_1998 = arith.index_cast %add3A_1997 : i32 to index
        %get3A_1999 = tpu.vector_load %arg8[%get3A_1998] {strides = array<i32>} : memref<20512xf32, #tpu.memory_space<vmem>>, vector<16xf32>,
        %swap3A_2000 = arith.constant 42 : i32
        %swap3A_2001 = arith.index_cast %rem3A_122 : i32 to index
        %swap3A_2002 = arith.index_cast %swap3A_2000 : i32 to index
        %swap3A_2003 = arith.index_cast %squeeze3A_1990 : i32 to index
        %swap3A_2004 = tpu.vector_load %arg11[%swap3A_2001, %swap3A_2002, %swap3A_2003] {strides = array<i32>} : memref<2x64x128xf32, #tpu.memory_space<vmem>>, vector<16xf32>,
        tpu.vector_store %arg11[%swap3A_2001, %swap3A_2002, %swap3A_2003], %broadcast_in_dim3A_44 {strides = array<i32>} : memref<2x64x128xf32, #tpu.memory_space<vmem>>, vector<16xf32>,
        %add3A_2005 = arith.constant 16 : i32
        %add3A_2006 = arith.addi %squeeze3A_1990, %add3A_2005 : i32
        %swap3A_2007 = arith.constant 42 : i32
        %swap3A_2008 = arith.index_cast %rem3A_122 : i32 to index
        %swap3A_2009 = arith.index_cast %swap3A_2007 : i32 to index
        %swap3A_2010 = arith.index_cast %add3A_2006 : i32 to index
        %swap3A_2011 = tpu.vector_load %arg11[%swap3A_2008, %swap3A_2009, %swap3A_2010] {strides = array<i32>} : memref<2x64x128xf32, #tpu.memory_space<vmem>>, vector<16xf32>,
        tpu.vector_store %arg11[%swap3A_2008, %swap3A_2009, %swap3A_2010], %broadcast_in_dim3A_44 {strides = array<i32>} : memref<2x64x128xf32, #tpu.memory_space<vmem>>, vector<16xf32>,
        %mul3A_2012 = arith.mulf %get3A_1995, %broadcast_in_dim3A_1993 : vector<16xf32>
        %swap3A_2013 = arith.constant 42 : i32
        %swap3A_2014 = arith.index_cast %rem3A_122 : i32 to index
        %swap3A_2015 = arith.index_cast %swap3A_2013 : i32 to index
        %swap3A_2016 = arith.index_cast %squeeze3A_1988 : i32 to index
        %swap3A_2017 = tpu.vector_load %arg11[%swap3A_2014, %swap3A_2015, %swap3A_2016] {strides = array<i32>} : memref<2x64x128xf32, #tpu.memory_space<vmem>>, vector<16xf32>,
        tpu.vector_store %arg11[%swap3A_2014, %swap3A_2015, %swap3A_2016], %mul3A_2012 {strides = array<i32>} : memref<2x64x128xf32, #tpu.memory_space<vmem>>, vector<16xf32>,
        %mul3A_2018 = arith.mulf %get3A_1999, %broadcast_in_dim3A_1993 : vector<16xf32>
        %add3A_2019 = arith.constant 16 : i32
        %add3A_2020 = arith.addi %squeeze3A_1988, %add3A_2019 : i32
        %swap3A_2021 = arith.constant 42 : i32
        %swap3A_2022 = arith.index_cast %rem3A_122 : i32 to index
        %swap3A_2023 = arith.index_cast %swap3A_2021 : i32 to index
        %swap3A_2024 = arith.index_cast %add3A_2020 : i32 to index
        %swap3A_2025 = tpu.vector_load %arg11[%swap3A_2022, %swap3A_2023, %swap3A_2024] {strides = array<i32>} : memref<2x64x128xf32, #tpu.memory_space<vmem>>, vector<16xf32>,
        tpu.vector_store %arg11[%swap3A_2022, %swap3A_2023, %swap3A_2024], %mul3A_2018 {strides = array<i32>} : memref<2x64x128xf32, #tpu.memory_space<vmem>>, vector<16xf32>,
        %slice3A_2026 = vector.extract_strided_slice %mul3A_1562 {offsets = [11], sizes = [1], strides = [1]} : vector<16xi32> to vector<1xi32>
        %squeeze3A_2027 = vector.extract %slice3A_2026[0] : i32 from vector<1xi32>
        %slice3A_2028 = vector.extract_strided_slice %shift_left3A_1568 {offsets = [11], sizes = [1], strides = [1]} : vector<16xi32> to vector<1xi32>
        %squeeze3A_2029 = vector.extract %slice3A_2028[0] : i32 from vector<1xi32>
        %slice3A_2030 = vector.extract_strided_slice %get3A_1571 {offsets = [11], sizes = [1], strides = [1]} : vector<16xi32> to vector<1xi32>
        %squeeze3A_2031 = vector.extract %slice3A_2030[0] : i32 from vector<1xi32>
        %slice3A_2032 = vector.extract_strided_slice %get3A_1537 {offsets = [11], sizes = [1], strides = [1]} : vector<16xf32> to vector<1xf32>
        %squeeze3A_2033 = vector.extract %slice3A_2032[0] : f32 from vector<1xf32>
        %broadcast_in_dim3A_2034 = vector.broadcast %squeeze3A_2033 : f32 to vector<16xf32>
        %get3A_2035 = arith.index_cast %squeeze3A_2027 : i32 to index
        %get3A_2036 = tpu.vector_load %arg8[%get3A_2035] {strides = array<i32>} : memref<20512xf32, #tpu.memory_space<vmem>>, vector<16xf32>,
        %add3A_2037 = arith.constant 16 : i32
        %add3A_2038 = arith.addi %squeeze3A_2027, %add3A_2037 : i32
        %get3A_2039 = arith.index_cast %add3A_2038 : i32 to index
        %get3A_2040 = tpu.vector_load %arg8[%get3A_2039] {strides = array<i32>} : memref<20512xf32, #tpu.memory_space<vmem>>, vector<16xf32>,
        %swap3A_2041 = arith.constant 43 : i32
        %swap3A_2042 = arith.index_cast %rem3A_122 : i32 to index
        %swap3A_2043 = arith.index_cast %swap3A_2041 : i32 to index
        %swap3A_2044 = arith.index_cast %squeeze3A_2031 : i32 to index
        %swap3A_2045 = tpu.vector_load %arg11[%swap3A_2042, %swap3A_2043, %swap3A_2044] {strides = array<i32>} : memref<2x64x128xf32, #tpu.memory_space<vmem>>, vector<16xf32>,
        tpu.vector_store %arg11[%swap3A_2042, %swap3A_2043, %swap3A_2044], %broadcast_in_dim3A_44 {strides = array<i32>} : memref<2x64x128xf32, #tpu.memory_space<vmem>>, vector<16xf32>,
        %add3A_2046 = arith.constant 16 : i32
        %add3A_2047 = arith.addi %squeeze3A_2031, %add3A_2046 : i32
        %swap3A_2048 = arith.constant 43 : i32
        %swap3A_2049 = arith.index_cast %rem3A_122 : i32 to index
        %swap3A_2050 = arith.index_cast %swap3A_2048 : i32 to index
        %swap3A_2051 = arith.index_cast %add3A_2047 : i32 to index
        %swap3A_2052 = tpu.vector_load %arg11[%swap3A_2049, %swap3A_2050, %swap3A_2051] {strides = array<i32>} : memref<2x64x128xf32, #tpu.memory_space<vmem>>, vector<16xf32>,
        tpu.vector_store %arg11[%swap3A_2049, %swap3A_2050, %swap3A_2051], %broadcast_in_dim3A_44 {strides = array<i32>} : memref<2x64x128xf32, #tpu.memory_space<vmem>>, vector<16xf32>,
        %mul3A_2053 = arith.mulf %get3A_2036, %broadcast_in_dim3A_2034 : vector<16xf32>
        %swap3A_2054 = arith.constant 43 : i32
        %swap3A_2055 = arith.index_cast %rem3A_122 : i32 to index
        %swap3A_2056 = arith.index_cast %swap3A_2054 : i32 to index
        %swap3A_2057 = arith.index_cast %squeeze3A_2029 : i32 to index
        %swap3A_2058 = tpu.vector_load %arg11[%swap3A_2055, %swap3A_2056, %swap3A_2057] {strides = array<i32>} : memref<2x64x128xf32, #tpu.memory_space<vmem>>, vector<16xf32>,
        tpu.vector_store %arg11[%swap3A_2055, %swap3A_2056, %swap3A_2057], %mul3A_2053 {strides = array<i32>} : memref<2x64x128xf32, #tpu.memory_space<vmem>>, vector<16xf32>,
        %mul3A_2059 = arith.mulf %get3A_2040, %broadcast_in_dim3A_2034 : vector<16xf32>
        %add3A_2060 = arith.constant 16 : i32
        %add3A_2061 = arith.addi %squeeze3A_2029, %add3A_2060 : i32
        %swap3A_2062 = arith.constant 43 : i32
        %swap3A_2063 = arith.index_cast %rem3A_122 : i32 to index
        %swap3A_2064 = arith.index_cast %swap3A_2062 : i32 to index
        %swap3A_2065 = arith.index_cast %add3A_2061 : i32 to index
        %swap3A_2066 = tpu.vector_load %arg11[%swap3A_2063, %swap3A_2064, %swap3A_2065] {strides = array<i32>} : memref<2x64x128xf32, #tpu.memory_space<vmem>>, vector<16xf32>,
        tpu.vector_store %arg11[%swap3A_2063, %swap3A_2064, %swap3A_2065], %mul3A_2059 {strides = array<i32>} : memref<2x64x128xf32, #tpu.memory_space<vmem>>, vector<16xf32>,
        %slice3A_2067 = vector.extract_strided_slice %mul3A_1562 {offsets = [12], sizes = [1], strides = [1]} : vector<16xi32> to vector<1xi32>
        %squeeze3A_2068 = vector.extract %slice3A_2067[0] : i32 from vector<1xi32>
        %slice3A_2069 = vector.extract_strided_slice %shift_left3A_1568 {offsets = [12], sizes = [1], strides = [1]} : vector<16xi32> to vector<1xi32>
        %squeeze3A_2070 = vector.extract %slice3A_2069[0] : i32 from vector<1xi32>
        %slice3A_2071 = vector.extract_strided_slice %get3A_1571 {offsets = [12], sizes = [1], strides = [1]} : vector<16xi32> to vector<1xi32>
        %squeeze3A_2072 = vector.extract %slice3A_2071[0] : i32 from vector<1xi32>
        %slice3A_2073 = vector.extract_strided_slice %get3A_1537 {offsets = [12], sizes = [1], strides = [1]} : vector<16xf32> to vector<1xf32>
        %squeeze3A_2074 = vector.extract %slice3A_2073[0] : f32 from vector<1xf32>
        %broadcast_in_dim3A_2075 = vector.broadcast %squeeze3A_2074 : f32 to vector<16xf32>
        %get3A_2076 = arith.index_cast %squeeze3A_2068 : i32 to index
        %get3A_2077 = tpu.vector_load %arg8[%get3A_2076] {strides = array<i32>} : memref<20512xf32, #tpu.memory_space<vmem>>, vector<16xf32>,
        %add3A_2078 = arith.constant 16 : i32
        %add3A_2079 = arith.addi %squeeze3A_2068, %add3A_2078 : i32
        %get3A_2080 = arith.index_cast %add3A_2079 : i32 to index
        %get3A_2081 = tpu.vector_load %arg8[%get3A_2080] {strides = array<i32>} : memref<20512xf32, #tpu.memory_space<vmem>>, vector<16xf32>,
        %swap3A_2082 = arith.constant 44 : i32
        %swap3A_2083 = arith.index_cast %rem3A_122 : i32 to index
        %swap3A_2084 = arith.index_cast %swap3A_2082 : i32 to index
        %swap3A_2085 = arith.index_cast %squeeze3A_2072 : i32 to index
        %swap3A_2086 = tpu.vector_load %arg11[%swap3A_2083, %swap3A_2084, %swap3A_2085] {strides = array<i32>} : memref<2x64x128xf32, #tpu.memory_space<vmem>>, vector<16xf32>,
        tpu.vector_store %arg11[%swap3A_2083, %swap3A_2084, %swap3A_2085], %broadcast_in_dim3A_44 {strides = array<i32>} : memref<2x64x128xf32, #tpu.memory_space<vmem>>, vector<16xf32>,
        %add3A_2087 = arith.constant 16 : i32
        %add3A_2088 = arith.addi %squeeze3A_2072, %add3A_2087 : i32
        %swap3A_2089 = arith.constant 44 : i32
        %swap3A_2090 = arith.index_cast %rem3A_122 : i32 to index
        %swap3A_2091 = arith.index_cast %swap3A_2089 : i32 to index
        %swap3A_2092 = arith.index_cast %add3A_2088 : i32 to index
        %swap3A_2093 = tpu.vector_load %arg11[%swap3A_2090, %swap3A_2091, %swap3A_2092] {strides = array<i32>} : memref<2x64x128xf32, #tpu.memory_space<vmem>>, vector<16xf32>,
        tpu.vector_store %arg11[%swap3A_2090, %swap3A_2091, %swap3A_2092], %broadcast_in_dim3A_44 {strides = array<i32>} : memref<2x64x128xf32, #tpu.memory_space<vmem>>, vector<16xf32>,
        %mul3A_2094 = arith.mulf %get3A_2077, %broadcast_in_dim3A_2075 : vector<16xf32>
        %swap3A_2095 = arith.constant 44 : i32
        %swap3A_2096 = arith.index_cast %rem3A_122 : i32 to index
        %swap3A_2097 = arith.index_cast %swap3A_2095 : i32 to index
        %swap3A_2098 = arith.index_cast %squeeze3A_2070 : i32 to index
        %swap3A_2099 = tpu.vector_load %arg11[%swap3A_2096, %swap3A_2097, %swap3A_2098] {strides = array<i32>} : memref<2x64x128xf32, #tpu.memory_space<vmem>>, vector<16xf32>,
        tpu.vector_store %arg11[%swap3A_2096, %swap3A_2097, %swap3A_2098], %mul3A_2094 {strides = array<i32>} : memref<2x64x128xf32, #tpu.memory_space<vmem>>, vector<16xf32>,
        %mul3A_2100 = arith.mulf %get3A_2081, %broadcast_in_dim3A_2075 : vector<16xf32>
        %add3A_2101 = arith.constant 16 : i32
        %add3A_2102 = arith.addi %squeeze3A_2070, %add3A_2101 : i32
        %swap3A_2103 = arith.constant 44 : i32
        %swap3A_2104 = arith.index_cast %rem3A_122 : i32 to index
        %swap3A_2105 = arith.index_cast %swap3A_2103 : i32 to index
        %swap3A_2106 = arith.index_cast %add3A_2102 : i32 to index
        %swap3A_2107 = tpu.vector_load %arg11[%swap3A_2104, %swap3A_2105, %swap3A_2106] {strides = array<i32>} : memref<2x64x128xf32, #tpu.memory_space<vmem>>, vector<16xf32>,
        tpu.vector_store %arg11[%swap3A_2104, %swap3A_2105, %swap3A_2106], %mul3A_2100 {strides = array<i32>} : memref<2x64x128xf32, #tpu.memory_space<vmem>>, vector<16xf32>,
        %slice3A_2108 = vector.extract_strided_slice %mul3A_1562 {offsets = [13], sizes = [1], strides = [1]} : vector<16xi32> to vector<1xi32>
        %squeeze3A_2109 = vector.extract %slice3A_2108[0] : i32 from vector<1xi32>
        %slice3A_2110 = vector.extract_strided_slice %shift_left3A_1568 {offsets = [13], sizes = [1], strides = [1]} : vector<16xi32> to vector<1xi32>
        %squeeze3A_2111 = vector.extract %slice3A_2110[0] : i32 from vector<1xi32>
        %slice3A_2112 = vector.extract_strided_slice %get3A_1571 {offsets = [13], sizes = [1], strides = [1]} : vector<16xi32> to vector<1xi32>
        %squeeze3A_2113 = vector.extract %slice3A_2112[0] : i32 from vector<1xi32>
        %slice3A_2114 = vector.extract_strided_slice %get3A_1537 {offsets = [13], sizes = [1], strides = [1]} : vector<16xf32> to vector<1xf32>
        %squeeze3A_2115 = vector.extract %slice3A_2114[0] : f32 from vector<1xf32>
        %broadcast_in_dim3A_2116 = vector.broadcast %squeeze3A_2115 : f32 to vector<16xf32>
        %get3A_2117 = arith.index_cast %squeeze3A_2109 : i32 to index
        %get3A_2118 = tpu.vector_load %arg8[%get3A_2117] {strides = array<i32>} : memref<20512xf32, #tpu.memory_space<vmem>>, vector<16xf32>,
        %add3A_2119 = arith.constant 16 : i32
        %add3A_2120 = arith.addi %squeeze3A_2109, %add3A_2119 : i32
        %get3A_2121 = arith.index_cast %add3A_2120 : i32 to index
        %get3A_2122 = tpu.vector_load %arg8[%get3A_2121] {strides = array<i32>} : memref<20512xf32, #tpu.memory_space<vmem>>, vector<16xf32>,
        %swap3A_2123 = arith.constant 45 : i32
        %swap3A_2124 = arith.index_cast %rem3A_122 : i32 to index
        %swap3A_2125 = arith.index_cast %swap3A_2123 : i32 to index
        %swap3A_2126 = arith.index_cast %squeeze3A_2113 : i32 to index
        %swap3A_2127 = tpu.vector_load %arg11[%swap3A_2124, %swap3A_2125, %swap3A_2126] {strides = array<i32>} : memref<2x64x128xf32, #tpu.memory_space<vmem>>, vector<16xf32>,
        tpu.vector_store %arg11[%swap3A_2124, %swap3A_2125, %swap3A_2126], %broadcast_in_dim3A_44 {strides = array<i32>} : memref<2x64x128xf32, #tpu.memory_space<vmem>>, vector<16xf32>,
        %add3A_2128 = arith.constant 16 : i32
        %add3A_2129 = arith.addi %squeeze3A_2113, %add3A_2128 : i32
        %swap3A_2130 = arith.constant 45 : i32
        %swap3A_2131 = arith.index_cast %rem3A_122 : i32 to index
        %swap3A_2132 = arith.index_cast %swap3A_2130 : i32 to index
        %swap3A_2133 = arith.index_cast %add3A_2129 : i32 to index
        %swap3A_2134 = tpu.vector_load %arg11[%swap3A_2131, %swap3A_2132, %swap3A_2133] {strides = array<i32>} : memref<2x64x128xf32, #tpu.memory_space<vmem>>, vector<16xf32>,
        tpu.vector_store %arg11[%swap3A_2131, %swap3A_2132, %swap3A_2133], %broadcast_in_dim3A_44 {strides = array<i32>} : memref<2x64x128xf32, #tpu.memory_space<vmem>>, vector<16xf32>,
        %mul3A_2135 = arith.mulf %get3A_2118, %broadcast_in_dim3A_2116 : vector<16xf32>
        %swap3A_2136 = arith.constant 45 : i32
        %swap3A_2137 = arith.index_cast %rem3A_122 : i32 to index
        %swap3A_2138 = arith.index_cast %swap3A_2136 : i32 to index
        %swap3A_2139 = arith.index_cast %squeeze3A_2111 : i32 to index
        %swap3A_2140 = tpu.vector_load %arg11[%swap3A_2137, %swap3A_2138, %swap3A_2139] {strides = array<i32>} : memref<2x64x128xf32, #tpu.memory_space<vmem>>, vector<16xf32>,
        tpu.vector_store %arg11[%swap3A_2137, %swap3A_2138, %swap3A_2139], %mul3A_2135 {strides = array<i32>} : memref<2x64x128xf32, #tpu.memory_space<vmem>>, vector<16xf32>,
        %mul3A_2141 = arith.mulf %get3A_2122, %broadcast_in_dim3A_2116 : vector<16xf32>
        %add3A_2142 = arith.constant 16 : i32
        %add3A_2143 = arith.addi %squeeze3A_2111, %add3A_2142 : i32
        %swap3A_2144 = arith.constant 45 : i32
        %swap3A_2145 = arith.index_cast %rem3A_122 : i32 to index
        %swap3A_2146 = arith.index_cast %swap3A_2144 : i32 to index
        %swap3A_2147 = arith.index_cast %add3A_2143 : i32 to index
        %swap3A_2148 = tpu.vector_load %arg11[%swap3A_2145, %swap3A_2146, %swap3A_2147] {strides = array<i32>} : memref<2x64x128xf32, #tpu.memory_space<vmem>>, vector<16xf32>,
        tpu.vector_store %arg11[%swap3A_2145, %swap3A_2146, %swap3A_2147], %mul3A_2141 {strides = array<i32>} : memref<2x64x128xf32, #tpu.memory_space<vmem>>, vector<16xf32>,
        %slice3A_2149 = vector.extract_strided_slice %mul3A_1562 {offsets = [14], sizes = [1], strides = [1]} : vector<16xi32> to vector<1xi32>
        %squeeze3A_2150 = vector.extract %slice3A_2149[0] : i32 from vector<1xi32>
        %slice3A_2151 = vector.extract_strided_slice %shift_left3A_1568 {offsets = [14], sizes = [1], strides = [1]} : vector<16xi32> to vector<1xi32>
        %squeeze3A_2152 = vector.extract %slice3A_2151[0] : i32 from vector<1xi32>
        %slice3A_2153 = vector.extract_strided_slice %get3A_1571 {offsets = [14], sizes = [1], strides = [1]} : vector<16xi32> to vector<1xi32>
        %squeeze3A_2154 = vector.extract %slice3A_2153[0] : i32 from vector<1xi32>
        %slice3A_2155 = vector.extract_strided_slice %get3A_1537 {offsets = [14], sizes = [1], strides = [1]} : vector<16xf32> to vector<1xf32>
        %squeeze3A_2156 = vector.extract %slice3A_2155[0] : f32 from vector<1xf32>
        %broadcast_in_dim3A_2157 = vector.broadcast %squeeze3A_2156 : f32 to vector<16xf32>
        %get3A_2158 = arith.index_cast %squeeze3A_2150 : i32 to index
        %get3A_2159 = tpu.vector_load %arg8[%get3A_2158] {strides = array<i32>} : memref<20512xf32, #tpu.memory_space<vmem>>, vector<16xf32>,
        %add3A_2160 = arith.constant 16 : i32
        %add3A_2161 = arith.addi %squeeze3A_2150, %add3A_2160 : i32
        %get3A_2162 = arith.index_cast %add3A_2161 : i32 to index
        %get3A_2163 = tpu.vector_load %arg8[%get3A_2162] {strides = array<i32>} : memref<20512xf32, #tpu.memory_space<vmem>>, vector<16xf32>,
        %swap3A_2164 = arith.constant 46 : i32
        %swap3A_2165 = arith.index_cast %rem3A_122 : i32 to index
        %swap3A_2166 = arith.index_cast %swap3A_2164 : i32 to index
        %swap3A_2167 = arith.index_cast %squeeze3A_2154 : i32 to index
        %swap3A_2168 = tpu.vector_load %arg11[%swap3A_2165, %swap3A_2166, %swap3A_2167] {strides = array<i32>} : memref<2x64x128xf32, #tpu.memory_space<vmem>>, vector<16xf32>,
        tpu.vector_store %arg11[%swap3A_2165, %swap3A_2166, %swap3A_2167], %broadcast_in_dim3A_44 {strides = array<i32>} : memref<2x64x128xf32, #tpu.memory_space<vmem>>, vector<16xf32>,
        %add3A_2169 = arith.constant 16 : i32
        %add3A_2170 = arith.addi %squeeze3A_2154, %add3A_2169 : i32
        %swap3A_2171 = arith.constant 46 : i32
        %swap3A_2172 = arith.index_cast %rem3A_122 : i32 to index
        %swap3A_2173 = arith.index_cast %swap3A_2171 : i32 to index
        %swap3A_2174 = arith.index_cast %add3A_2170 : i32 to index
        %swap3A_2175 = tpu.vector_load %arg11[%swap3A_2172, %swap3A_2173, %swap3A_2174] {strides = array<i32>} : memref<2x64x128xf32, #tpu.memory_space<vmem>>, vector<16xf32>,
        tpu.vector_store %arg11[%swap3A_2172, %swap3A_2173, %swap3A_2174], %broadcast_in_dim3A_44 {strides = array<i32>} : memref<2x64x128xf32, #tpu.memory_space<vmem>>, vector<16xf32>,
        %mul3A_2176 = arith.mulf %get3A_2159, %broadcast_in_dim3A_2157 : vector<16xf32>
        %swap3A_2177 = arith.constant 46 : i32
        %swap3A_2178 = arith.index_cast %rem3A_122 : i32 to index
        %swap3A_2179 = arith.index_cast %swap3A_2177 : i32 to index
        %swap3A_2180 = arith.index_cast %squeeze3A_2152 : i32 to index
        %swap3A_2181 = tpu.vector_load %arg11[%swap3A_2178, %swap3A_2179, %swap3A_2180] {strides = array<i32>} : memref<2x64x128xf32, #tpu.memory_space<vmem>>, vector<16xf32>,
        tpu.vector_store %arg11[%swap3A_2178, %swap3A_2179, %swap3A_2180], %mul3A_2176 {strides = array<i32>} : memref<2x64x128xf32, #tpu.memory_space<vmem>>, vector<16xf32>,
        %mul3A_2182 = arith.mulf %get3A_2163, %broadcast_in_dim3A_2157 : vector<16xf32>
        %add3A_2183 = arith.constant 16 : i32
        %add3A_2184 = arith.addi %squeeze3A_2152, %add3A_2183 : i32
        %swap3A_2185 = arith.constant 46 : i32
        %swap3A_2186 = arith.index_cast %rem3A_122 : i32 to index
        %swap3A_2187 = arith.index_cast %swap3A_2185 : i32 to index
        %swap3A_2188 = arith.index_cast %add3A_2184 : i32 to index
        %swap3A_2189 = tpu.vector_load %arg11[%swap3A_2186, %swap3A_2187, %swap3A_2188] {strides = array<i32>} : memref<2x64x128xf32, #tpu.memory_space<vmem>>, vector<16xf32>,
        tpu.vector_store %arg11[%swap3A_2186, %swap3A_2187, %swap3A_2188], %mul3A_2182 {strides = array<i32>} : memref<2x64x128xf32, #tpu.memory_space<vmem>>, vector<16xf32>,
        %slice3A_2190 = vector.extract_strided_slice %mul3A_1562 {offsets = [15], sizes = [1], strides = [1]} : vector<16xi32> to vector<1xi32>
        %squeeze3A_2191 = vector.extract %slice3A_2190[0] : i32 from vector<1xi32>
        %slice3A_2192 = vector.extract_strided_slice %shift_left3A_1568 {offsets = [15], sizes = [1], strides = [1]} : vector<16xi32> to vector<1xi32>
        %squeeze3A_2193 = vector.extract %slice3A_2192[0] : i32 from vector<1xi32>
        %slice3A_2194 = vector.extract_strided_slice %get3A_1571 {offsets = [15], sizes = [1], strides = [1]} : vector<16xi32> to vector<1xi32>
        %squeeze3A_2195 = vector.extract %slice3A_2194[0] : i32 from vector<1xi32>
        %slice3A_2196 = vector.extract_strided_slice %get3A_1537 {offsets = [15], sizes = [1], strides = [1]} : vector<16xf32> to vector<1xf32>
        %squeeze3A_2197 = vector.extract %slice3A_2196[0] : f32 from vector<1xf32>
        %broadcast_in_dim3A_2198 = vector.broadcast %squeeze3A_2197 : f32 to vector<16xf32>
        %get3A_2199 = arith.index_cast %squeeze3A_2191 : i32 to index
        %get3A_2200 = tpu.vector_load %arg8[%get3A_2199] {strides = array<i32>} : memref<20512xf32, #tpu.memory_space<vmem>>, vector<16xf32>,
        %add3A_2201 = arith.constant 16 : i32
        %add3A_2202 = arith.addi %squeeze3A_2191, %add3A_2201 : i32
        %get3A_2203 = arith.index_cast %add3A_2202 : i32 to index
        %get3A_2204 = tpu.vector_load %arg8[%get3A_2203] {strides = array<i32>} : memref<20512xf32, #tpu.memory_space<vmem>>, vector<16xf32>,
        %swap3A_2205 = arith.constant 47 : i32
        %swap3A_2206 = arith.index_cast %rem3A_122 : i32 to index
        %swap3A_2207 = arith.index_cast %swap3A_2205 : i32 to index
        %swap3A_2208 = arith.index_cast %squeeze3A_2195 : i32 to index
        %swap3A_2209 = tpu.vector_load %arg11[%swap3A_2206, %swap3A_2207, %swap3A_2208] {strides = array<i32>} : memref<2x64x128xf32, #tpu.memory_space<vmem>>, vector<16xf32>,
        tpu.vector_store %arg11[%swap3A_2206, %swap3A_2207, %swap3A_2208], %broadcast_in_dim3A_44 {strides = array<i32>} : memref<2x64x128xf32, #tpu.memory_space<vmem>>, vector<16xf32>,
        %add3A_2210 = arith.constant 16 : i32
        %add3A_2211 = arith.addi %squeeze3A_2195, %add3A_2210 : i32
        %swap3A_2212 = arith.constant 47 : i32
        %swap3A_2213 = arith.index_cast %rem3A_122 : i32 to index
        %swap3A_2214 = arith.index_cast %swap3A_2212 : i32 to index
        %swap3A_2215 = arith.index_cast %add3A_2211 : i32 to index
        %swap3A_2216 = tpu.vector_load %arg11[%swap3A_2213, %swap3A_2214, %swap3A_2215] {strides = array<i32>} : memref<2x64x128xf32, #tpu.memory_space<vmem>>, vector<16xf32>,
        tpu.vector_store %arg11[%swap3A_2213, %swap3A_2214, %swap3A_2215], %broadcast_in_dim3A_44 {strides = array<i32>} : memref<2x64x128xf32, #tpu.memory_space<vmem>>, vector<16xf32>,
        %mul3A_2217 = arith.mulf %get3A_2200, %broadcast_in_dim3A_2198 : vector<16xf32>
        %swap3A_2218 = arith.constant 47 : i32
        %swap3A_2219 = arith.index_cast %rem3A_122 : i32 to index
        %swap3A_2220 = arith.index_cast %swap3A_2218 : i32 to index
        %swap3A_2221 = arith.index_cast %squeeze3A_2193 : i32 to index
        %swap3A_2222 = tpu.vector_load %arg11[%swap3A_2219, %swap3A_2220, %swap3A_2221] {strides = array<i32>} : memref<2x64x128xf32, #tpu.memory_space<vmem>>, vector<16xf32>,
        tpu.vector_store %arg11[%swap3A_2219, %swap3A_2220, %swap3A_2221], %mul3A_2217 {strides = array<i32>} : memref<2x64x128xf32, #tpu.memory_space<vmem>>, vector<16xf32>,
        %mul3A_2223 = arith.mulf %get3A_2204, %broadcast_in_dim3A_2198 : vector<16xf32>
        %add3A_2224 = arith.constant 16 : i32
        %add3A_2225 = arith.addi %squeeze3A_2193, %add3A_2224 : i32
        %swap3A_2226 = arith.constant 47 : i32
        %swap3A_2227 = arith.index_cast %rem3A_122 : i32 to index
        %swap3A_2228 = arith.index_cast %swap3A_2226 : i32 to index
        %swap3A_2229 = arith.index_cast %add3A_2225 : i32 to index
        %swap3A_2230 = tpu.vector_load %arg11[%swap3A_2227, %swap3A_2228, %swap3A_2229] {strides = array<i32>} : memref<2x64x128xf32, #tpu.memory_space<vmem>>, vector<16xf32>,
        tpu.vector_store %arg11[%swap3A_2227, %swap3A_2228, %swap3A_2229], %mul3A_2223 {strides = array<i32>} : memref<2x64x128xf32, #tpu.memory_space<vmem>>, vector<16xf32>,
        %add3A_2231 = arith.constant 48 : i32
        %add3A_2232 = arith.addi %shift_left3A_131, %add3A_2231 : i32
        %get3A_2233 = arith.index_cast %shift_right_logical3A_129 : i32 to index
        %get3A_2234 = arith.index_cast %add3A_2232 : i32 to index
        %get3A_2235 = tpu.vector_load %arg9[%get3A_2233, %get3A_2234] {strides = array<i32>} : memref<128x128xi32, #tpu.memory_space<vmem>>, vector<16xi32>,
        %get3A_2236 = arith.index_cast %shift_right_logical3A_129 : i32 to index
        %get3A_2237 = arith.index_cast %add3A_2232 : i32 to index
        %get3A_2238 = tpu.vector_load %arg10[%get3A_2236, %get3A_2237] {strides = array<i32>} : memref<128x128xf32, #tpu.memory_space<vmem>>, vector<16xf32>,
        %and3A_2239 = arith.constant 16383 : i32
        %and3A_2240 = vector.broadcast %and3A_2239 : i32 to vector<16xi32>
        %and3A_2241 = arith.andi %get3A_2235, %and3A_2240 : vector<16xi32>
        %shift_right_logical3A_2242 = arith.constant 14 : i32
        %shift_right_logical3A_2243 = vector.broadcast %shift_right_logical3A_2242 : i32 to vector<16xi32>
        %shift_right_logical3A_2244 = arith.shrui %get3A_2235, %shift_right_logical3A_2243 : vector<16xi32>
        %shift_right_logical3A_2245 = arith.constant 2 : i32
        %shift_right_logical3A_2246 = vector.broadcast %shift_right_logical3A_2245 : i32 to vector<16xi32>
        %shift_right_logical3A_2247 = arith.shrui %and3A_2241, %shift_right_logical3A_2246 : vector<16xi32>
        %swap3A_2248 = arith.index_cast %rem3A_122 : i32 to index
        %swap3A_2249 = arith.constant 48 : index
        %swap3A_2250 = tpu.vector_load %arg12[%swap3A_2248, %swap3A_2249] {strides = array<i32>} : memref<2x64xi32, #tpu.memory_space<vmem>>, vector<16xi32>,
        tpu.vector_store %arg12[%swap3A_2248, %swap3A_2249], %shift_right_logical3A_2247 {strides = array<i32>} : memref<2x64xi32, #tpu.memory_space<vmem>>, vector<16xi32>,
        %mul3A_2251 = arith.constant 52348 : i32
        %mul3A_2252 = vector.broadcast %mul3A_2251 : i32 to vector<16xi32>
        %mul3A_2253 = arith.muli %shift_right_logical3A_2244, %mul3A_2252 : vector<16xi32>
        %shift_right_logical3A_2254 = arith.constant 25 : i32
        %shift_right_logical3A_2255 = vector.broadcast %shift_right_logical3A_2254 : i32 to vector<16xi32>
        %shift_right_logical3A_2256 = arith.shrui %mul3A_2253, %shift_right_logical3A_2255 : vector<16xi32>
        %mul3A_2257 = arith.constant 641 : i32
        %mul3A_2258 = vector.broadcast %mul3A_2257 : i32 to vector<16xi32>
        %mul3A_2259 = arith.muli %shift_right_logical3A_2256, %mul3A_2258 : vector<16xi32>
        %sub3A_2260 = arith.subi %shift_right_logical3A_2244, %mul3A_2259 : vector<16xi32>
        %mul3A_2261 = arith.constant 32 : i32
        %mul3A_2262 = vector.broadcast %mul3A_2261 : i32 to vector<16xi32>
        %mul3A_2263 = arith.muli %sub3A_2260, %mul3A_2262 : vector<16xi32>
        %and3A_2264 = arith.constant 3 : i32
        %and3A_2265 = vector.broadcast %and3A_2264 : i32 to vector<16xi32>
        %and3A_2266 = arith.andi %and3A_2241, %and3A_2265 : vector<16xi32>
        %shift_left3A_2267 = arith.constant 5 : i32
        %shift_left3A_2268 = vector.broadcast %shift_left3A_2267 : i32 to vector<16xi32>
        %shift_left3A_2269 = arith.shli %and3A_2266, %shift_left3A_2268 : vector<16xi32>
        %get3A_2270 = arith.index_cast %rem3A_122 : i32 to index
        %get3A_2271 = arith.constant 48 : index
        %get3A_2272 = tpu.vector_load %arg13[%get3A_2270, %get3A_2271] {strides = array<i32>} : memref<2x64xi32, #tpu.memory_space<vmem>>, vector<16xi32>,
        %swap3A_2273 = arith.index_cast %rem3A_122 : i32 to index
        %swap3A_2274 = arith.constant 48 : index
        %swap3A_2275 = tpu.vector_load %arg13[%swap3A_2273, %swap3A_2274] {strides = array<i32>} : memref<2x64xi32, #tpu.memory_space<vmem>>, vector<16xi32>,
        tpu.vector_store %arg13[%swap3A_2273, %swap3A_2274], %shift_left3A_2269 {strides = array<i32>} : memref<2x64xi32, #tpu.memory_space<vmem>>, vector<16xi32>,
        %slice3A_2276 = vector.extract_strided_slice %mul3A_2263 {offsets = [0], sizes = [1], strides = [1]} : vector<16xi32> to vector<1xi32>
        %squeeze3A_2277 = vector.extract %slice3A_2276[0] : i32 from vector<1xi32>
        %slice3A_2278 = vector.extract_strided_slice %shift_left3A_2269 {offsets = [0], sizes = [1], strides = [1]} : vector<16xi32> to vector<1xi32>
        %squeeze3A_2279 = vector.extract %slice3A_2278[0] : i32 from vector<1xi32>
        %slice3A_2280 = vector.extract_strided_slice %get3A_2272 {offsets = [0], sizes = [1], strides = [1]} : vector<16xi32> to vector<1xi32>
        %squeeze3A_2281 = vector.extract %slice3A_2280[0] : i32 from vector<1xi32>
        %slice3A_2282 = vector.extract_strided_slice %get3A_2238 {offsets = [0], sizes = [1], strides = [1]} : vector<16xf32> to vector<1xf32>
        %squeeze3A_2283 = vector.extract %slice3A_2282[0] : f32 from vector<1xf32>
        %broadcast_in_dim3A_2284 = vector.broadcast %squeeze3A_2283 : f32 to vector<16xf32>
        %get3A_2285 = arith.index_cast %squeeze3A_2277 : i32 to index
        %get3A_2286 = tpu.vector_load %arg8[%get3A_2285] {strides = array<i32>} : memref<20512xf32, #tpu.memory_space<vmem>>, vector<16xf32>,
        %add3A_2287 = arith.constant 16 : i32
        %add3A_2288 = arith.addi %squeeze3A_2277, %add3A_2287 : i32
        %get3A_2289 = arith.index_cast %add3A_2288 : i32 to index
        %get3A_2290 = tpu.vector_load %arg8[%get3A_2289] {strides = array<i32>} : memref<20512xf32, #tpu.memory_space<vmem>>, vector<16xf32>,
        %swap3A_2291 = arith.constant 48 : i32
        %swap3A_2292 = arith.index_cast %rem3A_122 : i32 to index
        %swap3A_2293 = arith.index_cast %swap3A_2291 : i32 to index
        %swap3A_2294 = arith.index_cast %squeeze3A_2281 : i32 to index
        %swap3A_2295 = tpu.vector_load %arg11[%swap3A_2292, %swap3A_2293, %swap3A_2294] {strides = array<i32>} : memref<2x64x128xf32, #tpu.memory_space<vmem>>, vector<16xf32>,
        tpu.vector_store %arg11[%swap3A_2292, %swap3A_2293, %swap3A_2294], %broadcast_in_dim3A_44 {strides = array<i32>} : memref<2x64x128xf32, #tpu.memory_space<vmem>>, vector<16xf32>,
        %add3A_2296 = arith.constant 16 : i32
        %add3A_2297 = arith.addi %squeeze3A_2281, %add3A_2296 : i32
        %swap3A_2298 = arith.constant 48 : i32
        %swap3A_2299 = arith.index_cast %rem3A_122 : i32 to index
        %swap3A_2300 = arith.index_cast %swap3A_2298 : i32 to index
        %swap3A_2301 = arith.index_cast %add3A_2297 : i32 to index
        %swap3A_2302 = tpu.vector_load %arg11[%swap3A_2299, %swap3A_2300, %swap3A_2301] {strides = array<i32>} : memref<2x64x128xf32, #tpu.memory_space<vmem>>, vector<16xf32>,
        tpu.vector_store %arg11[%swap3A_2299, %swap3A_2300, %swap3A_2301], %broadcast_in_dim3A_44 {strides = array<i32>} : memref<2x64x128xf32, #tpu.memory_space<vmem>>, vector<16xf32>,
        %mul3A_2303 = arith.mulf %get3A_2286, %broadcast_in_dim3A_2284 : vector<16xf32>
        %swap3A_2304 = arith.constant 48 : i32
        %swap3A_2305 = arith.index_cast %rem3A_122 : i32 to index
        %swap3A_2306 = arith.index_cast %swap3A_2304 : i32 to index
        %swap3A_2307 = arith.index_cast %squeeze3A_2279 : i32 to index
        %swap3A_2308 = tpu.vector_load %arg11[%swap3A_2305, %swap3A_2306, %swap3A_2307] {strides = array<i32>} : memref<2x64x128xf32, #tpu.memory_space<vmem>>, vector<16xf32>,
        tpu.vector_store %arg11[%swap3A_2305, %swap3A_2306, %swap3A_2307], %mul3A_2303 {strides = array<i32>} : memref<2x64x128xf32, #tpu.memory_space<vmem>>, vector<16xf32>,
        %mul3A_2309 = arith.mulf %get3A_2290, %broadcast_in_dim3A_2284 : vector<16xf32>
        %add3A_2310 = arith.constant 16 : i32
        %add3A_2311 = arith.addi %squeeze3A_2279, %add3A_2310 : i32
        %swap3A_2312 = arith.constant 48 : i32
        %swap3A_2313 = arith.index_cast %rem3A_122 : i32 to index
        %swap3A_2314 = arith.index_cast %swap3A_2312 : i32 to index
        %swap3A_2315 = arith.index_cast %add3A_2311 : i32 to index
        %swap3A_2316 = tpu.vector_load %arg11[%swap3A_2313, %swap3A_2314, %swap3A_2315] {strides = array<i32>} : memref<2x64x128xf32, #tpu.memory_space<vmem>>, vector<16xf32>,
        tpu.vector_store %arg11[%swap3A_2313, %swap3A_2314, %swap3A_2315], %mul3A_2309 {strides = array<i32>} : memref<2x64x128xf32, #tpu.memory_space<vmem>>, vector<16xf32>,
        %slice3A_2317 = vector.extract_strided_slice %mul3A_2263 {offsets = [1], sizes = [1], strides = [1]} : vector<16xi32> to vector<1xi32>
        %squeeze3A_2318 = vector.extract %slice3A_2317[0] : i32 from vector<1xi32>
        %slice3A_2319 = vector.extract_strided_slice %shift_left3A_2269 {offsets = [1], sizes = [1], strides = [1]} : vector<16xi32> to vector<1xi32>
        %squeeze3A_2320 = vector.extract %slice3A_2319[0] : i32 from vector<1xi32>
        %slice3A_2321 = vector.extract_strided_slice %get3A_2272 {offsets = [1], sizes = [1], strides = [1]} : vector<16xi32> to vector<1xi32>
        %squeeze3A_2322 = vector.extract %slice3A_2321[0] : i32 from vector<1xi32>
        %slice3A_2323 = vector.extract_strided_slice %get3A_2238 {offsets = [1], sizes = [1], strides = [1]} : vector<16xf32> to vector<1xf32>
        %squeeze3A_2324 = vector.extract %slice3A_2323[0] : f32 from vector<1xf32>
        %broadcast_in_dim3A_2325 = vector.broadcast %squeeze3A_2324 : f32 to vector<16xf32>
        %get3A_2326 = arith.index_cast %squeeze3A_2318 : i32 to index
        %get3A_2327 = tpu.vector_load %arg8[%get3A_2326] {strides = array<i32>} : memref<20512xf32, #tpu.memory_space<vmem>>, vector<16xf32>,
        %add3A_2328 = arith.constant 16 : i32
        %add3A_2329 = arith.addi %squeeze3A_2318, %add3A_2328 : i32
        %get3A_2330 = arith.index_cast %add3A_2329 : i32 to index
        %get3A_2331 = tpu.vector_load %arg8[%get3A_2330] {strides = array<i32>} : memref<20512xf32, #tpu.memory_space<vmem>>, vector<16xf32>,
        %swap3A_2332 = arith.constant 49 : i32
        %swap3A_2333 = arith.index_cast %rem3A_122 : i32 to index
        %swap3A_2334 = arith.index_cast %swap3A_2332 : i32 to index
        %swap3A_2335 = arith.index_cast %squeeze3A_2322 : i32 to index
        %swap3A_2336 = tpu.vector_load %arg11[%swap3A_2333, %swap3A_2334, %swap3A_2335] {strides = array<i32>} : memref<2x64x128xf32, #tpu.memory_space<vmem>>, vector<16xf32>,
        tpu.vector_store %arg11[%swap3A_2333, %swap3A_2334, %swap3A_2335], %broadcast_in_dim3A_44 {strides = array<i32>} : memref<2x64x128xf32, #tpu.memory_space<vmem>>, vector<16xf32>,
        %add3A_2337 = arith.constant 16 : i32
        %add3A_2338 = arith.addi %squeeze3A_2322, %add3A_2337 : i32
        %swap3A_2339 = arith.constant 49 : i32
        %swap3A_2340 = arith.index_cast %rem3A_122 : i32 to index
        %swap3A_2341 = arith.index_cast %swap3A_2339 : i32 to index
        %swap3A_2342 = arith.index_cast %add3A_2338 : i32 to index
        %swap3A_2343 = tpu.vector_load %arg11[%swap3A_2340, %swap3A_2341, %swap3A_2342] {strides = array<i32>} : memref<2x64x128xf32, #tpu.memory_space<vmem>>, vector<16xf32>,
        tpu.vector_store %arg11[%swap3A_2340, %swap3A_2341, %swap3A_2342], %broadcast_in_dim3A_44 {strides = array<i32>} : memref<2x64x128xf32, #tpu.memory_space<vmem>>, vector<16xf32>,
        %mul3A_2344 = arith.mulf %get3A_2327, %broadcast_in_dim3A_2325 : vector<16xf32>
        %swap3A_2345 = arith.constant 49 : i32
        %swap3A_2346 = arith.index_cast %rem3A_122 : i32 to index
        %swap3A_2347 = arith.index_cast %swap3A_2345 : i32 to index
        %swap3A_2348 = arith.index_cast %squeeze3A_2320 : i32 to index
        %swap3A_2349 = tpu.vector_load %arg11[%swap3A_2346, %swap3A_2347, %swap3A_2348] {strides = array<i32>} : memref<2x64x128xf32, #tpu.memory_space<vmem>>, vector<16xf32>,
        tpu.vector_store %arg11[%swap3A_2346, %swap3A_2347, %swap3A_2348], %mul3A_2344 {strides = array<i32>} : memref<2x64x128xf32, #tpu.memory_space<vmem>>, vector<16xf32>,
        %mul3A_2350 = arith.mulf %get3A_2331, %broadcast_in_dim3A_2325 : vector<16xf32>
        %add3A_2351 = arith.constant 16 : i32
        %add3A_2352 = arith.addi %squeeze3A_2320, %add3A_2351 : i32
        %swap3A_2353 = arith.constant 49 : i32
        %swap3A_2354 = arith.index_cast %rem3A_122 : i32 to index
        %swap3A_2355 = arith.index_cast %swap3A_2353 : i32 to index
        %swap3A_2356 = arith.index_cast %add3A_2352 : i32 to index
        %swap3A_2357 = tpu.vector_load %arg11[%swap3A_2354, %swap3A_2355, %swap3A_2356] {strides = array<i32>} : memref<2x64x128xf32, #tpu.memory_space<vmem>>, vector<16xf32>,
        tpu.vector_store %arg11[%swap3A_2354, %swap3A_2355, %swap3A_2356], %mul3A_2350 {strides = array<i32>} : memref<2x64x128xf32, #tpu.memory_space<vmem>>, vector<16xf32>,
        %slice3A_2358 = vector.extract_strided_slice %mul3A_2263 {offsets = [2], sizes = [1], strides = [1]} : vector<16xi32> to vector<1xi32>
        %squeeze3A_2359 = vector.extract %slice3A_2358[0] : i32 from vector<1xi32>
        %slice3A_2360 = vector.extract_strided_slice %shift_left3A_2269 {offsets = [2], sizes = [1], strides = [1]} : vector<16xi32> to vector<1xi32>
        %squeeze3A_2361 = vector.extract %slice3A_2360[0] : i32 from vector<1xi32>
        %slice3A_2362 = vector.extract_strided_slice %get3A_2272 {offsets = [2], sizes = [1], strides = [1]} : vector<16xi32> to vector<1xi32>
        %squeeze3A_2363 = vector.extract %slice3A_2362[0] : i32 from vector<1xi32>
        %slice3A_2364 = vector.extract_strided_slice %get3A_2238 {offsets = [2], sizes = [1], strides = [1]} : vector<16xf32> to vector<1xf32>
        %squeeze3A_2365 = vector.extract %slice3A_2364[0] : f32 from vector<1xf32>
        %broadcast_in_dim3A_2366 = vector.broadcast %squeeze3A_2365 : f32 to vector<16xf32>
        %get3A_2367 = arith.index_cast %squeeze3A_2359 : i32 to index
        %get3A_2368 = tpu.vector_load %arg8[%get3A_2367] {strides = array<i32>} : memref<20512xf32, #tpu.memory_space<vmem>>, vector<16xf32>,
        %add3A_2369 = arith.constant 16 : i32
        %add3A_2370 = arith.addi %squeeze3A_2359, %add3A_2369 : i32
        %get3A_2371 = arith.index_cast %add3A_2370 : i32 to index
        %get3A_2372 = tpu.vector_load %arg8[%get3A_2371] {strides = array<i32>} : memref<20512xf32, #tpu.memory_space<vmem>>, vector<16xf32>,
        %swap3A_2373 = arith.constant 50 : i32
        %swap3A_2374 = arith.index_cast %rem3A_122 : i32 to index
        %swap3A_2375 = arith.index_cast %swap3A_2373 : i32 to index
        %swap3A_2376 = arith.index_cast %squeeze3A_2363 : i32 to index
        %swap3A_2377 = tpu.vector_load %arg11[%swap3A_2374, %swap3A_2375, %swap3A_2376] {strides = array<i32>} : memref<2x64x128xf32, #tpu.memory_space<vmem>>, vector<16xf32>,
        tpu.vector_store %arg11[%swap3A_2374, %swap3A_2375, %swap3A_2376], %broadcast_in_dim3A_44 {strides = array<i32>} : memref<2x64x128xf32, #tpu.memory_space<vmem>>, vector<16xf32>,
        %add3A_2378 = arith.constant 16 : i32
        %add3A_2379 = arith.addi %squeeze3A_2363, %add3A_2378 : i32
        %swap3A_2380 = arith.constant 50 : i32
        %swap3A_2381 = arith.index_cast %rem3A_122 : i32 to index
        %swap3A_2382 = arith.index_cast %swap3A_2380 : i32 to index
        %swap3A_2383 = arith.index_cast %add3A_2379 : i32 to index
        %swap3A_2384 = tpu.vector_load %arg11[%swap3A_2381, %swap3A_2382, %swap3A_2383] {strides = array<i32>} : memref<2x64x128xf32, #tpu.memory_space<vmem>>, vector<16xf32>,
        tpu.vector_store %arg11[%swap3A_2381, %swap3A_2382, %swap3A_2383], %broadcast_in_dim3A_44 {strides = array<i32>} : memref<2x64x128xf32, #tpu.memory_space<vmem>>, vector<16xf32>,
        %mul3A_2385 = arith.mulf %get3A_2368, %broadcast_in_dim3A_2366 : vector<16xf32>
        %swap3A_2386 = arith.constant 50 : i32
        %swap3A_2387 = arith.index_cast %rem3A_122 : i32 to index
        %swap3A_2388 = arith.index_cast %swap3A_2386 : i32 to index
        %swap3A_2389 = arith.index_cast %squeeze3A_2361 : i32 to index
        %swap3A_2390 = tpu.vector_load %arg11[%swap3A_2387, %swap3A_2388, %swap3A_2389] {strides = array<i32>} : memref<2x64x128xf32, #tpu.memory_space<vmem>>, vector<16xf32>,
        tpu.vector_store %arg11[%swap3A_2387, %swap3A_2388, %swap3A_2389], %mul3A_2385 {strides = array<i32>} : memref<2x64x128xf32, #tpu.memory_space<vmem>>, vector<16xf32>,
        %mul3A_2391 = arith.mulf %get3A_2372, %broadcast_in_dim3A_2366 : vector<16xf32>
        %add3A_2392 = arith.constant 16 : i32
        %add3A_2393 = arith.addi %squeeze3A_2361, %add3A_2392 : i32
        %swap3A_2394 = arith.constant 50 : i32
        %swap3A_2395 = arith.index_cast %rem3A_122 : i32 to index
        %swap3A_2396 = arith.index_cast %swap3A_2394 : i32 to index
        %swap3A_2397 = arith.index_cast %add3A_2393 : i32 to index
        %swap3A_2398 = tpu.vector_load %arg11[%swap3A_2395, %swap3A_2396, %swap3A_2397] {strides = array<i32>} : memref<2x64x128xf32, #tpu.memory_space<vmem>>, vector<16xf32>,
        tpu.vector_store %arg11[%swap3A_2395, %swap3A_2396, %swap3A_2397], %mul3A_2391 {strides = array<i32>} : memref<2x64x128xf32, #tpu.memory_space<vmem>>, vector<16xf32>,
        %slice3A_2399 = vector.extract_strided_slice %mul3A_2263 {offsets = [3], sizes = [1], strides = [1]} : vector<16xi32> to vector<1xi32>
        %squeeze3A_2400 = vector.extract %slice3A_2399[0] : i32 from vector<1xi32>
        %slice3A_2401 = vector.extract_strided_slice %shift_left3A_2269 {offsets = [3], sizes = [1], strides = [1]} : vector<16xi32> to vector<1xi32>
        %squeeze3A_2402 = vector.extract %slice3A_2401[0] : i32 from vector<1xi32>
        %slice3A_2403 = vector.extract_strided_slice %get3A_2272 {offsets = [3], sizes = [1], strides = [1]} : vector<16xi32> to vector<1xi32>
        %squeeze3A_2404 = vector.extract %slice3A_2403[0] : i32 from vector<1xi32>
        %slice3A_2405 = vector.extract_strided_slice %get3A_2238 {offsets = [3], sizes = [1], strides = [1]} : vector<16xf32> to vector<1xf32>
        %squeeze3A_2406 = vector.extract %slice3A_2405[0] : f32 from vector<1xf32>
        %broadcast_in_dim3A_2407 = vector.broadcast %squeeze3A_2406 : f32 to vector<16xf32>
        %get3A_2408 = arith.index_cast %squeeze3A_2400 : i32 to index
        %get3A_2409 = tpu.vector_load %arg8[%get3A_2408] {strides = array<i32>} : memref<20512xf32, #tpu.memory_space<vmem>>, vector<16xf32>,
        %add3A_2410 = arith.constant 16 : i32
        %add3A_2411 = arith.addi %squeeze3A_2400, %add3A_2410 : i32
        %get3A_2412 = arith.index_cast %add3A_2411 : i32 to index
        %get3A_2413 = tpu.vector_load %arg8[%get3A_2412] {strides = array<i32>} : memref<20512xf32, #tpu.memory_space<vmem>>, vector<16xf32>,
        %swap3A_2414 = arith.constant 51 : i32
        %swap3A_2415 = arith.index_cast %rem3A_122 : i32 to index
        %swap3A_2416 = arith.index_cast %swap3A_2414 : i32 to index
        %swap3A_2417 = arith.index_cast %squeeze3A_2404 : i32 to index
        %swap3A_2418 = tpu.vector_load %arg11[%swap3A_2415, %swap3A_2416, %swap3A_2417] {strides = array<i32>} : memref<2x64x128xf32, #tpu.memory_space<vmem>>, vector<16xf32>,
        tpu.vector_store %arg11[%swap3A_2415, %swap3A_2416, %swap3A_2417], %broadcast_in_dim3A_44 {strides = array<i32>} : memref<2x64x128xf32, #tpu.memory_space<vmem>>, vector<16xf32>,
        %add3A_2419 = arith.constant 16 : i32
        %add3A_2420 = arith.addi %squeeze3A_2404, %add3A_2419 : i32
        %swap3A_2421 = arith.constant 51 : i32
        %swap3A_2422 = arith.index_cast %rem3A_122 : i32 to index
        %swap3A_2423 = arith.index_cast %swap3A_2421 : i32 to index
        %swap3A_2424 = arith.index_cast %add3A_2420 : i32 to index
        %swap3A_2425 = tpu.vector_load %arg11[%swap3A_2422, %swap3A_2423, %swap3A_2424] {strides = array<i32>} : memref<2x64x128xf32, #tpu.memory_space<vmem>>, vector<16xf32>,
        tpu.vector_store %arg11[%swap3A_2422, %swap3A_2423, %swap3A_2424], %broadcast_in_dim3A_44 {strides = array<i32>} : memref<2x64x128xf32, #tpu.memory_space<vmem>>, vector<16xf32>,
        %mul3A_2426 = arith.mulf %get3A_2409, %broadcast_in_dim3A_2407 : vector<16xf32>
        %swap3A_2427 = arith.constant 51 : i32
        %swap3A_2428 = arith.index_cast %rem3A_122 : i32 to index
        %swap3A_2429 = arith.index_cast %swap3A_2427 : i32 to index
        %swap3A_2430 = arith.index_cast %squeeze3A_2402 : i32 to index
        %swap3A_2431 = tpu.vector_load %arg11[%swap3A_2428, %swap3A_2429, %swap3A_2430] {strides = array<i32>} : memref<2x64x128xf32, #tpu.memory_space<vmem>>, vector<16xf32>,
        tpu.vector_store %arg11[%swap3A_2428, %swap3A_2429, %swap3A_2430], %mul3A_2426 {strides = array<i32>} : memref<2x64x128xf32, #tpu.memory_space<vmem>>, vector<16xf32>,
        %mul3A_2432 = arith.mulf %get3A_2413, %broadcast_in_dim3A_2407 : vector<16xf32>
        %add3A_2433 = arith.constant 16 : i32
        %add3A_2434 = arith.addi %squeeze3A_2402, %add3A_2433 : i32
        %swap3A_2435 = arith.constant 51 : i32
        %swap3A_2436 = arith.index_cast %rem3A_122 : i32 to index
        %swap3A_2437 = arith.index_cast %swap3A_2435 : i32 to index
        %swap3A_2438 = arith.index_cast %add3A_2434 : i32 to index
        %swap3A_2439 = tpu.vector_load %arg11[%swap3A_2436, %swap3A_2437, %swap3A_2438] {strides = array<i32>} : memref<2x64x128xf32, #tpu.memory_space<vmem>>, vector<16xf32>,
        tpu.vector_store %arg11[%swap3A_2436, %swap3A_2437, %swap3A_2438], %mul3A_2432 {strides = array<i32>} : memref<2x64x128xf32, #tpu.memory_space<vmem>>, vector<16xf32>,
        %slice3A_2440 = vector.extract_strided_slice %mul3A_2263 {offsets = [4], sizes = [1], strides = [1]} : vector<16xi32> to vector<1xi32>
        %squeeze3A_2441 = vector.extract %slice3A_2440[0] : i32 from vector<1xi32>
        %slice3A_2442 = vector.extract_strided_slice %shift_left3A_2269 {offsets = [4], sizes = [1], strides = [1]} : vector<16xi32> to vector<1xi32>
        %squeeze3A_2443 = vector.extract %slice3A_2442[0] : i32 from vector<1xi32>
        %slice3A_2444 = vector.extract_strided_slice %get3A_2272 {offsets = [4], sizes = [1], strides = [1]} : vector<16xi32> to vector<1xi32>
        %squeeze3A_2445 = vector.extract %slice3A_2444[0] : i32 from vector<1xi32>
        %slice3A_2446 = vector.extract_strided_slice %get3A_2238 {offsets = [4], sizes = [1], strides = [1]} : vector<16xf32> to vector<1xf32>
        %squeeze3A_2447 = vector.extract %slice3A_2446[0] : f32 from vector<1xf32>
        %broadcast_in_dim3A_2448 = vector.broadcast %squeeze3A_2447 : f32 to vector<16xf32>
        %get3A_2449 = arith.index_cast %squeeze3A_2441 : i32 to index
        %get3A_2450 = tpu.vector_load %arg8[%get3A_2449] {strides = array<i32>} : memref<20512xf32, #tpu.memory_space<vmem>>, vector<16xf32>,
        %add3A_2451 = arith.constant 16 : i32
        %add3A_2452 = arith.addi %squeeze3A_2441, %add3A_2451 : i32
        %get3A_2453 = arith.index_cast %add3A_2452 : i32 to index
        %get3A_2454 = tpu.vector_load %arg8[%get3A_2453] {strides = array<i32>} : memref<20512xf32, #tpu.memory_space<vmem>>, vector<16xf32>,
        %swap3A_2455 = arith.constant 52 : i32
        %swap3A_2456 = arith.index_cast %rem3A_122 : i32 to index
        %swap3A_2457 = arith.index_cast %swap3A_2455 : i32 to index
        %swap3A_2458 = arith.index_cast %squeeze3A_2445 : i32 to index
        %swap3A_2459 = tpu.vector_load %arg11[%swap3A_2456, %swap3A_2457, %swap3A_2458] {strides = array<i32>} : memref<2x64x128xf32, #tpu.memory_space<vmem>>, vector<16xf32>,
        tpu.vector_store %arg11[%swap3A_2456, %swap3A_2457, %swap3A_2458], %broadcast_in_dim3A_44 {strides = array<i32>} : memref<2x64x128xf32, #tpu.memory_space<vmem>>, vector<16xf32>,
        %add3A_2460 = arith.constant 16 : i32
        %add3A_2461 = arith.addi %squeeze3A_2445, %add3A_2460 : i32
        %swap3A_2462 = arith.constant 52 : i32
        %swap3A_2463 = arith.index_cast %rem3A_122 : i32 to index
        %swap3A_2464 = arith.index_cast %swap3A_2462 : i32 to index
        %swap3A_2465 = arith.index_cast %add3A_2461 : i32 to index
        %swap3A_2466 = tpu.vector_load %arg11[%swap3A_2463, %swap3A_2464, %swap3A_2465] {strides = array<i32>} : memref<2x64x128xf32, #tpu.memory_space<vmem>>, vector<16xf32>,
        tpu.vector_store %arg11[%swap3A_2463, %swap3A_2464, %swap3A_2465], %broadcast_in_dim3A_44 {strides = array<i32>} : memref<2x64x128xf32, #tpu.memory_space<vmem>>, vector<16xf32>,
        %mul3A_2467 = arith.mulf %get3A_2450, %broadcast_in_dim3A_2448 : vector<16xf32>
        %swap3A_2468 = arith.constant 52 : i32
        %swap3A_2469 = arith.index_cast %rem3A_122 : i32 to index
        %swap3A_2470 = arith.index_cast %swap3A_2468 : i32 to index
        %swap3A_2471 = arith.index_cast %squeeze3A_2443 : i32 to index
        %swap3A_2472 = tpu.vector_load %arg11[%swap3A_2469, %swap3A_2470, %swap3A_2471] {strides = array<i32>} : memref<2x64x128xf32, #tpu.memory_space<vmem>>, vector<16xf32>,
        tpu.vector_store %arg11[%swap3A_2469, %swap3A_2470, %swap3A_2471], %mul3A_2467 {strides = array<i32>} : memref<2x64x128xf32, #tpu.memory_space<vmem>>, vector<16xf32>,
        %mul3A_2473 = arith.mulf %get3A_2454, %broadcast_in_dim3A_2448 : vector<16xf32>
        %add3A_2474 = arith.constant 16 : i32
        %add3A_2475 = arith.addi %squeeze3A_2443, %add3A_2474 : i32
        %swap3A_2476 = arith.constant 52 : i32
        %swap3A_2477 = arith.index_cast %rem3A_122 : i32 to index
        %swap3A_2478 = arith.index_cast %swap3A_2476 : i32 to index
        %swap3A_2479 = arith.index_cast %add3A_2475 : i32 to index
        %swap3A_2480 = tpu.vector_load %arg11[%swap3A_2477, %swap3A_2478, %swap3A_2479] {strides = array<i32>} : memref<2x64x128xf32, #tpu.memory_space<vmem>>, vector<16xf32>,
        tpu.vector_store %arg11[%swap3A_2477, %swap3A_2478, %swap3A_2479], %mul3A_2473 {strides = array<i32>} : memref<2x64x128xf32, #tpu.memory_space<vmem>>, vector<16xf32>,
        %slice3A_2481 = vector.extract_strided_slice %mul3A_2263 {offsets = [5], sizes = [1], strides = [1]} : vector<16xi32> to vector<1xi32>
        %squeeze3A_2482 = vector.extract %slice3A_2481[0] : i32 from vector<1xi32>
        %slice3A_2483 = vector.extract_strided_slice %shift_left3A_2269 {offsets = [5], sizes = [1], strides = [1]} : vector<16xi32> to vector<1xi32>
        %squeeze3A_2484 = vector.extract %slice3A_2483[0] : i32 from vector<1xi32>
        %slice3A_2485 = vector.extract_strided_slice %get3A_2272 {offsets = [5], sizes = [1], strides = [1]} : vector<16xi32> to vector<1xi32>
        %squeeze3A_2486 = vector.extract %slice3A_2485[0] : i32 from vector<1xi32>
        %slice3A_2487 = vector.extract_strided_slice %get3A_2238 {offsets = [5], sizes = [1], strides = [1]} : vector<16xf32> to vector<1xf32>
        %squeeze3A_2488 = vector.extract %slice3A_2487[0] : f32 from vector<1xf32>
        %broadcast_in_dim3A_2489 = vector.broadcast %squeeze3A_2488 : f32 to vector<16xf32>
        %get3A_2490 = arith.index_cast %squeeze3A_2482 : i32 to index
        %get3A_2491 = tpu.vector_load %arg8[%get3A_2490] {strides = array<i32>} : memref<20512xf32, #tpu.memory_space<vmem>>, vector<16xf32>,
        %add3A_2492 = arith.constant 16 : i32
        %add3A_2493 = arith.addi %squeeze3A_2482, %add3A_2492 : i32
        %get3A_2494 = arith.index_cast %add3A_2493 : i32 to index
        %get3A_2495 = tpu.vector_load %arg8[%get3A_2494] {strides = array<i32>} : memref<20512xf32, #tpu.memory_space<vmem>>, vector<16xf32>,
        %swap3A_2496 = arith.constant 53 : i32
        %swap3A_2497 = arith.index_cast %rem3A_122 : i32 to index
        %swap3A_2498 = arith.index_cast %swap3A_2496 : i32 to index
        %swap3A_2499 = arith.index_cast %squeeze3A_2486 : i32 to index
        %swap3A_2500 = tpu.vector_load %arg11[%swap3A_2497, %swap3A_2498, %swap3A_2499] {strides = array<i32>} : memref<2x64x128xf32, #tpu.memory_space<vmem>>, vector<16xf32>,
        tpu.vector_store %arg11[%swap3A_2497, %swap3A_2498, %swap3A_2499], %broadcast_in_dim3A_44 {strides = array<i32>} : memref<2x64x128xf32, #tpu.memory_space<vmem>>, vector<16xf32>,
        %add3A_2501 = arith.constant 16 : i32
        %add3A_2502 = arith.addi %squeeze3A_2486, %add3A_2501 : i32
        %swap3A_2503 = arith.constant 53 : i32
        %swap3A_2504 = arith.index_cast %rem3A_122 : i32 to index
        %swap3A_2505 = arith.index_cast %swap3A_2503 : i32 to index
        %swap3A_2506 = arith.index_cast %add3A_2502 : i32 to index
        %swap3A_2507 = tpu.vector_load %arg11[%swap3A_2504, %swap3A_2505, %swap3A_2506] {strides = array<i32>} : memref<2x64x128xf32, #tpu.memory_space<vmem>>, vector<16xf32>,
        tpu.vector_store %arg11[%swap3A_2504, %swap3A_2505, %swap3A_2506], %broadcast_in_dim3A_44 {strides = array<i32>} : memref<2x64x128xf32, #tpu.memory_space<vmem>>, vector<16xf32>,
        %mul3A_2508 = arith.mulf %get3A_2491, %broadcast_in_dim3A_2489 : vector<16xf32>
        %swap3A_2509 = arith.constant 53 : i32
        %swap3A_2510 = arith.index_cast %rem3A_122 : i32 to index
        %swap3A_2511 = arith.index_cast %swap3A_2509 : i32 to index
        %swap3A_2512 = arith.index_cast %squeeze3A_2484 : i32 to index
        %swap3A_2513 = tpu.vector_load %arg11[%swap3A_2510, %swap3A_2511, %swap3A_2512] {strides = array<i32>} : memref<2x64x128xf32, #tpu.memory_space<vmem>>, vector<16xf32>,
        tpu.vector_store %arg11[%swap3A_2510, %swap3A_2511, %swap3A_2512], %mul3A_2508 {strides = array<i32>} : memref<2x64x128xf32, #tpu.memory_space<vmem>>, vector<16xf32>,
        %mul3A_2514 = arith.mulf %get3A_2495, %broadcast_in_dim3A_2489 : vector<16xf32>
        %add3A_2515 = arith.constant 16 : i32
        %add3A_2516 = arith.addi %squeeze3A_2484, %add3A_2515 : i32
        %swap3A_2517 = arith.constant 53 : i32
        %swap3A_2518 = arith.index_cast %rem3A_122 : i32 to index
        %swap3A_2519 = arith.index_cast %swap3A_2517 : i32 to index
        %swap3A_2520 = arith.index_cast %add3A_2516 : i32 to index
        %swap3A_2521 = tpu.vector_load %arg11[%swap3A_2518, %swap3A_2519, %swap3A_2520] {strides = array<i32>} : memref<2x64x128xf32, #tpu.memory_space<vmem>>, vector<16xf32>,
        tpu.vector_store %arg11[%swap3A_2518, %swap3A_2519, %swap3A_2520], %mul3A_2514 {strides = array<i32>} : memref<2x64x128xf32, #tpu.memory_space<vmem>>, vector<16xf32>,
        %slice3A_2522 = vector.extract_strided_slice %mul3A_2263 {offsets = [6], sizes = [1], strides = [1]} : vector<16xi32> to vector<1xi32>
        %squeeze3A_2523 = vector.extract %slice3A_2522[0] : i32 from vector<1xi32>
        %slice3A_2524 = vector.extract_strided_slice %shift_left3A_2269 {offsets = [6], sizes = [1], strides = [1]} : vector<16xi32> to vector<1xi32>
        %squeeze3A_2525 = vector.extract %slice3A_2524[0] : i32 from vector<1xi32>
        %slice3A_2526 = vector.extract_strided_slice %get3A_2272 {offsets = [6], sizes = [1], strides = [1]} : vector<16xi32> to vector<1xi32>
        %squeeze3A_2527 = vector.extract %slice3A_2526[0] : i32 from vector<1xi32>
        %slice3A_2528 = vector.extract_strided_slice %get3A_2238 {offsets = [6], sizes = [1], strides = [1]} : vector<16xf32> to vector<1xf32>
        %squeeze3A_2529 = vector.extract %slice3A_2528[0] : f32 from vector<1xf32>
        %broadcast_in_dim3A_2530 = vector.broadcast %squeeze3A_2529 : f32 to vector<16xf32>
        %get3A_2531 = arith.index_cast %squeeze3A_2523 : i32 to index
        %get3A_2532 = tpu.vector_load %arg8[%get3A_2531] {strides = array<i32>} : memref<20512xf32, #tpu.memory_space<vmem>>, vector<16xf32>,
        %add3A_2533 = arith.constant 16 : i32
        %add3A_2534 = arith.addi %squeeze3A_2523, %add3A_2533 : i32
        %get3A_2535 = arith.index_cast %add3A_2534 : i32 to index
        %get3A_2536 = tpu.vector_load %arg8[%get3A_2535] {strides = array<i32>} : memref<20512xf32, #tpu.memory_space<vmem>>, vector<16xf32>,
        %swap3A_2537 = arith.constant 54 : i32
        %swap3A_2538 = arith.index_cast %rem3A_122 : i32 to index
        %swap3A_2539 = arith.index_cast %swap3A_2537 : i32 to index
        %swap3A_2540 = arith.index_cast %squeeze3A_2527 : i32 to index
        %swap3A_2541 = tpu.vector_load %arg11[%swap3A_2538, %swap3A_2539, %swap3A_2540] {strides = array<i32>} : memref<2x64x128xf32, #tpu.memory_space<vmem>>, vector<16xf32>,
        tpu.vector_store %arg11[%swap3A_2538, %swap3A_2539, %swap3A_2540], %broadcast_in_dim3A_44 {strides = array<i32>} : memref<2x64x128xf32, #tpu.memory_space<vmem>>, vector<16xf32>,
        %add3A_2542 = arith.constant 16 : i32
        %add3A_2543 = arith.addi %squeeze3A_2527, %add3A_2542 : i32
        %swap3A_2544 = arith.constant 54 : i32
        %swap3A_2545 = arith.index_cast %rem3A_122 : i32 to index
        %swap3A_2546 = arith.index_cast %swap3A_2544 : i32 to index
        %swap3A_2547 = arith.index_cast %add3A_2543 : i32 to index
        %swap3A_2548 = tpu.vector_load %arg11[%swap3A_2545, %swap3A_2546, %swap3A_2547] {strides = array<i32>} : memref<2x64x128xf32, #tpu.memory_space<vmem>>, vector<16xf32>,
        tpu.vector_store %arg11[%swap3A_2545, %swap3A_2546, %swap3A_2547], %broadcast_in_dim3A_44 {strides = array<i32>} : memref<2x64x128xf32, #tpu.memory_space<vmem>>, vector<16xf32>,
        %mul3A_2549 = arith.mulf %get3A_2532, %broadcast_in_dim3A_2530 : vector<16xf32>
        %swap3A_2550 = arith.constant 54 : i32
        %swap3A_2551 = arith.index_cast %rem3A_122 : i32 to index
        %swap3A_2552 = arith.index_cast %swap3A_2550 : i32 to index
        %swap3A_2553 = arith.index_cast %squeeze3A_2525 : i32 to index
        %swap3A_2554 = tpu.vector_load %arg11[%swap3A_2551, %swap3A_2552, %swap3A_2553] {strides = array<i32>} : memref<2x64x128xf32, #tpu.memory_space<vmem>>, vector<16xf32>,
        tpu.vector_store %arg11[%swap3A_2551, %swap3A_2552, %swap3A_2553], %mul3A_2549 {strides = array<i32>} : memref<2x64x128xf32, #tpu.memory_space<vmem>>, vector<16xf32>,
        %mul3A_2555 = arith.mulf %get3A_2536, %broadcast_in_dim3A_2530 : vector<16xf32>
        %add3A_2556 = arith.constant 16 : i32
        %add3A_2557 = arith.addi %squeeze3A_2525, %add3A_2556 : i32
        %swap3A_2558 = arith.constant 54 : i32
        %swap3A_2559 = arith.index_cast %rem3A_122 : i32 to index
        %swap3A_2560 = arith.index_cast %swap3A_2558 : i32 to index
        %swap3A_2561 = arith.index_cast %add3A_2557 : i32 to index
        %swap3A_2562 = tpu.vector_load %arg11[%swap3A_2559, %swap3A_2560, %swap3A_2561] {strides = array<i32>} : memref<2x64x128xf32, #tpu.memory_space<vmem>>, vector<16xf32>,
        tpu.vector_store %arg11[%swap3A_2559, %swap3A_2560, %swap3A_2561], %mul3A_2555 {strides = array<i32>} : memref<2x64x128xf32, #tpu.memory_space<vmem>>, vector<16xf32>,
        %slice3A_2563 = vector.extract_strided_slice %mul3A_2263 {offsets = [7], sizes = [1], strides = [1]} : vector<16xi32> to vector<1xi32>
        %squeeze3A_2564 = vector.extract %slice3A_2563[0] : i32 from vector<1xi32>
        %slice3A_2565 = vector.extract_strided_slice %shift_left3A_2269 {offsets = [7], sizes = [1], strides = [1]} : vector<16xi32> to vector<1xi32>
        %squeeze3A_2566 = vector.extract %slice3A_2565[0] : i32 from vector<1xi32>
        %slice3A_2567 = vector.extract_strided_slice %get3A_2272 {offsets = [7], sizes = [1], strides = [1]} : vector<16xi32> to vector<1xi32>
        %squeeze3A_2568 = vector.extract %slice3A_2567[0] : i32 from vector<1xi32>
        %slice3A_2569 = vector.extract_strided_slice %get3A_2238 {offsets = [7], sizes = [1], strides = [1]} : vector<16xf32> to vector<1xf32>
        %squeeze3A_2570 = vector.extract %slice3A_2569[0] : f32 from vector<1xf32>
        %broadcast_in_dim3A_2571 = vector.broadcast %squeeze3A_2570 : f32 to vector<16xf32>
        %get3A_2572 = arith.index_cast %squeeze3A_2564 : i32 to index
        %get3A_2573 = tpu.vector_load %arg8[%get3A_2572] {strides = array<i32>} : memref<20512xf32, #tpu.memory_space<vmem>>, vector<16xf32>,
        %add3A_2574 = arith.constant 16 : i32
        %add3A_2575 = arith.addi %squeeze3A_2564, %add3A_2574 : i32
        %get3A_2576 = arith.index_cast %add3A_2575 : i32 to index
        %get3A_2577 = tpu.vector_load %arg8[%get3A_2576] {strides = array<i32>} : memref<20512xf32, #tpu.memory_space<vmem>>, vector<16xf32>,
        %swap3A_2578 = arith.constant 55 : i32
        %swap3A_2579 = arith.index_cast %rem3A_122 : i32 to index
        %swap3A_2580 = arith.index_cast %swap3A_2578 : i32 to index
        %swap3A_2581 = arith.index_cast %squeeze3A_2568 : i32 to index
        %swap3A_2582 = tpu.vector_load %arg11[%swap3A_2579, %swap3A_2580, %swap3A_2581] {strides = array<i32>} : memref<2x64x128xf32, #tpu.memory_space<vmem>>, vector<16xf32>,
        tpu.vector_store %arg11[%swap3A_2579, %swap3A_2580, %swap3A_2581], %broadcast_in_dim3A_44 {strides = array<i32>} : memref<2x64x128xf32, #tpu.memory_space<vmem>>, vector<16xf32>,
        %add3A_2583 = arith.constant 16 : i32
        %add3A_2584 = arith.addi %squeeze3A_2568, %add3A_2583 : i32
        %swap3A_2585 = arith.constant 55 : i32
        %swap3A_2586 = arith.index_cast %rem3A_122 : i32 to index
        %swap3A_2587 = arith.index_cast %swap3A_2585 : i32 to index
        %swap3A_2588 = arith.index_cast %add3A_2584 : i32 to index
        %swap3A_2589 = tpu.vector_load %arg11[%swap3A_2586, %swap3A_2587, %swap3A_2588] {strides = array<i32>} : memref<2x64x128xf32, #tpu.memory_space<vmem>>, vector<16xf32>,
        tpu.vector_store %arg11[%swap3A_2586, %swap3A_2587, %swap3A_2588], %broadcast_in_dim3A_44 {strides = array<i32>} : memref<2x64x128xf32, #tpu.memory_space<vmem>>, vector<16xf32>,
        %mul3A_2590 = arith.mulf %get3A_2573, %broadcast_in_dim3A_2571 : vector<16xf32>
        %swap3A_2591 = arith.constant 55 : i32
        %swap3A_2592 = arith.index_cast %rem3A_122 : i32 to index
        %swap3A_2593 = arith.index_cast %swap3A_2591 : i32 to index
        %swap3A_2594 = arith.index_cast %squeeze3A_2566 : i32 to index
        %swap3A_2595 = tpu.vector_load %arg11[%swap3A_2592, %swap3A_2593, %swap3A_2594] {strides = array<i32>} : memref<2x64x128xf32, #tpu.memory_space<vmem>>, vector<16xf32>,
        tpu.vector_store %arg11[%swap3A_2592, %swap3A_2593, %swap3A_2594], %mul3A_2590 {strides = array<i32>} : memref<2x64x128xf32, #tpu.memory_space<vmem>>, vector<16xf32>,
        %mul3A_2596 = arith.mulf %get3A_2577, %broadcast_in_dim3A_2571 : vector<16xf32>
        %add3A_2597 = arith.constant 16 : i32
        %add3A_2598 = arith.addi %squeeze3A_2566, %add3A_2597 : i32
        %swap3A_2599 = arith.constant 55 : i32
        %swap3A_2600 = arith.index_cast %rem3A_122 : i32 to index
        %swap3A_2601 = arith.index_cast %swap3A_2599 : i32 to index
        %swap3A_2602 = arith.index_cast %add3A_2598 : i32 to index
        %swap3A_2603 = tpu.vector_load %arg11[%swap3A_2600, %swap3A_2601, %swap3A_2602] {strides = array<i32>} : memref<2x64x128xf32, #tpu.memory_space<vmem>>, vector<16xf32>,
        tpu.vector_store %arg11[%swap3A_2600, %swap3A_2601, %swap3A_2602], %mul3A_2596 {strides = array<i32>} : memref<2x64x128xf32, #tpu.memory_space<vmem>>, vector<16xf32>,
        %slice3A_2604 = vector.extract_strided_slice %mul3A_2263 {offsets = [8], sizes = [1], strides = [1]} : vector<16xi32> to vector<1xi32>
        %squeeze3A_2605 = vector.extract %slice3A_2604[0] : i32 from vector<1xi32>
        %slice3A_2606 = vector.extract_strided_slice %shift_left3A_2269 {offsets = [8], sizes = [1], strides = [1]} : vector<16xi32> to vector<1xi32>
        %squeeze3A_2607 = vector.extract %slice3A_2606[0] : i32 from vector<1xi32>
        %slice3A_2608 = vector.extract_strided_slice %get3A_2272 {offsets = [8], sizes = [1], strides = [1]} : vector<16xi32> to vector<1xi32>
        %squeeze3A_2609 = vector.extract %slice3A_2608[0] : i32 from vector<1xi32>
        %slice3A_2610 = vector.extract_strided_slice %get3A_2238 {offsets = [8], sizes = [1], strides = [1]} : vector<16xf32> to vector<1xf32>
        %squeeze3A_2611 = vector.extract %slice3A_2610[0] : f32 from vector<1xf32>
        %broadcast_in_dim3A_2612 = vector.broadcast %squeeze3A_2611 : f32 to vector<16xf32>
        %get3A_2613 = arith.index_cast %squeeze3A_2605 : i32 to index
        %get3A_2614 = tpu.vector_load %arg8[%get3A_2613] {strides = array<i32>} : memref<20512xf32, #tpu.memory_space<vmem>>, vector<16xf32>,
        %add3A_2615 = arith.constant 16 : i32
        %add3A_2616 = arith.addi %squeeze3A_2605, %add3A_2615 : i32
        %get3A_2617 = arith.index_cast %add3A_2616 : i32 to index
        %get3A_2618 = tpu.vector_load %arg8[%get3A_2617] {strides = array<i32>} : memref<20512xf32, #tpu.memory_space<vmem>>, vector<16xf32>,
        %swap3A_2619 = arith.constant 56 : i32
        %swap3A_2620 = arith.index_cast %rem3A_122 : i32 to index
        %swap3A_2621 = arith.index_cast %swap3A_2619 : i32 to index
        %swap3A_2622 = arith.index_cast %squeeze3A_2609 : i32 to index
        %swap3A_2623 = tpu.vector_load %arg11[%swap3A_2620, %swap3A_2621, %swap3A_2622] {strides = array<i32>} : memref<2x64x128xf32, #tpu.memory_space<vmem>>, vector<16xf32>,
        tpu.vector_store %arg11[%swap3A_2620, %swap3A_2621, %swap3A_2622], %broadcast_in_dim3A_44 {strides = array<i32>} : memref<2x64x128xf32, #tpu.memory_space<vmem>>, vector<16xf32>,
        %add3A_2624 = arith.constant 16 : i32
        %add3A_2625 = arith.addi %squeeze3A_2609, %add3A_2624 : i32
        %swap3A_2626 = arith.constant 56 : i32
        %swap3A_2627 = arith.index_cast %rem3A_122 : i32 to index
        %swap3A_2628 = arith.index_cast %swap3A_2626 : i32 to index
        %swap3A_2629 = arith.index_cast %add3A_2625 : i32 to index
        %swap3A_2630 = tpu.vector_load %arg11[%swap3A_2627, %swap3A_2628, %swap3A_2629] {strides = array<i32>} : memref<2x64x128xf32, #tpu.memory_space<vmem>>, vector<16xf32>,
        tpu.vector_store %arg11[%swap3A_2627, %swap3A_2628, %swap3A_2629], %broadcast_in_dim3A_44 {strides = array<i32>} : memref<2x64x128xf32, #tpu.memory_space<vmem>>, vector<16xf32>,
        %mul3A_2631 = arith.mulf %get3A_2614, %broadcast_in_dim3A_2612 : vector<16xf32>
        %swap3A_2632 = arith.constant 56 : i32
        %swap3A_2633 = arith.index_cast %rem3A_122 : i32 to index
        %swap3A_2634 = arith.index_cast %swap3A_2632 : i32 to index
        %swap3A_2635 = arith.index_cast %squeeze3A_2607 : i32 to index
        %swap3A_2636 = tpu.vector_load %arg11[%swap3A_2633, %swap3A_2634, %swap3A_2635] {strides = array<i32>} : memref<2x64x128xf32, #tpu.memory_space<vmem>>, vector<16xf32>,
        tpu.vector_store %arg11[%swap3A_2633, %swap3A_2634, %swap3A_2635], %mul3A_2631 {strides = array<i32>} : memref<2x64x128xf32, #tpu.memory_space<vmem>>, vector<16xf32>,
        %mul3A_2637 = arith.mulf %get3A_2618, %broadcast_in_dim3A_2612 : vector<16xf32>
        %add3A_2638 = arith.constant 16 : i32
        %add3A_2639 = arith.addi %squeeze3A_2607, %add3A_2638 : i32
        %swap3A_2640 = arith.constant 56 : i32
        %swap3A_2641 = arith.index_cast %rem3A_122 : i32 to index
        %swap3A_2642 = arith.index_cast %swap3A_2640 : i32 to index
        %swap3A_2643 = arith.index_cast %add3A_2639 : i32 to index
        %swap3A_2644 = tpu.vector_load %arg11[%swap3A_2641, %swap3A_2642, %swap3A_2643] {strides = array<i32>} : memref<2x64x128xf32, #tpu.memory_space<vmem>>, vector<16xf32>,
        tpu.vector_store %arg11[%swap3A_2641, %swap3A_2642, %swap3A_2643], %mul3A_2637 {strides = array<i32>} : memref<2x64x128xf32, #tpu.memory_space<vmem>>, vector<16xf32>,
        %slice3A_2645 = vector.extract_strided_slice %mul3A_2263 {offsets = [9], sizes = [1], strides = [1]} : vector<16xi32> to vector<1xi32>
        %squeeze3A_2646 = vector.extract %slice3A_2645[0] : i32 from vector<1xi32>
        %slice3A_2647 = vector.extract_strided_slice %shift_left3A_2269 {offsets = [9], sizes = [1], strides = [1]} : vector<16xi32> to vector<1xi32>
        %squeeze3A_2648 = vector.extract %slice3A_2647[0] : i32 from vector<1xi32>
        %slice3A_2649 = vector.extract_strided_slice %get3A_2272 {offsets = [9], sizes = [1], strides = [1]} : vector<16xi32> to vector<1xi32>
        %squeeze3A_2650 = vector.extract %slice3A_2649[0] : i32 from vector<1xi32>
        %slice3A_2651 = vector.extract_strided_slice %get3A_2238 {offsets = [9], sizes = [1], strides = [1]} : vector<16xf32> to vector<1xf32>
        %squeeze3A_2652 = vector.extract %slice3A_2651[0] : f32 from vector<1xf32>
        %broadcast_in_dim3A_2653 = vector.broadcast %squeeze3A_2652 : f32 to vector<16xf32>
        %get3A_2654 = arith.index_cast %squeeze3A_2646 : i32 to index
        %get3A_2655 = tpu.vector_load %arg8[%get3A_2654] {strides = array<i32>} : memref<20512xf32, #tpu.memory_space<vmem>>, vector<16xf32>,
        %add3A_2656 = arith.constant 16 : i32
        %add3A_2657 = arith.addi %squeeze3A_2646, %add3A_2656 : i32
        %get3A_2658 = arith.index_cast %add3A_2657 : i32 to index
        %get3A_2659 = tpu.vector_load %arg8[%get3A_2658] {strides = array<i32>} : memref<20512xf32, #tpu.memory_space<vmem>>, vector<16xf32>,
        %swap3A_2660 = arith.constant 57 : i32
        %swap3A_2661 = arith.index_cast %rem3A_122 : i32 to index
        %swap3A_2662 = arith.index_cast %swap3A_2660 : i32 to index
        %swap3A_2663 = arith.index_cast %squeeze3A_2650 : i32 to index
        %swap3A_2664 = tpu.vector_load %arg11[%swap3A_2661, %swap3A_2662, %swap3A_2663] {strides = array<i32>} : memref<2x64x128xf32, #tpu.memory_space<vmem>>, vector<16xf32>,
        tpu.vector_store %arg11[%swap3A_2661, %swap3A_2662, %swap3A_2663], %broadcast_in_dim3A_44 {strides = array<i32>} : memref<2x64x128xf32, #tpu.memory_space<vmem>>, vector<16xf32>,
        %add3A_2665 = arith.constant 16 : i32
        %add3A_2666 = arith.addi %squeeze3A_2650, %add3A_2665 : i32
        %swap3A_2667 = arith.constant 57 : i32
        %swap3A_2668 = arith.index_cast %rem3A_122 : i32 to index
        %swap3A_2669 = arith.index_cast %swap3A_2667 : i32 to index
        %swap3A_2670 = arith.index_cast %add3A_2666 : i32 to index
        %swap3A_2671 = tpu.vector_load %arg11[%swap3A_2668, %swap3A_2669, %swap3A_2670] {strides = array<i32>} : memref<2x64x128xf32, #tpu.memory_space<vmem>>, vector<16xf32>,
        tpu.vector_store %arg11[%swap3A_2668, %swap3A_2669, %swap3A_2670], %broadcast_in_dim3A_44 {strides = array<i32>} : memref<2x64x128xf32, #tpu.memory_space<vmem>>, vector<16xf32>,
        %mul3A_2672 = arith.mulf %get3A_2655, %broadcast_in_dim3A_2653 : vector<16xf32>
        %swap3A_2673 = arith.constant 57 : i32
        %swap3A_2674 = arith.index_cast %rem3A_122 : i32 to index
        %swap3A_2675 = arith.index_cast %swap3A_2673 : i32 to index
        %swap3A_2676 = arith.index_cast %squeeze3A_2648 : i32 to index
        %swap3A_2677 = tpu.vector_load %arg11[%swap3A_2674, %swap3A_2675, %swap3A_2676] {strides = array<i32>} : memref<2x64x128xf32, #tpu.memory_space<vmem>>, vector<16xf32>,
        tpu.vector_store %arg11[%swap3A_2674, %swap3A_2675, %swap3A_2676], %mul3A_2672 {strides = array<i32>} : memref<2x64x128xf32, #tpu.memory_space<vmem>>, vector<16xf32>,
        %mul3A_2678 = arith.mulf %get3A_2659, %broadcast_in_dim3A_2653 : vector<16xf32>
        %add3A_2679 = arith.constant 16 : i32
        %add3A_2680 = arith.addi %squeeze3A_2648, %add3A_2679 : i32
        %swap3A_2681 = arith.constant 57 : i32
        %swap3A_2682 = arith.index_cast %rem3A_122 : i32 to index
        %swap3A_2683 = arith.index_cast %swap3A_2681 : i32 to index
        %swap3A_2684 = arith.index_cast %add3A_2680 : i32 to index
        %swap3A_2685 = tpu.vector_load %arg11[%swap3A_2682, %swap3A_2683, %swap3A_2684] {strides = array<i32>} : memref<2x64x128xf32, #tpu.memory_space<vmem>>, vector<16xf32>,
        tpu.vector_store %arg11[%swap3A_2682, %swap3A_2683, %swap3A_2684], %mul3A_2678 {strides = array<i32>} : memref<2x64x128xf32, #tpu.memory_space<vmem>>, vector<16xf32>,
        %slice3A_2686 = vector.extract_strided_slice %mul3A_2263 {offsets = [10], sizes = [1], strides = [1]} : vector<16xi32> to vector<1xi32>
        %squeeze3A_2687 = vector.extract %slice3A_2686[0] : i32 from vector<1xi32>
        %slice3A_2688 = vector.extract_strided_slice %shift_left3A_2269 {offsets = [10], sizes = [1], strides = [1]} : vector<16xi32> to vector<1xi32>
        %squeeze3A_2689 = vector.extract %slice3A_2688[0] : i32 from vector<1xi32>
        %slice3A_2690 = vector.extract_strided_slice %get3A_2272 {offsets = [10], sizes = [1], strides = [1]} : vector<16xi32> to vector<1xi32>
        %squeeze3A_2691 = vector.extract %slice3A_2690[0] : i32 from vector<1xi32>
        %slice3A_2692 = vector.extract_strided_slice %get3A_2238 {offsets = [10], sizes = [1], strides = [1]} : vector<16xf32> to vector<1xf32>
        %squeeze3A_2693 = vector.extract %slice3A_2692[0] : f32 from vector<1xf32>
        %broadcast_in_dim3A_2694 = vector.broadcast %squeeze3A_2693 : f32 to vector<16xf32>
        %get3A_2695 = arith.index_cast %squeeze3A_2687 : i32 to index
        %get3A_2696 = tpu.vector_load %arg8[%get3A_2695] {strides = array<i32>} : memref<20512xf32, #tpu.memory_space<vmem>>, vector<16xf32>,
        %add3A_2697 = arith.constant 16 : i32
        %add3A_2698 = arith.addi %squeeze3A_2687, %add3A_2697 : i32
        %get3A_2699 = arith.index_cast %add3A_2698 : i32 to index
        %get3A_2700 = tpu.vector_load %arg8[%get3A_2699] {strides = array<i32>} : memref<20512xf32, #tpu.memory_space<vmem>>, vector<16xf32>,
        %swap3A_2701 = arith.constant 58 : i32
        %swap3A_2702 = arith.index_cast %rem3A_122 : i32 to index
        %swap3A_2703 = arith.index_cast %swap3A_2701 : i32 to index
        %swap3A_2704 = arith.index_cast %squeeze3A_2691 : i32 to index
        %swap3A_2705 = tpu.vector_load %arg11[%swap3A_2702, %swap3A_2703, %swap3A_2704] {strides = array<i32>} : memref<2x64x128xf32, #tpu.memory_space<vmem>>, vector<16xf32>,
        tpu.vector_store %arg11[%swap3A_2702, %swap3A_2703, %swap3A_2704], %broadcast_in_dim3A_44 {strides = array<i32>} : memref<2x64x128xf32, #tpu.memory_space<vmem>>, vector<16xf32>,
        %add3A_2706 = arith.constant 16 : i32
        %add3A_2707 = arith.addi %squeeze3A_2691, %add3A_2706 : i32
        %swap3A_2708 = arith.constant 58 : i32
        %swap3A_2709 = arith.index_cast %rem3A_122 : i32 to index
        %swap3A_2710 = arith.index_cast %swap3A_2708 : i32 to index
        %swap3A_2711 = arith.index_cast %add3A_2707 : i32 to index
        %swap3A_2712 = tpu.vector_load %arg11[%swap3A_2709, %swap3A_2710, %swap3A_2711] {strides = array<i32>} : memref<2x64x128xf32, #tpu.memory_space<vmem>>, vector<16xf32>,
        tpu.vector_store %arg11[%swap3A_2709, %swap3A_2710, %swap3A_2711], %broadcast_in_dim3A_44 {strides = array<i32>} : memref<2x64x128xf32, #tpu.memory_space<vmem>>, vector<16xf32>,
        %mul3A_2713 = arith.mulf %get3A_2696, %broadcast_in_dim3A_2694 : vector<16xf32>
        %swap3A_2714 = arith.constant 58 : i32
        %swap3A_2715 = arith.index_cast %rem3A_122 : i32 to index
        %swap3A_2716 = arith.index_cast %swap3A_2714 : i32 to index
        %swap3A_2717 = arith.index_cast %squeeze3A_2689 : i32 to index
        %swap3A_2718 = tpu.vector_load %arg11[%swap3A_2715, %swap3A_2716, %swap3A_2717] {strides = array<i32>} : memref<2x64x128xf32, #tpu.memory_space<vmem>>, vector<16xf32>,
        tpu.vector_store %arg11[%swap3A_2715, %swap3A_2716, %swap3A_2717], %mul3A_2713 {strides = array<i32>} : memref<2x64x128xf32, #tpu.memory_space<vmem>>, vector<16xf32>,
        %mul3A_2719 = arith.mulf %get3A_2700, %broadcast_in_dim3A_2694 : vector<16xf32>
        %add3A_2720 = arith.constant 16 : i32
        %add3A_2721 = arith.addi %squeeze3A_2689, %add3A_2720 : i32
        %swap3A_2722 = arith.constant 58 : i32
        %swap3A_2723 = arith.index_cast %rem3A_122 : i32 to index
        %swap3A_2724 = arith.index_cast %swap3A_2722 : i32 to index
        %swap3A_2725 = arith.index_cast %add3A_2721 : i32 to index
        %swap3A_2726 = tpu.vector_load %arg11[%swap3A_2723, %swap3A_2724, %swap3A_2725] {strides = array<i32>} : memref<2x64x128xf32, #tpu.memory_space<vmem>>, vector<16xf32>,
        tpu.vector_store %arg11[%swap3A_2723, %swap3A_2724, %swap3A_2725], %mul3A_2719 {strides = array<i32>} : memref<2x64x128xf32, #tpu.memory_space<vmem>>, vector<16xf32>,
        %slice3A_2727 = vector.extract_strided_slice %mul3A_2263 {offsets = [11], sizes = [1], strides = [1]} : vector<16xi32> to vector<1xi32>
        %squeeze3A_2728 = vector.extract %slice3A_2727[0] : i32 from vector<1xi32>
        %slice3A_2729 = vector.extract_strided_slice %shift_left3A_2269 {offsets = [11], sizes = [1], strides = [1]} : vector<16xi32> to vector<1xi32>
        %squeeze3A_2730 = vector.extract %slice3A_2729[0] : i32 from vector<1xi32>
        %slice3A_2731 = vector.extract_strided_slice %get3A_2272 {offsets = [11], sizes = [1], strides = [1]} : vector<16xi32> to vector<1xi32>
        %squeeze3A_2732 = vector.extract %slice3A_2731[0] : i32 from vector<1xi32>
        %slice3A_2733 = vector.extract_strided_slice %get3A_2238 {offsets = [11], sizes = [1], strides = [1]} : vector<16xf32> to vector<1xf32>
        %squeeze3A_2734 = vector.extract %slice3A_2733[0] : f32 from vector<1xf32>
        %broadcast_in_dim3A_2735 = vector.broadcast %squeeze3A_2734 : f32 to vector<16xf32>
        %get3A_2736 = arith.index_cast %squeeze3A_2728 : i32 to index
        %get3A_2737 = tpu.vector_load %arg8[%get3A_2736] {strides = array<i32>} : memref<20512xf32, #tpu.memory_space<vmem>>, vector<16xf32>,
        %add3A_2738 = arith.constant 16 : i32
        %add3A_2739 = arith.addi %squeeze3A_2728, %add3A_2738 : i32
        %get3A_2740 = arith.index_cast %add3A_2739 : i32 to index
        %get3A_2741 = tpu.vector_load %arg8[%get3A_2740] {strides = array<i32>} : memref<20512xf32, #tpu.memory_space<vmem>>, vector<16xf32>,
        %swap3A_2742 = arith.constant 59 : i32
        %swap3A_2743 = arith.index_cast %rem3A_122 : i32 to index
        %swap3A_2744 = arith.index_cast %swap3A_2742 : i32 to index
        %swap3A_2745 = arith.index_cast %squeeze3A_2732 : i32 to index
        %swap3A_2746 = tpu.vector_load %arg11[%swap3A_2743, %swap3A_2744, %swap3A_2745] {strides = array<i32>} : memref<2x64x128xf32, #tpu.memory_space<vmem>>, vector<16xf32>,
        tpu.vector_store %arg11[%swap3A_2743, %swap3A_2744, %swap3A_2745], %broadcast_in_dim3A_44 {strides = array<i32>} : memref<2x64x128xf32, #tpu.memory_space<vmem>>, vector<16xf32>,
        %add3A_2747 = arith.constant 16 : i32
        %add3A_2748 = arith.addi %squeeze3A_2732, %add3A_2747 : i32
        %swap3A_2749 = arith.constant 59 : i32
        %swap3A_2750 = arith.index_cast %rem3A_122 : i32 to index
        %swap3A_2751 = arith.index_cast %swap3A_2749 : i32 to index
        %swap3A_2752 = arith.index_cast %add3A_2748 : i32 to index
        %swap3A_2753 = tpu.vector_load %arg11[%swap3A_2750, %swap3A_2751, %swap3A_2752] {strides = array<i32>} : memref<2x64x128xf32, #tpu.memory_space<vmem>>, vector<16xf32>,
        tpu.vector_store %arg11[%swap3A_2750, %swap3A_2751, %swap3A_2752], %broadcast_in_dim3A_44 {strides = array<i32>} : memref<2x64x128xf32, #tpu.memory_space<vmem>>, vector<16xf32>,
        %mul3A_2754 = arith.mulf %get3A_2737, %broadcast_in_dim3A_2735 : vector<16xf32>
        %swap3A_2755 = arith.constant 59 : i32
        %swap3A_2756 = arith.index_cast %rem3A_122 : i32 to index
        %swap3A_2757 = arith.index_cast %swap3A_2755 : i32 to index
        %swap3A_2758 = arith.index_cast %squeeze3A_2730 : i32 to index
        %swap3A_2759 = tpu.vector_load %arg11[%swap3A_2756, %swap3A_2757, %swap3A_2758] {strides = array<i32>} : memref<2x64x128xf32, #tpu.memory_space<vmem>>, vector<16xf32>,
        tpu.vector_store %arg11[%swap3A_2756, %swap3A_2757, %swap3A_2758], %mul3A_2754 {strides = array<i32>} : memref<2x64x128xf32, #tpu.memory_space<vmem>>, vector<16xf32>,
        %mul3A_2760 = arith.mulf %get3A_2741, %broadcast_in_dim3A_2735 : vector<16xf32>
        %add3A_2761 = arith.constant 16 : i32
        %add3A_2762 = arith.addi %squeeze3A_2730, %add3A_2761 : i32
        %swap3A_2763 = arith.constant 59 : i32
        %swap3A_2764 = arith.index_cast %rem3A_122 : i32 to index
        %swap3A_2765 = arith.index_cast %swap3A_2763 : i32 to index
        %swap3A_2766 = arith.index_cast %add3A_2762 : i32 to index
        %swap3A_2767 = tpu.vector_load %arg11[%swap3A_2764, %swap3A_2765, %swap3A_2766] {strides = array<i32>} : memref<2x64x128xf32, #tpu.memory_space<vmem>>, vector<16xf32>,
        tpu.vector_store %arg11[%swap3A_2764, %swap3A_2765, %swap3A_2766], %mul3A_2760 {strides = array<i32>} : memref<2x64x128xf32, #tpu.memory_space<vmem>>, vector<16xf32>,
        %slice3A_2768 = vector.extract_strided_slice %mul3A_2263 {offsets = [12], sizes = [1], strides = [1]} : vector<16xi32> to vector<1xi32>
        %squeeze3A_2769 = vector.extract %slice3A_2768[0] : i32 from vector<1xi32>
        %slice3A_2770 = vector.extract_strided_slice %shift_left3A_2269 {offsets = [12], sizes = [1], strides = [1]} : vector<16xi32> to vector<1xi32>
        %squeeze3A_2771 = vector.extract %slice3A_2770[0] : i32 from vector<1xi32>
        %slice3A_2772 = vector.extract_strided_slice %get3A_2272 {offsets = [12], sizes = [1], strides = [1]} : vector<16xi32> to vector<1xi32>
        %squeeze3A_2773 = vector.extract %slice3A_2772[0] : i32 from vector<1xi32>
        %slice3A_2774 = vector.extract_strided_slice %get3A_2238 {offsets = [12], sizes = [1], strides = [1]} : vector<16xf32> to vector<1xf32>
        %squeeze3A_2775 = vector.extract %slice3A_2774[0] : f32 from vector<1xf32>
        %broadcast_in_dim3A_2776 = vector.broadcast %squeeze3A_2775 : f32 to vector<16xf32>
        %get3A_2777 = arith.index_cast %squeeze3A_2769 : i32 to index
        %get3A_2778 = tpu.vector_load %arg8[%get3A_2777] {strides = array<i32>} : memref<20512xf32, #tpu.memory_space<vmem>>, vector<16xf32>,
        %add3A_2779 = arith.constant 16 : i32
        %add3A_2780 = arith.addi %squeeze3A_2769, %add3A_2779 : i32
        %get3A_2781 = arith.index_cast %add3A_2780 : i32 to index
        %get3A_2782 = tpu.vector_load %arg8[%get3A_2781] {strides = array<i32>} : memref<20512xf32, #tpu.memory_space<vmem>>, vector<16xf32>,
        %swap3A_2783 = arith.constant 60 : i32
        %swap3A_2784 = arith.index_cast %rem3A_122 : i32 to index
        %swap3A_2785 = arith.index_cast %swap3A_2783 : i32 to index
        %swap3A_2786 = arith.index_cast %squeeze3A_2773 : i32 to index
        %swap3A_2787 = tpu.vector_load %arg11[%swap3A_2784, %swap3A_2785, %swap3A_2786] {strides = array<i32>} : memref<2x64x128xf32, #tpu.memory_space<vmem>>, vector<16xf32>,
        tpu.vector_store %arg11[%swap3A_2784, %swap3A_2785, %swap3A_2786], %broadcast_in_dim3A_44 {strides = array<i32>} : memref<2x64x128xf32, #tpu.memory_space<vmem>>, vector<16xf32>,
        %add3A_2788 = arith.constant 16 : i32
        %add3A_2789 = arith.addi %squeeze3A_2773, %add3A_2788 : i32
        %swap3A_2790 = arith.constant 60 : i32
        %swap3A_2791 = arith.index_cast %rem3A_122 : i32 to index
        %swap3A_2792 = arith.index_cast %swap3A_2790 : i32 to index
        %swap3A_2793 = arith.index_cast %add3A_2789 : i32 to index
        %swap3A_2794 = tpu.vector_load %arg11[%swap3A_2791, %swap3A_2792, %swap3A_2793] {strides = array<i32>} : memref<2x64x128xf32, #tpu.memory_space<vmem>>, vector<16xf32>,
        tpu.vector_store %arg11[%swap3A_2791, %swap3A_2792, %swap3A_2793], %broadcast_in_dim3A_44 {strides = array<i32>} : memref<2x64x128xf32, #tpu.memory_space<vmem>>, vector<16xf32>,
        %mul3A_2795 = arith.mulf %get3A_2778, %broadcast_in_dim3A_2776 : vector<16xf32>
        %swap3A_2796 = arith.constant 60 : i32
        %swap3A_2797 = arith.index_cast %rem3A_122 : i32 to index
        %swap3A_2798 = arith.index_cast %swap3A_2796 : i32 to index
        %swap3A_2799 = arith.index_cast %squeeze3A_2771 : i32 to index
        %swap3A_2800 = tpu.vector_load %arg11[%swap3A_2797, %swap3A_2798, %swap3A_2799] {strides = array<i32>} : memref<2x64x128xf32, #tpu.memory_space<vmem>>, vector<16xf32>,
        tpu.vector_store %arg11[%swap3A_2797, %swap3A_2798, %swap3A_2799], %mul3A_2795 {strides = array<i32>} : memref<2x64x128xf32, #tpu.memory_space<vmem>>, vector<16xf32>,
        %mul3A_2801 = arith.mulf %get3A_2782, %broadcast_in_dim3A_2776 : vector<16xf32>
        %add3A_2802 = arith.constant 16 : i32
        %add3A_2803 = arith.addi %squeeze3A_2771, %add3A_2802 : i32
        %swap3A_2804 = arith.constant 60 : i32
        %swap3A_2805 = arith.index_cast %rem3A_122 : i32 to index
        %swap3A_2806 = arith.index_cast %swap3A_2804 : i32 to index
        %swap3A_2807 = arith.index_cast %add3A_2803 : i32 to index
        %swap3A_2808 = tpu.vector_load %arg11[%swap3A_2805, %swap3A_2806, %swap3A_2807] {strides = array<i32>} : memref<2x64x128xf32, #tpu.memory_space<vmem>>, vector<16xf32>,
        tpu.vector_store %arg11[%swap3A_2805, %swap3A_2806, %swap3A_2807], %mul3A_2801 {strides = array<i32>} : memref<2x64x128xf32, #tpu.memory_space<vmem>>, vector<16xf32>,
        %slice3A_2809 = vector.extract_strided_slice %mul3A_2263 {offsets = [13], sizes = [1], strides = [1]} : vector<16xi32> to vector<1xi32>
        %squeeze3A_2810 = vector.extract %slice3A_2809[0] : i32 from vector<1xi32>
        %slice3A_2811 = vector.extract_strided_slice %shift_left3A_2269 {offsets = [13], sizes = [1], strides = [1]} : vector<16xi32> to vector<1xi32>
        %squeeze3A_2812 = vector.extract %slice3A_2811[0] : i32 from vector<1xi32>
        %slice3A_2813 = vector.extract_strided_slice %get3A_2272 {offsets = [13], sizes = [1], strides = [1]} : vector<16xi32> to vector<1xi32>
        %squeeze3A_2814 = vector.extract %slice3A_2813[0] : i32 from vector<1xi32>
        %slice3A_2815 = vector.extract_strided_slice %get3A_2238 {offsets = [13], sizes = [1], strides = [1]} : vector<16xf32> to vector<1xf32>
        %squeeze3A_2816 = vector.extract %slice3A_2815[0] : f32 from vector<1xf32>
        %broadcast_in_dim3A_2817 = vector.broadcast %squeeze3A_2816 : f32 to vector<16xf32>
        %get3A_2818 = arith.index_cast %squeeze3A_2810 : i32 to index
        %get3A_2819 = tpu.vector_load %arg8[%get3A_2818] {strides = array<i32>} : memref<20512xf32, #tpu.memory_space<vmem>>, vector<16xf32>,
        %add3A_2820 = arith.constant 16 : i32
        %add3A_2821 = arith.addi %squeeze3A_2810, %add3A_2820 : i32
        %get3A_2822 = arith.index_cast %add3A_2821 : i32 to index
        %get3A_2823 = tpu.vector_load %arg8[%get3A_2822] {strides = array<i32>} : memref<20512xf32, #tpu.memory_space<vmem>>, vector<16xf32>,
        %swap3A_2824 = arith.constant 61 : i32
        %swap3A_2825 = arith.index_cast %rem3A_122 : i32 to index
        %swap3A_2826 = arith.index_cast %swap3A_2824 : i32 to index
        %swap3A_2827 = arith.index_cast %squeeze3A_2814 : i32 to index
        %swap3A_2828 = tpu.vector_load %arg11[%swap3A_2825, %swap3A_2826, %swap3A_2827] {strides = array<i32>} : memref<2x64x128xf32, #tpu.memory_space<vmem>>, vector<16xf32>,
        tpu.vector_store %arg11[%swap3A_2825, %swap3A_2826, %swap3A_2827], %broadcast_in_dim3A_44 {strides = array<i32>} : memref<2x64x128xf32, #tpu.memory_space<vmem>>, vector<16xf32>,
        %add3A_2829 = arith.constant 16 : i32
        %add3A_2830 = arith.addi %squeeze3A_2814, %add3A_2829 : i32
        %swap3A_2831 = arith.constant 61 : i32
        %swap3A_2832 = arith.index_cast %rem3A_122 : i32 to index
        %swap3A_2833 = arith.index_cast %swap3A_2831 : i32 to index
        %swap3A_2834 = arith.index_cast %add3A_2830 : i32 to index
        %swap3A_2835 = tpu.vector_load %arg11[%swap3A_2832, %swap3A_2833, %swap3A_2834] {strides = array<i32>} : memref<2x64x128xf32, #tpu.memory_space<vmem>>, vector<16xf32>,
        tpu.vector_store %arg11[%swap3A_2832, %swap3A_2833, %swap3A_2834], %broadcast_in_dim3A_44 {strides = array<i32>} : memref<2x64x128xf32, #tpu.memory_space<vmem>>, vector<16xf32>,
        %mul3A_2836 = arith.mulf %get3A_2819, %broadcast_in_dim3A_2817 : vector<16xf32>
        %swap3A_2837 = arith.constant 61 : i32
        %swap3A_2838 = arith.index_cast %rem3A_122 : i32 to index
        %swap3A_2839 = arith.index_cast %swap3A_2837 : i32 to index
        %swap3A_2840 = arith.index_cast %squeeze3A_2812 : i32 to index
        %swap3A_2841 = tpu.vector_load %arg11[%swap3A_2838, %swap3A_2839, %swap3A_2840] {strides = array<i32>} : memref<2x64x128xf32, #tpu.memory_space<vmem>>, vector<16xf32>,
        tpu.vector_store %arg11[%swap3A_2838, %swap3A_2839, %swap3A_2840], %mul3A_2836 {strides = array<i32>} : memref<2x64x128xf32, #tpu.memory_space<vmem>>, vector<16xf32>,
        %mul3A_2842 = arith.mulf %get3A_2823, %broadcast_in_dim3A_2817 : vector<16xf32>
        %add3A_2843 = arith.constant 16 : i32
        %add3A_2844 = arith.addi %squeeze3A_2812, %add3A_2843 : i32
        %swap3A_2845 = arith.constant 61 : i32
        %swap3A_2846 = arith.index_cast %rem3A_122 : i32 to index
        %swap3A_2847 = arith.index_cast %swap3A_2845 : i32 to index
        %swap3A_2848 = arith.index_cast %add3A_2844 : i32 to index
        %swap3A_2849 = tpu.vector_load %arg11[%swap3A_2846, %swap3A_2847, %swap3A_2848] {strides = array<i32>} : memref<2x64x128xf32, #tpu.memory_space<vmem>>, vector<16xf32>,
        tpu.vector_store %arg11[%swap3A_2846, %swap3A_2847, %swap3A_2848], %mul3A_2842 {strides = array<i32>} : memref<2x64x128xf32, #tpu.memory_space<vmem>>, vector<16xf32>,
        %slice3A_2850 = vector.extract_strided_slice %mul3A_2263 {offsets = [14], sizes = [1], strides = [1]} : vector<16xi32> to vector<1xi32>
        %squeeze3A_2851 = vector.extract %slice3A_2850[0] : i32 from vector<1xi32>
        %slice3A_2852 = vector.extract_strided_slice %shift_left3A_2269 {offsets = [14], sizes = [1], strides = [1]} : vector<16xi32> to vector<1xi32>
        %squeeze3A_2853 = vector.extract %slice3A_2852[0] : i32 from vector<1xi32>
        %slice3A_2854 = vector.extract_strided_slice %get3A_2272 {offsets = [14], sizes = [1], strides = [1]} : vector<16xi32> to vector<1xi32>
        %squeeze3A_2855 = vector.extract %slice3A_2854[0] : i32 from vector<1xi32>
        %slice3A_2856 = vector.extract_strided_slice %get3A_2238 {offsets = [14], sizes = [1], strides = [1]} : vector<16xf32> to vector<1xf32>
        %squeeze3A_2857 = vector.extract %slice3A_2856[0] : f32 from vector<1xf32>
        %broadcast_in_dim3A_2858 = vector.broadcast %squeeze3A_2857 : f32 to vector<16xf32>
        %get3A_2859 = arith.index_cast %squeeze3A_2851 : i32 to index
        %get3A_2860 = tpu.vector_load %arg8[%get3A_2859] {strides = array<i32>} : memref<20512xf32, #tpu.memory_space<vmem>>, vector<16xf32>,
        %add3A_2861 = arith.constant 16 : i32
        %add3A_2862 = arith.addi %squeeze3A_2851, %add3A_2861 : i32
        %get3A_2863 = arith.index_cast %add3A_2862 : i32 to index
        %get3A_2864 = tpu.vector_load %arg8[%get3A_2863] {strides = array<i32>} : memref<20512xf32, #tpu.memory_space<vmem>>, vector<16xf32>,
        %swap3A_2865 = arith.constant 62 : i32
        %swap3A_2866 = arith.index_cast %rem3A_122 : i32 to index
        %swap3A_2867 = arith.index_cast %swap3A_2865 : i32 to index
        %swap3A_2868 = arith.index_cast %squeeze3A_2855 : i32 to index
        %swap3A_2869 = tpu.vector_load %arg11[%swap3A_2866, %swap3A_2867, %swap3A_2868] {strides = array<i32>} : memref<2x64x128xf32, #tpu.memory_space<vmem>>, vector<16xf32>,
        tpu.vector_store %arg11[%swap3A_2866, %swap3A_2867, %swap3A_2868], %broadcast_in_dim3A_44 {strides = array<i32>} : memref<2x64x128xf32, #tpu.memory_space<vmem>>, vector<16xf32>,
        %add3A_2870 = arith.constant 16 : i32
        %add3A_2871 = arith.addi %squeeze3A_2855, %add3A_2870 : i32
        %swap3A_2872 = arith.constant 62 : i32
        %swap3A_2873 = arith.index_cast %rem3A_122 : i32 to index
        %swap3A_2874 = arith.index_cast %swap3A_2872 : i32 to index
        %swap3A_2875 = arith.index_cast %add3A_2871 : i32 to index
        %swap3A_2876 = tpu.vector_load %arg11[%swap3A_2873, %swap3A_2874, %swap3A_2875] {strides = array<i32>} : memref<2x64x128xf32, #tpu.memory_space<vmem>>, vector<16xf32>,
        tpu.vector_store %arg11[%swap3A_2873, %swap3A_2874, %swap3A_2875], %broadcast_in_dim3A_44 {strides = array<i32>} : memref<2x64x128xf32, #tpu.memory_space<vmem>>, vector<16xf32>,
        %mul3A_2877 = arith.mulf %get3A_2860, %broadcast_in_dim3A_2858 : vector<16xf32>
        %swap3A_2878 = arith.constant 62 : i32
        %swap3A_2879 = arith.index_cast %rem3A_122 : i32 to index
        %swap3A_2880 = arith.index_cast %swap3A_2878 : i32 to index
        %swap3A_2881 = arith.index_cast %squeeze3A_2853 : i32 to index
        %swap3A_2882 = tpu.vector_load %arg11[%swap3A_2879, %swap3A_2880, %swap3A_2881] {strides = array<i32>} : memref<2x64x128xf32, #tpu.memory_space<vmem>>, vector<16xf32>,
        tpu.vector_store %arg11[%swap3A_2879, %swap3A_2880, %swap3A_2881], %mul3A_2877 {strides = array<i32>} : memref<2x64x128xf32, #tpu.memory_space<vmem>>, vector<16xf32>,
        %mul3A_2883 = arith.mulf %get3A_2864, %broadcast_in_dim3A_2858 : vector<16xf32>
        %add3A_2884 = arith.constant 16 : i32
        %add3A_2885 = arith.addi %squeeze3A_2853, %add3A_2884 : i32
        %swap3A_2886 = arith.constant 62 : i32
        %swap3A_2887 = arith.index_cast %rem3A_122 : i32 to index
        %swap3A_2888 = arith.index_cast %swap3A_2886 : i32 to index
        %swap3A_2889 = arith.index_cast %add3A_2885 : i32 to index
        %swap3A_2890 = tpu.vector_load %arg11[%swap3A_2887, %swap3A_2888, %swap3A_2889] {strides = array<i32>} : memref<2x64x128xf32, #tpu.memory_space<vmem>>, vector<16xf32>,
        tpu.vector_store %arg11[%swap3A_2887, %swap3A_2888, %swap3A_2889], %mul3A_2883 {strides = array<i32>} : memref<2x64x128xf32, #tpu.memory_space<vmem>>, vector<16xf32>,
        %slice3A_2891 = vector.extract_strided_slice %mul3A_2263 {offsets = [15], sizes = [1], strides = [1]} : vector<16xi32> to vector<1xi32>
        %squeeze3A_2892 = vector.extract %slice3A_2891[0] : i32 from vector<1xi32>
        %slice3A_2893 = vector.extract_strided_slice %shift_left3A_2269 {offsets = [15], sizes = [1], strides = [1]} : vector<16xi32> to vector<1xi32>
        %squeeze3A_2894 = vector.extract %slice3A_2893[0] : i32 from vector<1xi32>
        %slice3A_2895 = vector.extract_strided_slice %get3A_2272 {offsets = [15], sizes = [1], strides = [1]} : vector<16xi32> to vector<1xi32>
        %squeeze3A_2896 = vector.extract %slice3A_2895[0] : i32 from vector<1xi32>
        %slice3A_2897 = vector.extract_strided_slice %get3A_2238 {offsets = [15], sizes = [1], strides = [1]} : vector<16xf32> to vector<1xf32>
        %squeeze3A_2898 = vector.extract %slice3A_2897[0] : f32 from vector<1xf32>
        %broadcast_in_dim3A_2899 = vector.broadcast %squeeze3A_2898 : f32 to vector<16xf32>
        %get3A_2900 = arith.index_cast %squeeze3A_2892 : i32 to index
        %get3A_2901 = tpu.vector_load %arg8[%get3A_2900] {strides = array<i32>} : memref<20512xf32, #tpu.memory_space<vmem>>, vector<16xf32>,
        %add3A_2902 = arith.constant 16 : i32
        %add3A_2903 = arith.addi %squeeze3A_2892, %add3A_2902 : i32
        %get3A_2904 = arith.index_cast %add3A_2903 : i32 to index
        %get3A_2905 = tpu.vector_load %arg8[%get3A_2904] {strides = array<i32>} : memref<20512xf32, #tpu.memory_space<vmem>>, vector<16xf32>,
        %swap3A_2906 = arith.constant 63 : i32
        %swap3A_2907 = arith.index_cast %rem3A_122 : i32 to index
        %swap3A_2908 = arith.index_cast %swap3A_2906 : i32 to index
        %swap3A_2909 = arith.index_cast %squeeze3A_2896 : i32 to index
        %swap3A_2910 = tpu.vector_load %arg11[%swap3A_2907, %swap3A_2908, %swap3A_2909] {strides = array<i32>} : memref<2x64x128xf32, #tpu.memory_space<vmem>>, vector<16xf32>,
        tpu.vector_store %arg11[%swap3A_2907, %swap3A_2908, %swap3A_2909], %broadcast_in_dim3A_44 {strides = array<i32>} : memref<2x64x128xf32, #tpu.memory_space<vmem>>, vector<16xf32>,
        %add3A_2911 = arith.constant 16 : i32
        %add3A_2912 = arith.addi %squeeze3A_2896, %add3A_2911 : i32
        %swap3A_2913 = arith.constant 63 : i32
        %swap3A_2914 = arith.index_cast %rem3A_122 : i32 to index
        %swap3A_2915 = arith.index_cast %swap3A_2913 : i32 to index
        %swap3A_2916 = arith.index_cast %add3A_2912 : i32 to index
        %swap3A_2917 = tpu.vector_load %arg11[%swap3A_2914, %swap3A_2915, %swap3A_2916] {strides = array<i32>} : memref<2x64x128xf32, #tpu.memory_space<vmem>>, vector<16xf32>,
        tpu.vector_store %arg11[%swap3A_2914, %swap3A_2915, %swap3A_2916], %broadcast_in_dim3A_44 {strides = array<i32>} : memref<2x64x128xf32, #tpu.memory_space<vmem>>, vector<16xf32>,
        %mul3A_2918 = arith.mulf %get3A_2901, %broadcast_in_dim3A_2899 : vector<16xf32>
        %swap3A_2919 = arith.constant 63 : i32
        %swap3A_2920 = arith.index_cast %rem3A_122 : i32 to index
        %swap3A_2921 = arith.index_cast %swap3A_2919 : i32 to index
        %swap3A_2922 = arith.index_cast %squeeze3A_2894 : i32 to index
        %swap3A_2923 = tpu.vector_load %arg11[%swap3A_2920, %swap3A_2921, %swap3A_2922] {strides = array<i32>} : memref<2x64x128xf32, #tpu.memory_space<vmem>>, vector<16xf32>,
        tpu.vector_store %arg11[%swap3A_2920, %swap3A_2921, %swap3A_2922], %mul3A_2918 {strides = array<i32>} : memref<2x64x128xf32, #tpu.memory_space<vmem>>, vector<16xf32>,
        %mul3A_2924 = arith.mulf %get3A_2905, %broadcast_in_dim3A_2899 : vector<16xf32>
        %add3A_2925 = arith.constant 16 : i32
        %add3A_2926 = arith.addi %squeeze3A_2894, %add3A_2925 : i32
        %swap3A_2927 = arith.constant 63 : i32
        %swap3A_2928 = arith.index_cast %rem3A_122 : i32 to index
        %swap3A_2929 = arith.index_cast %swap3A_2927 : i32 to index
        %swap3A_2930 = arith.index_cast %add3A_2926 : i32 to index
        %swap3A_2931 = tpu.vector_load %arg11[%swap3A_2928, %swap3A_2929, %swap3A_2930] {strides = array<i32>} : memref<2x64x128xf32, #tpu.memory_space<vmem>>, vector<16xf32>,
        tpu.vector_store %arg11[%swap3A_2928, %swap3A_2929, %swap3A_2930], %mul3A_2924 {strides = array<i32>} : memref<2x64x128xf32, #tpu.memory_space<vmem>>, vector<16xf32>,
        %dma_start3A_2932 = arith.constant 0 : i32
        %dma_start3A_2933 = arith.constant 0 : i32
        %dma_start3A_2934 = tpu.memref_slice %arg11[%rem3A_122, %dma_start3A_2932, %dma_start3A_2933] : memref<2x64x128xf32, #tpu.memory_space<vmem>> -> memref<1x64x128xf32, #tpu.memory_space<vmem>>
        %dma_start3A_2935 = tpu.memref_squeeze %dma_start3A_2934 : memref<1x64x128xf32, #tpu.memory_space<vmem>> -> memref<64x128xf32, #tpu.memory_space<vmem>>
        %dma_start3A_2936 = arith.constant 0 : i32
        %dma_start3A_2937 = tpu.memref_slice %arg12[%rem3A_122, %dma_start3A_2936] : memref<2x64xi32, #tpu.memory_space<vmem>> -> memref<1x64xi32, #tpu.memory_space<vmem>>
        %dma_start3A_2938 = tpu.memref_squeeze %dma_start3A_2937 : memref<1x64xi32, #tpu.memory_space<vmem>> -> memref<64xi32, #tpu.memory_space<vmem>>
        %dma_start3A_2939 = arith.constant 0 : i32
        %dma_start3A_2940 = arith.constant 0 : i32
        %dma_start3A_2941 = tpu.memref_slice %arg7[%dma_start3A_2939, %dma_start3A_2940] : memref<4096x128xf32, #tpu.memory_space<vmem_shared>> -> memref<4096x128xf32, #tpu.memory_space<vmem_shared>>
        %dma_start3A_2942 = tpu.memref_slice %arg14[%rem3A_122] : memref<2x!tpu.dma_semaphore, #tpu.memory_space<semaphore_mem>> -> memref<1x!tpu.dma_semaphore, #tpu.memory_space<semaphore_mem>>
        %dma_start3A_2943 = tpu.memref_squeeze %dma_start3A_2942 : memref<1x!tpu.dma_semaphore, #tpu.memory_space<semaphore_mem>> -> memref<!tpu.dma_semaphore, #tpu.memory_space<semaphore_mem>>
        tpu.enqueue_indirect_dma source(%dma_start3A_2935 : memref<64x128xf32, #tpu.memory_space<vmem>>) target(%dma_start3A_2941 : memref<4096x128xf32, #tpu.memory_space<vmem_shared>>) offsets(%dma_start3A_2938 : memref<64xi32, #tpu.memory_space<vmem>>) semaphore(%dma_start3A_2943 : memref<!tpu.dma_semaphore, #tpu.memory_space<semaphore_mem>>) {add = true}
      } else {
      }
    }
    %scan3A_115 = arith.constant 258 : i32
    %barrier3A_116 = arith.constant 0 : index
    tpu.barrier barrier_id(%barrier3A_116)
    %mul3A_117 = arith.constant 256 : i32
    %mul3A_118 = arith.muli %arg1, %mul3A_117 : i32
    %mul3A_119 = arith.constant 256 : i32
    %mul3A_120 = arith.muli %arg1, %mul3A_119 : i32
    "tpu.region"() ({
      %run_scoped3A = tpu.sem_alloc : memref<!tpu.dma_semaphore, #tpu.memory_space<semaphore_mem>>
      %dma_start3A_121 = arith.constant 0 : i32
      %dma_start3A_122 = tpu.memref_slice %arg6[%arg0, %mul3A_120, %dma_start3A_121] : memref<2x4096x128xf32, #tpu.memory_space<hbm>> -> memref<1x256x128xf32, #tpu.memory_space<hbm>>
      %dma_start3A_123 = tpu.memref_squeeze %dma_start3A_122 : memref<1x256x128xf32, #tpu.memory_space<hbm>> -> memref<256x128xf32, #tpu.memory_space<hbm>>
      %dma_start3A_124 = arith.constant 0 : i32
      %dma_start3A_125 = tpu.memref_slice %arg7[%mul3A_118, %dma_start3A_124] : memref<4096x128xf32, #tpu.memory_space<vmem_shared>> -> memref<256x128xf32, #tpu.memory_space<vmem_shared>>
      tpu.enqueue_dma source(%dma_start3A_125 : memref<256x128xf32, #tpu.memory_space<vmem_shared>>) target(%dma_start3A_123 : memref<256x128xf32, #tpu.memory_space<hbm>>) target_semaphore(%run_scoped3A : memref<!tpu.dma_semaphore, #tpu.memory_space<semaphore_mem>>)
      %dma_wait3A_126 = arith.constant 0 : i32
      %dma_wait3A_127 = tpu.memref_slice %arg6[%arg0, %mul3A_120, %dma_wait3A_126] : memref<2x4096x128xf32, #tpu.memory_space<hbm>> -> memref<1x256x128xf32, #tpu.memory_space<hbm>>
      %dma_wait3A_128 = tpu.memref_squeeze %dma_wait3A_127 : memref<1x256x128xf32, #tpu.memory_space<hbm>> -> memref<256x128xf32, #tpu.memory_space<hbm>>
      %dma_wait3A_129 = arith.constant 0 : i32
      %dma_wait3A_130 = tpu.memref_slice %arg7[%mul3A_118, %dma_wait3A_129] : memref<4096x128xf32, #tpu.memory_space<vmem_shared>> -> memref<256x128xf32, #tpu.memory_space<vmem_shared>>
      tpu.wait_dma2 semaphore(%run_scoped3A : memref<!tpu.dma_semaphore, #tpu.memory_space<semaphore_mem>>) src(%dma_wait3A_130 : memref<256x128xf32, #tpu.memory_space<vmem_shared>>) dst(%dma_wait3A_128 : memref<256x128xf32, #tpu.memory_space<hbm>>)
      tpu.yield
    }) : () -> ()
    return
  }
}

</mosaic_0001>

<sc_bundles>
// kernel: _sc_call.3.cloned.1.call-start
scs
__scs_entry_jumppad:
0x0: {  	(pc) =	sbr.rel $0x88, $3  }
0x1: {  	(tag) =	ssettag $0x0;
	lr =	simm.s32 $0x1  }
0x2: {  	[smem:$0x3F9D] =	sst lr;
	_ =	strace $0xD0000000  }
0x3: {  	_ = 	snop  }
0x4: {  	_ = 	snop  }
0x5: {  	_ = 	snop  }
0x6: {  	_ = 	snop  }
0x7: {  	_ = 	snop  }
__scs_overlays_trampoline_lowered:
0x8: {  	[smem:$0x3FAC] =	sst s0  }
0x9: {  	[smem:$0x3FAD] =	sst s1  }
0xa: {  	[smem:$0x3FAE] =	sst s2  }
0xb: {  	[smem:$0x3FAF] =	sst s3  }
0xc: {  	[smem:$0x3FB0] =	sst s4  }
0xd: {  	[smem:$0x3FB1] =	sst s5  }
0xe: {  	[smem:$0x3FB2] =	sst s6  }
0xf: {  	[smem:$0x3FB3] =	sst s7  }
0x10: {  	[smem:$0x3FB4] =	sst s8  }
0x11: {  	[smem:$0x3FB5] =	sst s9;
	s0 =	simm.s32 @!p0 $0x0  }
0x12: {  	s1 =	sld [smem:$0x3F9B];
	s0 =	simm.s32 @p0 $0x1  }
0x13: {  	[smem:$0x3FB6] =	sst s0;
	s0 =	simm.s32 @!p1 $0x0  }
0x14: {  	s2 =	sld [smem:$0x3F9A];
	s0 =	simm.s32 @p1 $0x1  }
0x15: {  	[smem:$0x3FB7] =	sst s0;
	s0 =	simm.s32 @!p2 $0x0  }
0x16: {  	s3 =	sld [smem:$0x3FDB];
	s0 =	simm.s32 @p2 $0x1  }
0x17: {  	s4 =	simm.s32 $0x1BF5;
	[smem:$0x3FB9] =	sst s0  }
0x18: {  	s0 =	sld [smem:$0x3F9C];
	_ =	swait.ge [sflag:s4], $0x0  }
0x19: {  	s7 =	sld [smem:$0x3F9D]  }
0x1a: {  	s8 =	sadd.s32 $0xFFFFE003, lr  }
0x1b: {  	s9 =	sadd.s32 $0xFFFFFEF7, lr;
	s5 =	simm.s32 $0xFFFFFFFF;
	p2 =	slt.u32 s8, $0xFFFFF086  }
0x1c: {  	p1 =	slt.u32 s9, $0xF7A;
	s5 =	simm.s32 @!p2 $0x0  }
0x1d: {  	s5 =	simm.s32 @p1 $0x1;
	p0 =	seq.s32 s7, s2  }
0x1e: {  	s7 =	smul.u32 @!p0 $0xF7A, s2;
	p2 =	seq.s32 @!p0 s5, $0x0  }
0x1f: {  	s9 =	smul.u32 $0xF7A, s1;
	s8 =	simm.s32 @!p0 $0x1BF5;
	p2 =	por !p2, p0  }
0x20: {  	[sflag:s8] =	ssyncset.s32 @!p0 $0xFFFFF086;
	s6 =	sadd.s32 @!p0 s3, s7;
	s7 =	simm.s32 @!p0 $0x108  }
0x21: {  	s3 =	sadd.s32 s3, s9;
	s6 =	sadd.s32 @!p0 $0x88, s6;
	s7 =	simm.s32 @p2 $0x1082  }
0x22: {  	[simem:s7], [sflag:s8] =	dma.local @!p0 [hbm:s6], $0xF7A  }
0x23: {  	s9 =	sor.u32 $0xD0000000, s2;
	s6 =	simm.s32 $0x108;
	_ =	swait.ge @!p0 [sflag:s8], $0x0  }
0x24: {  	s3 =	sadd.s32 $0x88, s3;
	s6 =	simm.s32 @!p1 $0x1082;
	[sflag:s4] =	ssyncset.s32 $0xFFFFF086  }
0x25: {  	[simem:s6], [sflag:s4] =	dma.local [hbm:s3], $0xF7A  }
0x26: {  	[smem:$0x3F9D] =	sst s1;
	(tag) =	ssettag s2;
	_ =	strace s9  }
0x27: {  	s1 =	sld [smem:$0x3FAD]  }
0x28: {  	s2 =	sld [smem:$0x3FAE]  }
0x29: {  	s4 =	sld [smem:$0x3FB0]  }
0x2a: {  	p0 =	seq.s32 s5, $0x0;
	s5 =	sld [smem:$0x3FB1]  }
0x2b: {  	s6 =	sld [smem:$0x3FB2]  }
0x2c: {  	s7 =	sld [smem:$0x3FB3]  }
0x2d: {  	s3 =	simm.s32 $0x108;
	s8 =	sld [smem:$0x3FB4]  }
0x2e: {  	s3 =	simm.s32 @!p0 $0x1082;
	s9 =	sld [smem:$0x3FB5]  }
0x2f: {  	lr =	sadd.s32 s0, s3;
	s0 =	sld [smem:$0x3FAC]  }
0x30: {  	s3 =	sld [smem:$0x3FAF]  }
0x31: {  	[smem:$0x3FB8] =	sst s10  }
0x32: {  	s10 =	sld [smem:$0x3FB6];
	_ =	sdelay $0x3  }
0x33: {  	p0 =	seq.s32 s10, $0x1;
	s10 =	sld [smem:$0x3FB8];
	_ =	sdelay $0x3  }
0x34: {  	[smem:$0x3FB8] =	sst s10  }
0x35: {  	s10 =	sld [smem:$0x3FB7];
	_ =	sdelay $0x3  }
0x36: {  	p1 =	seq.s32 s10, $0x1;
	s10 =	sld [smem:$0x3FB8];
	_ =	sdelay $0x3  }
0x37: {  	[smem:$0x3FB8] =	sst s10  }
0x38: {  	s10 =	sld [smem:$0x3FB9]  }
0x39: {  	_ = 	snop;
	(pc) =	sbr.ind lr, $3  }
0x3a: {  	_ = 	snop  }
0x3b: {  	_ = 	snop  }
0x3c: {  	p2 =	seq.s32 s10, $0x1;
	s10 =	sld [smem:$0x3FB8]  }
0x3d: {  	_ =	shalt  }
0x3e: {  	_ =	shalt  }
0x3f: {  	_ =	shalt  }
0x40: {  	_ =	shalt  }
0x41: {  	_ =	shalt  }
0x42: {  	_ =	shalt  }
0x43: {  	_ =	shalt  }
0x44: {  	_ =	shalt  }
0x45: {  	_ =	shalt  }
0x46: {  	_ =	shalt  }
0x47: {  	_ =	shalt  }
0x48: {  	_ =	shalt  }
0x49: {  	_ =	shalt  }
0x4a: {  	_ =	shalt  }
0x4b: {  	_ =	shalt  }
0x4c: {  	_ =	shalt  }
0x4d: {  	_ =	shalt  }
0x4e: {  	_ =	shalt  }
0x4f: {  	_ =	shalt  }
0x50: {  	_ =	shalt  }
0x51: {  	_ =	shalt  }
0x52: {  	_ =	shalt  }
0x53: {  	_ =	shalt  }
0x54: {  	_ =	shalt  }
0x55: {  	_ =	shalt  }
0x56: {  	_ =	shalt  }
0x57: {  	_ =	shalt  }
0x58: {  	_ =	shalt  }
0x59: {  	_ =	shalt  }
0x5a: {  	_ =	shalt  }
0x5b: {  	_ =	shalt  }
0x5c: {  	_ =	shalt  }
0x5d: {  	_ =	shalt  }
0x5e: {  	_ =	shalt  }
0x5f: {  	_ =	shalt  }
0x60: {  	_ =	shalt  }
0x61: {  	_ =	shalt  }
0x62: {  	_ =	shalt  }
0x63: {  	_ =	shalt  }
0x64: {  	_ =	shalt  }
0x65: {  	_ =	shalt  }
0x66: {  	_ =	shalt  }
0x67: {  	_ =	shalt  }
0x68: {  	_ =	shalt  }
0x69: {  	_ =	shalt  }
0x6a: {  	_ =	shalt  }
0x6b: {  	_ =	shalt  }
0x6c: {  	_ =	shalt  }
0x6d: {  	_ =	shalt  }
0x6e: {  	_ =	shalt  }
0x6f: {  	_ =	shalt  }
0x70: {  	_ =	shalt  }
0x71: {  	_ =	shalt  }
0x72: {  	_ =	shalt  }
0x73: {  	_ =	shalt  }
0x74: {  	_ =	shalt  }
0x75: {  	_ =	shalt  }
0x76: {  	_ =	shalt  }
0x77: {  	_ =	shalt  }
0x78: {  	_ =	shalt  }
0x79: {  	_ =	shalt  }
0x7a: {  	_ =	shalt  }
0x7b: {  	_ =	shalt  }
0x7c: {  	_ =	shalt  }
0x7d: {  	_ =	shalt  }
0x7e: {  	_ =	shalt  }
0x7f: {  	_ =	shalt  }
0x80: {  	_ =	shalt  }
0x81: {  	_ =	shalt  }
0x82: {  	_ =	shalt  }
0x83: {  	_ =	shalt  }
0x84: {  	_ =	shalt  }
0x85: {  	_ =	shalt  }
0x86: {  	_ =	shalt  }
0x87: {  	_ =	shalt  }
.Lfunc_end0:
.L_simem_size_0:
called_computation_lowered:
.L_overlay_start_0:
0x88: {  	s2 =	sld [smem:$0x3FD9]  }
0x89: {  	s3 =	sld [smem:$0x3FFE];
	_ =	sdelay $0x1  }
0x8a: {  	s1 =	srdreg.scid  }
0x8b: {  	s0 =	sand.u32 $0x1, s1  }
0x8c: {  	s18 =	sshll.u32 s0, $0xA;
	s2 =	sadd.s32 s3, s2  }
0x8d: {  	s2 =	sadd.s32 s2, s18  }
0x8e: {  	[smem:$0x3FC4] =	sst s2  }
0x8f: {  	_ = 	snop  }
0x90: {  	s2 =	sld [smem:$0x3FC9]  }
0x91: {  	s19 =	sld [smem:$0x3FC8]  }
0x92: {  	s4 =	sld [smem:$0x3FC7]  }
0x93: {  	s5 =	sld [smem:$0x3FC6]  }
0x94: {  	s6 =	sld [smem:$0x3FD0];
	(tm) =	ssettm $0x1  }
0x95: {  	s7 =	sld [smem:$0x3FFB];
	_ =	sdelay $0x3  }
0x96: {  	_ =	strace s7  }
0x97: {  	s7 =	sld [smem:$0x3FFC];
	_ =	sdelay $0x3  }
0x98: {  	_ =	strace s7  }
0x99: {  	s7 =	sld [smem:$0x3FFD];
	_ =	sdelay $0x3  }
0x9a: {  	_ =	strace s7  }
0x9b: {  	_ =	strace $0x8FFFFFFF  }
0x9c: {  	s20 =	sld [smem:$0x3FDB];
	_ =	sdelay $0x1  }
0x9d: {  	s8 =	simm.s32 $_scs_section_size  }
0x9e: {  	s9 =	simm.s32 $_size__tile_overlayer_lowered;
	s10 =	simm.s32 $_tile_overlayer_lowered  }
0x9f: {  	s23 =	simm.s32 $0x1BFF;
	s22 =	sshll.u32 s10, $0x1;
	s7 =	sadd.s32 s8, s20  }
0xa0: {  	s11 =	simm.s32 $0x0;
	s21 =	sshll.u32 s9, $0x1;
	s9 =	sadd.s32 s22, s7  }
0xa1: {  	[timem:s11], [sflag:s23] =	dma.local [hbm:s9], s21  }
0xa2: {  	_ =	swait.ge [sflag:s23], s21  }
0xa3: {  	s8 =	ssub.s32 $0x0, s21;
	[sflag:s23] =	ssyncset.done $0x0  }
0xa4: {  	[sflag:s23] =	ssyncadd.s32 s8;
	_ =	sdelay $0x1  }
0xa5: {  	s24 =	simm.s32 $0x1B8B  }
0xa6: {  	_ =	swait.ge [sflag:s24], $0x1  }
0xa7: {  	[sflag:s24] =	ssyncset.done $0x0  }
0xa8: {  	s25 =	simm.s32 $0x1B8E;
	[sflag:s24] =	ssyncadd.s32 $0xFFFFFFFF  }
0xa9: {  	s26 =	simm.s32 $execute0_lowered;
	[smem:$0x3FD2] =	sst s25  }
0xaa: {  	s8 =	sshll.u32 s26, $0x1;
	_ =	strace $0x80000046;
	[dreg:$0x1] =	wrdreg $0xFFFFFFFF  }
0xab: {  	s28 =	simm.s32 $_size_execute0_lowered;
	s7 =	sadd.s32 s7, s8;
	[dreg:$0x0] =	wrdreg $0x0  }
0xac: {  	s8 =	sshll.u32 s28, $0x1;
	[dreg:$0x2] =	wrdreg s7  }
0xad: {  	[dreg:$0x3] =	wrdreg s8  }
0xae: {  	[dreg:$0x4] =	wrdreg $0xC0  }
0xaf: {  	_ =	task [dreg:s11], $0x5FFFF  }
0xb0: {  	[dreg:$0x1] =	wrdreg $0xFFFFFFFF  }
0xb1: {  	[dreg:$0x0] =	wrdreg $0x60  }
0xb2: {  	[dreg:$0x2] =	wrdreg s2  }
0xb3: {  	[dreg:$0x3] =	wrdreg s19  }
0xb4: {  	[dreg:$0x4] =	wrdreg s4  }
0xb5: {  	[dreg:$0x5] =	wrdreg s5  }
0xb6: {  	[dreg:$0x6] =	wrdreg s6  }
0xb7: {  	[dreg:$0x7] =	wrdreg $0x0  }
0xb8: {  	[dreg:$0x8] =	wrdreg $0x9  }
0xb9: {  	_ =	task.clear_ibuf [dreg:s11], $0x9FFFF;
	_ =	strace $0x90000046  }
0xba: {  	s29 =	simm.s32 $0x9;
	_ =	strace $0x80000048  }
0xbb: {  	_ =	swait.ge [sflag:s29], $0x1  }
0xbc: {  	[sflag:s29] =	ssyncadd.s32 $0xFFFFFFFF  }
0xbd: {  	_ =	strace $0x90000048  }
0xbe: {  	_ =	sfence  }
0xbf: {  	s30 =	sld [smem:$0x0];
	_ =	sdelay $0x2  }
0xc0: {  	s31 =	sshll.u32 s1, $0xD;
	s1 =	sshrl.u32 s1, $0x2  }
0xc1: {  	s3 =	sand.u32 $0x4000, s31;
	s1 =	sadd.s32 s1, s30  }
0xc2: {  	s0 =	sor.u32 s3, s0;
	s1 =	sshll.u32 s1, $0x11  }
0xc3: {  	s0 =	sor.u32 s1, s0  }
0xc4: {  	s0 =	sadd.s32 $0x8F2B, s0  }
0xc5: {  	[sflag:s0] =	ssyncadd.remote.s32 $0x1  }
0xc6: {  	_ =	sfence.sel $0xFFFF  }
0xc7: {  	[dreg:$0x0] =	wrdreg $0xFFFFFFFF;
	(pc) =	sbr.abs _section_cstart, $3  }
0xc8: {  	[dreg:$0x1] =	wrdreg $0xFFFFFFFF  }
0xc9: {  	_ =	task.clear_ibuf [dreg:s11], $0x2FFFF;
	_ =	strace $0x9FFFFFFF  }
0xca: {  	(tm) =	ssettm $0x7FFFFFFF  }
0xcb: {  	_ =	shalt  }
tec
execute0_lowered:
.L_overlay_start_1:
0x0: {  	(tag) =	ssettag $0x1  }
0x1: {  	s6 =	rddreg [dreg:$0x0]  }
0x2: {  	s7 =	rddreg [dreg:$0x1]  }
0x3: {  	s2 =	rddreg [dreg:$0x3]  }
0x4: {  	s9 =	rddreg [dreg:$0x4]  }
0x5: {  	s4 =	rddreg [dreg:$0x5]  }
0x6: {  	s5 =	srdreg.scid;
	s0 =	stileid.u32  }
0x7: {  	s14 =	simm.s32 $0x8000;
	s17 =	simm.s32 $0x15080;
	s18 =	simm.s32 $0x17080  }
0x8: {  	s19 =	simm.s32 $0x3;
	s20 =	simm.s32 $0x4;
	s21 =	simm.s32 $0x40  }
0x9: {  	s22 =	simm.s32 $0x0;
	s8 =	sand.u32 $0x1, s5;
	s5 =	simm.s32 $0x0  }
0xa: {  	s10 =	sshll.u32 s0, $0xF;
	s29 =	sshll.u32 s0, $0xC;
	s15 =	sshll.u32 s0, $0x6  }
0xb: {  	s11 =	sshll.u32 s8, $0xE;
	[smem:$0x7FF] =	sst s5;
	s12 =	ssub.s32 $0x2, s8  }
0xc: {  	s8 =	sshll.u32 s8, $0x13;
	s16 =	sadd.s32 s10, s4;
	s15 =	sor.u32 $0x1C05, s15  }
.Ltmp0:
0xd: {  	s11 =	sor.u32 s11, s10;
	_ =	strace $0x80000047;
	(pc) =	sbr.rel .LBB2_1-.Ltmp0, $4  }
0xe: {  	s13 =	sshrl.u32 s12, $0x1;
	s30 =	sor.u32 s10, s8;
	s8 =	sadd.s32 s2, s29  }
0xf: {  	s16 =	sshrl.u32 s16, $0x3;
	s11 =	sshrl.u32 s11, $0x3;
	s12 =	ssub.s32 s12, s13  }
0x10: {  	s31 =	sshrl.u32 s30, $0x3;
	s6 =	sadd.s32 s6, s11;
	s7 =	sadd.s32 s7, s11  }
0x11: {  	v0 =	vimm.s32 $0x0;
	v1 =	vimm.f32 $0.0e+00;
	s9 =	sadd.s32 s9, s31;
	s10 =	smax.u32 s12, $0x1;
	s12 =	simm.s32 $0x5  }
.LBB2_5:
0x12: {  	s22 =	sadd.s32 $0x1, s22  }
0x13: {  	p0 =	sne.s32 s22, s10  }
.Ltmp1:
0x14: {  	[bflag:$0x0] =	sbarrier.arrive $0xFFFF;
	(pc) =	sbr.rel @!p0 .LBB2_6-.Ltmp1, $4  }
0x15: {  	[hbm:s9], [sflag:s15] =	dma.local [spmem:s16], $0x1000  }
0x16: {  	_ =	swait.ge [sflag:s12], $0x1000  }
0x17: {  	[sflag:s12] =	ssyncset.done $0x0  }
0x18: {  	[sflag:s12] =	ssyncadd.s32 $0xFFFFF000  }
.LBB2_1:
0x19: {  	s0 =	simm.s32 $0xD080  }
0x1a: {  	[tilespmem:s0], [sflag:$0x5] =	stream.linear.gather [hbm4b:s6+s5], $0x4000, $0x38;
	[tilespmem:$0x19280] =	vst v63  }
0x1b: {  	_ =	swait.ge [sflag:s12], $0x4000  }
0x1c: {  	[sflag:s12] =	ssyncset.done $0x0  }
0x1d: {  	s30 =	simm.s32 $0x11080;
	[sflag:s12] =	ssyncadd.s32 $0xFFFFC000  }
0x1e: {  	[tilespmem:s30], [sflag:$0x5] =	stream.linear.gather [hbm4b:s7+s5], $0x4000, $0x38;
	[tilespmem:$0x19280] =	vst v63  }
0x1f: {  	_ =	swait.ge [sflag:s12], $0x4000  }
0x20: {  	[sflag:s12] =	ssyncset.done $0x0  }
0x21: {  	[sflag:s12] =	ssyncadd.s32 $0xFFFFC000  }
0x22: {  	s31 =	rddreg [dreg:$0x2]  }
0x23: {  	[tilespmem:s14], [sflag:$0x5] =	stream.linear.gather [hbm4b:s31+s5], $0x5080, $0x38;
	[tilespmem:$0x19280] =	vst v63  }
0x24: {  	_ =	swait.ge [sflag:s12], $0x5080  }
0x25: {  	[sflag:s12] =	ssyncset.done $0x0  }
0x26: {  	[sflag:s12] =	ssyncadd.s32 $0xFFFFAF80  }
0x27: {  	[spmem:s16], [sflag:s15] =	dma.local [hbm:s8], $0x1000  }
0x28: {  	_ =	swait.ge [sflag:s12], $0x1000  }
0x29: {  	[sflag:s12] =	ssyncset.done $0x0  }
0x2a: {  	[sflag:s12] =	ssyncadd.s32 $0xFFFFF000  }
0x2b: {  	[tilespmem:s17], [sflag:$0x3] =	stream.linear.gather [hbm4b:s2+s5], $0x2000, $0x38;
	[tilespmem:$0x19280] =	vst v63  }
0x2c: {  	_ = 	snop  }
0x2d: {  	[tilespmem:s18], [sflag:$0x4] =	stream.linear.gather [hbm4b:s2+s5], $0x2000, $0x38;
	[tilespmem:$0x19280] =	vst v63  }
0x2e: {  	_ =	swait.ge [sflag:s19], $0x2000  }
0x2f: {  	[sflag:s19] =	ssyncset.done $0x0  }
0x30: {  	[sflag:s19] =	ssyncadd.s32 $0xFFFFE000  }
0x31: {  	[tilespmem:$0x19180] =	vst v0  }
0x32: {  	[tilespmem:$0x19190] =	vst v0  }
0x33: {  	[tilespmem:$0x191A0] =	vst v0  }
0x34: {  	[tilespmem:$0x191B0] =	vst v0  }
0x35: {  	_ =	swait.ge [sflag:s20], $0x2000  }
0x36: {  	[sflag:s20] =	ssyncset.done $0x0  }
0x37: {  	[sflag:s20] =	ssyncadd.s32 $0xFFFFE000  }
0x38: {  	[tilespmem:$0x19200] =	vst v0  }
.Ltmp2:
0x39: {  	[tilespmem:$0x19210] =	vst v0;
	(pc) =	sbr.rel .LBB2_2-.Ltmp2, $4  }
0x3a: {  	[tilespmem:$0x19220] =	vst v0  }
0x3b: {  	[tilespmem:$0x19230] =	vst v0  }
0x3c: {  	[bflag:$0x0] =	sbarrier.arrive $0xFFFF  }
0x3d: {  	s23 =	simm.s32 $0x0;
	s24 =	simm.s32 $0x0  }
.LBB2_4:
0x3e: {  	s24 =	sadd.s32 $0x1, s24  }
0x3f: {  	p0 =	sne.s32 s24, $0x102  }
.Ltmp3:
0x40: {  	_ = 	snop;
	(pc) =	sbr.rel @!p0 .LBB2_5-.Ltmp3, $2  }
0x41: {  	_ =	sdelay $0x2  }
0x42: {  	s23 =	sadd.s32 $0x40, s23  }
.LBB2_2:
0x43: {  	p0 =	slt.u32 s24, $0x2  }
0x44: {  	p1 =	sgt.u32 @!p0 s24, $0xFF  }
0x45: {  	p1 =	por p0, !p1  }
.Ltmp4:
0x46: {  	s25 =	sand.u32 $0x1, s24;
	(pc) =	sbr.rel @!p1 .LBB2_4-.Ltmp4, $4  }
0x47: {  	s26 =	sadd.s32 @!p0 $0x1, s25  }
0x48: {  	_ =	swait.ge @!p0 [sflag:s26], $0x2000  }
0x49: {  	[sflag:s26] =	ssyncset.done @!p0 $0x0  }
0x4a: {  	[sflag:s26] =	ssyncadd.s32 @!p0 $0xFFFFE000  }
0x4b: {  	s30 =	sand.u32 $0x3FC0, s23  }
0x4c: {  	v2 =	vld [tilespmem:s30+$0xD080];
	_ =	sdelay $0x4  }
0x4d: {  	v4 =	vshrl.u32 v2, $0xE  }
0x4e: {  	v3 =	vmul.u32 $0xCC7C, v4;
	_ =	sdelay $0x1  }
0x4f: {  	v3 =	vshrl.u32 v3, $0x19  }
0x50: {  	s26 =	sshll.u32 s25, $0x7;
	v5 =	vmul.u32 $0x7FFFD7F, v3  }
0x51: {  	v3 =	vld [tilespmem:s26+$0x19180]  }
0x52: {  	v4 =	vadd.s32 v4, v5  }
0x53: {  	v35 =	vshll.u32 v2, $0x5;
	v5 =	vshll.u32 v4, $0x5  }
0x54: {  	v4 =	vand.u32 $0x60, v35;
	(v2sf) =	vpush v5, $0x0  }
0x55: {  	(v2sf) =	vpush v4, $0x0  }
0x56: {  	(v2sf) =	vpush v3, $0x0;
	_ =	sdelay $0x6  }
0x57: {  	(v2sf) =	vpush v5, $0x1  }
0x58: {  	(v2sf) =	vpush v4, $0x1  }
0x59: {  	(v2sf) =	vpush v3, $0x1  }
0x5a: {  	v6 =	vshrl.u32 v2, $0x2  }
0x5b: {  	v6 =	vand.u32 $0xFFF, v6  }
0x5c: {  	v2 =	vld [tilespmem:s30+$0x11080];
	[tilespmem:s26+$0x19080] =	vst v6  }
0x5d: {  	[tilespmem:s26+$0x19180] =	vst v4;
	s28 =	spop (v2sf)  }
0x5e: {  	s31 =	spop (v2sf);
	v6 =	vld [tilespmem:s28+$0x8000]  }
0x5f: {  	s29 =	sshll.u32 s25, $0xD;
	v7 =	vld [tilespmem:s28+$0x8010];
	s0 =	spop (v2sf)  }
0x60: {  	(v2sf) =	vpush v5, $0x2;
	s28 =	sor.u32 $0x15080, s29;
	s3 =	sand.u32 $0xFFFFFF80, s0;
	s1 =	sadd.s32 $0x10, s0  }
0x61: {  	v8 =	vbroadcast v2, $0x0;
	(v2sf) =	vpush v4, $0x2;
	s0 =	sand.u32 $0x7F, s0;
	s3 =	sadd.s32 s3, s28;
	s11 =	sand.u32 $0xFFFFFF80, s1  }
0x62: {  	(v2sf) =	vpush v3, $0x2;
	s1 =	sand.u32 $0x7F, s1;
	s0 =	sor.u32 s0, s3;
	s13 =	sadd.s32 s11, s28  }
0x63: {  	[tilespmem:s0+$0x0] =	vst v1;
	s1 =	sor.u32 s1, s13;
	v6 =	vmul.f32 v6, v8  }
0x64: {  	s3 =	sor.u32 s31, s28;
	v7 =	vmul.f32 v7, v8;
	[tilespmem:s1+$0x0] =	vst v1  }
0x65: {  	[tilespmem:s3+$0x0] =	vst v6  }
0x66: {  	s11 =	spop (v2sf);
	[tilespmem:s3+$0x10] =	vst v7  }
0x67: {  	s1 =	spop (v2sf);
	v6 =	vld [tilespmem:s11+$0x8000]  }
0x68: {  	s3 =	spop (v2sf);
	v7 =	vld [tilespmem:s11+$0x8010]  }
0x69: {  	(v2sf) =	vpush v5, $0x3;
	s13 =	sand.u32 $0xFFFFFF80, s3;
	s11 =	sor.u32 $0x15100, s29;
	s31 =	sadd.s32 $0x10, s3  }
0x6a: {  	v36 =	vbroadcast v2, $0x1;
	(v2sf) =	vpush v4, $0x3;
	s3 =	sand.u32 $0x7F, s3;
	s0 =	sadd.s32 s13, s11;
	s13 =	sand.u32 $0xFFFFFF80, s31  }
0x6b: {  	(v2sf) =	vpush v3, $0x3;
	s31 =	sand.u32 $0x7F, s31;
	s0 =	sor.u32 s3, s0;
	s13 =	sadd.s32 s13, s11  }
0x6c: {  	[tilespmem:s0+$0x0] =	vst v1;
	s3 =	sor.u32 s31, s13;
	v6 =	vmul.f32 v6, v36  }
0x6d: {  	s11 =	sor.u32 s1, s11;
	[tilespmem:s3+$0x0] =	vst v1;
	v7 =	vmul.f32 v7, v36  }
0x6e: {  	[tilespmem:s11+$0x0] =	vst v6  }
0x6f: {  	s13 =	spop (v2sf);
	[tilespmem:s11+$0x10] =	vst v7  }
0x70: {  	s1 =	spop (v2sf);
	v6 =	vld [tilespmem:s13+$0x8000]  }
0x71: {  	s3 =	spop (v2sf);
	v7 =	vld [tilespmem:s13+$0x8010]  }
0x72: {  	(v2sf) =	vpush v5, $0x4;
	s11 =	sor.u32 $0x15180, s29;
	s31 =	sand.u32 $0xFFFFFF80, s3;
	s13 =	sadd.s32 $0x10, s3  }
0x73: {  	v37 =	vbroadcast v2, $0x2;
	(v2sf) =	vpush v4, $0x4;
	s3 =	sand.u32 $0x7F, s3;
	s0 =	sadd.s32 s31, s11;
	s31 =	sand.u32 $0xFFFFFF80, s13  }
0x74: {  	(v2sf) =	vpush v3, $0x4;
	s13 =	sand.u32 $0x7F, s13;
	s0 =	sor.u32 s3, s0;
	s31 =	sadd.s32 s31, s11  }
0x75: {  	[tilespmem:s0+$0x0] =	vst v1;
	s3 =	sor.u32 s13, s31;
	v6 =	vmul.f32 v6, v37  }
0x76: {  	s11 =	sor.u32 s1, s11;
	[tilespmem:s3+$0x0] =	vst v1;
	v7 =	vmul.f32 v7, v37  }
0x77: {  	[tilespmem:s11+$0x0] =	vst v6  }
0x78: {  	s13 =	spop (v2sf);
	[tilespmem:s11+$0x10] =	vst v7  }
0x79: {  	s1 =	spop (v2sf);
	v6 =	vld [tilespmem:s13+$0x8000]  }
0x7a: {  	s3 =	spop (v2sf);
	v7 =	vld [tilespmem:s13+$0x8010]  }
0x7b: {  	(v2sf) =	vpush v5, $0x5;
	s31 =	sand.u32 $0xFFFFFF80, s3;
	s11 =	sor.u32 $0x15200, s29;
	s13 =	sadd.s32 $0x10, s3  }
0x7c: {  	v38 =	vbroadcast v2, $0x3;
	(v2sf) =	vpush v4, $0x5;
	s3 =	sand.u32 $0x7F, s3;
	s0 =	sadd.s32 s31, s11;
	s31 =	sand.u32 $0xFFFFFF80, s13  }
0x7d: {  	(v2sf) =	vpush v3, $0x5;
	s0 =	sor.u32 s3, s0;
	s13 =	sand.u32 $0x7F, s13;
	s31 =	sadd.s32 s31, s11  }
0x7e: {  	[tilespmem:s0+$0x0] =	vst v1;
	s3 =	sor.u32 s13, s31;
	v6 =	vmul.f32 v6, v38  }
0x7f: {  	s11 =	sor.u32 s1, s11;
	[tilespmem:s3+$0x0] =	vst v1;
	v7 =	vmul.f32 v7, v38  }
0x80: {  	[tilespmem:s11+$0x0] =	vst v6  }
0x81: {  	s13 =	spop (v2sf);
	[tilespmem:s11+$0x10] =	vst v7  }
0x82: {  	s1 =	spop (v2sf);
	v6 =	vld [tilespmem:s13+$0x8000]  }
0x83: {  	s3 =	spop (v2sf);
	v7 =	vld [tilespmem:s13+$0x8010]  }
0x84: {  	(v2sf) =	vpush v5, $0x6;
	s11 =	sor.u32 $0x15280, s29;
	s31 =	sand.u32 $0xFFFFFF80, s3;
	s13 =	sadd.s32 $0x10, s3  }
0x85: {  	v39 =	vbroadcast v2, $0x4;
	(v2sf) =	vpush v4, $0x6;
	s3 =	sand.u32 $0x7F, s3;
	s0 =	sadd.s32 s31, s11;
	s31 =	sand.u32 $0xFFFFFF80, s13  }
0x86: {  	(v2sf) =	vpush v3, $0x6;
	s13 =	sand.u32 $0x7F, s13;
	s0 =	sor.u32 s3, s0;
	s31 =	sadd.s32 s31, s11  }
0x87: {  	[tilespmem:s0+$0x0] =	vst v1;
	s3 =	sor.u32 s13, s31;
	v6 =	vmul.f32 v6, v39  }
0x88: {  	s11 =	sor.u32 s1, s11;
	[tilespmem:s3+$0x0] =	vst v1;
	v7 =	vmul.f32 v7, v39  }
0x89: {  	[tilespmem:s11+$0x0] =	vst v6  }
0x8a: {  	s13 =	spop (v2sf);
	[tilespmem:s11+$0x10] =	vst v7  }
0x8b: {  	s1 =	spop (v2sf);
	v6 =	vld [tilespmem:s13+$0x8000]  }
0x8c: {  	s3 =	spop (v2sf);
	v7 =	vld [tilespmem:s13+$0x8010]  }
0x8d: {  	(v2sf) =	vpush v5, $0x7;
	s31 =	sand.u32 $0xFFFFFF80, s3;
	s11 =	sor.u32 $0x15300, s29;
	s13 =	sadd.s32 $0x10, s3  }
0x8e: {  	v40 =	vbroadcast v2, $0x5;
	(v2sf) =	vpush v4, $0x7;
	s3 =	sand.u32 $0x7F, s3;
	s0 =	sadd.s32 s31, s11;
	s31 =	sand.u32 $0xFFFFFF80, s13  }
0x8f: {  	(v2sf) =	vpush v3, $0x7;
	s0 =	sor.u32 s3, s0;
	s13 =	sand.u32 $0x7F, s13;
	s31 =	sadd.s32 s31, s11  }
0x90: {  	[tilespmem:s0+$0x0] =	vst v1;
	s3 =	sor.u32 s13, s31;
	v6 =	vmul.f32 v6, v40  }
0x91: {  	s11 =	sor.u32 s1, s11;
	[tilespmem:s3+$0x0] =	vst v1;
	v7 =	vmul.f32 v7, v40  }
0x92: {  	[tilespmem:s11+$0x0] =	vst v6  }
0x93: {  	s13 =	spop (v2sf);
	[tilespmem:s11+$0x10] =	vst v7  }
0x94: {  	s1 =	spop (v2sf);
	v6 =	vld [tilespmem:s13+$0x8000]  }
0x95: {  	s3 =	spop (v2sf);
	v7 =	vld [tilespmem:s13+$0x8010]  }
0x96: {  	(v2sf) =	vpush v5, $0x8;
	s31 =	sand.u32 $0xFFFFFF80, s3;
	s11 =	sor.u32 $0x15380, s29;
	s13 =	sadd.s32 $0x10, s3  }
0x97: {  	v41 =	vbroadcast v2, $0x6;
	(v2sf) =	vpush v4, $0x8;
	s3 =	sand.u32 $0x7F, s3;
	s0 =	sadd.s32 s31, s11;
	s31 =	sand.u32 $0xFFFFFF80, s13  }
0x98: {  	(v2sf) =	vpush v3, $0x8;
	s0 =	sor.u32 s3, s0;
	s13 =	sand.u32 $0x7F, s13;
	s31 =	sadd.s32 s31, s11  }
0x99: {  	[tilespmem:s0+$0x0] =	vst v1;
	s3 =	sor.u32 s13, s31;
	v6 =	vmul.f32 v6, v41  }
0x9a: {  	s11 =	sor.u32 s1, s11;
	[tilespmem:s3+$0x0] =	vst v1;
	v7 =	vmul.f32 v7, v41  }
0x9b: {  	[tilespmem:s11+$0x0] =	vst v6  }
0x9c: {  	s13 =	spop (v2sf);
	[tilespmem:s11+$0x10] =	vst v7  }
0x9d: {  	s1 =	spop (v2sf);
	v6 =	vld [tilespmem:s13+$0x8000]  }
0x9e: {  	s3 =	spop (v2sf);
	v7 =	vld [tilespmem:s13+$0x8010]  }
0x9f: {  	(v2sf) =	vpush v5, $0x9;
	s31 =	sand.u32 $0xFFFFFF80, s3;
	s11 =	sor.u32 $0x15400, s29;
	s13 =	sadd.s32 $0x10, s3  }
0xa0: {  	v42 =	vbroadcast v2, $0x7;
	(v2sf) =	vpush v4, $0x9;
	s3 =	sand.u32 $0x7F, s3;
	s0 =	sadd.s32 s31, s11;
	s31 =	sand.u32 $0xFFFFFF80, s13  }
0xa1: {  	(v2sf) =	vpush v3, $0x9;
	s0 =	sor.u32 s3, s0;
	s13 =	sand.u32 $0x7F, s13;
	s31 =	sadd.s32 s31, s11  }
0xa2: {  	[tilespmem:s0+$0x0] =	vst v1;
	s3 =	sor.u32 s13, s31;
	v6 =	vmul.f32 v6, v42  }
0xa3: {  	s11 =	sor.u32 s1, s11;
	[tilespmem:s3+$0x0] =	vst v1;
	v7 =	vmul.f32 v7, v42  }
0xa4: {  	[tilespmem:s11+$0x0] =	vst v6  }
0xa5: {  	s13 =	spop (v2sf);
	[tilespmem:s11+$0x10] =	vst v7  }
0xa6: {  	s1 =	spop (v2sf);
	v6 =	vld [tilespmem:s13+$0x8000]  }
0xa7: {  	s3 =	spop (v2sf);
	v7 =	vld [tilespmem:s13+$0x8010]  }
0xa8: {  	(v2sf) =	vpush v5, $0xA;
	s31 =	sand.u32 $0xFFFFFF80, s3;
	s11 =	sor.u32 $0x15480, s29;
	s13 =	sadd.s32 $0x10, s3  }
0xa9: {  	v43 =	vbroadcast v2, $0x8;
	(v2sf) =	vpush v4, $0xA;
	s3 =	sand.u32 $0x7F, s3;
	s0 =	sadd.s32 s31, s11;
	s31 =	sand.u32 $0xFFFFFF80, s13  }
0xaa: {  	(v2sf) =	vpush v3, $0xA;
	s0 =	sor.u32 s3, s0;
	s13 =	sand.u32 $0x7F, s13;
	s31 =	sadd.s32 s31, s11  }
0xab: {  	[tilespmem:s0+$0x0] =	vst v1;
	s3 =	sor.u32 s13, s31;
	v6 =	vmul.f32 v6, v43  }
0xac: {  	s11 =	sor.u32 s1, s11;
	[tilespmem:s3+$0x0] =	vst v1;
	v7 =	vmul.f32 v7, v43  }
0xad: {  	[tilespmem:s11+$0x0] =	vst v6  }
0xae: {  	s13 =	spop (v2sf);
	[tilespmem:s11+$0x10] =	vst v7  }
0xaf: {  	s1 =	spop (v2sf);
	v6 =	vld [tilespmem:s13+$0x8000]  }
0xb0: {  	s3 =	spop (v2sf);
	v7 =	vld [tilespmem:s13+$0x8010]  }
0xb1: {  	(v2sf) =	vpush v5, $0xB;
	s31 =	sand.u32 $0xFFFFFF80, s3;
	s11 =	sor.u32 $0x15500, s29;
	s13 =	sadd.s32 $0x10, s3  }
0xb2: {  	v44 =	vbroadcast v2, $0x9;
	(v2sf) =	vpush v4, $0xB;
	s3 =	sand.u32 $0x7F, s3;
	s0 =	sadd.s32 s31, s11;
	s31 =	sand.u32 $0xFFFFFF80, s13  }
0xb3: {  	(v2sf) =	vpush v3, $0xB;
	s0 =	sor.u32 s3, s0;
	s13 =	sand.u32 $0x7F, s13;
	s31 =	sadd.s32 s31, s11  }
0xb4: {  	[tilespmem:s0+$0x0] =	vst v1;
	s3 =	sor.u32 s13, s31;
	v6 =	vmul.f32 v6, v44  }
0xb5: {  	s11 =	sor.u32 s1, s11;
	[tilespmem:s3+$0x0] =	vst v1;
	v7 =	vmul.f32 v7, v44  }
0xb6: {  	[tilespmem:s11+$0x0] =	vst v6  }
0xb7: {  	s13 =	spop (v2sf);
	[tilespmem:s11+$0x10] =	vst v7  }
0xb8: {  	s1 =	spop (v2sf);
	v6 =	vld [tilespmem:s13+$0x8000]  }
0xb9: {  	s3 =	spop (v2sf);
	v7 =	vld [tilespmem:s13+$0x8010]  }
0xba: {  	(v2sf) =	vpush v5, $0xC;
	s31 =	sand.u32 $0xFFFFFF80, s3;
	s11 =	sor.u32 $0x15580, s29;
	s13 =	sadd.s32 $0x10, s3  }
0xbb: {  	v45 =	vbroadcast v2, $0xA;
	(v2sf) =	vpush v4, $0xC;
	s3 =	sand.u32 $0x7F, s3;
	s0 =	sadd.s32 s31, s11;
	s31 =	sand.u32 $0xFFFFFF80, s13  }
0xbc: {  	(v2sf) =	vpush v3, $0xC;
	s0 =	sor.u32 s3, s0;
	s13 =	sand.u32 $0x7F, s13;
	s31 =	sadd.s32 s31, s11  }
0xbd: {  	[tilespmem:s0+$0x0] =	vst v1;
	s3 =	sor.u32 s13, s31;
	v6 =	vmul.f32 v6, v45  }
0xbe: {  	s11 =	sor.u32 s1, s11;
	[tilespmem:s3+$0x0] =	vst v1;
	v7 =	vmul.f32 v7, v45  }
0xbf: {  	[tilespmem:s11+$0x0] =	vst v6  }
0xc0: {  	s13 =	spop (v2sf);
	[tilespmem:s11+$0x10] =	vst v7  }
0xc1: {  	s1 =	spop (v2sf);
	v6 =	vld [tilespmem:s13+$0x8000]  }
0xc2: {  	s3 =	spop (v2sf);
	v7 =	vld [tilespmem:s13+$0x8010]  }
0xc3: {  	(v2sf) =	vpush v5, $0xD;
	s31 =	sand.u32 $0xFFFFFF80, s3;
	s11 =	sor.u32 $0x15600, s29;
	s13 =	sadd.s32 $0x10, s3  }
0xc4: {  	v46 =	vbroadcast v2, $0xB;
	(v2sf) =	vpush v4, $0xD;
	s3 =	sand.u32 $0x7F, s3;
	s0 =	sadd.s32 s31, s11;
	s31 =	sand.u32 $0xFFFFFF80, s13  }
0xc5: {  	(v2sf) =	vpush v3, $0xD;
	s0 =	sor.u32 s3, s0;
	s13 =	sand.u32 $0x7F, s13;
	s31 =	sadd.s32 s31, s11  }
0xc6: {  	[tilespmem:s0+$0x0] =	vst v1;
	s3 =	sor.u32 s13, s31;
	v6 =	vmul.f32 v6, v46  }
0xc7: {  	s11 =	sor.u32 s1, s11;
	[tilespmem:s3+$0x0] =	vst v1;
	v7 =	vmul.f32 v7, v46  }
0xc8: {  	[tilespmem:s11+$0x0] =	vst v6  }
0xc9: {  	s13 =	spop (v2sf);
	[tilespmem:s11+$0x10] =	vst v7  }
0xca: {  	s1 =	spop (v2sf);
	v6 =	vld [tilespmem:s13+$0x8000]  }
0xcb: {  	s3 =	spop (v2sf);
	v7 =	vld [tilespmem:s13+$0x8010]  }
0xcc: {  	(v2sf) =	vpush v5, $0xE;
	s31 =	sand.u32 $0xFFFFFF80, s3;
	s11 =	sor.u32 $0x15680, s29;
	s13 =	sadd.s32 $0x10, s3  }
0xcd: {  	v47 =	vbroadcast v2, $0xC;
	(v2sf) =	vpush v4, $0xE;
	s3 =	sand.u32 $0x7F, s3;
	s0 =	sadd.s32 s31, s11;
	s31 =	sand.u32 $0xFFFFFF80, s13  }
0xce: {  	(v2sf) =	vpush v3, $0xE;
	s0 =	sor.u32 s3, s0;
	s13 =	sand.u32 $0x7F, s13;
	s31 =	sadd.s32 s31, s11  }
0xcf: {  	[tilespmem:s0+$0x0] =	vst v1;
	s3 =	sor.u32 s13, s31;
	v6 =	vmul.f32 v6, v47  }
0xd0: {  	s11 =	sor.u32 s1, s11;
	[tilespmem:s3+$0x0] =	vst v1;
	v7 =	vmul.f32 v7, v47  }
0xd1: {  	[tilespmem:s11+$0x0] =	vst v6  }
0xd2: {  	s13 =	spop (v2sf);
	[tilespmem:s11+$0x10] =	vst v7  }
0xd3: {  	s1 =	spop (v2sf);
	v6 =	vld [tilespmem:s13+$0x8000]  }
0xd4: {  	s3 =	spop (v2sf);
	v7 =	vld [tilespmem:s13+$0x8010]  }
0xd5: {  	(v2sf) =	vpush v5, $0xF;
	s31 =	sand.u32 $0xFFFFFF80, s3;
	s11 =	sor.u32 $0x15700, s29;
	s13 =	sadd.s32 $0x10, s3  }
0xd6: {  	v48 =	vbroadcast v2, $0xD;
	(v2sf) =	vpush v4, $0xF;
	s3 =	sand.u32 $0x7F, s3;
	s0 =	sadd.s32 s31, s11;
	s31 =	sand.u32 $0xFFFFFF80, s13  }
0xd7: {  	(v2sf) =	vpush v3, $0xF;
	s0 =	sor.u32 s3, s0;
	s13 =	sand.u32 $0x7F, s13;
	s31 =	sadd.s32 s31, s11  }
0xd8: {  	[tilespmem:s0+$0x0] =	vst v1;
	s3 =	sor.u32 s13, s31;
	v3 =	vmul.f32 v6, v48  }
0xd9: {  	s11 =	sor.u32 s1, s11;
	[tilespmem:s3+$0x0] =	vst v1;
	v49 =	vmul.f32 v7, v48  }
0xda: {  	[tilespmem:s11+$0x0] =	vst v3  }
0xdb: {  	s13 =	spop (v2sf);
	[tilespmem:s11+$0x10] =	vst v49  }
0xdc: {  	s1 =	spop (v2sf);
	v3 =	vld [tilespmem:s13+$0x8000]  }
0xdd: {  	s3 =	spop (v2sf);
	v4 =	vld [tilespmem:s13+$0x8010]  }
0xde: {  	s31 =	sand.u32 $0xFFFFFF80, s3;
	s11 =	sor.u32 $0x15780, s29;
	s13 =	sadd.s32 $0x10, s3  }
0xdf: {  	v50 =	vbroadcast v2, $0xE;
	s3 =	sand.u32 $0x7F, s3;
	s0 =	sadd.s32 s31, s11;
	s31 =	sand.u32 $0xFFFFFF80, s13  }
0xe0: {  	s0 =	sor.u32 s3, s0;
	s13 =	sand.u32 $0x7F, s13;
	s31 =	sadd.s32 s31, s11  }
0xe1: {  	[tilespmem:s0+$0x0] =	vst v1;
	s3 =	sor.u32 s13, s31;
	v3 =	vmul.f32 v3, v50  }
0xe2: {  	s11 =	sor.u32 s1, s11;
	[tilespmem:s3+$0x0] =	vst v1;
	v4 =	vmul.f32 v4, v50  }
0xe3: {  	[tilespmem:s11+$0x0] =	vst v3  }
0xe4: {  	s13 =	spop (v2sf);
	[tilespmem:s11+$0x10] =	vst v4  }
0xe5: {  	s1 =	spop (v2sf);
	v3 =	vld [tilespmem:s13+$0x8000]  }
0xe6: {  	s3 =	spop (v2sf);
	v4 =	vld [tilespmem:s13+$0x8010]  }
0xe7: {  	s31 =	sand.u32 $0xFFFFFF80, s3;
	s11 =	sor.u32 $0x15800, s29;
	s13 =	sadd.s32 $0x10, s3  }
0xe8: {  	v2 =	vbroadcast v2, $0xF;
	s3 =	sand.u32 $0x7F, s3;
	s0 =	sadd.s32 s31, s11;
	s31 =	sand.u32 $0xFFFFFF80, s13  }
0xe9: {  	s0 =	sor.u32 s3, s0;
	s13 =	sand.u32 $0x7F, s13;
	s31 =	sadd.s32 s31, s11  }
0xea: {  	[tilespmem:s0+$0x0] =	vst v1;
	s3 =	sor.u32 s13, s31;
	v3 =	vmul.f32 v3, v2  }
0xeb: {  	s11 =	sor.u32 s1, s11;
	[tilespmem:s3+$0x0] =	vst v1;
	v2 =	vmul.f32 v4, v2  }
0xec: {  	[tilespmem:s11+$0x0] =	vst v3  }
0xed: {  	[tilespmem:s11+$0x10] =	vst v2  }
0xee: {  	v2 =	vld [tilespmem:s30+$0xD090];
	_ =	sdelay $0x4  }
0xef: {  	v51 =	vshrl.u32 v2, $0xE  }
0xf0: {  	v3 =	vmul.u32 $0xCC7C, v51;
	_ =	sdelay $0x1  }
0xf1: {  	v3 =	vshrl.u32 v3, $0x19  }
0xf2: {  	v52 =	vmul.u32 $0x7FFFD7F, v3  }
0xf3: {  	v3 =	vld [tilespmem:s26+$0x19190]  }
0xf4: {  	v4 =	vadd.s32 v51, v52  }
0xf5: {  	v53 =	vshll.u32 v2, $0x5;
	v5 =	vshll.u32 v4, $0x5  }
0xf6: {  	v4 =	vand.u32 $0x60, v53;
	(v2sf) =	vpush v5, $0x0  }
0xf7: {  	(v2sf) =	vpush v4, $0x0  }
0xf8: {  	(v2sf) =	vpush v3, $0x0;
	_ =	sdelay $0x6  }
0xf9: {  	(v2sf) =	vpush v5, $0x1  }
0xfa: {  	(v2sf) =	vpush v4, $0x1  }
0xfb: {  	(v2sf) =	vpush v3, $0x1  }
0xfc: {  	v54 =	vshrl.u32 v2, $0x2  }
0xfd: {  	v6 =	vand.u32 $0xFFF, v54  }
0xfe: {  	v2 =	vld [tilespmem:s30+$0x11090];
	[tilespmem:s26+$0x19090] =	vst v6  }
0xff: {  	[tilespmem:s26+$0x19190] =	vst v4;
	s13 =	spop (v2sf)  }
0x100: {  	s1 =	spop (v2sf);
	v6 =	vld [tilespmem:s13+$0x8000]  }
0x101: {  	v55 =	vld [tilespmem:s13+$0x8010];
	s3 =	spop (v2sf)  }
0x102: {  	s11 =	sor.u32 $0x15880, s29;
	(v2sf) =	vpush v5, $0x2;
	s31 =	sand.u32 $0xFFFFFF80, s3;
	s13 =	sadd.s32 $0x10, s3  }
0x103: {  	v56 =	vbroadcast v2, $0x0;
	(v2sf) =	vpush v4, $0x2;
	s3 =	sand.u32 $0x7F, s3;
	s0 =	sadd.s32 s31, s11;
	s31 =	sand.u32 $0xFFFFFF80, s13  }
0x104: {  	(v2sf) =	vpush v3, $0x2;
	s13 =	sand.u32 $0x7F, s13;
	s0 =	sor.u32 s3, s0;
	s31 =	sadd.s32 s31, s11  }
0x105: {  	[tilespmem:s0+$0x0] =	vst v1;
	s3 =	sor.u32 s13, s31;
	v6 =	vmul.f32 v6, v56  }
0x106: {  	s11 =	sor.u32 s1, s11;
	v7 =	vmul.f32 v55, v56;
	[tilespmem:s3+$0x0] =	vst v1  }
0x107: {  	[tilespmem:s11+$0x0] =	vst v6  }
0x108: {  	s13 =	spop (v2sf);
	[tilespmem:s11+$0x10] =	vst v7  }
0x109: {  	s1 =	spop (v2sf);
	v6 =	vld [tilespmem:s13+$0x8000]  }
0x10a: {  	s3 =	spop (v2sf);
	v7 =	vld [tilespmem:s13+$0x8010]  }
0x10b: {  	(v2sf) =	vpush v5, $0x3;
	s11 =	sor.u32 $0x15900, s29;
	s31 =	sand.u32 $0xFFFFFF80, s3;
	s13 =	sadd.s32 $0x10, s3  }
0x10c: {  	v57 =	vbroadcast v2, $0x1;
	(v2sf) =	vpush v4, $0x3;
	s3 =	sand.u32 $0x7F, s3;
	s0 =	sadd.s32 s31, s11;
	s31 =	sand.u32 $0xFFFFFF80, s13  }
0x10d: {  	(v2sf) =	vpush v3, $0x3;
	s13 =	sand.u32 $0x7F, s13;
	s0 =	sor.u32 s3, s0;
	s31 =	sadd.s32 s31, s11  }
0x10e: {  	[tilespmem:s0+$0x0] =	vst v1;
	s3 =	sor.u32 s13, s31;
	v6 =	vmul.f32 v6, v57  }
0x10f: {  	s11 =	sor.u32 s1, s11;
	[tilespmem:s3+$0x0] =	vst v1;
	v7 =	vmul.f32 v7, v57  }
0x110: {  	[tilespmem:s11+$0x0] =	vst v6  }
0x111: {  	s13 =	spop (v2sf);
	[tilespmem:s11+$0x10] =	vst v7  }
0x112: {  	s1 =	spop (v2sf);
	v6 =	vld [tilespmem:s13+$0x8000]  }
0x113: {  	s3 =	spop (v2sf);
	v7 =	vld [tilespmem:s13+$0x8010]  }
0x114: {  	(v2sf) =	vpush v5, $0x4;
	s11 =	sor.u32 $0x15980, s29;
	s31 =	sand.u32 $0xFFFFFF80, s3;
	s13 =	sadd.s32 $0x10, s3  }
0x115: {  	v58 =	vbroadcast v2, $0x2;
	(v2sf) =	vpush v4, $0x4;
	s3 =	sand.u32 $0x7F, s3;
	s0 =	sadd.s32 s31, s11;
	s31 =	sand.u32 $0xFFFFFF80, s13  }
0x116: {  	(v2sf) =	vpush v3, $0x4;
	s13 =	sand.u32 $0x7F, s13;
	s0 =	sor.u32 s3, s0;
	s31 =	sadd.s32 s31, s11  }
0x117: {  	[tilespmem:s0+$0x0] =	vst v1;
	s3 =	sor.u32 s13, s31;
	v6 =	vmul.f32 v6, v58  }
0x118: {  	s11 =	sor.u32 s1, s11;
	[tilespmem:s3+$0x0] =	vst v1;
	v7 =	vmul.f32 v7, v58  }
0x119: {  	[tilespmem:s11+$0x0] =	vst v6  }
0x11a: {  	s13 =	spop (v2sf);
	[tilespmem:s11+$0x10] =	vst v7  }
0x11b: {  	s1 =	spop (v2sf);
	v6 =	vld [tilespmem:s13+$0x8000]  }
0x11c: {  	s3 =	spop (v2sf);
	v7 =	vld [tilespmem:s13+$0x8010]  }
0x11d: {  	(v2sf) =	vpush v5, $0x5;
	s31 =	sand.u32 $0xFFFFFF80, s3;
	s11 =	sor.u32 $0x15A00, s29;
	s13 =	sadd.s32 $0x10, s3  }
0x11e: {  	v59 =	vbroadcast v2, $0x3;
	(v2sf) =	vpush v4, $0x5;
	s3 =	sand.u32 $0x7F, s3;
	s0 =	sadd.s32 s31, s11;
	s31 =	sand.u32 $0xFFFFFF80, s13  }
0x11f: {  	(v2sf) =	vpush v3, $0x5;
	s0 =	sor.u32 s3, s0;
	s13 =	sand.u32 $0x7F, s13;
	s31 =	sadd.s32 s31, s11  }
0x120: {  	[tilespmem:s0+$0x0] =	vst v1;
	s3 =	sor.u32 s13, s31;
	v6 =	vmul.f32 v6, v59  }
0x121: {  	s11 =	sor.u32 s1, s11;
	[tilespmem:s3+$0x0] =	vst v1;
	v7 =	vmul.f32 v7, v59  }
0x122: {  	[tilespmem:s11+$0x0] =	vst v6  }
0x123: {  	s13 =	spop (v2sf);
	[tilespmem:s11+$0x10] =	vst v7  }
0x124: {  	s1 =	spop (v2sf);
	v6 =	vld [tilespmem:s13+$0x8000]  }
0x125: {  	s3 =	spop (v2sf);
	v7 =	vld [tilespmem:s13+$0x8010]  }
0x126: {  	(v2sf) =	vpush v5, $0x6;
	s11 =	sor.u32 $0x15A80, s29;
	s31 =	sand.u32 $0xFFFFFF80, s3;
	s13 =	sadd.s32 $0x10, s3  }
0x127: {  	v60 =	vbroadcast v2, $0x4;
	(v2sf) =	vpush v4, $0x6;
	s3 =	sand.u32 $0x7F, s3;
	s0 =	sadd.s32 s31, s11;
	s31 =	sand.u32 $0xFFFFFF80, s13  }
0x128: {  	(v2sf) =	vpush v3, $0x6;
	s13 =	sand.u32 $0x7F, s13;
	s0 =	sor.u32 s3, s0;
	s31 =	sadd.s32 s31, s11  }
0x129: {  	[tilespmem:s0+$0x0] =	vst v1;
	s3 =	sor.u32 s13, s31;
	v6 =	vmul.f32 v6, v60  }
0x12a: {  	s11 =	sor.u32 s1, s11;
	[tilespmem:s3+$0x0] =	vst v1;
	v7 =	vmul.f32 v7, v60  }
0x12b: {  	[tilespmem:s11+$0x0] =	vst v6  }
0x12c: {  	s13 =	spop (v2sf);
	[tilespmem:s11+$0x10] =	vst v7  }
0x12d: {  	s1 =	spop (v2sf);
	v6 =	vld [tilespmem:s13+$0x8000]  }
0x12e: {  	s3 =	spop (v2sf);
	v7 =	vld [tilespmem:s13+$0x8010]  }
0x12f: {  	(v2sf) =	vpush v5, $0x7;
	s31 =	sand.u32 $0xFFFFFF80, s3;
	s11 =	sor.u32 $0x15B00, s29;
	s13 =	sadd.s32 $0x10, s3  }
0x130: {  	v61 =	vbroadcast v2, $0x5;
	(v2sf) =	vpush v4, $0x7;
	s3 =	sand.u32 $0x7F, s3;
	s0 =	sadd.s32 s31, s11;
	s31 =	sand.u32 $0xFFFFFF80, s13  }
0x131: {  	s0 =	sor.u32 s3, s0;
	s13 =	sand.u32 $0x7F, s13;
	s31 =	sadd.s32 s31, s11  }
0x132: {  	[tilespmem:s0+$0x0] =	vst v1;
	s3 =	sor.u32 s13, s31;
	v6 =	vmul.f32 v6, v61  }
0x133: {  	s11 =	sor.u32 s1, s11;
	[tilespmem:s3+$0x0] =	vst v1;
	v7 =	vmul.f32 v7, v61  }
0x134: {  	[tilespmem:s11+$0x0] =	vst v6  }
0x135: {  	s13 =	spop (v2sf);
	[tilespmem:s11+$0x10] =	vst v7  }
0x136: {  	s1 =	spop (v2sf);
	v6 =	vld [tilespmem:s13+$0x8000]  }
0x137: {  	s3 =	spop (v2sf);
	v7 =	vld [tilespmem:s13+$0x8010]  }
0x138: {  	s31 =	sand.u32 $0xFFFFFF80, s3;
	s11 =	sor.u32 $0x15B80, s29;
	s13 =	sadd.s32 $0x10, s3  }
0x139: {  	v62 =	vbroadcast v2, $0x6;
	s3 =	sand.u32 $0x7F, s3;
	s0 =	sadd.s32 s31, s11;
	s31 =	sand.u32 $0xFFFFFF80, s13  }
0x13a: {  	s0 =	sor.u32 s3, s0;
	s13 =	sand.u32 $0x7F, s13;
	s31 =	sadd.s32 s31, s11  }
0x13b: {  	[tilespmem:s0+$0x0] =	vst v1;
	s3 =	sor.u32 s13, s31;
	v6 =	vmul.f32 v6, v62  }
0x13c: {  	s11 =	sor.u32 s1, s11;
	[tilespmem:s3+$0x0] =	vst v1;
	v7 =	vmul.f32 v7, v62  }
0x13d: {  	[tilespmem:s11+$0x0] =	vst v6  }
0x13e: {  	s13 =	spop (v2sf);
	[tilespmem:s11+$0x10] =	vst v7  }
0x13f: {  	s1 =	spop (v2sf)  }
0x140: {  	(v2sf) =	vpush v3, $0x7;
	_ =	sdelay $0x6  }
0x141: {  	(v2sf) =	vpush v5, $0x8  }
0x142: {  	(v2sf) =	vpush v4, $0x8  }
0x143: {  	(v2sf) =	vpush v3, $0x8;
	_ =	sdelay $0x4  }
0x144: {  	v63 =	vld [tilespmem:s13+$0x8000]  }
0x145: {  	v12 =	vld [tilespmem:s13+$0x8010];
	s3 =	spop (v2sf)  }
0x146: {  	s11 =	sor.u32 $0x15C00, s29;
	(v2sf) =	vpush v5, $0x9;
	s31 =	sand.u32 $0xFFFFFF80, s3;
	s13 =	sadd.s32 $0x10, s3  }
0x147: {  	v13 =	vbroadcast v2, $0x7;
	(v2sf) =	vpush v4, $0x9;
	s3 =	sand.u32 $0x7F, s3;
	s0 =	sadd.s32 s31, s11;
	s31 =	sand.u32 $0xFFFFFF80, s13  }
0x148: {  	(v2sf) =	vpush v3, $0x9;
	s13 =	sand.u32 $0x7F, s13;
	s0 =	sor.u32 s3, s0;
	s31 =	sadd.s32 s31, s11  }
0x149: {  	v6 =	vmul.f32 v63, v13;
	[tilespmem:s0+$0x0] =	vst v1;
	s3 =	sor.u32 s13, s31  }
0x14a: {  	v7 =	vmul.f32 v12, v13;
	s11 =	sor.u32 s1, s11;
	[tilespmem:s3+$0x0] =	vst v1  }
0x14b: {  	[tilespmem:s11+$0x0] =	vst v6  }
0x14c: {  	s13 =	spop (v2sf);
	[tilespmem:s11+$0x10] =	vst v7  }
0x14d: {  	s1 =	spop (v2sf);
	v6 =	vld [tilespmem:s13+$0x8000]  }
0x14e: {  	s3 =	spop (v2sf);
	v7 =	vld [tilespmem:s13+$0x8010]  }
0x14f: {  	(v2sf) =	vpush v5, $0xA;
	s11 =	sor.u32 $0x15C80, s29;
	s31 =	sand.u32 $0xFFFFFF80, s3;
	s13 =	sadd.s32 $0x10, s3  }
0x150: {  	v14 =	vbroadcast v2, $0x8;
	(v2sf) =	vpush v4, $0xA;
	s3 =	sand.u32 $0x7F, s3;
	s0 =	sadd.s32 s31, s11;
	s31 =	sand.u32 $0xFFFFFF80, s13  }
0x151: {  	(v2sf) =	vpush v3, $0xA;
	s13 =	sand.u32 $0x7F, s13;
	s0 =	sor.u32 s3, s0;
	s31 =	sadd.s32 s31, s11  }
0x152: {  	[tilespmem:s0+$0x0] =	vst v1;
	s3 =	sor.u32 s13, s31;
	v6 =	vmul.f32 v6, v14  }
0x153: {  	s11 =	sor.u32 s1, s11;
	[tilespmem:s3+$0x0] =	vst v1;
	v7 =	vmul.f32 v7, v14  }
0x154: {  	[tilespmem:s11+$0x0] =	vst v6  }
0x155: {  	s13 =	spop (v2sf);
	[tilespmem:s11+$0x10] =	vst v7  }
0x156: {  	s1 =	spop (v2sf);
	v6 =	vld [tilespmem:s13+$0x8000]  }
0x157: {  	s3 =	spop (v2sf);
	v7 =	vld [tilespmem:s13+$0x8010]  }
0x158: {  	(v2sf) =	vpush v5, $0xB;
	s11 =	sor.u32 $0x15D00, s29;
	s31 =	sand.u32 $0xFFFFFF80, s3;
	s13 =	sadd.s32 $0x10, s3  }
0x159: {  	v15 =	vbroadcast v2, $0x9;
	(v2sf) =	vpush v4, $0xB;
	s3 =	sand.u32 $0x7F, s3;
	s0 =	sadd.s32 s31, s11;
	s31 =	sand.u32 $0xFFFFFF80, s13  }
0x15a: {  	(v2sf) =	vpush v3, $0xB;
	s13 =	sand.u32 $0x7F, s13;
	s0 =	sor.u32 s3, s0;
	s31 =	sadd.s32 s31, s11  }
0x15b: {  	[tilespmem:s0+$0x0] =	vst v1;
	s3 =	sor.u32 s13, s31;
	v6 =	vmul.f32 v6, v15  }
0x15c: {  	s11 =	sor.u32 s1, s11;
	[tilespmem:s3+$0x0] =	vst v1;
	v7 =	vmul.f32 v7, v15  }
0x15d: {  	[tilespmem:s11+$0x0] =	vst v6  }
0x15e: {  	s13 =	spop (v2sf);
	[tilespmem:s11+$0x10] =	vst v7  }
0x15f: {  	s1 =	spop (v2sf);
	v6 =	vld [tilespmem:s13+$0x8000]  }
0x160: {  	s3 =	spop (v2sf);
	v7 =	vld [tilespmem:s13+$0x8010]  }
0x161: {  	(v2sf) =	vpush v5, $0xC;
	s31 =	sand.u32 $0xFFFFFF80, s3;
	s11 =	sor.u32 $0x15D80, s29;
	s13 =	sadd.s32 $0x10, s3  }
0x162: {  	v16 =	vbroadcast v2, $0xA;
	(v2sf) =	vpush v4, $0xC;
	s3 =	sand.u32 $0x7F, s3;
	s0 =	sadd.s32 s31, s11;
	s31 =	sand.u32 $0xFFFFFF80, s13  }
0x163: {  	(v2sf) =	vpush v3, $0xC;
	s0 =	sor.u32 s3, s0;
	s13 =	sand.u32 $0x7F, s13;
	s31 =	sadd.s32 s31, s11  }
0x164: {  	[tilespmem:s0+$0x0] =	vst v1;
	s3 =	sor.u32 s13, s31;
	v6 =	vmul.f32 v6, v16  }
0x165: {  	s11 =	sor.u32 s1, s11;
	[tilespmem:s3+$0x0] =	vst v1;
	v7 =	vmul.f32 v7, v16  }
0x166: {  	[tilespmem:s11+$0x0] =	vst v6  }
0x167: {  	s13 =	spop (v2sf);
	[tilespmem:s11+$0x10] =	vst v7  }
0x168: {  	s1 =	spop (v2sf);
	v6 =	vld [tilespmem:s13+$0x8000]  }
0x169: {  	s3 =	spop (v2sf);
	v7 =	vld [tilespmem:s13+$0x8010]  }
0x16a: {  	(v2sf) =	vpush v5, $0xD;
	s11 =	sor.u32 $0x15E00, s29;
	s31 =	sand.u32 $0xFFFFFF80, s3;
	s13 =	sadd.s32 $0x10, s3  }
0x16b: {  	v17 =	vbroadcast v2, $0xB;
	(v2sf) =	vpush v4, $0xD;
	s3 =	sand.u32 $0x7F, s3;
	s0 =	sadd.s32 s31, s11;
	s31 =	sand.u32 $0xFFFFFF80, s13  }
0x16c: {  	(v2sf) =	vpush v3, $0xD;
	s13 =	sand.u32 $0x7F, s13;
	s0 =	sor.u32 s3, s0;
	s31 =	sadd.s32 s31, s11  }
0x16d: {  	[tilespmem:s0+$0x0] =	vst v1;
	s3 =	sor.u32 s13, s31;
	v6 =	vmul.f32 v6, v17  }
0x16e: {  	s11 =	sor.u32 s1, s11;
	[tilespmem:s3+$0x0] =	vst v1;
	v7 =	vmul.f32 v7, v17  }
0x16f: {  	[tilespmem:s11+$0x0] =	vst v6  }
0x170: {  	s13 =	spop (v2sf);
	[tilespmem:s11+$0x10] =	vst v7  }
0x171: {  	s1 =	spop (v2sf);
	v6 =	vld [tilespmem:s13+$0x8000]  }
0x172: {  	s3 =	spop (v2sf);
	v7 =	vld [tilespmem:s13+$0x8010]  }
0x173: {  	(v2sf) =	vpush v5, $0xE;
	s31 =	sand.u32 $0xFFFFFF80, s3;
	s11 =	sor.u32 $0x15E80, s29;
	s13 =	sadd.s32 $0x10, s3  }
0x174: {  	v18 =	vbroadcast v2, $0xC;
	(v2sf) =	vpush v4, $0xE;
	s3 =	sand.u32 $0x7F, s3;
	s0 =	sadd.s32 s31, s11;
	s31 =	sand.u32 $0xFFFFFF80, s13  }
0x175: {  	(v2sf) =	vpush v3, $0xE;
	s0 =	sor.u32 s3, s0;
	s13 =	sand.u32 $0x7F, s13;
	s31 =	sadd.s32 s31, s11  }
0x176: {  	[tilespmem:s0+$0x0] =	vst v1;
	s3 =	sor.u32 s13, s31;
	v6 =	vmul.f32 v6, v18  }
0x177: {  	s11 =	sor.u32 s1, s11;
	[tilespmem:s3+$0x0] =	vst v1;
	v7 =	vmul.f32 v7, v18  }
0x178: {  	[tilespmem:s11+$0x0] =	vst v6  }
0x179: {  	s13 =	spop (v2sf);
	[tilespmem:s11+$0x10] =	vst v7  }
0x17a: {  	s1 =	spop (v2sf);
	v6 =	vld [tilespmem:s13+$0x8000]  }
0x17b: {  	s3 =	spop (v2sf);
	v7 =	vld [tilespmem:s13+$0x8010]  }
0x17c: {  	(v2sf) =	vpush v5, $0xF;
	s31 =	sand.u32 $0xFFFFFF80, s3;
	s11 =	sor.u32 $0x15F00, s29;
	s13 =	sadd.s32 $0x10, s3  }
0x17d: {  	v19 =	vbroadcast v2, $0xD;
	(v2sf) =	vpush v4, $0xF;
	s3 =	sand.u32 $0x7F, s3;
	s0 =	sadd.s32 s31, s11;
	s31 =	sand.u32 $0xFFFFFF80, s13  }
0x17e: {  	(v2sf) =	vpush v3, $0xF;
	s0 =	sor.u32 s3, s0;
	s13 =	sand.u32 $0x7F, s13;
	s31 =	sadd.s32 s31, s11  }
0x17f: {  	[tilespmem:s0+$0x0] =	vst v1;
	s3 =	sor.u32 s13, s31;
	v3 =	vmul.f32 v6, v19  }
0x180: {  	s11 =	sor.u32 s1, s11;
	[tilespmem:s3+$0x0] =	vst v1;
	v20 =	vmul.f32 v7, v19  }
0x181: {  	[tilespmem:s11+$0x0] =	vst v3  }
0x182: {  	s13 =	spop (v2sf);
	[tilespmem:s11+$0x10] =	vst v20  }
0x183: {  	s1 =	spop (v2sf);
	v3 =	vld [tilespmem:s13+$0x8000]  }
0x184: {  	s3 =	spop (v2sf);
	v4 =	vld [tilespmem:s13+$0x8010]  }
0x185: {  	s31 =	sand.u32 $0xFFFFFF80, s3;
	s11 =	sor.u32 $0x15F80, s29;
	s13 =	sadd.s32 $0x10, s3  }
0x186: {  	v21 =	vbroadcast v2, $0xE;
	s3 =	sand.u32 $0x7F, s3;
	s0 =	sadd.s32 s31, s11;
	s31 =	sand.u32 $0xFFFFFF80, s13  }
0x187: {  	s0 =	sor.u32 s3, s0;
	s13 =	sand.u32 $0x7F, s13;
	s31 =	sadd.s32 s31, s11  }
0x188: {  	[tilespmem:s0+$0x0] =	vst v1;
	s3 =	sor.u32 s13, s31;
	v3 =	vmul.f32 v3, v21  }
0x189: {  	s11 =	sor.u32 s1, s11;
	[tilespmem:s3+$0x0] =	vst v1;
	v4 =	vmul.f32 v4, v21  }
0x18a: {  	[tilespmem:s11+$0x0] =	vst v3  }
0x18b: {  	s13 =	spop (v2sf);
	[tilespmem:s11+$0x10] =	vst v4  }
0x18c: {  	s1 =	spop (v2sf);
	v3 =	vld [tilespmem:s13+$0x8000]  }
0x18d: {  	s3 =	spop (v2sf);
	v4 =	vld [tilespmem:s13+$0x8010]  }
0x18e: {  	s31 =	sand.u32 $0xFFFFFF80, s3;
	s11 =	sadd.s32 $0x16000, s29;
	s13 =	sadd.s32 $0x10, s3  }
0x18f: {  	v2 =	vbroadcast v2, $0xF;
	s3 =	sand.u32 $0x7F, s3;
	s0 =	sadd.s32 s31, s11;
	s31 =	sand.u32 $0xFFFFFF80, s13  }
0x190: {  	s0 =	sor.u32 s3, s0;
	s13 =	sand.u32 $0x7F, s13;
	s31 =	sadd.s32 s31, s11  }
0x191: {  	[tilespmem:s0+$0x0] =	vst v1;
	s3 =	sor.u32 s13, s31;
	v3 =	vmul.f32 v3, v2  }
0x192: {  	s11 =	sor.u32 s1, s11;
	[tilespmem:s3+$0x0] =	vst v1;
	v2 =	vmul.f32 v4, v2  }
0x193: {  	[tilespmem:s11+$0x0] =	vst v3  }
0x194: {  	[tilespmem:s11+$0x10] =	vst v2  }
0x195: {  	v2 =	vld [tilespmem:s30+$0xD0A0];
	_ =	sdelay $0x4  }
0x196: {  	v22 =	vshrl.u32 v2, $0xE  }
0x197: {  	v3 =	vmul.u32 $0xCC7C, v22;
	_ =	sdelay $0x1  }
0x198: {  	v3 =	vshrl.u32 v3, $0x19  }
0x199: {  	v23 =	vmul.u32 $0x7FFFD7F, v3  }
0x19a: {  	v3 =	vld [tilespmem:s26+$0x191A0]  }
0x19b: {  	v4 =	vadd.s32 v22, v23  }
0x19c: {  	v24 =	vshll.u32 v2, $0x5;
	v5 =	vshll.u32 v4, $0x5  }
0x19d: {  	v4 =	vand.u32 $0x60, v24;
	(v2sf) =	vpush v5, $0x0  }
0x19e: {  	(v2sf) =	vpush v4, $0x0  }
0x19f: {  	(v2sf) =	vpush v3, $0x0;
	_ =	sdelay $0x6  }
0x1a0: {  	(v2sf) =	vpush v5, $0x1  }
0x1a1: {  	(v2sf) =	vpush v4, $0x1  }
0x1a2: {  	(v2sf) =	vpush v3, $0x1  }
0x1a3: {  	v25 =	vshrl.u32 v2, $0x2  }
0x1a4: {  	v6 =	vand.u32 $0xFFF, v25  }
0x1a5: {  	v2 =	vld [tilespmem:s30+$0x110A0];
	[tilespmem:s26+$0x190A0] =	vst v6  }
0x1a6: {  	[tilespmem:s26+$0x191A0] =	vst v4;
	s13 =	spop (v2sf)  }
0x1a7: {  	s1 =	spop (v2sf);
	v6 =	vld [tilespmem:s13+$0x8000]  }
0x1a8: {  	v26 =	vld [tilespmem:s13+$0x8010];
	s3 =	spop (v2sf)  }
0x1a9: {  	s11 =	sadd.s32 $0x16080, s29;
	(v2sf) =	vpush v5, $0x2;
	s31 =	sand.u32 $0xFFFFFF80, s3;
	s13 =	sadd.s32 $0x10, s3  }
0x1aa: {  	v27 =	vbroadcast v2, $0x0;
	(v2sf) =	vpush v4, $0x2;
	s3 =	sand.u32 $0x7F, s3;
	s0 =	sadd.s32 s31, s11;
	s31 =	sand.u32 $0xFFFFFF80, s13  }
0x1ab: {  	(v2sf) =	vpush v3, $0x2;
	s13 =	sand.u32 $0x7F, s13;
	s0 =	sor.u32 s3, s0;
	s31 =	sadd.s32 s31, s11  }
0x1ac: {  	[tilespmem:s0+$0x0] =	vst v1;
	s3 =	sor.u32 s13, s31;
	v6 =	vmul.f32 v6, v27  }
0x1ad: {  	s11 =	sor.u32 s1, s11;
	v7 =	vmul.f32 v26, v27;
	[tilespmem:s3+$0x0] =	vst v1  }
0x1ae: {  	[tilespmem:s11+$0x0] =	vst v6  }
0x1af: {  	s13 =	spop (v2sf);
	[tilespmem:s11+$0x10] =	vst v7  }
0x1b0: {  	s1 =	spop (v2sf);
	v6 =	vld [tilespmem:s13+$0x8000]  }
0x1b1: {  	s3 =	spop (v2sf);
	v7 =	vld [tilespmem:s13+$0x8010]  }
0x1b2: {  	(v2sf) =	vpush v5, $0x3;
	s11 =	sadd.s32 $0x16100, s29;
	s31 =	sand.u32 $0xFFFFFF80, s3;
	s13 =	sadd.s32 $0x10, s3  }
0x1b3: {  	v28 =	vbroadcast v2, $0x1;
	(v2sf) =	vpush v4, $0x3;
	s3 =	sand.u32 $0x7F, s3;
	s0 =	sadd.s32 s31, s11;
	s31 =	sand.u32 $0xFFFFFF80, s13  }
0x1b4: {  	(v2sf) =	vpush v3, $0x3;
	s13 =	sand.u32 $0x7F, s13;
	s0 =	sor.u32 s3, s0;
	s31 =	sadd.s32 s31, s11  }
0x1b5: {  	[tilespmem:s0+$0x0] =	vst v1;
	s3 =	sor.u32 s13, s31;
	v6 =	vmul.f32 v6, v28  }
0x1b6: {  	s11 =	sor.u32 s1, s11;
	[tilespmem:s3+$0x0] =	vst v1;
	v7 =	vmul.f32 v7, v28  }
0x1b7: {  	[tilespmem:s11+$0x0] =	vst v6  }
0x1b8: {  	s13 =	spop (v2sf);
	[tilespmem:s11+$0x10] =	vst v7  }
0x1b9: {  	s1 =	spop (v2sf);
	v6 =	vld [tilespmem:s13+$0x8000]  }
0x1ba: {  	s3 =	spop (v2sf);
	v7 =	vld [tilespmem:s13+$0x8010]  }
0x1bb: {  	(v2sf) =	vpush v5, $0x4;
	s11 =	sadd.s32 $0x16180, s29;
	s31 =	sand.u32 $0xFFFFFF80, s3;
	s13 =	sadd.s32 $0x10, s3  }
0x1bc: {  	v29 =	vbroadcast v2, $0x2;
	(v2sf) =	vpush v4, $0x4;
	s3 =	sand.u32 $0x7F, s3;
	s0 =	sadd.s32 s31, s11;
	s31 =	sand.u32 $0xFFFFFF80, s13  }
0x1bd: {  	(v2sf) =	vpush v3, $0x4;
	s13 =	sand.u32 $0x7F, s13;
	s0 =	sor.u32 s3, s0;
	s31 =	sadd.s32 s31, s11  }
0x1be: {  	[tilespmem:s0+$0x0] =	vst v1;
	s3 =	sor.u32 s13, s31;
	v6 =	vmul.f32 v6, v29  }
0x1bf: {  	s11 =	sor.u32 s1, s11;
	[tilespmem:s3+$0x0] =	vst v1;
	v7 =	vmul.f32 v7, v29  }
0x1c0: {  	[tilespmem:s11+$0x0] =	vst v6  }
0x1c1: {  	s13 =	spop (v2sf);
	[tilespmem:s11+$0x10] =	vst v7  }
0x1c2: {  	s1 =	spop (v2sf);
	v6 =	vld [tilespmem:s13+$0x8000]  }
0x1c3: {  	s3 =	spop (v2sf);
	v7 =	vld [tilespmem:s13+$0x8010]  }
0x1c4: {  	(v2sf) =	vpush v5, $0x5;
	s31 =	sand.u32 $0xFFFFFF80, s3;
	s11 =	sadd.s32 $0x16200, s29;
	s13 =	sadd.s32 $0x10, s3  }
0x1c5: {  	v30 =	vbroadcast v2, $0x3;
	(v2sf) =	vpush v4, $0x5;
	s3 =	sand.u32 $0x7F, s3;
	s0 =	sadd.s32 s31, s11;
	s31 =	sand.u32 $0xFFFFFF80, s13  }
0x1c6: {  	(v2sf) =	vpush v3, $0x5;
	s0 =	sor.u32 s3, s0;
	s13 =	sand.u32 $0x7F, s13;
	s31 =	sadd.s32 s31, s11  }
0x1c7: {  	[tilespmem:s0+$0x0] =	vst v1;
	s3 =	sor.u32 s13, s31;
	v6 =	vmul.f32 v6, v30  }
0x1c8: {  	s11 =	sor.u32 s1, s11;
	[tilespmem:s3+$0x0] =	vst v1;
	v7 =	vmul.f32 v7, v30  }
0x1c9: {  	[tilespmem:s11+$0x0] =	vst v6  }
0x1ca: {  	s13 =	spop (v2sf);
	[tilespmem:s11+$0x10] =	vst v7  }
0x1cb: {  	s1 =	spop (v2sf);
	v6 =	vld [tilespmem:s13+$0x8000]  }
0x1cc: {  	s3 =	spop (v2sf);
	v7 =	vld [tilespmem:s13+$0x8010]  }
0x1cd: {  	(v2sf) =	vpush v5, $0x6;
	s11 =	sadd.s32 $0x16280, s29;
	s31 =	sand.u32 $0xFFFFFF80, s3;
	s13 =	sadd.s32 $0x10, s3  }
0x1ce: {  	v31 =	vbroadcast v2, $0x4;
	(v2sf) =	vpush v4, $0x6;
	s3 =	sand.u32 $0x7F, s3;
	s0 =	sadd.s32 s31, s11;
	s31 =	sand.u32 $0xFFFFFF80, s13  }
0x1cf: {  	(v2sf) =	vpush v3, $0x6;
	s13 =	sand.u32 $0x7F, s13;
	s0 =	sor.u32 s3, s0;
	s31 =	sadd.s32 s31, s11  }
0x1d0: {  	[tilespmem:s0+$0x0] =	vst v1;
	s3 =	sor.u32 s13, s31;
	v6 =	vmul.f32 v6, v31  }
0x1d1: {  	s11 =	sor.u32 s1, s11;
	[tilespmem:s3+$0x0] =	vst v1;
	v7 =	vmul.f32 v7, v31  }
0x1d2: {  	[tilespmem:s11+$0x0] =	vst v6  }
0x1d3: {  	s13 =	spop (v2sf);
	[tilespmem:s11+$0x10] =	vst v7  }
0x1d4: {  	s1 =	spop (v2sf);
	v6 =	vld [tilespmem:s13+$0x8000]  }
0x1d5: {  	s3 =	spop (v2sf);
	v7 =	vld [tilespmem:s13+$0x8010]  }
0x1d6: {  	(v2sf) =	vpush v5, $0x7;
	s31 =	sand.u32 $0xFFFFFF80, s3;
	s11 =	sadd.s32 $0x16300, s29;
	s13 =	sadd.s32 $0x10, s3  }
0x1d7: {  	v32 =	vbroadcast v2, $0x5;
	(v2sf) =	vpush v4, $0x7;
	s3 =	sand.u32 $0x7F, s3;
	s0 =	sadd.s32 s31, s11;
	s31 =	sand.u32 $0xFFFFFF80, s13  }
0x1d8: {  	(v2sf) =	vpush v3, $0x7;
	s0 =	sor.u32 s3, s0;
	s13 =	sand.u32 $0x7F, s13;
	s31 =	sadd.s32 s31, s11  }
0x1d9: {  	[tilespmem:s0+$0x0] =	vst v1;
	s3 =	sor.u32 s13, s31;
	v6 =	vmul.f32 v6, v32  }
0x1da: {  	s11 =	sor.u32 s1, s11;
	[tilespmem:s3+$0x0] =	vst v1;
	v7 =	vmul.f32 v7, v32  }
0x1db: {  	[tilespmem:s11+$0x0] =	vst v6  }
0x1dc: {  	s13 =	spop (v2sf);
	[tilespmem:s11+$0x10] =	vst v7  }
0x1dd: {  	s1 =	spop (v2sf);
	v6 =	vld [tilespmem:s13+$0x8000]  }
0x1de: {  	s3 =	spop (v2sf);
	v7 =	vld [tilespmem:s13+$0x8010]  }
0x1df: {  	(v2sf) =	vpush v5, $0x8;
	s31 =	sand.u32 $0xFFFFFF80, s3;
	s11 =	sadd.s32 $0x16380, s29;
	s13 =	sadd.s32 $0x10, s3  }
0x1e0: {  	v33 =	vbroadcast v2, $0x6;
	(v2sf) =	vpush v4, $0x8;
	s3 =	sand.u32 $0x7F, s3;
	s0 =	sadd.s32 s31, s11;
	s31 =	sand.u32 $0xFFFFFF80, s13  }
0x1e1: {  	(v2sf) =	vpush v3, $0x8;
	s0 =	sor.u32 s3, s0;
	s13 =	sand.u32 $0x7F, s13;
	s31 =	sadd.s32 s31, s11  }
0x1e2: {  	[tilespmem:s0+$0x0] =	vst v1;
	s3 =	sor.u32 s13, s31;
	v6 =	vmul.f32 v6, v33  }
0x1e3: {  	s11 =	sor.u32 s1, s11;
	[tilespmem:s3+$0x0] =	vst v1;
	v7 =	vmul.f32 v7, v33  }
0x1e4: {  	[tilespmem:s11+$0x0] =	vst v6  }
0x1e5: {  	s13 =	spop (v2sf);
	[tilespmem:s11+$0x10] =	vst v7  }
0x1e6: {  	s1 =	spop (v2sf);
	v6 =	vld [tilespmem:s13+$0x8000]  }
0x1e7: {  	s3 =	spop (v2sf);
	v7 =	vld [tilespmem:s13+$0x8010]  }
0x1e8: {  	(v2sf) =	vpush v5, $0x9;
	s31 =	sand.u32 $0xFFFFFF80, s3;
	s11 =	sadd.s32 $0x16400, s29;
	s13 =	sadd.s32 $0x10, s3  }
0x1e9: {  	v34 =	vbroadcast v2, $0x7;
	(v2sf) =	vpush v4, $0x9;
	s3 =	sand.u32 $0x7F, s3;
	s0 =	sadd.s32 s31, s11;
	s31 =	sand.u32 $0xFFFFFF80, s13  }
0x1ea: {  	(v2sf) =	vpush v3, $0x9;
	s0 =	sor.u32 s3, s0;
	s13 =	sand.u32 $0x7F, s13;
	s31 =	sadd.s32 s31, s11  }
0x1eb: {  	[tilespmem:s0+$0x0] =	vst v1;
	s3 =	sor.u32 s13, s31;
	v6 =	vmul.f32 v6, v34  }
0x1ec: {  	s11 =	sor.u32 s1, s11;
	[tilespmem:s3+$0x0] =	vst v1;
	v7 =	vmul.f32 v7, v34  }
0x1ed: {  	[tilespmem:s11+$0x0] =	vst v6  }
0x1ee: {  	s13 =	spop (v2sf);
	[tilespmem:s11+$0x10] =	vst v7  }
0x1ef: {  	s1 =	spop (v2sf);
	v6 =	vld [tilespmem:s13+$0x8000]  }
0x1f0: {  	s3 =	spop (v2sf);
	v7 =	vld [tilespmem:s13+$0x8010]  }
0x1f1: {  	(v2sf) =	vpush v5, $0xA;
	s31 =	sand.u32 $0xFFFFFF80, s3;
	s11 =	sadd.s32 $0x16480, s29;
	s13 =	sadd.s32 $0x10, s3  }
0x1f2: {  	v35 =	vbroadcast v2, $0x8;
	(v2sf) =	vpush v4, $0xA;
	s3 =	sand.u32 $0x7F, s3;
	s0 =	sadd.s32 s31, s11;
	s31 =	sand.u32 $0xFFFFFF80, s13  }
0x1f3: {  	(v2sf) =	vpush v3, $0xA;
	s0 =	sor.u32 s3, s0;
	s13 =	sand.u32 $0x7F, s13;
	s31 =	sadd.s32 s31, s11  }
0x1f4: {  	[tilespmem:s0+$0x0] =	vst v1;
	s3 =	sor.u32 s13, s31;
	v6 =	vmul.f32 v6, v35  }
0x1f5: {  	s11 =	sor.u32 s1, s11;
	[tilespmem:s3+$0x0] =	vst v1;
	v7 =	vmul.f32 v7, v35  }
0x1f6: {  	[tilespmem:s11+$0x0] =	vst v6  }
0x1f7: {  	s13 =	spop (v2sf);
	[tilespmem:s11+$0x10] =	vst v7  }
0x1f8: {  	s1 =	spop (v2sf);
	v6 =	vld [tilespmem:s13+$0x8000]  }
0x1f9: {  	s3 =	spop (v2sf);
	v7 =	vld [tilespmem:s13+$0x8010]  }
0x1fa: {  	(v2sf) =	vpush v5, $0xB;
	s31 =	sand.u32 $0xFFFFFF80, s3;
	s11 =	sadd.s32 $0x16500, s29;
	s13 =	sadd.s32 $0x10, s3  }
0x1fb: {  	v36 =	vbroadcast v2, $0x9;
	(v2sf) =	vpush v4, $0xB;
	s3 =	sand.u32 $0x7F, s3;
	s0 =	sadd.s32 s31, s11;
	s31 =	sand.u32 $0xFFFFFF80, s13  }
0x1fc: {  	(v2sf) =	vpush v3, $0xB;
	s0 =	sor.u32 s3, s0;
	s13 =	sand.u32 $0x7F, s13;
	s31 =	sadd.s32 s31, s11  }
0x1fd: {  	[tilespmem:s0+$0x0] =	vst v1;
	s3 =	sor.u32 s13, s31;
	v6 =	vmul.f32 v6, v36  }
0x1fe: {  	s11 =	sor.u32 s1, s11;
	[tilespmem:s3+$0x0] =	vst v1;
	v7 =	vmul.f32 v7, v36  }
0x1ff: {  	[tilespmem:s11+$0x0] =	vst v6  }
0x200: {  	s13 =	spop (v2sf);
	[tilespmem:s11+$0x10] =	vst v7  }
0x201: {  	s1 =	spop (v2sf);
	v6 =	vld [tilespmem:s13+$0x8000]  }
0x202: {  	s3 =	spop (v2sf);
	v7 =	vld [tilespmem:s13+$0x8010]  }
0x203: {  	(v2sf) =	vpush v5, $0xC;
	s31 =	sand.u32 $0xFFFFFF80, s3;
	s11 =	sadd.s32 $0x16580, s29;
	s13 =	sadd.s32 $0x10, s3  }
0x204: {  	v37 =	vbroadcast v2, $0xA;
	(v2sf) =	vpush v4, $0xC;
	s3 =	sand.u32 $0x7F, s3;
	s0 =	sadd.s32 s31, s11;
	s31 =	sand.u32 $0xFFFFFF80, s13  }
0x205: {  	(v2sf) =	vpush v3, $0xC;
	s0 =	sor.u32 s3, s0;
	s13 =	sand.u32 $0x7F, s13;
	s31 =	sadd.s32 s31, s11  }
0x206: {  	[tilespmem:s0+$0x0] =	vst v1;
	s3 =	sor.u32 s13, s31;
	v6 =	vmul.f32 v6, v37  }
0x207: {  	s11 =	sor.u32 s1, s11;
	[tilespmem:s3+$0x0] =	vst v1;
	v7 =	vmul.f32 v7, v37  }
0x208: {  	[tilespmem:s11+$0x0] =	vst v6  }
0x209: {  	s13 =	spop (v2sf);
	[tilespmem:s11+$0x10] =	vst v7  }
0x20a: {  	s1 =	spop (v2sf);
	v6 =	vld [tilespmem:s13+$0x8000]  }
0x20b: {  	s3 =	spop (v2sf);
	v7 =	vld [tilespmem:s13+$0x8010]  }
0x20c: {  	(v2sf) =	vpush v5, $0xD;
	s31 =	sand.u32 $0xFFFFFF80, s3;
	s11 =	sadd.s32 $0x16600, s29;
	s13 =	sadd.s32 $0x10, s3  }
0x20d: {  	v38 =	vbroadcast v2, $0xB;
	(v2sf) =	vpush v4, $0xD;
	s3 =	sand.u32 $0x7F, s3;
	s0 =	sadd.s32 s31, s11;
	s31 =	sand.u32 $0xFFFFFF80, s13  }
0x20e: {  	(v2sf) =	vpush v3, $0xD;
	s0 =	sor.u32 s3, s0;
	s13 =	sand.u32 $0x7F, s13;
	s31 =	sadd.s32 s31, s11  }
0x20f: {  	[tilespmem:s0+$0x0] =	vst v1;
	s3 =	sor.u32 s13, s31;
	v6 =	vmul.f32 v6, v38  }
0x210: {  	s11 =	sor.u32 s1, s11;
	[tilespmem:s3+$0x0] =	vst v1;
	v7 =	vmul.f32 v7, v38  }
0x211: {  	[tilespmem:s11+$0x0] =	vst v6  }
0x212: {  	s13 =	spop (v2sf);
	[tilespmem:s11+$0x10] =	vst v7  }
0x213: {  	s1 =	spop (v2sf);
	v6 =	vld [tilespmem:s13+$0x8000]  }
0x214: {  	s3 =	spop (v2sf);
	v7 =	vld [tilespmem:s13+$0x8010]  }
0x215: {  	(v2sf) =	vpush v5, $0xE;
	s31 =	sand.u32 $0xFFFFFF80, s3;
	s11 =	sadd.s32 $0x16680, s29;
	s13 =	sadd.s32 $0x10, s3  }
0x216: {  	v39 =	vbroadcast v2, $0xC;
	(v2sf) =	vpush v4, $0xE;
	s3 =	sand.u32 $0x7F, s3;
	s0 =	sadd.s32 s31, s11;
	s31 =	sand.u32 $0xFFFFFF80, s13  }
0x217: {  	(v2sf) =	vpush v3, $0xE;
	s0 =	sor.u32 s3, s0;
	s13 =	sand.u32 $0x7F, s13;
	s31 =	sadd.s32 s31, s11  }
0x218: {  	[tilespmem:s0+$0x0] =	vst v1;
	s3 =	sor.u32 s13, s31;
	v6 =	vmul.f32 v6, v39  }
0x219: {  	s11 =	sor.u32 s1, s11;
	[tilespmem:s3+$0x0] =	vst v1;
	v7 =	vmul.f32 v7, v39  }
0x21a: {  	[tilespmem:s11+$0x0] =	vst v6  }
0x21b: {  	s13 =	spop (v2sf);
	[tilespmem:s11+$0x10] =	vst v7  }
0x21c: {  	s1 =	spop (v2sf);
	v6 =	vld [tilespmem:s13+$0x8000]  }
0x21d: {  	s3 =	spop (v2sf);
	v7 =	vld [tilespmem:s13+$0x8010]  }
0x21e: {  	(v2sf) =	vpush v5, $0xF;
	s31 =	sand.u32 $0xFFFFFF80, s3;
	s11 =	sadd.s32 $0x16700, s29;
	s13 =	sadd.s32 $0x10, s3  }
0x21f: {  	v40 =	vbroadcast v2, $0xD;
	(v2sf) =	vpush v4, $0xF;
	s3 =	sand.u32 $0x7F, s3;
	s0 =	sadd.s32 s31, s11;
	s31 =	sand.u32 $0xFFFFFF80, s13  }
0x220: {  	(v2sf) =	vpush v3, $0xF;
	s0 =	sor.u32 s3, s0;
	s13 =	sand.u32 $0x7F, s13;
	s31 =	sadd.s32 s31, s11  }
0x221: {  	[tilespmem:s0+$0x0] =	vst v1;
	s3 =	sor.u32 s13, s31;
	v3 =	vmul.f32 v6, v40  }
0x222: {  	s11 =	sor.u32 s1, s11;
	[tilespmem:s3+$0x0] =	vst v1;
	v41 =	vmul.f32 v7, v40  }
0x223: {  	[tilespmem:s11+$0x0] =	vst v3  }
0x224: {  	s13 =	spop (v2sf);
	[tilespmem:s11+$0x10] =	vst v41  }
0x225: {  	s1 =	spop (v2sf);
	v3 =	vld [tilespmem:s13+$0x8000]  }
0x226: {  	s3 =	spop (v2sf);
	v4 =	vld [tilespmem:s13+$0x8010]  }
0x227: {  	s31 =	sand.u32 $0xFFFFFF80, s3;
	s11 =	sadd.s32 $0x16780, s29;
	s13 =	sadd.s32 $0x10, s3  }
0x228: {  	v42 =	vbroadcast v2, $0xE;
	s3 =	sand.u32 $0x7F, s3;
	s0 =	sadd.s32 s31, s11;
	s31 =	sand.u32 $0xFFFFFF80, s13  }
0x229: {  	s0 =	sor.u32 s3, s0;
	s13 =	sand.u32 $0x7F, s13;
	s31 =	sadd.s32 s31, s11  }
0x22a: {  	[tilespmem:s0+$0x0] =	vst v1;
	s3 =	sor.u32 s13, s31;
	v3 =	vmul.f32 v3, v42  }
0x22b: {  	s11 =	sor.u32 s1, s11;
	[tilespmem:s3+$0x0] =	vst v1;
	v4 =	vmul.f32 v4, v42  }
0x22c: {  	[tilespmem:s11+$0x0] =	vst v3  }
0x22d: {  	s13 =	spop (v2sf);
	[tilespmem:s11+$0x10] =	vst v4  }
0x22e: {  	s1 =	spop (v2sf);
	v3 =	vld [tilespmem:s13+$0x8000]  }
0x22f: {  	s3 =	spop (v2sf);
	v4 =	vld [tilespmem:s13+$0x8010]  }
0x230: {  	s31 =	sand.u32 $0xFFFFFF80, s3;
	s11 =	sadd.s32 $0x16800, s29;
	s13 =	sadd.s32 $0x10, s3  }
0x231: {  	v2 =	vbroadcast v2, $0xF;
	s3 =	sand.u32 $0x7F, s3;
	s0 =	sadd.s32 s31, s11;
	s31 =	sand.u32 $0xFFFFFF80, s13  }
0x232: {  	s0 =	sor.u32 s3, s0;
	s13 =	sand.u32 $0x7F, s13;
	s31 =	sadd.s32 s31, s11  }
0x233: {  	[tilespmem:s0+$0x0] =	vst v1;
	s3 =	sor.u32 s13, s31;
	v3 =	vmul.f32 v3, v2  }
0x234: {  	s13 =	sor.u32 s1, s11;
	[tilespmem:s3+$0x0] =	vst v1;
	v2 =	vmul.f32 v4, v2  }
0x235: {  	[tilespmem:s13+$0x0] =	vst v3  }
0x236: {  	[tilespmem:s13+$0x10] =	vst v2  }
0x237: {  	v2 =	vld [tilespmem:s30+$0xD0B0];
	_ =	sdelay $0x4  }
0x238: {  	v43 =	vshrl.u32 v2, $0xE  }
0x239: {  	v3 =	vmul.u32 $0xCC7C, v43;
	_ =	sdelay $0x1  }
0x23a: {  	v3 =	vshrl.u32 v3, $0x19  }
0x23b: {  	v44 =	vmul.u32 $0x7FFFD7F, v3  }
0x23c: {  	v3 =	vld [tilespmem:s26+$0x191B0]  }
0x23d: {  	v4 =	vadd.s32 v43, v44  }
0x23e: {  	v45 =	vshll.u32 v2, $0x5;
	v5 =	vshll.u32 v4, $0x5  }
0x23f: {  	v4 =	vand.u32 $0x60, v45;
	(v2sf) =	vpush v5, $0x0  }
0x240: {  	(v2sf) =	vpush v4, $0x0  }
0x241: {  	(v2sf) =	vpush v3, $0x0;
	_ =	sdelay $0x6  }
0x242: {  	(v2sf) =	vpush v5, $0x1  }
0x243: {  	(v2sf) =	vpush v4, $0x1  }
0x244: {  	(v2sf) =	vpush v3, $0x1  }
0x245: {  	v46 =	vshrl.u32 v2, $0x2  }
0x246: {  	v6 =	vand.u32 $0xFFF, v46  }
0x247: {  	v2 =	vld [tilespmem:s30+$0x110B0];
	[tilespmem:s26+$0x190B0] =	vst v6  }
0x248: {  	[tilespmem:s26+$0x191B0] =	vst v4;
	s30 =	spop (v2sf)  }
0x249: {  	s1 =	spop (v2sf);
	v6 =	vld [tilespmem:s30+$0x8000]  }
0x24a: {  	v47 =	vld [tilespmem:s30+$0x8010];
	s31 =	spop (v2sf)  }
0x24b: {  	s11 =	sadd.s32 $0x16880, s29;
	(v2sf) =	vpush v5, $0x2;
	s30 =	sand.u32 $0xFFFFFF80, s31;
	s13 =	sadd.s32 $0x10, s31  }
0x24c: {  	v48 =	vbroadcast v2, $0x0;
	(v2sf) =	vpush v4, $0x2;
	s3 =	sand.u32 $0x7F, s31;
	s0 =	sadd.s32 s30, s11;
	s31 =	sand.u32 $0xFFFFFF80, s13  }
0x24d: {  	(v2sf) =	vpush v3, $0x2;
	s13 =	sand.u32 $0x7F, s13;
	s0 =	sor.u32 s3, s0;
	s31 =	sadd.s32 s31, s11  }
0x24e: {  	[tilespmem:s0+$0x0] =	vst v1;
	s3 =	sor.u32 s13, s31;
	v6 =	vmul.f32 v6, v48  }
0x24f: {  	s13 =	sor.u32 s1, s11;
	v7 =	vmul.f32 v47, v48;
	[tilespmem:s3+$0x0] =	vst v1  }
0x250: {  	[tilespmem:s13+$0x0] =	vst v6  }
0x251: {  	s30 =	spop (v2sf);
	[tilespmem:s13+$0x10] =	vst v7  }
0x252: {  	s1 =	spop (v2sf);
	v6 =	vld [tilespmem:s30+$0x8000]  }
0x253: {  	s31 =	spop (v2sf);
	v7 =	vld [tilespmem:s30+$0x8010]  }
0x254: {  	(v2sf) =	vpush v5, $0x3;
	s11 =	sadd.s32 $0x16900, s29;
	s13 =	sadd.s32 $0x10, s31;
	s30 =	sand.u32 $0xFFFFFF80, s31  }
0x255: {  	v49 =	vbroadcast v2, $0x1;
	(v2sf) =	vpush v4, $0x3;
	s3 =	sand.u32 $0x7F, s31;
	s31 =	sand.u32 $0xFFFFFF80, s13;
	s0 =	sadd.s32 s30, s11  }
0x256: {  	(v2sf) =	vpush v3, $0x3;
	s13 =	sand.u32 $0x7F, s13;
	s31 =	sadd.s32 s31, s11;
	s0 =	sor.u32 s3, s0  }
0x257: {  	s3 =	sor.u32 s13, s31;
	[tilespmem:s0+$0x0] =	vst v1;
	v6 =	vmul.f32 v6, v49  }
0x258: {  	s13 =	sor.u32 s1, s11;
	[tilespmem:s3+$0x0] =	vst v1;
	v7 =	vmul.f32 v7, v49  }
0x259: {  	[tilespmem:s13+$0x0] =	vst v6  }
0x25a: {  	s30 =	spop (v2sf);
	[tilespmem:s13+$0x10] =	vst v7  }
0x25b: {  	s1 =	spop (v2sf);
	v6 =	vld [tilespmem:s30+$0x8000]  }
0x25c: {  	s31 =	spop (v2sf);
	v7 =	vld [tilespmem:s30+$0x8010]  }
0x25d: {  	s11 =	sadd.s32 $0x16980, s29;
	(v2sf) =	vpush v5, $0x4;
	s30 =	sand.u32 $0xFFFFFF80, s31;
	s13 =	sadd.s32 $0x10, s31  }
0x25e: {  	v50 =	vbroadcast v2, $0x2;
	(v2sf) =	vpush v4, $0x4;
	s3 =	sand.u32 $0x7F, s31;
	s0 =	sadd.s32 s30, s11;
	s31 =	sand.u32 $0xFFFFFF80, s13  }
0x25f: {  	(v2sf) =	vpush v3, $0x4;
	s13 =	sand.u32 $0x7F, s13;
	s0 =	sor.u32 s3, s0;
	s31 =	sadd.s32 s31, s11  }
0x260: {  	[tilespmem:s0+$0x0] =	vst v1;
	s3 =	sor.u32 s13, s31;
	v6 =	vmul.f32 v6, v50  }
0x261: {  	s13 =	sor.u32 s1, s11;
	[tilespmem:s3+$0x0] =	vst v1;
	v7 =	vmul.f32 v7, v50  }
0x262: {  	[tilespmem:s13+$0x0] =	vst v6  }
0x263: {  	s30 =	spop (v2sf);
	[tilespmem:s13+$0x10] =	vst v7  }
0x264: {  	s1 =	spop (v2sf);
	v6 =	vld [tilespmem:s30+$0x8000]  }
0x265: {  	s31 =	spop (v2sf);
	v7 =	vld [tilespmem:s30+$0x8010]  }
0x266: {  	(v2sf) =	vpush v5, $0x5;
	s11 =	sadd.s32 $0x16A00, s29;
	s13 =	sadd.s32 $0x10, s31;
	s30 =	sand.u32 $0xFFFFFF80, s31  }
0x267: {  	v51 =	vbroadcast v2, $0x3;
	(v2sf) =	vpush v4, $0x5;
	s3 =	sand.u32 $0x7F, s31;
	s31 =	sand.u32 $0xFFFFFF80, s13;
	s0 =	sadd.s32 s30, s11  }
0x268: {  	(v2sf) =	vpush v3, $0x5;
	s13 =	sand.u32 $0x7F, s13;
	s31 =	sadd.s32 s31, s11;
	s0 =	sor.u32 s3, s0  }
0x269: {  	s3 =	sor.u32 s13, s31;
	[tilespmem:s0+$0x0] =	vst v1;
	v6 =	vmul.f32 v6, v51  }
0x26a: {  	s13 =	sor.u32 s1, s11;
	[tilespmem:s3+$0x0] =	vst v1;
	v7 =	vmul.f32 v7, v51  }
0x26b: {  	[tilespmem:s13+$0x0] =	vst v6  }
0x26c: {  	s30 =	spop (v2sf);
	[tilespmem:s13+$0x10] =	vst v7  }
0x26d: {  	s1 =	spop (v2sf);
	v6 =	vld [tilespmem:s30+$0x8000]  }
0x26e: {  	s31 =	spop (v2sf);
	v7 =	vld [tilespmem:s30+$0x8010]  }
0x26f: {  	s11 =	sadd.s32 $0x16A80, s29;
	(v2sf) =	vpush v5, $0x6;
	s30 =	sand.u32 $0xFFFFFF80, s31;
	s13 =	sadd.s32 $0x10, s31  }
0x270: {  	v52 =	vbroadcast v2, $0x4;
	(v2sf) =	vpush v4, $0x6;
	s3 =	sand.u32 $0x7F, s31;
	s0 =	sadd.s32 s30, s11;
	s31 =	sand.u32 $0xFFFFFF80, s13  }
0x271: {  	(v2sf) =	vpush v3, $0x6;
	s13 =	sand.u32 $0x7F, s13;
	s0 =	sor.u32 s3, s0;
	s31 =	sadd.s32 s31, s11  }
0x272: {  	[tilespmem:s0+$0x0] =	vst v1;
	s3 =	sor.u32 s13, s31;
	v6 =	vmul.f32 v6, v52  }
0x273: {  	s13 =	sor.u32 s1, s11;
	[tilespmem:s3+$0x0] =	vst v1;
	v7 =	vmul.f32 v7, v52  }
0x274: {  	[tilespmem:s13+$0x0] =	vst v6  }
0x275: {  	s30 =	spop (v2sf);
	[tilespmem:s13+$0x10] =	vst v7  }
0x276: {  	s1 =	spop (v2sf);
	v6 =	vld [tilespmem:s30+$0x8000]  }
0x277: {  	s31 =	spop (v2sf);
	v7 =	vld [tilespmem:s30+$0x8010]  }
0x278: {  	(v2sf) =	vpush v5, $0x7;
	s11 =	sadd.s32 $0x16B00, s29;
	s13 =	sadd.s32 $0x10, s31;
	s30 =	sand.u32 $0xFFFFFF80, s31  }
0x279: {  	v53 =	vbroadcast v2, $0x5;
	(v2sf) =	vpush v4, $0x7;
	s3 =	sand.u32 $0x7F, s31;
	s31 =	sand.u32 $0xFFFFFF80, s13;
	s0 =	sadd.s32 s30, s11  }
0x27a: {  	(v2sf) =	vpush v3, $0x7;
	s13 =	sand.u32 $0x7F, s13;
	s31 =	sadd.s32 s31, s11;
	s0 =	sor.u32 s3, s0  }
0x27b: {  	s3 =	sor.u32 s13, s31;
	[tilespmem:s0+$0x0] =	vst v1;
	v6 =	vmul.f32 v6, v53  }
0x27c: {  	s13 =	sor.u32 s1, s11;
	[tilespmem:s3+$0x0] =	vst v1;
	v7 =	vmul.f32 v7, v53  }
0x27d: {  	[tilespmem:s13+$0x0] =	vst v6  }
0x27e: {  	s30 =	spop (v2sf);
	[tilespmem:s13+$0x10] =	vst v7  }
0x27f: {  	s1 =	spop (v2sf);
	v6 =	vld [tilespmem:s30+$0x8000]  }
0x280: {  	s31 =	spop (v2sf);
	v7 =	vld [tilespmem:s30+$0x8010]  }
0x281: {  	s11 =	sadd.s32 $0x16B80, s29;
	(v2sf) =	vpush v5, $0x8;
	s13 =	sadd.s32 $0x10, s31;
	s30 =	sand.u32 $0xFFFFFF80, s31  }
0x282: {  	v54 =	vbroadcast v2, $0x6;
	(v2sf) =	vpush v4, $0x8;
	s3 =	sand.u32 $0x7F, s31;
	s31 =	sand.u32 $0xFFFFFF80, s13;
	s0 =	sadd.s32 s30, s11  }
0x283: {  	(v2sf) =	vpush v3, $0x8;
	s13 =	sand.u32 $0x7F, s13;
	s31 =	sadd.s32 s31, s11;
	s0 =	sor.u32 s3, s0  }
0x284: {  	s3 =	sor.u32 s13, s31;
	[tilespmem:s0+$0x0] =	vst v1;
	v6 =	vmul.f32 v6, v54  }
0x285: {  	s13 =	sor.u32 s1, s11;
	[tilespmem:s3+$0x0] =	vst v1;
	v7 =	vmul.f32 v7, v54  }
0x286: {  	[tilespmem:s13+$0x0] =	vst v6  }
0x287: {  	s30 =	spop (v2sf);
	[tilespmem:s13+$0x10] =	vst v7  }
0x288: {  	s1 =	spop (v2sf);
	v6 =	vld [tilespmem:s30+$0x8000]  }
0x289: {  	s31 =	spop (v2sf);
	v7 =	vld [tilespmem:s30+$0x8010]  }
0x28a: {  	(v2sf) =	vpush v5, $0x9;
	s11 =	sadd.s32 $0x16C00, s29;
	s13 =	sadd.s32 $0x10, s31;
	s30 =	sand.u32 $0xFFFFFF80, s31  }
0x28b: {  	v55 =	vbroadcast v2, $0x7;
	(v2sf) =	vpush v4, $0x9;
	s3 =	sand.u32 $0x7F, s31;
	s31 =	sand.u32 $0xFFFFFF80, s13;
	s0 =	sadd.s32 s30, s11  }
0x28c: {  	(v2sf) =	vpush v3, $0x9;
	s13 =	sand.u32 $0x7F, s13;
	s31 =	sadd.s32 s31, s11;
	s0 =	sor.u32 s3, s0  }
0x28d: {  	s3 =	sor.u32 s13, s31;
	[tilespmem:s0+$0x0] =	vst v1;
	v6 =	vmul.f32 v6, v55  }
0x28e: {  	s13 =	sor.u32 s1, s11;
	[tilespmem:s3+$0x0] =	vst v1;
	v7 =	vmul.f32 v7, v55  }
0x28f: {  	[tilespmem:s13+$0x0] =	vst v6  }
0x290: {  	s30 =	spop (v2sf);
	[tilespmem:s13+$0x10] =	vst v7  }
0x291: {  	s1 =	spop (v2sf);
	v6 =	vld [tilespmem:s30+$0x8000]  }
0x292: {  	s31 =	spop (v2sf);
	v7 =	vld [tilespmem:s30+$0x8010]  }
0x293: {  	s11 =	sadd.s32 $0x16C80, s29;
	(v2sf) =	vpush v5, $0xA;
	s13 =	sadd.s32 $0x10, s31;
	s30 =	sand.u32 $0xFFFFFF80, s31  }
0x294: {  	v56 =	vbroadcast v2, $0x8;
	(v2sf) =	vpush v4, $0xA;
	s3 =	sand.u32 $0x7F, s31;
	s31 =	sand.u32 $0xFFFFFF80, s13;
	s0 =	sadd.s32 s30, s11  }
0x295: {  	(v2sf) =	vpush v3, $0xA;
	s13 =	sand.u32 $0x7F, s13;
	s31 =	sadd.s32 s31, s11;
	s0 =	sor.u32 s3, s0  }
0x296: {  	s3 =	sor.u32 s13, s31;
	[tilespmem:s0+$0x0] =	vst v1;
	v6 =	vmul.f32 v6, v56  }
0x297: {  	s13 =	sor.u32 s1, s11;
	[tilespmem:s3+$0x0] =	vst v1;
	v7 =	vmul.f32 v7, v56  }
0x298: {  	[tilespmem:s13+$0x0] =	vst v6  }
0x299: {  	s30 =	spop (v2sf);
	[tilespmem:s13+$0x10] =	vst v7  }
0x29a: {  	s1 =	spop (v2sf);
	v6 =	vld [tilespmem:s30+$0x8000]  }
0x29b: {  	s31 =	spop (v2sf);
	v7 =	vld [tilespmem:s30+$0x8010]  }
0x29c: {  	(v2sf) =	vpush v5, $0xB;
	s11 =	sadd.s32 $0x16D00, s29;
	s13 =	sadd.s32 $0x10, s31;
	s30 =	sand.u32 $0xFFFFFF80, s31  }
0x29d: {  	v57 =	vbroadcast v2, $0x9;
	(v2sf) =	vpush v4, $0xB;
	s3 =	sand.u32 $0x7F, s31;
	s31 =	sand.u32 $0xFFFFFF80, s13;
	s0 =	sadd.s32 s30, s11  }
0x29e: {  	(v2sf) =	vpush v3, $0xB;
	s13 =	sand.u32 $0x7F, s13;
	s31 =	sadd.s32 s31, s11;
	s0 =	sor.u32 s3, s0  }
0x29f: {  	s3 =	sor.u32 s13, s31;
	[tilespmem:s0+$0x0] =	vst v1;
	v6 =	vmul.f32 v6, v57  }
0x2a0: {  	s13 =	sor.u32 s1, s11;
	[tilespmem:s3+$0x0] =	vst v1;
	v7 =	vmul.f32 v7, v57  }
0x2a1: {  	[tilespmem:s13+$0x0] =	vst v6  }
0x2a2: {  	s30 =	spop (v2sf);
	[tilespmem:s13+$0x10] =	vst v7  }
0x2a3: {  	s1 =	spop (v2sf);
	v6 =	vld [tilespmem:s30+$0x8000]  }
0x2a4: {  	s31 =	spop (v2sf);
	v7 =	vld [tilespmem:s30+$0x8010]  }
0x2a5: {  	s11 =	sadd.s32 $0x16D80, s29;
	(v2sf) =	vpush v5, $0xC;
	s13 =	sadd.s32 $0x10, s31;
	s30 =	sand.u32 $0xFFFFFF80, s31  }
0x2a6: {  	v58 =	vbroadcast v2, $0xA;
	(v2sf) =	vpush v4, $0xC;
	s3 =	sand.u32 $0x7F, s31;
	s31 =	sand.u32 $0xFFFFFF80, s13;
	s0 =	sadd.s32 s30, s11  }
0x2a7: {  	(v2sf) =	vpush v3, $0xC;
	s13 =	sand.u32 $0x7F, s13;
	s31 =	sadd.s32 s31, s11;
	s0 =	sor.u32 s3, s0  }
0x2a8: {  	s3 =	sor.u32 s13, s31;
	[tilespmem:s0+$0x0] =	vst v1;
	v6 =	vmul.f32 v6, v58  }
0x2a9: {  	s13 =	sor.u32 s1, s11;
	[tilespmem:s3+$0x0] =	vst v1;
	v7 =	vmul.f32 v7, v58  }
0x2aa: {  	[tilespmem:s13+$0x0] =	vst v6  }
0x2ab: {  	s30 =	spop (v2sf);
	[tilespmem:s13+$0x10] =	vst v7  }
0x2ac: {  	s1 =	spop (v2sf);
	v6 =	vld [tilespmem:s30+$0x8000]  }
0x2ad: {  	s31 =	spop (v2sf);
	v7 =	vld [tilespmem:s30+$0x8010]  }
0x2ae: {  	(v2sf) =	vpush v5, $0xD;
	s11 =	sadd.s32 $0x16E00, s29;
	s13 =	sadd.s32 $0x10, s31;
	s30 =	sand.u32 $0xFFFFFF80, s31  }
0x2af: {  	v59 =	vbroadcast v2, $0xB;
	(v2sf) =	vpush v4, $0xD;
	s3 =	sand.u32 $0x7F, s31;
	s31 =	sand.u32 $0xFFFFFF80, s13;
	s0 =	sadd.s32 s30, s11  }
0x2b0: {  	(v2sf) =	vpush v3, $0xD;
	s13 =	sand.u32 $0x7F, s13;
	s31 =	sadd.s32 s31, s11;
	s0 =	sor.u32 s3, s0  }
0x2b1: {  	s3 =	sor.u32 s13, s31;
	[tilespmem:s0+$0x0] =	vst v1;
	v6 =	vmul.f32 v6, v59  }
0x2b2: {  	s13 =	sor.u32 s1, s11;
	[tilespmem:s3+$0x0] =	vst v1;
	v7 =	vmul.f32 v7, v59  }
0x2b3: {  	[tilespmem:s13+$0x0] =	vst v6  }
0x2b4: {  	s30 =	spop (v2sf);
	[tilespmem:s13+$0x10] =	vst v7  }
0x2b5: {  	s1 =	spop (v2sf);
	v6 =	vld [tilespmem:s30+$0x8000]  }
0x2b6: {  	s31 =	spop (v2sf);
	v7 =	vld [tilespmem:s30+$0x8010]  }
0x2b7: {  	(v2sf) =	vpush v5, $0xE;
	s11 =	sadd.s32 $0x16E80, s29;
	s13 =	sadd.s32 $0x10, s31;
	s30 =	sand.u32 $0xFFFFFF80, s31  }
0x2b8: {  	v60 =	vbroadcast v2, $0xC;
	(v2sf) =	vpush v4, $0xE;
	s3 =	sand.u32 $0x7F, s31;
	s31 =	sand.u32 $0xFFFFFF80, s13;
	s0 =	sadd.s32 s30, s11  }
0x2b9: {  	(v2sf) =	vpush v3, $0xE;
	s13 =	sand.u32 $0x7F, s13;
	s31 =	sadd.s32 s31, s11;
	s0 =	sor.u32 s3, s0  }
0x2ba: {  	s3 =	sor.u32 s13, s31;
	[tilespmem:s0+$0x0] =	vst v1;
	v6 =	vmul.f32 v6, v60  }
0x2bb: {  	s13 =	sor.u32 s1, s11;
	[tilespmem:s3+$0x0] =	vst v1;
	v7 =	vmul.f32 v7, v60  }
0x2bc: {  	[tilespmem:s13+$0x0] =	vst v6  }
0x2bd: {  	s30 =	spop (v2sf);
	[tilespmem:s13+$0x10] =	vst v7  }
0x2be: {  	s1 =	spop (v2sf);
	v6 =	vld [tilespmem:s30+$0x8000]  }
0x2bf: {  	s31 =	spop (v2sf);
	v7 =	vld [tilespmem:s30+$0x8010]  }
0x2c0: {  	(v2sf) =	vpush v5, $0xF;
	s11 =	sadd.s32 $0x16F00, s29;
	s13 =	sadd.s32 $0x10, s31;
	s30 =	sand.u32 $0xFFFFFF80, s31  }
0x2c1: {  	v61 =	vbroadcast v2, $0xD;
	(v2sf) =	vpush v4, $0xF;
	s3 =	sand.u32 $0x7F, s31;
	s31 =	sand.u32 $0xFFFFFF80, s13;
	s0 =	sadd.s32 s30, s11  }
0x2c2: {  	(v2sf) =	vpush v3, $0xF;
	s13 =	sand.u32 $0x7F, s13;
	s31 =	sadd.s32 s31, s11;
	s0 =	sor.u32 s3, s0  }
0x2c3: {  	s3 =	sor.u32 s13, s31;
	[tilespmem:s0+$0x0] =	vst v1;
	v3 =	vmul.f32 v6, v61  }
0x2c4: {  	s13 =	sor.u32 s1, s11;
	[tilespmem:s3+$0x0] =	vst v1;
	v62 =	vmul.f32 v7, v61  }
0x2c5: {  	[tilespmem:s13+$0x0] =	vst v3  }
0x2c6: {  	s30 =	spop (v2sf);
	[tilespmem:s13+$0x10] =	vst v62  }
0x2c7: {  	s0 =	spop (v2sf);
	v3 =	vld [tilespmem:s30+$0x8000]  }
0x2c8: {  	s31 =	spop (v2sf);
	v4 =	vld [tilespmem:s30+$0x8010]  }
0x2c9: {  	s11 =	sadd.s32 $0x16F80, s29;
	s13 =	sadd.s32 $0x10, s31;
	s30 =	sand.u32 $0xFFFFFF80, s31  }
0x2ca: {  	v63 =	vbroadcast v2, $0xE;
	s3 =	sand.u32 $0x7F, s31;
	s31 =	sand.u32 $0xFFFFFF80, s13;
	s1 =	sadd.s32 s30, s11  }
0x2cb: {  	s13 =	sand.u32 $0x7F, s13;
	s31 =	sadd.s32 s31, s11;
	s1 =	sor.u32 s3, s1  }
0x2cc: {  	s13 =	sor.u32 s13, s31;
	[tilespmem:s1+$0x0] =	vst v1;
	v3 =	vmul.f32 v3, v63  }
0x2cd: {  	s0 =	sor.u32 s0, s11;
	[tilespmem:s13+$0x0] =	vst v1;
	v4 =	vmul.f32 v4, v63  }
0x2ce: {  	[tilespmem:s0+$0x0] =	vst v3  }
0x2cf: {  	s30 =	spop (v2sf);
	[tilespmem:s0+$0x10] =	vst v4  }
0x2d0: {  	s0 =	spop (v2sf);
	v3 =	vld [tilespmem:s30+$0x8000]  }
0x2d1: {  	s31 =	spop (v2sf);
	v4 =	vld [tilespmem:s30+$0x8010]  }
0x2d2: {  	s11 =	sadd.s32 $0x17000, s29;
	s13 =	sand.u32 $0xFFFFFF80, s31;
	s30 =	sadd.s32 $0x10, s31  }
0x2d3: {  	v2 =	vbroadcast v2, $0xF;
	s3 =	sand.u32 $0x7F, s31;
	s1 =	sadd.s32 s13, s11;
	s31 =	sand.u32 $0xFFFFFF80, s30  }
0x2d4: {  	s30 =	sand.u32 $0x7F, s30;
	s1 =	sor.u32 s3, s1;
	s31 =	sadd.s32 s31, s11  }
.Ltmp5:
0x2d5: {  	[tilespmem:s1+$0x0] =	vst v1;
	s29 =	sor.u32 s30, s31;
	v3 =	vmul.f32 v3, v2;
	(pc) =	sbr.rel .LBB2_4-.Ltmp5, $4  }
0x2d6: {  	s0 =	sor.u32 s0, s11;
	[tilespmem:s29+$0x0] =	vst v1;
	v2 =	vmul.f32 v4, v2  }
0x2d7: {  	[tilespmem:s0+$0x0] =	vst v3  }
0x2d8: {  	s30 =	sadd.s32 $0x19080, s26;
	s31 =	sadd.s32 $0x1, s25;
	[tilespmem:s0+$0x10] =	vst v2  }
0x2d9: {  	[spmem:s4] =	stream.indirect.scatter.add.f32 [tilespmem:s28], [sflag:s31], $0x80, s30, s21, $0xb8;
	[tilespmem:$0x19280] =	vst v63  }
.LBB2_6:
0x2da: {  	_ =	sfence.sel $0x180000  }
0x2db: {  	[bflag:$0x0] =	sbarrier.arrive $0xFFFF  }
0x2dc: {  	_ =	strace $0x90000047  }
0x2dd: {  	s0 =	stileid.u32;
	[bflag:$0x2] =	sbarrier.arrive $0xFFFF  }
0x2de: {  	p0 =	sne.s32 s0, $0x0;
	s0 =	rddreg [dreg:$0x6]  }
0x2df: {  	s0 =	sadd.s32 @!p0 $0x100000, s0  }
0x2e0: {  	[sflag:s0] =	ssyncadd.tile.s32 @!p0 $0x1;
	_ =	shalt  }
.Lfunc_end2:
_tile_overlayer_lowered:
.L_overlay_start_2:
0x2e1: {  	(tag) =	ssettag $0x2  }
0x2e2: {  	s0 =	rddreg [dreg:$0x0];
	s2 =	stileid.u32  }
0x2e3: {  	s1 =	rddreg [dreg:$0x1];
	p0 =	sne.s32 s2, $0x0  }
0x2e4: {  	s3 =	rddreg [dreg:$0x2];
	[bflag:$0x3] =	sbarrier.arrive $0xFFFF;
	s2 =	simm.s32 @!p0 $0x1C05  }
0x2e5: {  	[timem:s3], [sflag:s2] =	dma.local @!p0 [hbm:s0], s1  }
0x2e6: {  	s0 =	simm.s32 @!p0 $0x5  }
0x2e7: {  	_ =	swait.ge @!p0 [sflag:s0], s1  }
0x2e8: {  	s1 =	ssub.s32 @!p0 $0x0, s1;
	[sflag:s0] =	ssyncset.done @!p0 $0x0  }
0x2e9: {  	[sflag:s0] =	ssyncadd.s32 @!p0 s1  }
0x2ea: {  	[bflag:$0x3] =	sbarrier.arrive $0xFFFF  }
0x2eb: {  	_ =	shalt  }

</sc_bundles>
